<compile_context>
chip_gen: v7x
topology: tpu7x:2x2x1
jax: 0.10.2.dev20260603
libtpu: 0.0.44.dev20260713+nightly
codegen_flags: <defaults>
</compile_context>

<pallas_src>
import functools

import jax
import jax.numpy as jnp
from jax import lax
from jax.experimental import pallas as pl
from jax.experimental.pallas import tpu as pltpu
from jax.experimental.pallas import tpu_sc as plsc

N = 10000
E = 320000
C = 128
G4 = 512
OUT = 64

NC, NS = 2, 16
NW = NC * NS

BATCH = 80
E_W = E // NW
NB = E_W // BATCH
E_S = E // NS
NB_D = E_S // BATCH

CH = 208

_mesh = plsc.VectorSubcoreMesh(
    core_axis_name="c", subcore_axis_name="s", num_cores=NC, num_subcores=NS)


def _zero_f32_vmem(ref, rows, cols):
    def body(i, _):
        for k in range(cols // 16):
            ref[i, pl.ds(k * 16, 16)] = jnp.zeros((16,), jnp.float32)
        return 0
    lax.fori_loop(0, rows, body, 0)


@functools.partial(
    pl.kernel,
    out_type=jax.ShapeDtypeStruct((N,), jnp.float32),
    mesh=_mesh,
    scratch_types=[
        pltpu.VMEM((NB_D, BATCH), jnp.int32),
        pltpu.VMEM((BATCH,), jnp.float32),
        pltpu.VMEM((640,), jnp.float32),
        pltpu.VMEM_SHARED((N,), jnp.float32),
    ],
)
def _deg_call(dst_hbm, cnt_out, dst_idx, ones_v, zb, cnt_sh):
    c = lax.axis_index("c")
    s = lax.axis_index("s")

    @pl.when(c == 0)
    def _():
        def init16(i, _):
            zb[pl.ds(i * 16, 16)] = jnp.zeros((16,), jnp.float32)
            return 0
        lax.fori_loop(0, 40, init16, 0)

        def ones16(i, _):
            ones_v[pl.ds(i * 16, 16)] = jnp.full((16,), 1.0, jnp.float32)
            return 0
        lax.fori_loop(0, BATCH // 16, ones16, 0)

        @pl.when(s < 15)
        def _():
            pltpu.sync_copy(zb, cnt_sh.at[pl.ds(s * 640, 640)])

        @pl.when(s == 15)
        def _():
            pltpu.sync_copy(zb.at[pl.ds(0, 400)], cnt_sh.at[pl.ds(9600, 400)])

        plsc.subcore_barrier()

        pltpu.sync_copy(dst_hbm.at[s], dst_idx)

        def body(j, _):
            pltpu.sync_copy(ones_v, cnt_sh.at[dst_idx.at[j]], add=True)
            return 0
        lax.fori_loop(0, NB_D, body, 0)

        plsc.subcore_barrier()

        @pl.when(s < 15)
        def _():
            pltpu.sync_copy(cnt_sh.at[pl.ds(s * 640, 640)], zb)
            pltpu.sync_copy(zb, cnt_out.at[pl.ds(s * 640, 640)])

        @pl.when(s == 15)
        def _():
            pltpu.sync_copy(cnt_sh.at[pl.ds(9600, 400)], zb.at[pl.ds(0, 400)])
            pltpu.sync_copy(zb.at[pl.ds(0, 400)], cnt_out.at[pl.ds(9600, 400)])


SLC = 1680
A_ROWS = 1688
@functools.partial(
    pl.kernel,
    out_type=jax.ShapeDtypeStruct((N, C), jnp.float32),
    mesh=_mesh,
    scratch_types=[
        pltpu.VMEM((NB_D, BATCH), jnp.int32),
        pltpu.VMEM((NB_D, BATCH), jnp.int32),
        pltpu.VMEM((BATCH, C), jnp.float32),
        pltpu.VMEM((BATCH, C), jnp.float32),
        pltpu.VMEM((112, C), jnp.float32),
        pltpu.VMEM((112, C), jnp.float32),
        pltpu.VMEM_SHARED((A_ROWS, C), jnp.float32),
        pltpu.SemaphoreType.DMA,
        pltpu.SemaphoreType.DMA,
    ],
)
def _agg_call(xs_hbm, src_hbm, dst_hbm, out_hbm,
              src_idx, dloc_all, rows0, rows1, zrow, obuf, acc,
              gs0, gs1):
    c = lax.axis_index("c")
    s = lax.axis_index("s")

    _zero_f32_vmem(zrow, 112, C)
    pltpu.sync_copy(src_hbm.at[s], src_idx)

    for p in range(3):
        sl = 2 * p + c
        qbase = SLC * sl
        qlen = jnp.where(sl == 5, N - 5 * SLC, SLC)

        @pl.when(s < 15)
        def _():
            pltpu.sync_copy(zrow, acc.at[pl.ds(112 * s, 112)])

        @pl.when(s == 15)
        def _():
            pltpu.sync_copy(zrow.at[pl.ds(0, 8)],
                            acc.at[pl.ds(1680, 8)])

        pltpu.sync_copy(dst_hbm.at[s], dloc_all)

        def locs(j, _):
            for k in range(BATCH // 16):
                d = dloc_all[j, pl.ds(k * 16, 16)]
                loc = d - qbase
                ok = (loc >= 0) & (loc < qlen)
                dloc_all[j, pl.ds(k * 16, 16)] = jnp.where(ok, loc, SLC)
            return 0
        lax.fori_loop(0, NB_D, locs, 0)

        plsc.subcore_barrier()

        if True:
            pltpu.async_copy(xs_hbm.at[src_idx.at[0]], rows0, gs0)
            pltpu.async_copy(xs_hbm.at[src_idx.at[1]], rows1, gs1)

            def slot(b, rows, gs):
                pltpu.make_async_copy(
                    xs_hbm.at[src_idx.at[b]], rows, gs).wait()
                pltpu.sync_copy(rows, acc.at[dloc_all.at[b]], add=True)

            def pair(i, _):
                b0 = 2 * i
                slot(b0, rows0, gs0)
                pltpu.async_copy(xs_hbm.at[src_idx.at[b0 + 2]], rows0, gs0)
                slot(b0 + 1, rows1, gs1)
                pltpu.async_copy(xs_hbm.at[src_idx.at[b0 + 3]], rows1, gs1)
                return 0
            lax.fori_loop(0, NB_D // 2 - 1, pair, 0)
            slot(NB_D - 2, rows0, gs0)
            slot(NB_D - 1, rows1, gs1)

        plsc.subcore_barrier()

        @pl.when((sl < 5) & (s < 15))
        def _():
            pltpu.sync_copy(acc.at[pl.ds(112 * s, 112)], obuf)
            pltpu.sync_copy(obuf, out_hbm.at[pl.ds(qbase + 112 * s, 112)])

        @pl.when((sl == 5) & (s < 14))
        def _():
            pltpu.sync_copy(acc.at[pl.ds(112 * s, 112)], obuf)
            pltpu.sync_copy(obuf, out_hbm.at[pl.ds(qbase + 112 * s, 112)])

        @pl.when((sl == 5) & (s == 14))
        def _():
            pltpu.sync_copy(acc.at[pl.ds(1568, 32)], obuf.at[pl.ds(0, 32)])
            pltpu.sync_copy(obuf.at[pl.ds(0, 32)],
                            out_hbm.at[pl.ds(qbase + 1568, 32)])

        plsc.subcore_barrier()


_BM = 2000


def _mm1_body(x_ref, w_ref, cnt_ref, xs_ref, dinv_ref):
    di = lax.rsqrt(cnt_ref[...] + 1.0)
    dinv_ref[...] = di
    xs_ref[...] = di * jnp.dot(x_ref[...], w_ref[...],
                               preferred_element_type=jnp.float32)


def _mm1(x, w1, cnt2d):
    return pl.pallas_call(
        _mm1_body,
        grid=(N // _BM,),
        in_specs=[
            pl.BlockSpec((_BM, C), lambda i: (i, 0)),
            pl.BlockSpec((C, C), lambda i: (0, 0)),
            pl.BlockSpec((_BM, 1), lambda i: (i, 0)),
        ],
        out_specs=[
            pl.BlockSpec((_BM, C), lambda i: (i, 0)),
            pl.BlockSpec((_BM, 1), lambda i: (i, 0)),
        ],
        out_shape=[
            jax.ShapeDtypeStruct((N, C), jnp.float32),
            jax.ShapeDtypeStruct((N, 1), jnp.float32),
        ],
    )(x, w1, cnt2d)


def _mm2_body(p_ref, xs_ref, dinv_ref, b_ref, w_ref, out_ref):
    di = dinv_ref[...]
    h = di * (p_ref[...] + xs_ref[...]) + b_ref[...]
    h = jnp.maximum(h, 0.0)
    out_ref[...] = di * jnp.dot(h, w_ref[...],
                                preferred_element_type=jnp.float32)


def _mm2(p, xs1, dinv, b1, w2):
    return pl.pallas_call(
        _mm2_body,
        grid=(N // _BM,),
        in_specs=[
            pl.BlockSpec((_BM, C), lambda i: (i, 0)),
            pl.BlockSpec((_BM, C), lambda i: (i, 0)),
            pl.BlockSpec((_BM, 1), lambda i: (i, 0)),
            pl.BlockSpec((1, C), lambda i: (0, 0)),
            pl.BlockSpec((C, C), lambda i: (0, 0)),
        ],
        out_specs=pl.BlockSpec((_BM, C), lambda i: (i, 0)),
        out_shape=jax.ShapeDtypeStruct((N, C), jnp.float32),
    )(p, xs1, dinv, b1, w2)


def _mm3_body(q_ref, xs_ref, dinv_ref, b_ref, wt_ref,
              bih_ref, bhh_ref, out_ref):
    di = dinv_ref[...]
    h = di * (q_ref[...] + xs_ref[...]) + b_ref[...]
    h = jnp.maximum(h, 0.0)
    out_ref[...] = (jnp.dot(h, wt_ref[...], preferred_element_type=jnp.float32)
                    + bih_ref[...] + bhh_ref[...])


def _mm3(q, xs2, dinv, b2, wih_t, bih, bhh):
    return pl.pallas_call(
        _mm3_body,
        grid=(N // _BM,),
        in_specs=[
            pl.BlockSpec((_BM, C), lambda i: (i, 0)),
            pl.BlockSpec((_BM, C), lambda i: (i, 0)),
            pl.BlockSpec((_BM, 1), lambda i: (i, 0)),
            pl.BlockSpec((1, C), lambda i: (0, 0)),
            pl.BlockSpec((C, G4), lambda i: (0, 0)),
            pl.BlockSpec((1, G4), lambda i: (0, 0)),
            pl.BlockSpec((1, G4), lambda i: (0, 0)),
        ],
        out_specs=pl.BlockSpec((_BM, G4), lambda i: (i, 0)),
        out_shape=jax.ShapeDtypeStruct((N, G4), jnp.float32),
    )(q, xs2, dinv, b2, wih_t, bih, bhh)


_TCH = 400


def _lstm_body(gx_ref, whht_ref, wl_ref, bl_ref, out_ref, h_s, c_s, hs_s):
    @pl.when(pl.program_id(0) == 0)
    def _():
        h_s[...] = jnp.zeros_like(h_s)
        c_s[...] = jnp.zeros_like(c_s)

    def step(t, _):
        h = h_s[0:1, :]
        gates = gx_ref[pl.ds(t, 1), :] + jnp.dot(
            h, whht_ref[...], preferred_element_type=jnp.float32)
        i = jax.nn.sigmoid(gates[:, 0:128])
        f = jax.nn.sigmoid(gates[:, 128:256])
        g = jnp.tanh(gates[:, 256:384])
        o = jax.nn.sigmoid(gates[:, 384:512])
        c_new = f * c_s[0:1, :] + i * g
        h_new = o * jnp.tanh(c_new)
        c_s[0:1, :] = c_new
        h_s[0:1, :] = h_new
        hs_s[pl.ds(t, 1), :] = h_new
        return 0

    lax.fori_loop(0, _TCH, step, 0)
    out_ref[...] = jnp.dot(hs_s[...], wl_ref[...],
                           preferred_element_type=jnp.float32) + bl_ref[...]


def _lstm(gx, whh_t, wl, bl):
    return pl.pallas_call(
        _lstm_body,
        grid=(N // _TCH,),
        in_specs=[
            pl.BlockSpec((_TCH, G4), lambda i: (i, 0)),
            pl.BlockSpec((C, G4), lambda i: (0, 0)),
            pl.BlockSpec((C, OUT), lambda i: (0, 0)),
            pl.BlockSpec((1, OUT), lambda i: (0, 0)),
        ],
        out_specs=pl.BlockSpec((_TCH, OUT), lambda i: (i, 0)),
        out_shape=jax.ShapeDtypeStruct((N, OUT), jnp.float32),
        scratch_shapes=[
            pltpu.VMEM((1, C), jnp.float32),
            pltpu.VMEM((1, C), jnp.float32),
            pltpu.VMEM((_TCH, C), jnp.float32),
        ],
    )(gx, whh_t, wl, bl)


def kernel(x, edge_index, batch, W1, b1, W2, b2, W_ih, W_hh, b_ih, b_hh,
           Wl, bl):
    del batch
    src_d = edge_index[0].reshape(NS, NB_D, BATCH)
    dst_d = edge_index[1].reshape(NS, NB_D, BATCH)

    counts = _deg_call(dst_d)
    cnt2d = counts.reshape(N, 1)

    xs1, dinv = _mm1(x, W1, cnt2d)
    p = _agg_call(xs1, src_d, dst_d)
    xs2 = _mm2(p, xs1, dinv, b1.reshape(1, C), W2)
    q = _agg_call(xs2, src_d, dst_d)
    gx = _mm3(q, xs2, dinv, b2.reshape(1, C),
              W_ih.T, b_ih.reshape(1, G4), b_hh.reshape(1, G4))
    return _lstm(gx, W_hh.T, Wl, bl.reshape(1, OUT))

# --- scband reference (transcript-rebuilt; emitter-appended) ---
"""Pipeline reference for scband-stgcn-31894427140601 (READ-ONLY COPY).

The authoritative reference and input builder live on the scoring server;
editing this copy changes nothing except your own understanding.
"""

import jax, jax.numpy as jnp
import numpy as np

N_NODES = 10000
N_EDGES = 320000
IN_C = 128
HID = 128
OUT_C = 64


def gcn_conv(x, edge_index, W, b):
    # Faithful to PyG GCNConv: add self-loops, symmetric normalization, scatter-add aggregation.
    n = x.shape[0]
    loop = jnp.arange(n, dtype=edge_index.dtype)
    src = jnp.concatenate([edge_index[0], loop])
    dst = jnp.concatenate([edge_index[1], loop])
    deg = jnp.zeros((n,), x.dtype).at[dst].add(1.0)
    deg_inv_sqrt = jnp.where(deg > 0, deg ** -0.5, 0.0)
    norm = deg_inv_sqrt[src] * deg_inv_sqrt[dst]
    xw = x @ W
    msg = norm[:, None] * xw[src]
    out = jnp.zeros((n, W.shape[1]), x.dtype).at[dst].add(msg)
    return out + b


def lstm_forward(seq, W_ih, W_hh, b_ih, b_hh):
    # PyTorch nn.LSTM (single layer, batch=1): gate order i, f, g, o.
    H = W_hh.shape[1]

    def step(carry, x_t):
        h, c = carry
        gates = x_t @ W_ih.T + b_ih + h @ W_hh.T + b_hh
        i, f, g, o = jnp.split(gates, 4)
        i = jax.nn.sigmoid(i)
        f = jax.nn.sigmoid(f)
        g = jnp.tanh(g)
        o = jax.nn.sigmoid(o)
        c_new = f * c + i * g
        h_new = o * jnp.tanh(c_new)
        return (h_new, c_new), h_new

    init = (jnp.zeros((H,), seq.dtype), jnp.zeros((H,), seq.dtype))
    _, hs = jax.lax.scan(step, init, seq)
    return hs


def setup_inputs(seed: int = 0):
    key = jax.random.key(seed)
    ks = jax.random.split(key, 13)
    x = jax.random.normal(ks[0], (N_NODES, IN_C), dtype=jnp.float32)
    edge_index = jax.random.randint(ks[1], (2, N_EDGES), 0, N_NODES, dtype=jnp.int32)
    batch = jnp.zeros((N_NODES,), dtype=jnp.int32)
    s = 0.05
    W1 = jax.random.normal(ks[2], (IN_C, HID), jnp.float32) * s
    b1 = jax.random.normal(ks[3], (HID,), jnp.float32) * s
    W2 = jax.random.normal(ks[4], (HID, HID), jnp.float32) * s
    b2 = jax.random.normal(ks[5], (HID,), jnp.float32) * s
    W_ih = jax.random.normal(ks[6], (4 * HID, HID), jnp.float32) * s
    W_hh = jax.random.normal(ks[7], (4 * HID, HID), jnp.float32) * s
    b_ih = jax.random.normal(ks[8], (4 * HID,), jnp.float32) * s
    b_hh = jax.random.normal(ks[9], (4 * HID,), jnp.float32) * s
    Wl = jax.random.normal(ks[10], (HID, OUT_C), jnp.float32) * s
    bl = jax.random.normal(ks[11], (OUT_C,), jnp.float32) * s
    return {"x": x, "edge_index": edge_index, "batch": batch,
            "W1": W1, "b1": b1, "W2": W2, "b2": b2,
            "W_ih": W_ih, "W_hh": W_hh, "b_ih": b_ih, "b_hh": b_hh,
            "Wl": Wl, "bl": bl}


def reference(x, edge_index, batch, W1, b1, W2, b2, W_ih, W_hh, b_ih, b_hh, Wl, bl):
    h = jax.nn.relu(gcn_conv(x, edge_index, W1, b1))
    h = jax.nn.relu(gcn_conv(h, edge_index, W2, b2))
    hs = lstm_forward(h, W_ih, W_hh, b_ih, b_hh)  # LSTM over seq of length N (batch 1)
    return hs @ Wl + bl

if __name__ == "__main__":
    import jax
    _d = setup_inputs()
    print(jax.jit(kernel)(*tuple(_d.values())))

</pallas_src>

<mosaic_0001>
#map = affine_map<(d0, d1) -> (0, 0, 0)>
#map1 = affine_map<(d0, d1) -> (0)>
module attributes {stable_mosaic.version = 14 : i64} {
  func.func @_deg_call(%arg0: i32, %arg1: i32, %arg2: memref<16x250x80xi32, #tpu.memory_space<hbm>>, %arg3: memref<10000xf32, #tpu.memory_space<hbm>>, %arg4: memref<250x80xi32, #tpu.memory_space<vmem>>, %arg5: memref<80xf32, #tpu.memory_space<vmem>>, %arg6: memref<640xf32, #tpu.memory_space<vmem>>, %arg7: memref<10000xf32, #tpu.memory_space<vmem_shared>>) attributes {dimension_semantics = [#tpu.dimension_semantics<core_parallel>, #tpu.dimension_semantics<subcore_parallel>], iteration_bounds = array<i64: 2, 16>, scalar_prefetch = 0 : i64, scratch_operands = 4 : i64, tpu.core_type = #tpu.core_type<sc_vector_subcore>, window_params = [{transform_indices = #map}, {transform_indices = #map1}]} {
    %eq3A = arith.constant 0 : i32
    %eq3A_0 = arith.cmpi eq, %arg0, %eq3A : i32
    %convert_element_type3A = arith.extui %eq3A_0 : i1 to i32
    %cond3A = arith.constant 0 : i32
    %cond3A_1 = arith.cmpi ne, %convert_element_type3A, %cond3A : i32
    scf.if %cond3A_1 {
      %scan3A = arith.constant 0 : i32
      %scan3A_2 = arith.constant 0 : i32
      %scan3A_3 = arith.constant 40 : i32
      %scan3A_4 = arith.addi %scan3A_2, %scan3A_3 : i32
      %scan3A_5 = arith.constant 1 : i32
      %scan3A_6 = scf.for %scan3A_42 = %scan3A_2 to %scan3A_4 step %scan3A_5 iter_args(%scan3A_43 = %scan3A) -> (i32)  : i32 {
        %broadcast_in_dim3A = arith.constant 0.000000e+00 : f32
        %broadcast_in_dim3A_44 = vector.broadcast %broadcast_in_dim3A : f32 to vector<16xf32>
        %mul3A = arith.constant 16 : i32
        %mul3A_45 = arith.muli %scan3A_42, %mul3A : i32
        %swap3A = arith.index_cast %mul3A_45 : i32 to index
        %swap3A_46 = tpu.vector_load %arg6[%swap3A] {strides = array<i32>} : memref<640xf32, #tpu.memory_space<vmem>>, vector<16xf32>,
        %swap3A_47 = vector.shape_cast %swap3A_46 : vector<16xf32> to vector<16xf32>
        %swap3A_48 = vector.shape_cast %broadcast_in_dim3A_44 : vector<16xf32> to vector<16xf32>
        tpu.vector_store %arg6[%swap3A], %swap3A_48 {strides = array<i32>} : memref<640xf32, #tpu.memory_space<vmem>>, vector<16xf32>,
        %scan3A_49 = arith.constant 0 : i32
        scf.yield %scan3A_49 : i32
      }
      %scan3A_7 = arith.constant 40 : i32
      %scan3A_8 = arith.constant 0 : i32
      %scan3A_9 = arith.constant 0 : i32
      %scan3A_10 = arith.constant 5 : i32
      %scan3A_11 = arith.addi %scan3A_9, %scan3A_10 : i32
      %scan3A_12 = arith.constant 1 : i32
      %scan3A_13 = scf.for %scan3A_42 = %scan3A_9 to %scan3A_11 step %scan3A_12 iter_args(%scan3A_43 = %scan3A_8) -> (i32)  : i32 {
        %broadcast_in_dim3A = arith.constant 1.000000e+00 : f32
        %broadcast_in_dim3A_44 = vector.broadcast %broadcast_in_dim3A : f32 to vector<16xf32>
        %mul3A = arith.constant 16 : i32
        %mul3A_45 = arith.muli %scan3A_42, %mul3A : i32
        %swap3A = arith.index_cast %mul3A_45 : i32 to index
        %swap3A_46 = tpu.vector_load %arg5[%swap3A] {strides = array<i32>} : memref<80xf32, #tpu.memory_space<vmem>>, vector<16xf32>,
        %swap3A_47 = vector.shape_cast %swap3A_46 : vector<16xf32> to vector<16xf32>
        %swap3A_48 = vector.shape_cast %broadcast_in_dim3A_44 : vector<16xf32> to vector<16xf32>
        tpu.vector_store %arg5[%swap3A], %swap3A_48 {strides = array<i32>} : memref<80xf32, #tpu.memory_space<vmem>>, vector<16xf32>,
        %scan3A_49 = arith.constant 0 : i32
        scf.yield %scan3A_49 : i32
      }
      %scan3A_14 = arith.constant 5 : i32
      %lt3A = arith.constant 15 : i32
      %lt3A_15 = arith.cmpi slt, %arg1, %lt3A : i32
      %convert_element_type3A_16 = arith.extui %lt3A_15 : i1 to i32
      %cond3A_17 = arith.constant 0 : i32
      %cond3A_18 = arith.cmpi ne, %convert_element_type3A_16, %cond3A_17 : i32
      scf.if %cond3A_18 {
        %mul3A = arith.constant 640 : i32
        %mul3A_42 = arith.muli %arg1, %mul3A : i32
        "tpu.region"() ({
          %run_scoped3A = tpu.sem_alloc : memref<!tpu.dma_semaphore, #tpu.memory_space<semaphore_mem>>
          %dma_start3A = tpu.memref_slice %arg7[%mul3A_42] : memref<10000xf32, #tpu.memory_space<vmem_shared>> -> memref<640xf32, #tpu.memory_space<vmem_shared>>
          %dma_start3A_43 = tpu.memref_slice %arg7[%mul3A_42] : memref<10000xf32, #tpu.memory_space<vmem_shared>> -> memref<640xf32, #tpu.memory_space<vmem_shared>>
          tpu.enqueue_dma source(%arg6 : memref<640xf32, #tpu.memory_space<vmem>>) target(%dma_start3A_43 : memref<640xf32, #tpu.memory_space<vmem_shared>>) target_semaphore(%run_scoped3A : memref<!tpu.dma_semaphore, #tpu.memory_space<semaphore_mem>>)
          %dma_wait3A = tpu.memref_slice %arg7[%mul3A_42] : memref<10000xf32, #tpu.memory_space<vmem_shared>> -> memref<640xf32, #tpu.memory_space<vmem_shared>>
          %dma_wait3A_44 = tpu.memref_slice %arg7[%mul3A_42] : memref<10000xf32, #tpu.memory_space<vmem_shared>> -> memref<640xf32, #tpu.memory_space<vmem_shared>>
          tpu.wait_dma2 semaphore(%run_scoped3A : memref<!tpu.dma_semaphore, #tpu.memory_space<semaphore_mem>>) src(%arg6 : memref<640xf32, #tpu.memory_space<vmem>>) dst(%dma_wait3A_44 : memref<640xf32, #tpu.memory_space<vmem_shared>>)
          tpu.yield
        }) : () -> ()
      } else {
      }
      %eq3A_19 = arith.constant 15 : i32
      %eq3A_20 = arith.cmpi eq, %arg1, %eq3A_19 : i32
      %convert_element_type3A_21 = arith.extui %eq3A_20 : i1 to i32
      %cond3A_22 = arith.constant 0 : i32
      %cond3A_23 = arith.cmpi ne, %convert_element_type3A_21, %cond3A_22 : i32
      scf.if %cond3A_23 {
        "tpu.region"() ({
          %run_scoped3A = tpu.sem_alloc : memref<!tpu.dma_semaphore, #tpu.memory_space<semaphore_mem>>
          %dma_start3A = arith.constant 0 : i32
          %dma_start3A_42 = tpu.memref_slice %arg6[%dma_start3A] : memref<640xf32, #tpu.memory_space<vmem>> -> memref<400xf32, #tpu.memory_space<vmem>>
          %dma_start3A_43 = arith.constant 9600 : i32
          %dma_start3A_44 = tpu.memref_slice %arg7[%dma_start3A_43] : memref<10000xf32, #tpu.memory_space<vmem_shared>> -> memref<400xf32, #tpu.memory_space<vmem_shared>>
          %dma_start3A_45 = arith.constant 9600 : i32
          %dma_start3A_46 = tpu.memref_slice %arg7[%dma_start3A_45] : memref<10000xf32, #tpu.memory_space<vmem_shared>> -> memref<400xf32, #tpu.memory_space<vmem_shared>>
          %dma_start3A_47 = arith.constant 0 : i32
          %dma_start3A_48 = tpu.memref_slice %arg6[%dma_start3A_47] : memref<640xf32, #tpu.memory_space<vmem>> -> memref<400xf32, #tpu.memory_space<vmem>>
          tpu.enqueue_dma source(%dma_start3A_48 : memref<400xf32, #tpu.memory_space<vmem>>) target(%dma_start3A_46 : memref<400xf32, #tpu.memory_space<vmem_shared>>) target_semaphore(%run_scoped3A : memref<!tpu.dma_semaphore, #tpu.memory_space<semaphore_mem>>)
          %dma_wait3A = arith.constant 0 : i32
          %dma_wait3A_49 = tpu.memref_slice %arg6[%dma_wait3A] : memref<640xf32, #tpu.memory_space<vmem>> -> memref<400xf32, #tpu.memory_space<vmem>>
          %dma_wait3A_50 = arith.constant 9600 : i32
          %dma_wait3A_51 = tpu.memref_slice %arg7[%dma_wait3A_50] : memref<10000xf32, #tpu.memory_space<vmem_shared>> -> memref<400xf32, #tpu.memory_space<vmem_shared>>
          %dma_wait3A_52 = arith.constant 9600 : i32
          %dma_wait3A_53 = tpu.memref_slice %arg7[%dma_wait3A_52] : memref<10000xf32, #tpu.memory_space<vmem_shared>> -> memref<400xf32, #tpu.memory_space<vmem_shared>>
          %dma_wait3A_54 = arith.constant 0 : i32
          %dma_wait3A_55 = tpu.memref_slice %arg6[%dma_wait3A_54] : memref<640xf32, #tpu.memory_space<vmem>> -> memref<400xf32, #tpu.memory_space<vmem>>
          tpu.wait_dma2 semaphore(%run_scoped3A : memref<!tpu.dma_semaphore, #tpu.memory_space<semaphore_mem>>) src(%dma_wait3A_55 : memref<400xf32, #tpu.memory_space<vmem>>) dst(%dma_wait3A_53 : memref<400xf32, #tpu.memory_space<vmem_shared>>)
          tpu.yield
        }) : () -> ()
      } else {
      }
      %barrier3A = arith.constant 0 : index
      tpu.barrier barrier_id(%barrier3A)
      "tpu.region"() ({
        %run_scoped3A = tpu.sem_alloc : memref<!tpu.dma_semaphore, #tpu.memory_space<semaphore_mem>>
        %dma_start3A = arith.constant 0 : i32
        %dma_start3A_42 = arith.constant 0 : i32
        %dma_start3A_43 = tpu.memref_slice %arg2[%arg1, %dma_start3A, %dma_start3A_42] : memref<16x250x80xi32, #tpu.memory_space<hbm>> -> memref<1x250x80xi32, #tpu.memory_space<hbm>>
        %dma_start3A_44 = tpu.memref_squeeze %dma_start3A_43 : memref<1x250x80xi32, #tpu.memory_space<hbm>> -> memref<250x80xi32, #tpu.memory_space<hbm>>
        %dma_start3A_45 = arith.constant 0 : i32
        %dma_start3A_46 = arith.constant 0 : i32
        %dma_start3A_47 = tpu.memref_slice %arg2[%arg1, %dma_start3A_45, %dma_start3A_46] : memref<16x250x80xi32, #tpu.memory_space<hbm>> -> memref<1x250x80xi32, #tpu.memory_space<hbm>>
        %dma_start3A_48 = tpu.memref_squeeze %dma_start3A_47 : memref<1x250x80xi32, #tpu.memory_space<hbm>> -> memref<250x80xi32, #tpu.memory_space<hbm>>
        tpu.enqueue_dma source(%dma_start3A_48 : memref<250x80xi32, #tpu.memory_space<hbm>>) target(%arg4 : memref<250x80xi32, #tpu.memory_space<vmem>>) target_semaphore(%run_scoped3A : memref<!tpu.dma_semaphore, #tpu.memory_space<semaphore_mem>>)
        %dma_wait3A = arith.constant 0 : i32
        %dma_wait3A_49 = arith.constant 0 : i32
        %dma_wait3A_50 = tpu.memref_slice %arg2[%arg1, %dma_wait3A, %dma_wait3A_49] : memref<16x250x80xi32, #tpu.memory_space<hbm>> -> memref<1x250x80xi32, #tpu.memory_space<hbm>>
        %dma_wait3A_51 = tpu.memref_squeeze %dma_wait3A_50 : memref<1x250x80xi32, #tpu.memory_space<hbm>> -> memref<250x80xi32, #tpu.memory_space<hbm>>
        %dma_wait3A_52 = arith.constant 0 : i32
        %dma_wait3A_53 = arith.constant 0 : i32
        %dma_wait3A_54 = tpu.memref_slice %arg2[%arg1, %dma_wait3A_52, %dma_wait3A_53] : memref<16x250x80xi32, #tpu.memory_space<hbm>> -> memref<1x250x80xi32, #tpu.memory_space<hbm>>
        %dma_wait3A_55 = tpu.memref_squeeze %dma_wait3A_54 : memref<1x250x80xi32, #tpu.memory_space<hbm>> -> memref<250x80xi32, #tpu.memory_space<hbm>>
        tpu.wait_dma2 semaphore(%run_scoped3A : memref<!tpu.dma_semaphore, #tpu.memory_space<semaphore_mem>>) src(%dma_wait3A_55 : memref<250x80xi32, #tpu.memory_space<hbm>>) dst(%arg4 : memref<250x80xi32, #tpu.memory_space<vmem>>)
        tpu.yield
      }) : () -> ()
      %scan3A_24 = arith.constant 0 : i32
      %scan3A_25 = arith.constant 0 : i32
      %scan3A_26 = arith.constant 250 : i32
      %scan3A_27 = arith.addi %scan3A_25, %scan3A_26 : i32
      %scan3A_28 = arith.constant 1 : i32
      %scan3A_29 = scf.for %scan3A_42 = %scan3A_25 to %scan3A_27 step %scan3A_28 iter_args(%scan3A_43 = %scan3A_24) -> (i32)  : i32 {
        "tpu.region"() ({
          %run_scoped3A = tpu.sem_alloc : memref<!tpu.dma_semaphore, #tpu.memory_space<semaphore_mem>>
          %dma_start3A = arith.constant 0 : i32
          %dma_start3A_45 = tpu.memref_slice %arg4[%scan3A_42, %dma_start3A] : memref<250x80xi32, #tpu.memory_space<vmem>> -> memref<1x80xi32, #tpu.memory_space<vmem>>
          %dma_start3A_46 = tpu.memref_squeeze %dma_start3A_45 : memref<1x80xi32, #tpu.memory_space<vmem>> -> memref<80xi32, #tpu.memory_space<vmem>>
          %dma_start3A_47 = arith.constant 0 : i32
          %dma_start3A_48 = tpu.memref_slice %arg7[%dma_start3A_47] : memref<10000xf32, #tpu.memory_space<vmem_shared>> -> memref<10000xf32, #tpu.memory_space<vmem_shared>>
          tpu.enqueue_indirect_dma source(%arg5 : memref<80xf32, #tpu.memory_space<vmem>>) target(%dma_start3A_48 : memref<10000xf32, #tpu.memory_space<vmem_shared>>) offsets(%dma_start3A_46 : memref<80xi32, #tpu.memory_space<vmem>>) semaphore(%run_scoped3A : memref<!tpu.dma_semaphore, #tpu.memory_space<semaphore_mem>>) {add = true}
          %dma_wait3A = arith.constant 0 : i32
          %dma_wait3A_49 = tpu.memref_slice %arg4[%scan3A_42, %dma_wait3A] : memref<250x80xi32, #tpu.memory_space<vmem>> -> memref<1x80xi32, #tpu.memory_space<vmem>>
          %dma_wait3A_50 = tpu.memref_squeeze %dma_wait3A_49 : memref<1x80xi32, #tpu.memory_space<vmem>> -> memref<80xi32, #tpu.memory_space<vmem>>
          %dma_wait3A_51 = arith.constant 0 : i32
          %dma_wait3A_52 = tpu.memref_slice %arg7[%dma_wait3A_51] : memref<10000xf32, #tpu.memory_space<vmem_shared>> -> memref<10000xf32, #tpu.memory_space<vmem_shared>>
          tpu.wait_indirect_dma semaphore(%run_scoped3A : memref<!tpu.dma_semaphore, #tpu.memory_space<semaphore_mem>>) src(%arg5 : memref<80xf32, #tpu.memory_space<vmem>>) dst(%dma_wait3A_52 : memref<10000xf32, #tpu.memory_space<vmem_shared>>)
          tpu.yield
        }) : () -> ()
        %scan3A_44 = arith.constant 0 : i32
        scf.yield %scan3A_44 : i32
      }
      %scan3A_30 = arith.constant 250 : i32
      %barrier3A_31 = arith.constant 0 : index
      tpu.barrier barrier_id(%barrier3A_31)
      %lt3A_32 = arith.constant 15 : i32
      %lt3A_33 = arith.cmpi slt, %arg1, %lt3A_32 : i32
      %convert_element_type3A_34 = arith.extui %lt3A_33 : i1 to i32
      %cond3A_35 = arith.constant 0 : i32
      %cond3A_36 = arith.cmpi ne, %convert_element_type3A_34, %cond3A_35 : i32
      scf.if %cond3A_36 {
        %mul3A = arith.constant 640 : i32
        %mul3A_42 = arith.muli %arg1, %mul3A : i32
        "tpu.region"() ({
          %run_scoped3A = tpu.sem_alloc : memref<!tpu.dma_semaphore, #tpu.memory_space<semaphore_mem>>
          %dma_start3A = tpu.memref_slice %arg7[%mul3A_42] : memref<10000xf32, #tpu.memory_space<vmem_shared>> -> memref<640xf32, #tpu.memory_space<vmem_shared>>
          %dma_start3A_45 = tpu.memref_slice %arg7[%mul3A_42] : memref<10000xf32, #tpu.memory_space<vmem_shared>> -> memref<640xf32, #tpu.memory_space<vmem_shared>>
          tpu.enqueue_dma source(%dma_start3A_45 : memref<640xf32, #tpu.memory_space<vmem_shared>>) target(%arg6 : memref<640xf32, #tpu.memory_space<vmem>>) target_semaphore(%run_scoped3A : memref<!tpu.dma_semaphore, #tpu.memory_space<semaphore_mem>>)
          %dma_wait3A = tpu.memref_slice %arg7[%mul3A_42] : memref<10000xf32, #tpu.memory_space<vmem_shared>> -> memref<640xf32, #tpu.memory_space<vmem_shared>>
          %dma_wait3A_46 = tpu.memref_slice %arg7[%mul3A_42] : memref<10000xf32, #tpu.memory_space<vmem_shared>> -> memref<640xf32, #tpu.memory_space<vmem_shared>>
          tpu.wait_dma2 semaphore(%run_scoped3A : memref<!tpu.dma_semaphore, #tpu.memory_space<semaphore_mem>>) src(%dma_wait3A_46 : memref<640xf32, #tpu.memory_space<vmem_shared>>) dst(%arg6 : memref<640xf32, #tpu.memory_space<vmem>>)
          tpu.yield
        }) : () -> ()
        %mul3A_43 = arith.constant 640 : i32
        %mul3A_44 = arith.muli %arg1, %mul3A_43 : i32
        "tpu.region"() ({
          %run_scoped3A = tpu.sem_alloc : memref<!tpu.dma_semaphore, #tpu.memory_space<semaphore_mem>>
          %dma_start3A = tpu.memref_slice %arg3[%mul3A_44] : memref<10000xf32, #tpu.memory_space<hbm>> -> memref<640xf32, #tpu.memory_space<hbm>>
          %dma_start3A_45 = tpu.memref_slice %arg3[%mul3A_44] : memref<10000xf32, #tpu.memory_space<hbm>> -> memref<640xf32, #tpu.memory_space<hbm>>
          tpu.enqueue_dma source(%arg6 : memref<640xf32, #tpu.memory_space<vmem>>) target(%dma_start3A_45 : memref<640xf32, #tpu.memory_space<hbm>>) target_semaphore(%run_scoped3A : memref<!tpu.dma_semaphore, #tpu.memory_space<semaphore_mem>>)
          %dma_wait3A = tpu.memref_slice %arg3[%mul3A_44] : memref<10000xf32, #tpu.memory_space<hbm>> -> memref<640xf32, #tpu.memory_space<hbm>>
          %dma_wait3A_46 = tpu.memref_slice %arg3[%mul3A_44] : memref<10000xf32, #tpu.memory_space<hbm>> -> memref<640xf32, #tpu.memory_space<hbm>>
          tpu.wait_dma2 semaphore(%run_scoped3A : memref<!tpu.dma_semaphore, #tpu.memory_space<semaphore_mem>>) src(%arg6 : memref<640xf32, #tpu.memory_space<vmem>>) dst(%dma_wait3A_46 : memref<640xf32, #tpu.memory_space<hbm>>)
          tpu.yield
        }) : () -> ()
      } else {
      }
      %eq3A_37 = arith.constant 15 : i32
      %eq3A_38 = arith.cmpi eq, %arg1, %eq3A_37 : i32
      %convert_element_type3A_39 = arith.extui %eq3A_38 : i1 to i32
      %cond3A_40 = arith.constant 0 : i32
      %cond3A_41 = arith.cmpi ne, %convert_element_type3A_39, %cond3A_40 : i32
      scf.if %cond3A_41 {
        "tpu.region"() ({
          %run_scoped3A = tpu.sem_alloc : memref<!tpu.dma_semaphore, #tpu.memory_space<semaphore_mem>>
          %dma_start3A = arith.constant 0 : i32
          %dma_start3A_42 = tpu.memref_slice %arg6[%dma_start3A] : memref<640xf32, #tpu.memory_space<vmem>> -> memref<400xf32, #tpu.memory_space<vmem>>
          %dma_start3A_43 = arith.constant 9600 : i32
          %dma_start3A_44 = tpu.memref_slice %arg7[%dma_start3A_43] : memref<10000xf32, #tpu.memory_space<vmem_shared>> -> memref<400xf32, #tpu.memory_space<vmem_shared>>
          %dma_start3A_45 = arith.constant 0 : i32
          %dma_start3A_46 = tpu.memref_slice %arg6[%dma_start3A_45] : memref<640xf32, #tpu.memory_space<vmem>> -> memref<400xf32, #tpu.memory_space<vmem>>
          %dma_start3A_47 = arith.constant 9600 : i32
          %dma_start3A_48 = tpu.memref_slice %arg7[%dma_start3A_47] : memref<10000xf32, #tpu.memory_space<vmem_shared>> -> memref<400xf32, #tpu.memory_space<vmem_shared>>
          tpu.enqueue_dma source(%dma_start3A_48 : memref<400xf32, #tpu.memory_space<vmem_shared>>) target(%dma_start3A_46 : memref<400xf32, #tpu.memory_space<vmem>>) target_semaphore(%run_scoped3A : memref<!tpu.dma_semaphore, #tpu.memory_space<semaphore_mem>>)
          %dma_wait3A = arith.constant 0 : i32
          %dma_wait3A_49 = tpu.memref_slice %arg6[%dma_wait3A] : memref<640xf32, #tpu.memory_space<vmem>> -> memref<400xf32, #tpu.memory_space<vmem>>
          %dma_wait3A_50 = arith.constant 9600 : i32
          %dma_wait3A_51 = tpu.memref_slice %arg7[%dma_wait3A_50] : memref<10000xf32, #tpu.memory_space<vmem_shared>> -> memref<400xf32, #tpu.memory_space<vmem_shared>>
          %dma_wait3A_52 = arith.constant 0 : i32
          %dma_wait3A_53 = tpu.memref_slice %arg6[%dma_wait3A_52] : memref<640xf32, #tpu.memory_space<vmem>> -> memref<400xf32, #tpu.memory_space<vmem>>
          %dma_wait3A_54 = arith.constant 9600 : i32
          %dma_wait3A_55 = tpu.memref_slice %arg7[%dma_wait3A_54] : memref<10000xf32, #tpu.memory_space<vmem_shared>> -> memref<400xf32, #tpu.memory_space<vmem_shared>>
          tpu.wait_dma2 semaphore(%run_scoped3A : memref<!tpu.dma_semaphore, #tpu.memory_space<semaphore_mem>>) src(%dma_wait3A_55 : memref<400xf32, #tpu.memory_space<vmem_shared>>) dst(%dma_wait3A_53 : memref<400xf32, #tpu.memory_space<vmem>>)
          tpu.yield
        }) : () -> ()
        "tpu.region"() ({
          %run_scoped3A = tpu.sem_alloc : memref<!tpu.dma_semaphore, #tpu.memory_space<semaphore_mem>>
          %dma_start3A = arith.constant 0 : i32
          %dma_start3A_42 = tpu.memref_slice %arg6[%dma_start3A] : memref<640xf32, #tpu.memory_space<vmem>> -> memref<400xf32, #tpu.memory_space<vmem>>
          %dma_start3A_43 = arith.constant 9600 : i32
          %dma_start3A_44 = tpu.memref_slice %arg3[%dma_start3A_43] : memref<10000xf32, #tpu.memory_space<hbm>> -> memref<400xf32, #tpu.memory_space<hbm>>
          %dma_start3A_45 = arith.constant 9600 : i32
          %dma_start3A_46 = tpu.memref_slice %arg3[%dma_start3A_45] : memref<10000xf32, #tpu.memory_space<hbm>> -> memref<400xf32, #tpu.memory_space<hbm>>
          %dma_start3A_47 = arith.constant 0 : i32
          %dma_start3A_48 = tpu.memref_slice %arg6[%dma_start3A_47] : memref<640xf32, #tpu.memory_space<vmem>> -> memref<400xf32, #tpu.memory_space<vmem>>
          tpu.enqueue_dma source(%dma_start3A_48 : memref<400xf32, #tpu.memory_space<vmem>>) target(%dma_start3A_46 : memref<400xf32, #tpu.memory_space<hbm>>) target_semaphore(%run_scoped3A : memref<!tpu.dma_semaphore, #tpu.memory_space<semaphore_mem>>)
          %dma_wait3A = arith.constant 0 : i32
          %dma_wait3A_49 = tpu.memref_slice %arg6[%dma_wait3A] : memref<640xf32, #tpu.memory_space<vmem>> -> memref<400xf32, #tpu.memory_space<vmem>>
          %dma_wait3A_50 = arith.constant 9600 : i32
          %dma_wait3A_51 = tpu.memref_slice %arg3[%dma_wait3A_50] : memref<10000xf32, #tpu.memory_space<hbm>> -> memref<400xf32, #tpu.memory_space<hbm>>
          %dma_wait3A_52 = arith.constant 9600 : i32
          %dma_wait3A_53 = tpu.memref_slice %arg3[%dma_wait3A_52] : memref<10000xf32, #tpu.memory_space<hbm>> -> memref<400xf32, #tpu.memory_space<hbm>>
          %dma_wait3A_54 = arith.constant 0 : i32
          %dma_wait3A_55 = tpu.memref_slice %arg6[%dma_wait3A_54] : memref<640xf32, #tpu.memory_space<vmem>> -> memref<400xf32, #tpu.memory_space<vmem>>
          tpu.wait_dma2 semaphore(%run_scoped3A : memref<!tpu.dma_semaphore, #tpu.memory_space<semaphore_mem>>) src(%dma_wait3A_55 : memref<400xf32, #tpu.memory_space<vmem>>) dst(%dma_wait3A_53 : memref<400xf32, #tpu.memory_space<hbm>>)
          tpu.yield
        }) : () -> ()
      } else {
      }
    } else {
    }
    return
  }
}

#map = affine_map<(d0, d1) -> (0, 0)>
#map1 = affine_map<(d0, d1) -> (0, 0, 0)>
module attributes {stable_mosaic.version = 14 : i64} {
  func.func @_agg_call(%arg0: i32, %arg1: i32, %arg2: memref<10000x128xf32, #tpu.memory_space<hbm>>, %arg3: memref<16x250x80xi32, #tpu.memory_space<hbm>>, %arg4: memref<16x250x80xi32, #tpu.memory_space<hbm>>, %arg5: memref<10000x128xf32, #tpu.memory_space<hbm>>, %arg6: memref<250x80xi32, #tpu.memory_space<vmem>>, %arg7: memref<250x80xi32, #tpu.memory_space<vmem>>, %arg8: memref<80x128xf32, #tpu.memory_space<vmem>>, %arg9: memref<80x128xf32, #tpu.memory_space<vmem>>, %arg10: memref<112x128xf32, #tpu.memory_space<vmem>>, %arg11: memref<112x128xf32, #tpu.memory_space<vmem>>, %arg12: memref<1688x128xf32, #tpu.memory_space<vmem_shared>>, %arg13: memref<!tpu.dma_semaphore, #tpu.memory_space<semaphore_mem>>, %arg14: memref<!tpu.dma_semaphore, #tpu.memory_space<semaphore_mem>>) attributes {dimension_semantics = [#tpu.dimension_semantics<core_parallel>, #tpu.dimension_semantics<subcore_parallel>], iteration_bounds = array<i64: 2, 16>, scalar_prefetch = 0 : i64, scratch_operands = 9 : i64, tpu.core_type = #tpu.core_type<sc_vector_subcore>, window_params = [{transform_indices = #map}, {transform_indices = #map1}, {transform_indices = #map1}, {transform_indices = #map}]} {
    %scan3A = arith.constant 0 : i32
    %scan3A_0 = arith.constant 0 : i32
    %scan3A_1 = arith.constant 112 : i32
    %scan3A_2 = arith.addi %scan3A_0, %scan3A_1 : i32
    %scan3A_3 = arith.constant 1 : i32
    %scan3A_4 = scf.for %scan3A_263 = %scan3A_0 to %scan3A_2 step %scan3A_3 iter_args(%scan3A_264 = %scan3A) -> (i32)  : i32 {
      %broadcast_in_dim3A = arith.constant 0.000000e+00 : f32
      %broadcast_in_dim3A_265 = vector.broadcast %broadcast_in_dim3A : f32 to vector<16xf32>
      %swap3A = arith.index_cast %scan3A_263 : i32 to index
      %swap3A_266 = arith.constant 0 : index
      %swap3A_267 = tpu.vector_load %arg10[%swap3A, %swap3A_266] {strides = array<i32>} : memref<112x128xf32, #tpu.memory_space<vmem>>, vector<1x16xf32>,
      %swap3A_268 = vector.shape_cast %swap3A_267 : vector<1x16xf32> to vector<16xf32>
      %swap3A_269 = vector.shape_cast %broadcast_in_dim3A_265 : vector<16xf32> to vector<1x16xf32>
      tpu.vector_store %arg10[%swap3A, %swap3A_266], %swap3A_269 {strides = array<i32>} : memref<112x128xf32, #tpu.memory_space<vmem>>, vector<1x16xf32>,
      %broadcast_in_dim3A_270 = arith.constant 0.000000e+00 : f32
      %broadcast_in_dim3A_271 = vector.broadcast %broadcast_in_dim3A_270 : f32 to vector<16xf32>
      %swap3A_272 = arith.index_cast %scan3A_263 : i32 to index
      %swap3A_273 = arith.constant 16 : index
      %swap3A_274 = tpu.vector_load %arg10[%swap3A_272, %swap3A_273] {strides = array<i32>} : memref<112x128xf32, #tpu.memory_space<vmem>>, vector<1x16xf32>,
      %swap3A_275 = vector.shape_cast %swap3A_274 : vector<1x16xf32> to vector<16xf32>
      %swap3A_276 = vector.shape_cast %broadcast_in_dim3A_271 : vector<16xf32> to vector<1x16xf32>
      tpu.vector_store %arg10[%swap3A_272, %swap3A_273], %swap3A_276 {strides = array<i32>} : memref<112x128xf32, #tpu.memory_space<vmem>>, vector<1x16xf32>,
      %broadcast_in_dim3A_277 = arith.constant 0.000000e+00 : f32
      %broadcast_in_dim3A_278 = vector.broadcast %broadcast_in_dim3A_277 : f32 to vector<16xf32>
      %swap3A_279 = arith.index_cast %scan3A_263 : i32 to index
      %swap3A_280 = arith.constant 32 : index
      %swap3A_281 = tpu.vector_load %arg10[%swap3A_279, %swap3A_280] {strides = array<i32>} : memref<112x128xf32, #tpu.memory_space<vmem>>, vector<1x16xf32>,
      %swap3A_282 = vector.shape_cast %swap3A_281 : vector<1x16xf32> to vector<16xf32>
      %swap3A_283 = vector.shape_cast %broadcast_in_dim3A_278 : vector<16xf32> to vector<1x16xf32>
      tpu.vector_store %arg10[%swap3A_279, %swap3A_280], %swap3A_283 {strides = array<i32>} : memref<112x128xf32, #tpu.memory_space<vmem>>, vector<1x16xf32>,
      %broadcast_in_dim3A_284 = arith.constant 0.000000e+00 : f32
      %broadcast_in_dim3A_285 = vector.broadcast %broadcast_in_dim3A_284 : f32 to vector<16xf32>
      %swap3A_286 = arith.index_cast %scan3A_263 : i32 to index
      %swap3A_287 = arith.constant 48 : index
      %swap3A_288 = tpu.vector_load %arg10[%swap3A_286, %swap3A_287] {strides = array<i32>} : memref<112x128xf32, #tpu.memory_space<vmem>>, vector<1x16xf32>,
      %swap3A_289 = vector.shape_cast %swap3A_288 : vector<1x16xf32> to vector<16xf32>
      %swap3A_290 = vector.shape_cast %broadcast_in_dim3A_285 : vector<16xf32> to vector<1x16xf32>
      tpu.vector_store %arg10[%swap3A_286, %swap3A_287], %swap3A_290 {strides = array<i32>} : memref<112x128xf32, #tpu.memory_space<vmem>>, vector<1x16xf32>,
      %broadcast_in_dim3A_291 = arith.constant 0.000000e+00 : f32
      %broadcast_in_dim3A_292 = vector.broadcast %broadcast_in_dim3A_291 : f32 to vector<16xf32>
      %swap3A_293 = arith.index_cast %scan3A_263 : i32 to index
      %swap3A_294 = arith.constant 64 : index
      %swap3A_295 = tpu.vector_load %arg10[%swap3A_293, %swap3A_294] {strides = array<i32>} : memref<112x128xf32, #tpu.memory_space<vmem>>, vector<1x16xf32>,
      %swap3A_296 = vector.shape_cast %swap3A_295 : vector<1x16xf32> to vector<16xf32>
      %swap3A_297 = vector.shape_cast %broadcast_in_dim3A_292 : vector<16xf32> to vector<1x16xf32>
      tpu.vector_store %arg10[%swap3A_293, %swap3A_294], %swap3A_297 {strides = array<i32>} : memref<112x128xf32, #tpu.memory_space<vmem>>, vector<1x16xf32>,
      %broadcast_in_dim3A_298 = arith.constant 0.000000e+00 : f32
      %broadcast_in_dim3A_299 = vector.broadcast %broadcast_in_dim3A_298 : f32 to vector<16xf32>
      %swap3A_300 = arith.index_cast %scan3A_263 : i32 to index
      %swap3A_301 = arith.constant 80 : index
      %swap3A_302 = tpu.vector_load %arg10[%swap3A_300, %swap3A_301] {strides = array<i32>} : memref<112x128xf32, #tpu.memory_space<vmem>>, vector<1x16xf32>,
      %swap3A_303 = vector.shape_cast %swap3A_302 : vector<1x16xf32> to vector<16xf32>
      %swap3A_304 = vector.shape_cast %broadcast_in_dim3A_299 : vector<16xf32> to vector<1x16xf32>
      tpu.vector_store %arg10[%swap3A_300, %swap3A_301], %swap3A_304 {strides = array<i32>} : memref<112x128xf32, #tpu.memory_space<vmem>>, vector<1x16xf32>,
      %broadcast_in_dim3A_305 = arith.constant 0.000000e+00 : f32
      %broadcast_in_dim3A_306 = vector.broadcast %broadcast_in_dim3A_305 : f32 to vector<16xf32>
      %swap3A_307 = arith.index_cast %scan3A_263 : i32 to index
      %swap3A_308 = arith.constant 96 : index
      %swap3A_309 = tpu.vector_load %arg10[%swap3A_307, %swap3A_308] {strides = array<i32>} : memref<112x128xf32, #tpu.memory_space<vmem>>, vector<1x16xf32>,
      %swap3A_310 = vector.shape_cast %swap3A_309 : vector<1x16xf32> to vector<16xf32>
      %swap3A_311 = vector.shape_cast %broadcast_in_dim3A_306 : vector<16xf32> to vector<1x16xf32>
      tpu.vector_store %arg10[%swap3A_307, %swap3A_308], %swap3A_311 {strides = array<i32>} : memref<112x128xf32, #tpu.memory_space<vmem>>, vector<1x16xf32>,
      %broadcast_in_dim3A_312 = arith.constant 0.000000e+00 : f32
      %broadcast_in_dim3A_313 = vector.broadcast %broadcast_in_dim3A_312 : f32 to vector<16xf32>
      %swap3A_314 = arith.index_cast %scan3A_263 : i32 to index
      %swap3A_315 = arith.constant 112 : index
      %swap3A_316 = tpu.vector_load %arg10[%swap3A_314, %swap3A_315] {strides = array<i32>} : memref<112x128xf32, #tpu.memory_space<vmem>>, vector<1x16xf32>,
      %swap3A_317 = vector.shape_cast %swap3A_316 : vector<1x16xf32> to vector<16xf32>
      %swap3A_318 = vector.shape_cast %broadcast_in_dim3A_313 : vector<16xf32> to vector<1x16xf32>
      tpu.vector_store %arg10[%swap3A_314, %swap3A_315], %swap3A_318 {strides = array<i32>} : memref<112x128xf32, #tpu.memory_space<vmem>>, vector<1x16xf32>,
      %scan3A_319 = arith.constant 0 : i32
      scf.yield %scan3A_319 : i32
    }
    %scan3A_5 = arith.constant 112 : i32
    "tpu.region"() ({
      %run_scoped3A_263 = tpu.sem_alloc : memref<!tpu.dma_semaphore, #tpu.memory_space<semaphore_mem>>
      %dma_start3A_264 = arith.constant 0 : i32
      %dma_start3A_265 = arith.constant 0 : i32
      %dma_start3A_266 = tpu.memref_slice %arg3[%arg1, %dma_start3A_264, %dma_start3A_265] : memref<16x250x80xi32, #tpu.memory_space<hbm>> -> memref<1x250x80xi32, #tpu.memory_space<hbm>>
      %dma_start3A_267 = tpu.memref_squeeze %dma_start3A_266 : memref<1x250x80xi32, #tpu.memory_space<hbm>> -> memref<250x80xi32, #tpu.memory_space<hbm>>
      %dma_start3A_268 = arith.constant 0 : i32
      %dma_start3A_269 = arith.constant 0 : i32
      %dma_start3A_270 = tpu.memref_slice %arg3[%arg1, %dma_start3A_268, %dma_start3A_269] : memref<16x250x80xi32, #tpu.memory_space<hbm>> -> memref<1x250x80xi32, #tpu.memory_space<hbm>>
      %dma_start3A_271 = tpu.memref_squeeze %dma_start3A_270 : memref<1x250x80xi32, #tpu.memory_space<hbm>> -> memref<250x80xi32, #tpu.memory_space<hbm>>
      tpu.enqueue_dma source(%dma_start3A_271 : memref<250x80xi32, #tpu.memory_space<hbm>>) target(%arg6 : memref<250x80xi32, #tpu.memory_space<vmem>>) target_semaphore(%run_scoped3A_263 : memref<!tpu.dma_semaphore, #tpu.memory_space<semaphore_mem>>)
      %dma_wait3A_272 = arith.constant 0 : i32
      %dma_wait3A_273 = arith.constant 0 : i32
      %dma_wait3A_274 = tpu.memref_slice %arg3[%arg1, %dma_wait3A_272, %dma_wait3A_273] : memref<16x250x80xi32, #tpu.memory_space<hbm>> -> memref<1x250x80xi32, #tpu.memory_space<hbm>>
      %dma_wait3A_275 = tpu.memref_squeeze %dma_wait3A_274 : memref<1x250x80xi32, #tpu.memory_space<hbm>> -> memref<250x80xi32, #tpu.memory_space<hbm>>
      %dma_wait3A_276 = arith.constant 0 : i32
      %dma_wait3A_277 = arith.constant 0 : i32
      %dma_wait3A_278 = tpu.memref_slice %arg3[%arg1, %dma_wait3A_276, %dma_wait3A_277] : memref<16x250x80xi32, #tpu.memory_space<hbm>> -> memref<1x250x80xi32, #tpu.memory_space<hbm>>
      %dma_wait3A_279 = tpu.memref_squeeze %dma_wait3A_278 : memref<1x250x80xi32, #tpu.memory_space<hbm>> -> memref<250x80xi32, #tpu.memory_space<hbm>>
      tpu.wait_dma2 semaphore(%run_scoped3A_263 : memref<!tpu.dma_semaphore, #tpu.memory_space<semaphore_mem>>) src(%dma_wait3A_279 : memref<250x80xi32, #tpu.memory_space<hbm>>) dst(%arg6 : memref<250x80xi32, #tpu.memory_space<vmem>>)
      tpu.yield
    }) : () -> ()
    %add3A = arith.constant 0 : i32
    %add3A_6 = arith.addi %add3A, %arg0 : i32
    %mul3A = arith.constant 1680 : i32
    %mul3A_7 = arith.muli %mul3A, %add3A_6 : i32
    %eq3A = arith.constant 5 : i32
    %eq3A_8 = arith.cmpi eq, %add3A_6, %eq3A : i32
    %jit3A = arith.constant 1600 : i32
    %jit3A_9 = arith.constant 1680 : i32
    %select_n3A = arith.select %eq3A_8, %jit3A, %jit3A_9 : i32
    %lt3A = arith.constant 15 : i32
    %lt3A_10 = arith.cmpi slt, %arg1, %lt3A : i32
    %convert_element_type3A = arith.extui %lt3A_10 : i1 to i32
    %cond3A = arith.constant 0 : i32
    %cond3A_11 = arith.cmpi ne, %convert_element_type3A, %cond3A : i32
    scf.if %cond3A_11 {
      %mul3A_263 = arith.constant 112 : i32
      %mul3A_264 = arith.muli %mul3A_263, %arg1 : i32
      "tpu.region"() ({
        %run_scoped3A_265 = tpu.sem_alloc : memref<!tpu.dma_semaphore, #tpu.memory_space<semaphore_mem>>
        %dma_start3A_266 = arith.constant 0 : i32
        %dma_start3A_267 = tpu.memref_slice %arg12[%mul3A_264, %dma_start3A_266] : memref<1688x128xf32, #tpu.memory_space<vmem_shared>> -> memref<112x128xf32, #tpu.memory_space<vmem_shared>>
        %dma_start3A_268 = arith.constant 0 : i32
        %dma_start3A_269 = tpu.memref_slice %arg12[%mul3A_264, %dma_start3A_268] : memref<1688x128xf32, #tpu.memory_space<vmem_shared>> -> memref<112x128xf32, #tpu.memory_space<vmem_shared>>
        tpu.enqueue_dma source(%arg10 : memref<112x128xf32, #tpu.memory_space<vmem>>) target(%dma_start3A_269 : memref<112x128xf32, #tpu.memory_space<vmem_shared>>) target_semaphore(%run_scoped3A_265 : memref<!tpu.dma_semaphore, #tpu.memory_space<semaphore_mem>>)
        %dma_wait3A_270 = arith.constant 0 : i32
        %dma_wait3A_271 = tpu.memref_slice %arg12[%mul3A_264, %dma_wait3A_270] : memref<1688x128xf32, #tpu.memory_space<vmem_shared>> -> memref<112x128xf32, #tpu.memory_space<vmem_shared>>
        %dma_wait3A_272 = arith.constant 0 : i32
        %dma_wait3A_273 = tpu.memref_slice %arg12[%mul3A_264, %dma_wait3A_272] : memref<1688x128xf32, #tpu.memory_space<vmem_shared>> -> memref<112x128xf32, #tpu.memory_space<vmem_shared>>
        tpu.wait_dma2 semaphore(%run_scoped3A_265 : memref<!tpu.dma_semaphore, #tpu.memory_space<semaphore_mem>>) src(%arg10 : memref<112x128xf32, #tpu.memory_space<vmem>>) dst(%dma_wait3A_273 : memref<112x128xf32, #tpu.memory_space<vmem_shared>>)
        tpu.yield
      }) : () -> ()
    } else {
    }
    %eq3A_12 = arith.constant 15 : i32
    %eq3A_13 = arith.cmpi eq, %arg1, %eq3A_12 : i32
    %convert_element_type3A_14 = arith.extui %eq3A_13 : i1 to i32
    %cond3A_15 = arith.constant 0 : i32
    %cond3A_16 = arith.cmpi ne, %convert_element_type3A_14, %cond3A_15 : i32
    scf.if %cond3A_16 {
      "tpu.region"() ({
        %run_scoped3A_263 = tpu.sem_alloc : memref<!tpu.dma_semaphore, #tpu.memory_space<semaphore_mem>>
        %dma_start3A_264 = arith.constant 0 : i32
        %dma_start3A_265 = arith.constant 0 : i32
        %dma_start3A_266 = tpu.memref_slice %arg10[%dma_start3A_264, %dma_start3A_265] : memref<112x128xf32, #tpu.memory_space<vmem>> -> memref<8x128xf32, #tpu.memory_space<vmem>>
        %dma_start3A_267 = arith.constant 1680 : i32
        %dma_start3A_268 = arith.constant 0 : i32
        %dma_start3A_269 = tpu.memref_slice %arg12[%dma_start3A_267, %dma_start3A_268] : memref<1688x128xf32, #tpu.memory_space<vmem_shared>> -> memref<8x128xf32, #tpu.memory_space<vmem_shared>>
        %dma_start3A_270 = arith.constant 1680 : i32
        %dma_start3A_271 = arith.constant 0 : i32
        %dma_start3A_272 = tpu.memref_slice %arg12[%dma_start3A_270, %dma_start3A_271] : memref<1688x128xf32, #tpu.memory_space<vmem_shared>> -> memref<8x128xf32, #tpu.memory_space<vmem_shared>>
        %dma_start3A_273 = arith.constant 0 : i32
        %dma_start3A_274 = arith.constant 0 : i32
        %dma_start3A_275 = tpu.memref_slice %arg10[%dma_start3A_273, %dma_start3A_274] : memref<112x128xf32, #tpu.memory_space<vmem>> -> memref<8x128xf32, #tpu.memory_space<vmem>>
        tpu.enqueue_dma source(%dma_start3A_275 : memref<8x128xf32, #tpu.memory_space<vmem>>) target(%dma_start3A_272 : memref<8x128xf32, #tpu.memory_space<vmem_shared>>) target_semaphore(%run_scoped3A_263 : memref<!tpu.dma_semaphore, #tpu.memory_space<semaphore_mem>>)
        %dma_wait3A_276 = arith.constant 0 : i32
        %dma_wait3A_277 = arith.constant 0 : i32
        %dma_wait3A_278 = tpu.memref_slice %arg10[%dma_wait3A_276, %dma_wait3A_277] : memref<112x128xf32, #tpu.memory_space<vmem>> -> memref<8x128xf32, #tpu.memory_space<vmem>>
        %dma_wait3A_279 = arith.constant 1680 : i32
        %dma_wait3A_280 = arith.constant 0 : i32
        %dma_wait3A_281 = tpu.memref_slice %arg12[%dma_wait3A_279, %dma_wait3A_280] : memref<1688x128xf32, #tpu.memory_space<vmem_shared>> -> memref<8x128xf32, #tpu.memory_space<vmem_shared>>
        %dma_wait3A_282 = arith.constant 1680 : i32
        %dma_wait3A_283 = arith.constant 0 : i32
        %dma_wait3A_284 = tpu.memref_slice %arg12[%dma_wait3A_282, %dma_wait3A_283] : memref<1688x128xf32, #tpu.memory_space<vmem_shared>> -> memref<8x128xf32, #tpu.memory_space<vmem_shared>>
        %dma_wait3A_285 = arith.constant 0 : i32
        %dma_wait3A_286 = arith.constant 0 : i32
        %dma_wait3A_287 = tpu.memref_slice %arg10[%dma_wait3A_285, %dma_wait3A_286] : memref<112x128xf32, #tpu.memory_space<vmem>> -> memref<8x128xf32, #tpu.memory_space<vmem>>
        tpu.wait_dma2 semaphore(%run_scoped3A_263 : memref<!tpu.dma_semaphore, #tpu.memory_space<semaphore_mem>>) src(%dma_wait3A_287 : memref<8x128xf32, #tpu.memory_space<vmem>>) dst(%dma_wait3A_284 : memref<8x128xf32, #tpu.memory_space<vmem_shared>>)
        tpu.yield
      }) : () -> ()
    } else {
    }
    "tpu.region"() ({
      %run_scoped3A_263 = tpu.sem_alloc : memref<!tpu.dma_semaphore, #tpu.memory_space<semaphore_mem>>
      %dma_start3A_264 = arith.constant 0 : i32
      %dma_start3A_265 = arith.constant 0 : i32
      %dma_start3A_266 = tpu.memref_slice %arg4[%arg1, %dma_start3A_264, %dma_start3A_265] : memref<16x250x80xi32, #tpu.memory_space<hbm>> -> memref<1x250x80xi32, #tpu.memory_space<hbm>>
      %dma_start3A_267 = tpu.memref_squeeze %dma_start3A_266 : memref<1x250x80xi32, #tpu.memory_space<hbm>> -> memref<250x80xi32, #tpu.memory_space<hbm>>
      %dma_start3A_268 = arith.constant 0 : i32
      %dma_start3A_269 = arith.constant 0 : i32
      %dma_start3A_270 = tpu.memref_slice %arg4[%arg1, %dma_start3A_268, %dma_start3A_269] : memref<16x250x80xi32, #tpu.memory_space<hbm>> -> memref<1x250x80xi32, #tpu.memory_space<hbm>>
      %dma_start3A_271 = tpu.memref_squeeze %dma_start3A_270 : memref<1x250x80xi32, #tpu.memory_space<hbm>> -> memref<250x80xi32, #tpu.memory_space<hbm>>
      tpu.enqueue_dma source(%dma_start3A_271 : memref<250x80xi32, #tpu.memory_space<hbm>>) target(%arg7 : memref<250x80xi32, #tpu.memory_space<vmem>>) target_semaphore(%run_scoped3A_263 : memref<!tpu.dma_semaphore, #tpu.memory_space<semaphore_mem>>)
      %dma_wait3A_272 = arith.constant 0 : i32
      %dma_wait3A_273 = arith.constant 0 : i32
      %dma_wait3A_274 = tpu.memref_slice %arg4[%arg1, %dma_wait3A_272, %dma_wait3A_273] : memref<16x250x80xi32, #tpu.memory_space<hbm>> -> memref<1x250x80xi32, #tpu.memory_space<hbm>>
      %dma_wait3A_275 = tpu.memref_squeeze %dma_wait3A_274 : memref<1x250x80xi32, #tpu.memory_space<hbm>> -> memref<250x80xi32, #tpu.memory_space<hbm>>
      %dma_wait3A_276 = arith.constant 0 : i32
      %dma_wait3A_277 = arith.constant 0 : i32
      %dma_wait3A_278 = tpu.memref_slice %arg4[%arg1, %dma_wait3A_276, %dma_wait3A_277] : memref<16x250x80xi32, #tpu.memory_space<hbm>> -> memref<1x250x80xi32, #tpu.memory_space<hbm>>
      %dma_wait3A_279 = tpu.memref_squeeze %dma_wait3A_278 : memref<1x250x80xi32, #tpu.memory_space<hbm>> -> memref<250x80xi32, #tpu.memory_space<hbm>>
      tpu.wait_dma2 semaphore(%run_scoped3A_263 : memref<!tpu.dma_semaphore, #tpu.memory_space<semaphore_mem>>) src(%dma_wait3A_279 : memref<250x80xi32, #tpu.memory_space<hbm>>) dst(%arg7 : memref<250x80xi32, #tpu.memory_space<vmem>>)
      tpu.yield
    }) : () -> ()
    %scan3A_17 = arith.constant 0 : i32
    %scan3A_18 = arith.constant 0 : i32
    %scan3A_19 = arith.constant 250 : i32
    %scan3A_20 = arith.addi %scan3A_18, %scan3A_19 : i32
    %scan3A_21 = arith.constant 1 : i32
    %scan3A_22 = scf.for %scan3A_263 = %scan3A_18 to %scan3A_20 step %scan3A_21 iter_args(%scan3A_264 = %scan3A_17) -> (i32)  : i32 {
      %get3A = arith.index_cast %scan3A_263 : i32 to index
      %get3A_265 = arith.constant 0 : index
      %get3A_266 = tpu.vector_load %arg7[%get3A, %get3A_265] {strides = array<i32>} : memref<250x80xi32, #tpu.memory_space<vmem>>, vector<1x16xi32>,
      %get3A_267 = vector.shape_cast %get3A_266 : vector<1x16xi32> to vector<16xi32>
      %sub3A = vector.broadcast %mul3A_7 : i32 to vector<16xi32>
      %sub3A_268 = arith.subi %get3A_267, %sub3A : vector<16xi32>
      %ge3A = arith.constant 0 : i32
      %ge3A_269 = vector.broadcast %ge3A : i32 to vector<16xi32>
      %ge3A_270 = arith.cmpi sge, %sub3A_268, %ge3A_269 : vector<16xi32>
      %lt3A_271 = vector.broadcast %select_n3A : i32 to vector<16xi32>
      %lt3A_272 = arith.cmpi slt, %sub3A_268, %lt3A_271 : vector<16xi32>
      %and3A_273 = arith.andi %ge3A_270, %lt3A_272 : vector<16xi1>
      %jit3A_274 = arith.constant 1680 : i32
      %broadcast_in_dim3A = vector.broadcast %jit3A_274 : i32 to vector<16xi32>
      %select_n3A_275 = arith.select %and3A_273, %sub3A_268, %broadcast_in_dim3A : vector<16xi1>, vector<16xi32>
      %swap3A = arith.index_cast %scan3A_263 : i32 to index
      %swap3A_276 = arith.constant 0 : index
      %swap3A_277 = tpu.vector_load %arg7[%swap3A, %swap3A_276] {strides = array<i32>} : memref<250x80xi32, #tpu.memory_space<vmem>>, vector<1x16xi32>,
      %swap3A_278 = vector.shape_cast %swap3A_277 : vector<1x16xi32> to vector<16xi32>
      %swap3A_279 = vector.shape_cast %select_n3A_275 : vector<16xi32> to vector<1x16xi32>
      tpu.vector_store %arg7[%swap3A, %swap3A_276], %swap3A_279 {strides = array<i32>} : memref<250x80xi32, #tpu.memory_space<vmem>>, vector<1x16xi32>,
      %get3A_280 = arith.index_cast %scan3A_263 : i32 to index
      %get3A_281 = arith.constant 16 : index
      %get3A_282 = tpu.vector_load %arg7[%get3A_280, %get3A_281] {strides = array<i32>} : memref<250x80xi32, #tpu.memory_space<vmem>>, vector<1x16xi32>,
      %get3A_283 = vector.shape_cast %get3A_282 : vector<1x16xi32> to vector<16xi32>
      %sub3A_284 = vector.broadcast %mul3A_7 : i32 to vector<16xi32>
      %sub3A_285 = arith.subi %get3A_283, %sub3A_284 : vector<16xi32>
      %ge3A_286 = arith.constant 0 : i32
      %ge3A_287 = vector.broadcast %ge3A_286 : i32 to vector<16xi32>
      %ge3A_288 = arith.cmpi sge, %sub3A_285, %ge3A_287 : vector<16xi32>
      %lt3A_289 = vector.broadcast %select_n3A : i32 to vector<16xi32>
      %lt3A_290 = arith.cmpi slt, %sub3A_285, %lt3A_289 : vector<16xi32>
      %and3A_291 = arith.andi %ge3A_288, %lt3A_290 : vector<16xi1>
      %jit3A_292 = arith.constant 1680 : i32
      %broadcast_in_dim3A_293 = vector.broadcast %jit3A_292 : i32 to vector<16xi32>
      %select_n3A_294 = arith.select %and3A_291, %sub3A_285, %broadcast_in_dim3A_293 : vector<16xi1>, vector<16xi32>
      %swap3A_295 = arith.index_cast %scan3A_263 : i32 to index
      %swap3A_296 = arith.constant 16 : index
      %swap3A_297 = tpu.vector_load %arg7[%swap3A_295, %swap3A_296] {strides = array<i32>} : memref<250x80xi32, #tpu.memory_space<vmem>>, vector<1x16xi32>,
      %swap3A_298 = vector.shape_cast %swap3A_297 : vector<1x16xi32> to vector<16xi32>
      %swap3A_299 = vector.shape_cast %select_n3A_294 : vector<16xi32> to vector<1x16xi32>
      tpu.vector_store %arg7[%swap3A_295, %swap3A_296], %swap3A_299 {strides = array<i32>} : memref<250x80xi32, #tpu.memory_space<vmem>>, vector<1x16xi32>,
      %get3A_300 = arith.index_cast %scan3A_263 : i32 to index
      %get3A_301 = arith.constant 32 : index
      %get3A_302 = tpu.vector_load %arg7[%get3A_300, %get3A_301] {strides = array<i32>} : memref<250x80xi32, #tpu.memory_space<vmem>>, vector<1x16xi32>,
      %get3A_303 = vector.shape_cast %get3A_302 : vector<1x16xi32> to vector<16xi32>
      %sub3A_304 = vector.broadcast %mul3A_7 : i32 to vector<16xi32>
      %sub3A_305 = arith.subi %get3A_303, %sub3A_304 : vector<16xi32>
      %ge3A_306 = arith.constant 0 : i32
      %ge3A_307 = vector.broadcast %ge3A_306 : i32 to vector<16xi32>
      %ge3A_308 = arith.cmpi sge, %sub3A_305, %ge3A_307 : vector<16xi32>
      %lt3A_309 = vector.broadcast %select_n3A : i32 to vector<16xi32>
      %lt3A_310 = arith.cmpi slt, %sub3A_305, %lt3A_309 : vector<16xi32>
      %and3A_311 = arith.andi %ge3A_308, %lt3A_310 : vector<16xi1>
      %jit3A_312 = arith.constant 1680 : i32
      %broadcast_in_dim3A_313 = vector.broadcast %jit3A_312 : i32 to vector<16xi32>
      %select_n3A_314 = arith.select %and3A_311, %sub3A_305, %broadcast_in_dim3A_313 : vector<16xi1>, vector<16xi32>
      %swap3A_315 = arith.index_cast %scan3A_263 : i32 to index
      %swap3A_316 = arith.constant 32 : index
      %swap3A_317 = tpu.vector_load %arg7[%swap3A_315, %swap3A_316] {strides = array<i32>} : memref<250x80xi32, #tpu.memory_space<vmem>>, vector<1x16xi32>,
      %swap3A_318 = vector.shape_cast %swap3A_317 : vector<1x16xi32> to vector<16xi32>
      %swap3A_319 = vector.shape_cast %select_n3A_314 : vector<16xi32> to vector<1x16xi32>
      tpu.vector_store %arg7[%swap3A_315, %swap3A_316], %swap3A_319 {strides = array<i32>} : memref<250x80xi32, #tpu.memory_space<vmem>>, vector<1x16xi32>,
      %get3A_320 = arith.index_cast %scan3A_263 : i32 to index
      %get3A_321 = arith.constant 48 : index
      %get3A_322 = tpu.vector_load %arg7[%get3A_320, %get3A_321] {strides = array<i32>} : memref<250x80xi32, #tpu.memory_space<vmem>>, vector<1x16xi32>,
      %get3A_323 = vector.shape_cast %get3A_322 : vector<1x16xi32> to vector<16xi32>
      %sub3A_324 = vector.broadcast %mul3A_7 : i32 to vector<16xi32>
      %sub3A_325 = arith.subi %get3A_323, %sub3A_324 : vector<16xi32>
      %ge3A_326 = arith.constant 0 : i32
      %ge3A_327 = vector.broadcast %ge3A_326 : i32 to vector<16xi32>
      %ge3A_328 = arith.cmpi sge, %sub3A_325, %ge3A_327 : vector<16xi32>
      %lt3A_329 = vector.broadcast %select_n3A : i32 to vector<16xi32>
      %lt3A_330 = arith.cmpi slt, %sub3A_325, %lt3A_329 : vector<16xi32>
      %and3A_331 = arith.andi %ge3A_328, %lt3A_330 : vector<16xi1>
      %jit3A_332 = arith.constant 1680 : i32
      %broadcast_in_dim3A_333 = vector.broadcast %jit3A_332 : i32 to vector<16xi32>
      %select_n3A_334 = arith.select %and3A_331, %sub3A_325, %broadcast_in_dim3A_333 : vector<16xi1>, vector<16xi32>
      %swap3A_335 = arith.index_cast %scan3A_263 : i32 to index
      %swap3A_336 = arith.constant 48 : index
      %swap3A_337 = tpu.vector_load %arg7[%swap3A_335, %swap3A_336] {strides = array<i32>} : memref<250x80xi32, #tpu.memory_space<vmem>>, vector<1x16xi32>,
      %swap3A_338 = vector.shape_cast %swap3A_337 : vector<1x16xi32> to vector<16xi32>
      %swap3A_339 = vector.shape_cast %select_n3A_334 : vector<16xi32> to vector<1x16xi32>
      tpu.vector_store %arg7[%swap3A_335, %swap3A_336], %swap3A_339 {strides = array<i32>} : memref<250x80xi32, #tpu.memory_space<vmem>>, vector<1x16xi32>,
      %get3A_340 = arith.index_cast %scan3A_263 : i32 to index
      %get3A_341 = arith.constant 64 : index
      %get3A_342 = tpu.vector_load %arg7[%get3A_340, %get3A_341] {strides = array<i32>} : memref<250x80xi32, #tpu.memory_space<vmem>>, vector<1x16xi32>,
      %get3A_343 = vector.shape_cast %get3A_342 : vector<1x16xi32> to vector<16xi32>
      %sub3A_344 = vector.broadcast %mul3A_7 : i32 to vector<16xi32>
      %sub3A_345 = arith.subi %get3A_343, %sub3A_344 : vector<16xi32>
      %ge3A_346 = arith.constant 0 : i32
      %ge3A_347 = vector.broadcast %ge3A_346 : i32 to vector<16xi32>
      %ge3A_348 = arith.cmpi sge, %sub3A_345, %ge3A_347 : vector<16xi32>
      %lt3A_349 = vector.broadcast %select_n3A : i32 to vector<16xi32>
      %lt3A_350 = arith.cmpi slt, %sub3A_345, %lt3A_349 : vector<16xi32>
      %and3A_351 = arith.andi %ge3A_348, %lt3A_350 : vector<16xi1>
      %jit3A_352 = arith.constant 1680 : i32
      %broadcast_in_dim3A_353 = vector.broadcast %jit3A_352 : i32 to vector<16xi32>
      %select_n3A_354 = arith.select %and3A_351, %sub3A_345, %broadcast_in_dim3A_353 : vector<16xi1>, vector<16xi32>
      %swap3A_355 = arith.index_cast %scan3A_263 : i32 to index
      %swap3A_356 = arith.constant 64 : index
      %swap3A_357 = tpu.vector_load %arg7[%swap3A_355, %swap3A_356] {strides = array<i32>} : memref<250x80xi32, #tpu.memory_space<vmem>>, vector<1x16xi32>,
      %swap3A_358 = vector.shape_cast %swap3A_357 : vector<1x16xi32> to vector<16xi32>
      %swap3A_359 = vector.shape_cast %select_n3A_354 : vector<16xi32> to vector<1x16xi32>
      tpu.vector_store %arg7[%swap3A_355, %swap3A_356], %swap3A_359 {strides = array<i32>} : memref<250x80xi32, #tpu.memory_space<vmem>>, vector<1x16xi32>,
      %scan3A_360 = arith.constant 0 : i32
      scf.yield %scan3A_360 : i32
    }
    %scan3A_23 = arith.constant 250 : i32
    %barrier3A = arith.constant 0 : index
    tpu.barrier barrier_id(%barrier3A)
    %dma_start3A = arith.constant 0 : i32
    %dma_start3A_24 = arith.constant 0 : i32
    %dma_start3A_25 = tpu.memref_slice %arg6[%dma_start3A, %dma_start3A_24] : memref<250x80xi32, #tpu.memory_space<vmem>> -> memref<1x80xi32, #tpu.memory_space<vmem>>
    %dma_start3A_26 = tpu.memref_squeeze %dma_start3A_25 : memref<1x80xi32, #tpu.memory_space<vmem>> -> memref<80xi32, #tpu.memory_space<vmem>>
    %dma_start3A_27 = arith.constant 0 : i32
    %dma_start3A_28 = arith.constant 0 : i32
    %dma_start3A_29 = tpu.memref_slice %arg2[%dma_start3A_27, %dma_start3A_28] : memref<10000x128xf32, #tpu.memory_space<hbm>> -> memref<10000x128xf32, #tpu.memory_space<hbm>>
    tpu.enqueue_indirect_dma source(%dma_start3A_29 : memref<10000x128xf32, #tpu.memory_space<hbm>>) target(%arg8 : memref<80x128xf32, #tpu.memory_space<vmem>>) offsets(%dma_start3A_26 : memref<80xi32, #tpu.memory_space<vmem>>) semaphore(%arg13 : memref<!tpu.dma_semaphore, #tpu.memory_space<semaphore_mem>>)
    %dma_start3A_30 = arith.constant 1 : i32
    %dma_start3A_31 = arith.constant 0 : i32
    %dma_start3A_32 = tpu.memref_slice %arg6[%dma_start3A_30, %dma_start3A_31] : memref<250x80xi32, #tpu.memory_space<vmem>> -> memref<1x80xi32, #tpu.memory_space<vmem>>
    %dma_start3A_33 = tpu.memref_squeeze %dma_start3A_32 : memref<1x80xi32, #tpu.memory_space<vmem>> -> memref<80xi32, #tpu.memory_space<vmem>>
    %dma_start3A_34 = arith.constant 0 : i32
    %dma_start3A_35 = arith.constant 0 : i32
    %dma_start3A_36 = tpu.memref_slice %arg2[%dma_start3A_34, %dma_start3A_35] : memref<10000x128xf32, #tpu.memory_space<hbm>> -> memref<10000x128xf32, #tpu.memory_space<hbm>>
    tpu.enqueue_indirect_dma source(%dma_start3A_36 : memref<10000x128xf32, #tpu.memory_space<hbm>>) target(%arg9 : memref<80x128xf32, #tpu.memory_space<vmem>>) offsets(%dma_start3A_33 : memref<80xi32, #tpu.memory_space<vmem>>) semaphore(%arg14 : memref<!tpu.dma_semaphore, #tpu.memory_space<semaphore_mem>>)
    %scan3A_37 = arith.constant 0 : i32
    %scan3A_38 = arith.constant 0 : i32
    %scan3A_39 = arith.constant 124 : i32
    %scan3A_40 = arith.addi %scan3A_38, %scan3A_39 : i32
    %scan3A_41 = arith.constant 1 : i32
    %scan3A_42 = scf.for %scan3A_263 = %scan3A_38 to %scan3A_40 step %scan3A_41 iter_args(%scan3A_264 = %scan3A_37) -> (i32)  : i32 {
      %mul3A_265 = arith.constant 2 : i32
      %mul3A_266 = arith.muli %mul3A_265, %scan3A_263 : i32
      %dma_wait3A_267 = arith.constant 0 : i32
      %dma_wait3A_268 = tpu.memref_slice %arg6[%mul3A_266, %dma_wait3A_267] : memref<250x80xi32, #tpu.memory_space<vmem>> -> memref<1x80xi32, #tpu.memory_space<vmem>>
      %dma_wait3A_269 = tpu.memref_squeeze %dma_wait3A_268 : memref<1x80xi32, #tpu.memory_space<vmem>> -> memref<80xi32, #tpu.memory_space<vmem>>
      %dma_wait3A_270 = arith.constant 0 : i32
      %dma_wait3A_271 = arith.constant 0 : i32
      %dma_wait3A_272 = tpu.memref_slice %arg2[%dma_wait3A_270, %dma_wait3A_271] : memref<10000x128xf32, #tpu.memory_space<hbm>> -> memref<10000x128xf32, #tpu.memory_space<hbm>>
      tpu.wait_indirect_dma semaphore(%arg13 : memref<!tpu.dma_semaphore, #tpu.memory_space<semaphore_mem>>) src(%dma_wait3A_272 : memref<10000x128xf32, #tpu.memory_space<hbm>>) dst(%arg8 : memref<80x128xf32, #tpu.memory_space<vmem>>)
      "tpu.region"() ({
        %run_scoped3A_298 = tpu.sem_alloc : memref<!tpu.dma_semaphore, #tpu.memory_space<semaphore_mem>>
        %dma_start3A_299 = arith.constant 0 : i32
        %dma_start3A_300 = tpu.memref_slice %arg7[%mul3A_266, %dma_start3A_299] : memref<250x80xi32, #tpu.memory_space<vmem>> -> memref<1x80xi32, #tpu.memory_space<vmem>>
        %dma_start3A_301 = tpu.memref_squeeze %dma_start3A_300 : memref<1x80xi32, #tpu.memory_space<vmem>> -> memref<80xi32, #tpu.memory_space<vmem>>
        %dma_start3A_302 = arith.constant 0 : i32
        %dma_start3A_303 = arith.constant 0 : i32
        %dma_start3A_304 = tpu.memref_slice %arg12[%dma_start3A_302, %dma_start3A_303] : memref<1688x128xf32, #tpu.memory_space<vmem_shared>> -> memref<1688x128xf32, #tpu.memory_space<vmem_shared>>
        tpu.enqueue_indirect_dma source(%arg8 : memref<80x128xf32, #tpu.memory_space<vmem>>) target(%dma_start3A_304 : memref<1688x128xf32, #tpu.memory_space<vmem_shared>>) offsets(%dma_start3A_301 : memref<80xi32, #tpu.memory_space<vmem>>) semaphore(%run_scoped3A_298 : memref<!tpu.dma_semaphore, #tpu.memory_space<semaphore_mem>>) {add = true}
        %dma_wait3A_305 = arith.constant 0 : i32
        %dma_wait3A_306 = tpu.memref_slice %arg7[%mul3A_266, %dma_wait3A_305] : memref<250x80xi32, #tpu.memory_space<vmem>> -> memref<1x80xi32, #tpu.memory_space<vmem>>
        %dma_wait3A_307 = tpu.memref_squeeze %dma_wait3A_306 : memref<1x80xi32, #tpu.memory_space<vmem>> -> memref<80xi32, #tpu.memory_space<vmem>>
        %dma_wait3A_308 = arith.constant 0 : i32
        %dma_wait3A_309 = arith.constant 0 : i32
        %dma_wait3A_310 = tpu.memref_slice %arg12[%dma_wait3A_308, %dma_wait3A_309] : memref<1688x128xf32, #tpu.memory_space<vmem_shared>> -> memref<1688x128xf32, #tpu.memory_space<vmem_shared>>
        tpu.wait_indirect_dma semaphore(%run_scoped3A_298 : memref<!tpu.dma_semaphore, #tpu.memory_space<semaphore_mem>>) src(%arg8 : memref<80x128xf32, #tpu.memory_space<vmem>>) dst(%dma_wait3A_310 : memref<1688x128xf32, #tpu.memory_space<vmem_shared>>)
        tpu.yield
      }) : () -> ()
      %add3A_273 = arith.constant 2 : i32
      %add3A_274 = arith.addi %mul3A_266, %add3A_273 : i32
      %dma_start3A_275 = arith.constant 0 : i32
      %dma_start3A_276 = tpu.memref_slice %arg6[%add3A_274, %dma_start3A_275] : memref<250x80xi32, #tpu.memory_space<vmem>> -> memref<1x80xi32, #tpu.memory_space<vmem>>
      %dma_start3A_277 = tpu.memref_squeeze %dma_start3A_276 : memref<1x80xi32, #tpu.memory_space<vmem>> -> memref<80xi32, #tpu.memory_space<vmem>>
      %dma_start3A_278 = arith.constant 0 : i32
      %dma_start3A_279 = arith.constant 0 : i32
      %dma_start3A_280 = tpu.memref_slice %arg2[%dma_start3A_278, %dma_start3A_279] : memref<10000x128xf32, #tpu.memory_space<hbm>> -> memref<10000x128xf32, #tpu.memory_space<hbm>>
      tpu.enqueue_indirect_dma source(%dma_start3A_280 : memref<10000x128xf32, #tpu.memory_space<hbm>>) target(%arg8 : memref<80x128xf32, #tpu.memory_space<vmem>>) offsets(%dma_start3A_277 : memref<80xi32, #tpu.memory_space<vmem>>) semaphore(%arg13 : memref<!tpu.dma_semaphore, #tpu.memory_space<semaphore_mem>>)
      %add3A_281 = arith.constant 1 : i32
      %add3A_282 = arith.addi %mul3A_266, %add3A_281 : i32
      %dma_wait3A_283 = arith.constant 0 : i32
      %dma_wait3A_284 = tpu.memref_slice %arg6[%add3A_282, %dma_wait3A_283] : memref<250x80xi32, #tpu.memory_space<vmem>> -> memref<1x80xi32, #tpu.memory_space<vmem>>
      %dma_wait3A_285 = tpu.memref_squeeze %dma_wait3A_284 : memref<1x80xi32, #tpu.memory_space<vmem>> -> memref<80xi32, #tpu.memory_space<vmem>>
      %dma_wait3A_286 = arith.constant 0 : i32
      %dma_wait3A_287 = arith.constant 0 : i32
      %dma_wait3A_288 = tpu.memref_slice %arg2[%dma_wait3A_286, %dma_wait3A_287] : memref<10000x128xf32, #tpu.memory_space<hbm>> -> memref<10000x128xf32, #tpu.memory_space<hbm>>
      tpu.wait_indirect_dma semaphore(%arg14 : memref<!tpu.dma_semaphore, #tpu.memory_space<semaphore_mem>>) src(%dma_wait3A_288 : memref<10000x128xf32, #tpu.memory_space<hbm>>) dst(%arg9 : memref<80x128xf32, #tpu.memory_space<vmem>>)
      "tpu.region"() ({
        %run_scoped3A_298 = tpu.sem_alloc : memref<!tpu.dma_semaphore, #tpu.memory_space<semaphore_mem>>
        %dma_start3A_299 = arith.constant 0 : i32
        %dma_start3A_300 = tpu.memref_slice %arg7[%add3A_282, %dma_start3A_299] : memref<250x80xi32, #tpu.memory_space<vmem>> -> memref<1x80xi32, #tpu.memory_space<vmem>>
        %dma_start3A_301 = tpu.memref_squeeze %dma_start3A_300 : memref<1x80xi32, #tpu.memory_space<vmem>> -> memref<80xi32, #tpu.memory_space<vmem>>
        %dma_start3A_302 = arith.constant 0 : i32
        %dma_start3A_303 = arith.constant 0 : i32
        %dma_start3A_304 = tpu.memref_slice %arg12[%dma_start3A_302, %dma_start3A_303] : memref<1688x128xf32, #tpu.memory_space<vmem_shared>> -> memref<1688x128xf32, #tpu.memory_space<vmem_shared>>
        tpu.enqueue_indirect_dma source(%arg9 : memref<80x128xf32, #tpu.memory_space<vmem>>) target(%dma_start3A_304 : memref<1688x128xf32, #tpu.memory_space<vmem_shared>>) offsets(%dma_start3A_301 : memref<80xi32, #tpu.memory_space<vmem>>) semaphore(%run_scoped3A_298 : memref<!tpu.dma_semaphore, #tpu.memory_space<semaphore_mem>>) {add = true}
        %dma_wait3A_305 = arith.constant 0 : i32
        %dma_wait3A_306 = tpu.memref_slice %arg7[%add3A_282, %dma_wait3A_305] : memref<250x80xi32, #tpu.memory_space<vmem>> -> memref<1x80xi32, #tpu.memory_space<vmem>>
        %dma_wait3A_307 = tpu.memref_squeeze %dma_wait3A_306 : memref<1x80xi32, #tpu.memory_space<vmem>> -> memref<80xi32, #tpu.memory_space<vmem>>
        %dma_wait3A_308 = arith.constant 0 : i32
        %dma_wait3A_309 = arith.constant 0 : i32
        %dma_wait3A_310 = tpu.memref_slice %arg12[%dma_wait3A_308, %dma_wait3A_309] : memref<1688x128xf32, #tpu.memory_space<vmem_shared>> -> memref<1688x128xf32, #tpu.memory_space<vmem_shared>>
        tpu.wait_indirect_dma semaphore(%run_scoped3A_298 : memref<!tpu.dma_semaphore, #tpu.memory_space<semaphore_mem>>) src(%arg9 : memref<80x128xf32, #tpu.memory_space<vmem>>) dst(%dma_wait3A_310 : memref<1688x128xf32, #tpu.memory_space<vmem_shared>>)
        tpu.yield
      }) : () -> ()
      %add3A_289 = arith.constant 3 : i32
      %add3A_290 = arith.addi %mul3A_266, %add3A_289 : i32
      %dma_start3A_291 = arith.constant 0 : i32
      %dma_start3A_292 = tpu.memref_slice %arg6[%add3A_290, %dma_start3A_291] : memref<250x80xi32, #tpu.memory_space<vmem>> -> memref<1x80xi32, #tpu.memory_space<vmem>>
      %dma_start3A_293 = tpu.memref_squeeze %dma_start3A_292 : memref<1x80xi32, #tpu.memory_space<vmem>> -> memref<80xi32, #tpu.memory_space<vmem>>
      %dma_start3A_294 = arith.constant 0 : i32
      %dma_start3A_295 = arith.constant 0 : i32
      %dma_start3A_296 = tpu.memref_slice %arg2[%dma_start3A_294, %dma_start3A_295] : memref<10000x128xf32, #tpu.memory_space<hbm>> -> memref<10000x128xf32, #tpu.memory_space<hbm>>
      tpu.enqueue_indirect_dma source(%dma_start3A_296 : memref<10000x128xf32, #tpu.memory_space<hbm>>) target(%arg9 : memref<80x128xf32, #tpu.memory_space<vmem>>) offsets(%dma_start3A_293 : memref<80xi32, #tpu.memory_space<vmem>>) semaphore(%arg14 : memref<!tpu.dma_semaphore, #tpu.memory_space<semaphore_mem>>)
      %scan3A_297 = arith.constant 0 : i32
      scf.yield %scan3A_297 : i32
    }
    %scan3A_43 = arith.constant 124 : i32
    %dma_wait3A = arith.constant 248 : i32
    %dma_wait3A_44 = arith.constant 0 : i32
    %dma_wait3A_45 = tpu.memref_slice %arg6[%dma_wait3A, %dma_wait3A_44] : memref<250x80xi32, #tpu.memory_space<vmem>> -> memref<1x80xi32, #tpu.memory_space<vmem>>
    %dma_wait3A_46 = tpu.memref_squeeze %dma_wait3A_45 : memref<1x80xi32, #tpu.memory_space<vmem>> -> memref<80xi32, #tpu.memory_space<vmem>>
    %dma_wait3A_47 = arith.constant 0 : i32
    %dma_wait3A_48 = arith.constant 0 : i32
    %dma_wait3A_49 = tpu.memref_slice %arg2[%dma_wait3A_47, %dma_wait3A_48] : memref<10000x128xf32, #tpu.memory_space<hbm>> -> memref<10000x128xf32, #tpu.memory_space<hbm>>
    tpu.wait_indirect_dma semaphore(%arg13 : memref<!tpu.dma_semaphore, #tpu.memory_space<semaphore_mem>>) src(%dma_wait3A_49 : memref<10000x128xf32, #tpu.memory_space<hbm>>) dst(%arg8 : memref<80x128xf32, #tpu.memory_space<vmem>>)
    %run_scoped3A = arith.constant 248 : i32
    "tpu.region"() ({
      %run_scoped3A_263 = tpu.sem_alloc : memref<!tpu.dma_semaphore, #tpu.memory_space<semaphore_mem>>
      %dma_start3A_264 = arith.constant 0 : i32
      %dma_start3A_265 = tpu.memref_slice %arg7[%run_scoped3A, %dma_start3A_264] : memref<250x80xi32, #tpu.memory_space<vmem>> -> memref<1x80xi32, #tpu.memory_space<vmem>>
      %dma_start3A_266 = tpu.memref_squeeze %dma_start3A_265 : memref<1x80xi32, #tpu.memory_space<vmem>> -> memref<80xi32, #tpu.memory_space<vmem>>
      %dma_start3A_267 = arith.constant 0 : i32
      %dma_start3A_268 = arith.constant 0 : i32
      %dma_start3A_269 = tpu.memref_slice %arg12[%dma_start3A_267, %dma_start3A_268] : memref<1688x128xf32, #tpu.memory_space<vmem_shared>> -> memref<1688x128xf32, #tpu.memory_space<vmem_shared>>
      tpu.enqueue_indirect_dma source(%arg8 : memref<80x128xf32, #tpu.memory_space<vmem>>) target(%dma_start3A_269 : memref<1688x128xf32, #tpu.memory_space<vmem_shared>>) offsets(%dma_start3A_266 : memref<80xi32, #tpu.memory_space<vmem>>) semaphore(%run_scoped3A_263 : memref<!tpu.dma_semaphore, #tpu.memory_space<semaphore_mem>>) {add = true}
      %dma_wait3A_270 = arith.constant 0 : i32
      %dma_wait3A_271 = tpu.memref_slice %arg7[%run_scoped3A, %dma_wait3A_270] : memref<250x80xi32, #tpu.memory_space<vmem>> -> memref<1x80xi32, #tpu.memory_space<vmem>>
      %dma_wait3A_272 = tpu.memref_squeeze %dma_wait3A_271 : memref<1x80xi32, #tpu.memory_space<vmem>> -> memref<80xi32, #tpu.memory_space<vmem>>
      %dma_wait3A_273 = arith.constant 0 : i32
      %dma_wait3A_274 = arith.constant 0 : i32
      %dma_wait3A_275 = tpu.memref_slice %arg12[%dma_wait3A_273, %dma_wait3A_274] : memref<1688x128xf32, #tpu.memory_space<vmem_shared>> -> memref<1688x128xf32, #tpu.memory_space<vmem_shared>>
      tpu.wait_indirect_dma semaphore(%run_scoped3A_263 : memref<!tpu.dma_semaphore, #tpu.memory_space<semaphore_mem>>) src(%arg8 : memref<80x128xf32, #tpu.memory_space<vmem>>) dst(%dma_wait3A_275 : memref<1688x128xf32, #tpu.memory_space<vmem_shared>>)
      tpu.yield
    }) : () -> ()
    %dma_wait3A_50 = arith.constant 249 : i32
    %dma_wait3A_51 = arith.constant 0 : i32
    %dma_wait3A_52 = tpu.memref_slice %arg6[%dma_wait3A_50, %dma_wait3A_51] : memref<250x80xi32, #tpu.memory_space<vmem>> -> memref<1x80xi32, #tpu.memory_space<vmem>>
    %dma_wait3A_53 = tpu.memref_squeeze %dma_wait3A_52 : memref<1x80xi32, #tpu.memory_space<vmem>> -> memref<80xi32, #tpu.memory_space<vmem>>
    %dma_wait3A_54 = arith.constant 0 : i32
    %dma_wait3A_55 = arith.constant 0 : i32
    %dma_wait3A_56 = tpu.memref_slice %arg2[%dma_wait3A_54, %dma_wait3A_55] : memref<10000x128xf32, #tpu.memory_space<hbm>> -> memref<10000x128xf32, #tpu.memory_space<hbm>>
    tpu.wait_indirect_dma semaphore(%arg14 : memref<!tpu.dma_semaphore, #tpu.memory_space<semaphore_mem>>) src(%dma_wait3A_56 : memref<10000x128xf32, #tpu.memory_space<hbm>>) dst(%arg9 : memref<80x128xf32, #tpu.memory_space<vmem>>)
    %run_scoped3A_57 = arith.constant 249 : i32
    "tpu.region"() ({
      %run_scoped3A_263 = tpu.sem_alloc : memref<!tpu.dma_semaphore, #tpu.memory_space<semaphore_mem>>
      %dma_start3A_264 = arith.constant 0 : i32
      %dma_start3A_265 = tpu.memref_slice %arg7[%run_scoped3A_57, %dma_start3A_264] : memref<250x80xi32, #tpu.memory_space<vmem>> -> memref<1x80xi32, #tpu.memory_space<vmem>>
      %dma_start3A_266 = tpu.memref_squeeze %dma_start3A_265 : memref<1x80xi32, #tpu.memory_space<vmem>> -> memref<80xi32, #tpu.memory_space<vmem>>
      %dma_start3A_267 = arith.constant 0 : i32
      %dma_start3A_268 = arith.constant 0 : i32
      %dma_start3A_269 = tpu.memref_slice %arg12[%dma_start3A_267, %dma_start3A_268] : memref<1688x128xf32, #tpu.memory_space<vmem_shared>> -> memref<1688x128xf32, #tpu.memory_space<vmem_shared>>
      tpu.enqueue_indirect_dma source(%arg9 : memref<80x128xf32, #tpu.memory_space<vmem>>) target(%dma_start3A_269 : memref<1688x128xf32, #tpu.memory_space<vmem_shared>>) offsets(%dma_start3A_266 : memref<80xi32, #tpu.memory_space<vmem>>) semaphore(%run_scoped3A_263 : memref<!tpu.dma_semaphore, #tpu.memory_space<semaphore_mem>>) {add = true}
      %dma_wait3A_270 = arith.constant 0 : i32
      %dma_wait3A_271 = tpu.memref_slice %arg7[%run_scoped3A_57, %dma_wait3A_270] : memref<250x80xi32, #tpu.memory_space<vmem>> -> memref<1x80xi32, #tpu.memory_space<vmem>>
      %dma_wait3A_272 = tpu.memref_squeeze %dma_wait3A_271 : memref<1x80xi32, #tpu.memory_space<vmem>> -> memref<80xi32, #tpu.memory_space<vmem>>
      %dma_wait3A_273 = arith.constant 0 : i32
      %dma_wait3A_274 = arith.constant 0 : i32
      %dma_wait3A_275 = tpu.memref_slice %arg12[%dma_wait3A_273, %dma_wait3A_274] : memref<1688x128xf32, #tpu.memory_space<vmem_shared>> -> memref<1688x128xf32, #tpu.memory_space<vmem_shared>>
      tpu.wait_indirect_dma semaphore(%run_scoped3A_263 : memref<!tpu.dma_semaphore, #tpu.memory_space<semaphore_mem>>) src(%arg9 : memref<80x128xf32, #tpu.memory_space<vmem>>) dst(%dma_wait3A_275 : memref<1688x128xf32, #tpu.memory_space<vmem_shared>>)
      tpu.yield
    }) : () -> ()
    %barrier3A_58 = arith.constant 0 : index
    tpu.barrier barrier_id(%barrier3A_58)
    %lt3A_59 = arith.constant 5 : i32
    %lt3A_60 = arith.cmpi slt, %add3A_6, %lt3A_59 : i32
    %lt3A_61 = arith.constant 15 : i32
    %lt3A_62 = arith.cmpi slt, %arg1, %lt3A_61 : i32
    %and3A = arith.andi %lt3A_60, %lt3A_62 : i1
    %convert_element_type3A_63 = arith.extui %and3A : i1 to i32
    %cond3A_64 = arith.constant 0 : i32
    %cond3A_65 = arith.cmpi ne, %convert_element_type3A_63, %cond3A_64 : i32
    scf.if %cond3A_65 {
      %mul3A_263 = arith.constant 112 : i32
      %mul3A_264 = arith.muli %mul3A_263, %arg1 : i32
      "tpu.region"() ({
        %run_scoped3A_268 = tpu.sem_alloc : memref<!tpu.dma_semaphore, #tpu.memory_space<semaphore_mem>>
        %dma_start3A_269 = arith.constant 0 : i32
        %dma_start3A_270 = tpu.memref_slice %arg12[%mul3A_264, %dma_start3A_269] : memref<1688x128xf32, #tpu.memory_space<vmem_shared>> -> memref<112x128xf32, #tpu.memory_space<vmem_shared>>
        %dma_start3A_271 = arith.constant 0 : i32
        %dma_start3A_272 = tpu.memref_slice %arg12[%mul3A_264, %dma_start3A_271] : memref<1688x128xf32, #tpu.memory_space<vmem_shared>> -> memref<112x128xf32, #tpu.memory_space<vmem_shared>>
        tpu.enqueue_dma source(%dma_start3A_272 : memref<112x128xf32, #tpu.memory_space<vmem_shared>>) target(%arg11 : memref<112x128xf32, #tpu.memory_space<vmem>>) target_semaphore(%run_scoped3A_268 : memref<!tpu.dma_semaphore, #tpu.memory_space<semaphore_mem>>)
        %dma_wait3A_273 = arith.constant 0 : i32
        %dma_wait3A_274 = tpu.memref_slice %arg12[%mul3A_264, %dma_wait3A_273] : memref<1688x128xf32, #tpu.memory_space<vmem_shared>> -> memref<112x128xf32, #tpu.memory_space<vmem_shared>>
        %dma_wait3A_275 = arith.constant 0 : i32
        %dma_wait3A_276 = tpu.memref_slice %arg12[%mul3A_264, %dma_wait3A_275] : memref<1688x128xf32, #tpu.memory_space<vmem_shared>> -> memref<112x128xf32, #tpu.memory_space<vmem_shared>>
        tpu.wait_dma2 semaphore(%run_scoped3A_268 : memref<!tpu.dma_semaphore, #tpu.memory_space<semaphore_mem>>) src(%dma_wait3A_276 : memref<112x128xf32, #tpu.memory_space<vmem_shared>>) dst(%arg11 : memref<112x128xf32, #tpu.memory_space<vmem>>)
        tpu.yield
      }) : () -> ()
      %mul3A_265 = arith.constant 112 : i32
      %mul3A_266 = arith.muli %mul3A_265, %arg1 : i32
      %add3A_267 = arith.addi %mul3A_7, %mul3A_266 : i32
      "tpu.region"() ({
        %run_scoped3A_268 = tpu.sem_alloc : memref<!tpu.dma_semaphore, #tpu.memory_space<semaphore_mem>>
        %dma_start3A_269 = arith.constant 0 : i32
        %dma_start3A_270 = tpu.memref_slice %arg5[%add3A_267, %dma_start3A_269] : memref<10000x128xf32, #tpu.memory_space<hbm>> -> memref<112x128xf32, #tpu.memory_space<hbm>>
        %dma_start3A_271 = arith.constant 0 : i32
        %dma_start3A_272 = tpu.memref_slice %arg5[%add3A_267, %dma_start3A_271] : memref<10000x128xf32, #tpu.memory_space<hbm>> -> memref<112x128xf32, #tpu.memory_space<hbm>>
        tpu.enqueue_dma source(%arg11 : memref<112x128xf32, #tpu.memory_space<vmem>>) target(%dma_start3A_272 : memref<112x128xf32, #tpu.memory_space<hbm>>) target_semaphore(%run_scoped3A_268 : memref<!tpu.dma_semaphore, #tpu.memory_space<semaphore_mem>>)
        %dma_wait3A_273 = arith.constant 0 : i32
        %dma_wait3A_274 = tpu.memref_slice %arg5[%add3A_267, %dma_wait3A_273] : memref<10000x128xf32, #tpu.memory_space<hbm>> -> memref<112x128xf32, #tpu.memory_space<hbm>>
        %dma_wait3A_275 = arith.constant 0 : i32
        %dma_wait3A_276 = tpu.memref_slice %arg5[%add3A_267, %dma_wait3A_275] : memref<10000x128xf32, #tpu.memory_space<hbm>> -> memref<112x128xf32, #tpu.memory_space<hbm>>
        tpu.wait_dma2 semaphore(%run_scoped3A_268 : memref<!tpu.dma_semaphore, #tpu.memory_space<semaphore_mem>>) src(%arg11 : memref<112x128xf32, #tpu.memory_space<vmem>>) dst(%dma_wait3A_276 : memref<112x128xf32, #tpu.memory_space<hbm>>)
        tpu.yield
      }) : () -> ()
    } else {
    }
    %eq3A_66 = arith.constant 5 : i32
    %eq3A_67 = arith.cmpi eq, %add3A_6, %eq3A_66 : i32
    %lt3A_68 = arith.constant 14 : i32
    %lt3A_69 = arith.cmpi slt, %arg1, %lt3A_68 : i32
    %and3A_70 = arith.andi %eq3A_67, %lt3A_69 : i1
    %convert_element_type3A_71 = arith.extui %and3A_70 : i1 to i32
    %cond3A_72 = arith.constant 0 : i32
    %cond3A_73 = arith.cmpi ne, %convert_element_type3A_71, %cond3A_72 : i32
    scf.if %cond3A_73 {
      %mul3A_263 = arith.constant 112 : i32
      %mul3A_264 = arith.muli %mul3A_263, %arg1 : i32
      "tpu.region"() ({
        %run_scoped3A_268 = tpu.sem_alloc : memref<!tpu.dma_semaphore, #tpu.memory_space<semaphore_mem>>
        %dma_start3A_269 = arith.constant 0 : i32
        %dma_start3A_270 = tpu.memref_slice %arg12[%mul3A_264, %dma_start3A_269] : memref<1688x128xf32, #tpu.memory_space<vmem_shared>> -> memref<112x128xf32, #tpu.memory_space<vmem_shared>>
        %dma_start3A_271 = arith.constant 0 : i32
        %dma_start3A_272 = tpu.memref_slice %arg12[%mul3A_264, %dma_start3A_271] : memref<1688x128xf32, #tpu.memory_space<vmem_shared>> -> memref<112x128xf32, #tpu.memory_space<vmem_shared>>
        tpu.enqueue_dma source(%dma_start3A_272 : memref<112x128xf32, #tpu.memory_space<vmem_shared>>) target(%arg11 : memref<112x128xf32, #tpu.memory_space<vmem>>) target_semaphore(%run_scoped3A_268 : memref<!tpu.dma_semaphore, #tpu.memory_space<semaphore_mem>>)
        %dma_wait3A_273 = arith.constant 0 : i32
        %dma_wait3A_274 = tpu.memref_slice %arg12[%mul3A_264, %dma_wait3A_273] : memref<1688x128xf32, #tpu.memory_space<vmem_shared>> -> memref<112x128xf32, #tpu.memory_space<vmem_shared>>
        %dma_wait3A_275 = arith.constant 0 : i32
        %dma_wait3A_276 = tpu.memref_slice %arg12[%mul3A_264, %dma_wait3A_275] : memref<1688x128xf32, #tpu.memory_space<vmem_shared>> -> memref<112x128xf32, #tpu.memory_space<vmem_shared>>
        tpu.wait_dma2 semaphore(%run_scoped3A_268 : memref<!tpu.dma_semaphore, #tpu.memory_space<semaphore_mem>>) src(%dma_wait3A_276 : memref<112x128xf32, #tpu.memory_space<vmem_shared>>) dst(%arg11 : memref<112x128xf32, #tpu.memory_space<vmem>>)
        tpu.yield
      }) : () -> ()
      %mul3A_265 = arith.constant 112 : i32
      %mul3A_266 = arith.muli %mul3A_265, %arg1 : i32
      %add3A_267 = arith.addi %mul3A_7, %mul3A_266 : i32
      "tpu.region"() ({
        %run_scoped3A_268 = tpu.sem_alloc : memref<!tpu.dma_semaphore, #tpu.memory_space<semaphore_mem>>
        %dma_start3A_269 = arith.constant 0 : i32
        %dma_start3A_270 = tpu.memref_slice %arg5[%add3A_267, %dma_start3A_269] : memref<10000x128xf32, #tpu.memory_space<hbm>> -> memref<112x128xf32, #tpu.memory_space<hbm>>
        %dma_start3A_271 = arith.constant 0 : i32
        %dma_start3A_272 = tpu.memref_slice %arg5[%add3A_267, %dma_start3A_271] : memref<10000x128xf32, #tpu.memory_space<hbm>> -> memref<112x128xf32, #tpu.memory_space<hbm>>
        tpu.enqueue_dma source(%arg11 : memref<112x128xf32, #tpu.memory_space<vmem>>) target(%dma_start3A_272 : memref<112x128xf32, #tpu.memory_space<hbm>>) target_semaphore(%run_scoped3A_268 : memref<!tpu.dma_semaphore, #tpu.memory_space<semaphore_mem>>)
        %dma_wait3A_273 = arith.constant 0 : i32
        %dma_wait3A_274 = tpu.memref_slice %arg5[%add3A_267, %dma_wait3A_273] : memref<10000x128xf32, #tpu.memory_space<hbm>> -> memref<112x128xf32, #tpu.memory_space<hbm>>
        %dma_wait3A_275 = arith.constant 0 : i32
        %dma_wait3A_276 = tpu.memref_slice %arg5[%add3A_267, %dma_wait3A_275] : memref<10000x128xf32, #tpu.memory_space<hbm>> -> memref<112x128xf32, #tpu.memory_space<hbm>>
        tpu.wait_dma2 semaphore(%run_scoped3A_268 : memref<!tpu.dma_semaphore, #tpu.memory_space<semaphore_mem>>) src(%arg11 : memref<112x128xf32, #tpu.memory_space<vmem>>) dst(%dma_wait3A_276 : memref<112x128xf32, #tpu.memory_space<hbm>>)
        tpu.yield
      }) : () -> ()
    } else {
    }
    %eq3A_74 = arith.constant 5 : i32
    %eq3A_75 = arith.cmpi eq, %add3A_6, %eq3A_74 : i32
    %eq3A_76 = arith.constant 14 : i32
    %eq3A_77 = arith.cmpi eq, %arg1, %eq3A_76 : i32
    %and3A_78 = arith.andi %eq3A_75, %eq3A_77 : i1
    %convert_element_type3A_79 = arith.extui %and3A_78 : i1 to i32
    %cond3A_80 = arith.constant 0 : i32
    %cond3A_81 = arith.cmpi ne, %convert_element_type3A_79, %cond3A_80 : i32
    scf.if %cond3A_81 {
      "tpu.region"() ({
        %run_scoped3A_265 = tpu.sem_alloc : memref<!tpu.dma_semaphore, #tpu.memory_space<semaphore_mem>>
        %dma_start3A_266 = arith.constant 0 : i32
        %dma_start3A_267 = arith.constant 0 : i32
        %dma_start3A_268 = tpu.memref_slice %arg11[%dma_start3A_266, %dma_start3A_267] : memref<112x128xf32, #tpu.memory_space<vmem>> -> memref<32x128xf32, #tpu.memory_space<vmem>>
        %dma_start3A_269 = arith.constant 1568 : i32
        %dma_start3A_270 = arith.constant 0 : i32
        %dma_start3A_271 = tpu.memref_slice %arg12[%dma_start3A_269, %dma_start3A_270] : memref<1688x128xf32, #tpu.memory_space<vmem_shared>> -> memref<32x128xf32, #tpu.memory_space<vmem_shared>>
        %dma_start3A_272 = arith.constant 0 : i32
        %dma_start3A_273 = arith.constant 0 : i32
        %dma_start3A_274 = tpu.memref_slice %arg11[%dma_start3A_272, %dma_start3A_273] : memref<112x128xf32, #tpu.memory_space<vmem>> -> memref<32x128xf32, #tpu.memory_space<vmem>>
        %dma_start3A_275 = arith.constant 1568 : i32
        %dma_start3A_276 = arith.constant 0 : i32
        %dma_start3A_277 = tpu.memref_slice %arg12[%dma_start3A_275, %dma_start3A_276] : memref<1688x128xf32, #tpu.memory_space<vmem_shared>> -> memref<32x128xf32, #tpu.memory_space<vmem_shared>>
        tpu.enqueue_dma source(%dma_start3A_277 : memref<32x128xf32, #tpu.memory_space<vmem_shared>>) target(%dma_start3A_274 : memref<32x128xf32, #tpu.memory_space<vmem>>) target_semaphore(%run_scoped3A_265 : memref<!tpu.dma_semaphore, #tpu.memory_space<semaphore_mem>>)
        %dma_wait3A_278 = arith.constant 0 : i32
        %dma_wait3A_279 = arith.constant 0 : i32
        %dma_wait3A_280 = tpu.memref_slice %arg11[%dma_wait3A_278, %dma_wait3A_279] : memref<112x128xf32, #tpu.memory_space<vmem>> -> memref<32x128xf32, #tpu.memory_space<vmem>>
        %dma_wait3A_281 = arith.constant 1568 : i32
        %dma_wait3A_282 = arith.constant 0 : i32
        %dma_wait3A_283 = tpu.memref_slice %arg12[%dma_wait3A_281, %dma_wait3A_282] : memref<1688x128xf32, #tpu.memory_space<vmem_shared>> -> memref<32x128xf32, #tpu.memory_space<vmem_shared>>
        %dma_wait3A_284 = arith.constant 0 : i32
        %dma_wait3A_285 = arith.constant 0 : i32
        %dma_wait3A_286 = tpu.memref_slice %arg11[%dma_wait3A_284, %dma_wait3A_285] : memref<112x128xf32, #tpu.memory_space<vmem>> -> memref<32x128xf32, #tpu.memory_space<vmem>>
        %dma_wait3A_287 = arith.constant 1568 : i32
        %dma_wait3A_288 = arith.constant 0 : i32
        %dma_wait3A_289 = tpu.memref_slice %arg12[%dma_wait3A_287, %dma_wait3A_288] : memref<1688x128xf32, #tpu.memory_space<vmem_shared>> -> memref<32x128xf32, #tpu.memory_space<vmem_shared>>
        tpu.wait_dma2 semaphore(%run_scoped3A_265 : memref<!tpu.dma_semaphore, #tpu.memory_space<semaphore_mem>>) src(%dma_wait3A_289 : memref<32x128xf32, #tpu.memory_space<vmem_shared>>) dst(%dma_wait3A_286 : memref<32x128xf32, #tpu.memory_space<vmem>>)
        tpu.yield
      }) : () -> ()
      %add3A_263 = arith.constant 1568 : i32
      %add3A_264 = arith.addi %mul3A_7, %add3A_263 : i32
      "tpu.region"() ({
        %run_scoped3A_265 = tpu.sem_alloc : memref<!tpu.dma_semaphore, #tpu.memory_space<semaphore_mem>>
        %dma_start3A_266 = arith.constant 0 : i32
        %dma_start3A_267 = arith.constant 0 : i32
        %dma_start3A_268 = tpu.memref_slice %arg11[%dma_start3A_266, %dma_start3A_267] : memref<112x128xf32, #tpu.memory_space<vmem>> -> memref<32x128xf32, #tpu.memory_space<vmem>>
        %dma_start3A_269 = arith.constant 0 : i32
        %dma_start3A_270 = tpu.memref_slice %arg5[%add3A_264, %dma_start3A_269] : memref<10000x128xf32, #tpu.memory_space<hbm>> -> memref<32x128xf32, #tpu.memory_space<hbm>>
        %dma_start3A_271 = arith.constant 0 : i32
        %dma_start3A_272 = tpu.memref_slice %arg5[%add3A_264, %dma_start3A_271] : memref<10000x128xf32, #tpu.memory_space<hbm>> -> memref<32x128xf32, #tpu.memory_space<hbm>>
        %dma_start3A_273 = arith.constant 0 : i32
        %dma_start3A_274 = arith.constant 0 : i32
        %dma_start3A_275 = tpu.memref_slice %arg11[%dma_start3A_273, %dma_start3A_274] : memref<112x128xf32, #tpu.memory_space<vmem>> -> memref<32x128xf32, #tpu.memory_space<vmem>>
        tpu.enqueue_dma source(%dma_start3A_275 : memref<32x128xf32, #tpu.memory_space<vmem>>) target(%dma_start3A_272 : memref<32x128xf32, #tpu.memory_space<hbm>>) target_semaphore(%run_scoped3A_265 : memref<!tpu.dma_semaphore, #tpu.memory_space<semaphore_mem>>)
        %dma_wait3A_276 = arith.constant 0 : i32
        %dma_wait3A_277 = arith.constant 0 : i32
        %dma_wait3A_278 = tpu.memref_slice %arg11[%dma_wait3A_276, %dma_wait3A_277] : memref<112x128xf32, #tpu.memory_space<vmem>> -> memref<32x128xf32, #tpu.memory_space<vmem>>
        %dma_wait3A_279 = arith.constant 0 : i32
        %dma_wait3A_280 = tpu.memref_slice %arg5[%add3A_264, %dma_wait3A_279] : memref<10000x128xf32, #tpu.memory_space<hbm>> -> memref<32x128xf32, #tpu.memory_space<hbm>>
        %dma_wait3A_281 = arith.constant 0 : i32
        %dma_wait3A_282 = tpu.memref_slice %arg5[%add3A_264, %dma_wait3A_281] : memref<10000x128xf32, #tpu.memory_space<hbm>> -> memref<32x128xf32, #tpu.memory_space<hbm>>
        %dma_wait3A_283 = arith.constant 0 : i32
        %dma_wait3A_284 = arith.constant 0 : i32
        %dma_wait3A_285 = tpu.memref_slice %arg11[%dma_wait3A_283, %dma_wait3A_284] : memref<112x128xf32, #tpu.memory_space<vmem>> -> memref<32x128xf32, #tpu.memory_space<vmem>>
        tpu.wait_dma2 semaphore(%run_scoped3A_265 : memref<!tpu.dma_semaphore, #tpu.memory_space<semaphore_mem>>) src(%dma_wait3A_285 : memref<32x128xf32, #tpu.memory_space<vmem>>) dst(%dma_wait3A_282 : memref<32x128xf32, #tpu.memory_space<hbm>>)
        tpu.yield
      }) : () -> ()
    } else {
    }
    %barrier3A_82 = arith.constant 0 : index
    tpu.barrier barrier_id(%barrier3A_82)
    %add3A_83 = arith.constant 2 : i32
    %add3A_84 = arith.addi %add3A_83, %arg0 : i32
    %mul3A_85 = arith.constant 1680 : i32
    %mul3A_86 = arith.muli %mul3A_85, %add3A_84 : i32
    %eq3A_87 = arith.constant 5 : i32
    %eq3A_88 = arith.cmpi eq, %add3A_84, %eq3A_87 : i32
    %jit3A_89 = arith.constant 1600 : i32
    %jit3A_90 = arith.constant 1680 : i32
    %select_n3A_91 = arith.select %eq3A_88, %jit3A_89, %jit3A_90 : i32
    %lt3A_92 = arith.constant 15 : i32
    %lt3A_93 = arith.cmpi slt, %arg1, %lt3A_92 : i32
    %convert_element_type3A_94 = arith.extui %lt3A_93 : i1 to i32
    %cond3A_95 = arith.constant 0 : i32
    %cond3A_96 = arith.cmpi ne, %convert_element_type3A_94, %cond3A_95 : i32
    scf.if %cond3A_96 {
      %mul3A_263 = arith.constant 112 : i32
      %mul3A_264 = arith.muli %mul3A_263, %arg1 : i32
      "tpu.region"() ({
        %run_scoped3A_265 = tpu.sem_alloc : memref<!tpu.dma_semaphore, #tpu.memory_space<semaphore_mem>>
        %dma_start3A_266 = arith.constant 0 : i32
        %dma_start3A_267 = tpu.memref_slice %arg12[%mul3A_264, %dma_start3A_266] : memref<1688x128xf32, #tpu.memory_space<vmem_shared>> -> memref<112x128xf32, #tpu.memory_space<vmem_shared>>
        %dma_start3A_268 = arith.constant 0 : i32
        %dma_start3A_269 = tpu.memref_slice %arg12[%mul3A_264, %dma_start3A_268] : memref<1688x128xf32, #tpu.memory_space<vmem_shared>> -> memref<112x128xf32, #tpu.memory_space<vmem_shared>>
        tpu.enqueue_dma source(%arg10 : memref<112x128xf32, #tpu.memory_space<vmem>>) target(%dma_start3A_269 : memref<112x128xf32, #tpu.memory_space<vmem_shared>>) target_semaphore(%run_scoped3A_265 : memref<!tpu.dma_semaphore, #tpu.memory_space<semaphore_mem>>)
        %dma_wait3A_270 = arith.constant 0 : i32
        %dma_wait3A_271 = tpu.memref_slice %arg12[%mul3A_264, %dma_wait3A_270] : memref<1688x128xf32, #tpu.memory_space<vmem_shared>> -> memref<112x128xf32, #tpu.memory_space<vmem_shared>>
        %dma_wait3A_272 = arith.constant 0 : i32
        %dma_wait3A_273 = tpu.memref_slice %arg12[%mul3A_264, %dma_wait3A_272] : memref<1688x128xf32, #tpu.memory_space<vmem_shared>> -> memref<112x128xf32, #tpu.memory_space<vmem_shared>>
        tpu.wait_dma2 semaphore(%run_scoped3A_265 : memref<!tpu.dma_semaphore, #tpu.memory_space<semaphore_mem>>) src(%arg10 : memref<112x128xf32, #tpu.memory_space<vmem>>) dst(%dma_wait3A_273 : memref<112x128xf32, #tpu.memory_space<vmem_shared>>)
        tpu.yield
      }) : () -> ()
    } else {
    }
    %eq3A_97 = arith.constant 15 : i32
    %eq3A_98 = arith.cmpi eq, %arg1, %eq3A_97 : i32
    %convert_element_type3A_99 = arith.extui %eq3A_98 : i1 to i32
    %cond3A_100 = arith.constant 0 : i32
    %cond3A_101 = arith.cmpi ne, %convert_element_type3A_99, %cond3A_100 : i32
    scf.if %cond3A_101 {
      "tpu.region"() ({
        %run_scoped3A_263 = tpu.sem_alloc : memref<!tpu.dma_semaphore, #tpu.memory_space<semaphore_mem>>
        %dma_start3A_264 = arith.constant 0 : i32
        %dma_start3A_265 = arith.constant 0 : i32
        %dma_start3A_266 = tpu.memref_slice %arg10[%dma_start3A_264, %dma_start3A_265] : memref<112x128xf32, #tpu.memory_space<vmem>> -> memref<8x128xf32, #tpu.memory_space<vmem>>
        %dma_start3A_267 = arith.constant 1680 : i32
        %dma_start3A_268 = arith.constant 0 : i32
        %dma_start3A_269 = tpu.memref_slice %arg12[%dma_start3A_267, %dma_start3A_268] : memref<1688x128xf32, #tpu.memory_space<vmem_shared>> -> memref<8x128xf32, #tpu.memory_space<vmem_shared>>
        %dma_start3A_270 = arith.constant 1680 : i32
        %dma_start3A_271 = arith.constant 0 : i32
        %dma_start3A_272 = tpu.memref_slice %arg12[%dma_start3A_270, %dma_start3A_271] : memref<1688x128xf32, #tpu.memory_space<vmem_shared>> -> memref<8x128xf32, #tpu.memory_space<vmem_shared>>
        %dma_start3A_273 = arith.constant 0 : i32
        %dma_start3A_274 = arith.constant 0 : i32
        %dma_start3A_275 = tpu.memref_slice %arg10[%dma_start3A_273, %dma_start3A_274] : memref<112x128xf32, #tpu.memory_space<vmem>> -> memref<8x128xf32, #tpu.memory_space<vmem>>
        tpu.enqueue_dma source(%dma_start3A_275 : memref<8x128xf32, #tpu.memory_space<vmem>>) target(%dma_start3A_272 : memref<8x128xf32, #tpu.memory_space<vmem_shared>>) target_semaphore(%run_scoped3A_263 : memref<!tpu.dma_semaphore, #tpu.memory_space<semaphore_mem>>)
        %dma_wait3A_276 = arith.constant 0 : i32
        %dma_wait3A_277 = arith.constant 0 : i32
        %dma_wait3A_278 = tpu.memref_slice %arg10[%dma_wait3A_276, %dma_wait3A_277] : memref<112x128xf32, #tpu.memory_space<vmem>> -> memref<8x128xf32, #tpu.memory_space<vmem>>
        %dma_wait3A_279 = arith.constant 1680 : i32
        %dma_wait3A_280 = arith.constant 0 : i32
        %dma_wait3A_281 = tpu.memref_slice %arg12[%dma_wait3A_279, %dma_wait3A_280] : memref<1688x128xf32, #tpu.memory_space<vmem_shared>> -> memref<8x128xf32, #tpu.memory_space<vmem_shared>>
        %dma_wait3A_282 = arith.constant 1680 : i32
        %dma_wait3A_283 = arith.constant 0 : i32
        %dma_wait3A_284 = tpu.memref_slice %arg12[%dma_wait3A_282, %dma_wait3A_283] : memref<1688x128xf32, #tpu.memory_space<vmem_shared>> -> memref<8x128xf32, #tpu.memory_space<vmem_shared>>
        %dma_wait3A_285 = arith.constant 0 : i32
        %dma_wait3A_286 = arith.constant 0 : i32
        %dma_wait3A_287 = tpu.memref_slice %arg10[%dma_wait3A_285, %dma_wait3A_286] : memref<112x128xf32, #tpu.memory_space<vmem>> -> memref<8x128xf32, #tpu.memory_space<vmem>>
        tpu.wait_dma2 semaphore(%run_scoped3A_263 : memref<!tpu.dma_semaphore, #tpu.memory_space<semaphore_mem>>) src(%dma_wait3A_287 : memref<8x128xf32, #tpu.memory_space<vmem>>) dst(%dma_wait3A_284 : memref<8x128xf32, #tpu.memory_space<vmem_shared>>)
        tpu.yield
      }) : () -> ()
    } else {
    }
    "tpu.region"() ({
      %run_scoped3A_263 = tpu.sem_alloc : memref<!tpu.dma_semaphore, #tpu.memory_space<semaphore_mem>>
      %dma_start3A_264 = arith.constant 0 : i32
      %dma_start3A_265 = arith.constant 0 : i32
      %dma_start3A_266 = tpu.memref_slice %arg4[%arg1, %dma_start3A_264, %dma_start3A_265] : memref<16x250x80xi32, #tpu.memory_space<hbm>> -> memref<1x250x80xi32, #tpu.memory_space<hbm>>
      %dma_start3A_267 = tpu.memref_squeeze %dma_start3A_266 : memref<1x250x80xi32, #tpu.memory_space<hbm>> -> memref<250x80xi32, #tpu.memory_space<hbm>>
      %dma_start3A_268 = arith.constant 0 : i32
      %dma_start3A_269 = arith.constant 0 : i32
      %dma_start3A_270 = tpu.memref_slice %arg4[%arg1, %dma_start3A_268, %dma_start3A_269] : memref<16x250x80xi32, #tpu.memory_space<hbm>> -> memref<1x250x80xi32, #tpu.memory_space<hbm>>
      %dma_start3A_271 = tpu.memref_squeeze %dma_start3A_270 : memref<1x250x80xi32, #tpu.memory_space<hbm>> -> memref<250x80xi32, #tpu.memory_space<hbm>>
      tpu.enqueue_dma source(%dma_start3A_271 : memref<250x80xi32, #tpu.memory_space<hbm>>) target(%arg7 : memref<250x80xi32, #tpu.memory_space<vmem>>) target_semaphore(%run_scoped3A_263 : memref<!tpu.dma_semaphore, #tpu.memory_space<semaphore_mem>>)
      %dma_wait3A_272 = arith.constant 0 : i32
      %dma_wait3A_273 = arith.constant 0 : i32
      %dma_wait3A_274 = tpu.memref_slice %arg4[%arg1, %dma_wait3A_272, %dma_wait3A_273] : memref<16x250x80xi32, #tpu.memory_space<hbm>> -> memref<1x250x80xi32, #tpu.memory_space<hbm>>
      %dma_wait3A_275 = tpu.memref_squeeze %dma_wait3A_274 : memref<1x250x80xi32, #tpu.memory_space<hbm>> -> memref<250x80xi32, #tpu.memory_space<hbm>>
      %dma_wait3A_276 = arith.constant 0 : i32
      %dma_wait3A_277 = arith.constant 0 : i32
      %dma_wait3A_278 = tpu.memref_slice %arg4[%arg1, %dma_wait3A_276, %dma_wait3A_277] : memref<16x250x80xi32, #tpu.memory_space<hbm>> -> memref<1x250x80xi32, #tpu.memory_space<hbm>>
      %dma_wait3A_279 = tpu.memref_squeeze %dma_wait3A_278 : memref<1x250x80xi32, #tpu.memory_space<hbm>> -> memref<250x80xi32, #tpu.memory_space<hbm>>
      tpu.wait_dma2 semaphore(%run_scoped3A_263 : memref<!tpu.dma_semaphore, #tpu.memory_space<semaphore_mem>>) src(%dma_wait3A_279 : memref<250x80xi32, #tpu.memory_space<hbm>>) dst(%arg7 : memref<250x80xi32, #tpu.memory_space<vmem>>)
      tpu.yield
    }) : () -> ()
    %scan3A_102 = arith.constant 0 : i32
    %scan3A_103 = arith.constant 0 : i32
    %scan3A_104 = arith.constant 250 : i32
    %scan3A_105 = arith.addi %scan3A_103, %scan3A_104 : i32
    %scan3A_106 = arith.constant 1 : i32
    %scan3A_107 = scf.for %scan3A_263 = %scan3A_103 to %scan3A_105 step %scan3A_106 iter_args(%scan3A_264 = %scan3A_102) -> (i32)  : i32 {
      %get3A = arith.index_cast %scan3A_263 : i32 to index
      %get3A_265 = arith.constant 0 : index
      %get3A_266 = tpu.vector_load %arg7[%get3A, %get3A_265] {strides = array<i32>} : memref<250x80xi32, #tpu.memory_space<vmem>>, vector<1x16xi32>,
      %get3A_267 = vector.shape_cast %get3A_266 : vector<1x16xi32> to vector<16xi32>
      %sub3A = vector.broadcast %mul3A_86 : i32 to vector<16xi32>
      %sub3A_268 = arith.subi %get3A_267, %sub3A : vector<16xi32>
      %ge3A = arith.constant 0 : i32
      %ge3A_269 = vector.broadcast %ge3A : i32 to vector<16xi32>
      %ge3A_270 = arith.cmpi sge, %sub3A_268, %ge3A_269 : vector<16xi32>
      %lt3A_271 = vector.broadcast %select_n3A_91 : i32 to vector<16xi32>
      %lt3A_272 = arith.cmpi slt, %sub3A_268, %lt3A_271 : vector<16xi32>
      %and3A_273 = arith.andi %ge3A_270, %lt3A_272 : vector<16xi1>
      %jit3A_274 = arith.constant 1680 : i32
      %broadcast_in_dim3A = vector.broadcast %jit3A_274 : i32 to vector<16xi32>
      %select_n3A_275 = arith.select %and3A_273, %sub3A_268, %broadcast_in_dim3A : vector<16xi1>, vector<16xi32>
      %swap3A = arith.index_cast %scan3A_263 : i32 to index
      %swap3A_276 = arith.constant 0 : index
      %swap3A_277 = tpu.vector_load %arg7[%swap3A, %swap3A_276] {strides = array<i32>} : memref<250x80xi32, #tpu.memory_space<vmem>>, vector<1x16xi32>,
      %swap3A_278 = vector.shape_cast %swap3A_277 : vector<1x16xi32> to vector<16xi32>
      %swap3A_279 = vector.shape_cast %select_n3A_275 : vector<16xi32> to vector<1x16xi32>
      tpu.vector_store %arg7[%swap3A, %swap3A_276], %swap3A_279 {strides = array<i32>} : memref<250x80xi32, #tpu.memory_space<vmem>>, vector<1x16xi32>,
      %get3A_280 = arith.index_cast %scan3A_263 : i32 to index
      %get3A_281 = arith.constant 16 : index
      %get3A_282 = tpu.vector_load %arg7[%get3A_280, %get3A_281] {strides = array<i32>} : memref<250x80xi32, #tpu.memory_space<vmem>>, vector<1x16xi32>,
      %get3A_283 = vector.shape_cast %get3A_282 : vector<1x16xi32> to vector<16xi32>
      %sub3A_284 = vector.broadcast %mul3A_86 : i32 to vector<16xi32>
      %sub3A_285 = arith.subi %get3A_283, %sub3A_284 : vector<16xi32>
      %ge3A_286 = arith.constant 0 : i32
      %ge3A_287 = vector.broadcast %ge3A_286 : i32 to vector<16xi32>
      %ge3A_288 = arith.cmpi sge, %sub3A_285, %ge3A_287 : vector<16xi32>
      %lt3A_289 = vector.broadcast %select_n3A_91 : i32 to vector<16xi32>
      %lt3A_290 = arith.cmpi slt, %sub3A_285, %lt3A_289 : vector<16xi32>
      %and3A_291 = arith.andi %ge3A_288, %lt3A_290 : vector<16xi1>
      %jit3A_292 = arith.constant 1680 : i32
      %broadcast_in_dim3A_293 = vector.broadcast %jit3A_292 : i32 to vector<16xi32>
      %select_n3A_294 = arith.select %and3A_291, %sub3A_285, %broadcast_in_dim3A_293 : vector<16xi1>, vector<16xi32>
      %swap3A_295 = arith.index_cast %scan3A_263 : i32 to index
      %swap3A_296 = arith.constant 16 : index
      %swap3A_297 = tpu.vector_load %arg7[%swap3A_295, %swap3A_296] {strides = array<i32>} : memref<250x80xi32, #tpu.memory_space<vmem>>, vector<1x16xi32>,
      %swap3A_298 = vector.shape_cast %swap3A_297 : vector<1x16xi32> to vector<16xi32>
      %swap3A_299 = vector.shape_cast %select_n3A_294 : vector<16xi32> to vector<1x16xi32>
      tpu.vector_store %arg7[%swap3A_295, %swap3A_296], %swap3A_299 {strides = array<i32>} : memref<250x80xi32, #tpu.memory_space<vmem>>, vector<1x16xi32>,
      %get3A_300 = arith.index_cast %scan3A_263 : i32 to index
      %get3A_301 = arith.constant 32 : index
      %get3A_302 = tpu.vector_load %arg7[%get3A_300, %get3A_301] {strides = array<i32>} : memref<250x80xi32, #tpu.memory_space<vmem>>, vector<1x16xi32>,
      %get3A_303 = vector.shape_cast %get3A_302 : vector<1x16xi32> to vector<16xi32>
      %sub3A_304 = vector.broadcast %mul3A_86 : i32 to vector<16xi32>
      %sub3A_305 = arith.subi %get3A_303, %sub3A_304 : vector<16xi32>
      %ge3A_306 = arith.constant 0 : i32
      %ge3A_307 = vector.broadcast %ge3A_306 : i32 to vector<16xi32>
      %ge3A_308 = arith.cmpi sge, %sub3A_305, %ge3A_307 : vector<16xi32>
      %lt3A_309 = vector.broadcast %select_n3A_91 : i32 to vector<16xi32>
      %lt3A_310 = arith.cmpi slt, %sub3A_305, %lt3A_309 : vector<16xi32>
      %and3A_311 = arith.andi %ge3A_308, %lt3A_310 : vector<16xi1>
      %jit3A_312 = arith.constant 1680 : i32
      %broadcast_in_dim3A_313 = vector.broadcast %jit3A_312 : i32 to vector<16xi32>
      %select_n3A_314 = arith.select %and3A_311, %sub3A_305, %broadcast_in_dim3A_313 : vector<16xi1>, vector<16xi32>
      %swap3A_315 = arith.index_cast %scan3A_263 : i32 to index
      %swap3A_316 = arith.constant 32 : index
      %swap3A_317 = tpu.vector_load %arg7[%swap3A_315, %swap3A_316] {strides = array<i32>} : memref<250x80xi32, #tpu.memory_space<vmem>>, vector<1x16xi32>,
      %swap3A_318 = vector.shape_cast %swap3A_317 : vector<1x16xi32> to vector<16xi32>
      %swap3A_319 = vector.shape_cast %select_n3A_314 : vector<16xi32> to vector<1x16xi32>
      tpu.vector_store %arg7[%swap3A_315, %swap3A_316], %swap3A_319 {strides = array<i32>} : memref<250x80xi32, #tpu.memory_space<vmem>>, vector<1x16xi32>,
      %get3A_320 = arith.index_cast %scan3A_263 : i32 to index
      %get3A_321 = arith.constant 48 : index
      %get3A_322 = tpu.vector_load %arg7[%get3A_320, %get3A_321] {strides = array<i32>} : memref<250x80xi32, #tpu.memory_space<vmem>>, vector<1x16xi32>,
      %get3A_323 = vector.shape_cast %get3A_322 : vector<1x16xi32> to vector<16xi32>
      %sub3A_324 = vector.broadcast %mul3A_86 : i32 to vector<16xi32>
      %sub3A_325 = arith.subi %get3A_323, %sub3A_324 : vector<16xi32>
      %ge3A_326 = arith.constant 0 : i32
      %ge3A_327 = vector.broadcast %ge3A_326 : i32 to vector<16xi32>
      %ge3A_328 = arith.cmpi sge, %sub3A_325, %ge3A_327 : vector<16xi32>
      %lt3A_329 = vector.broadcast %select_n3A_91 : i32 to vector<16xi32>
      %lt3A_330 = arith.cmpi slt, %sub3A_325, %lt3A_329 : vector<16xi32>
      %and3A_331 = arith.andi %ge3A_328, %lt3A_330 : vector<16xi1>
      %jit3A_332 = arith.constant 1680 : i32
      %broadcast_in_dim3A_333 = vector.broadcast %jit3A_332 : i32 to vector<16xi32>
      %select_n3A_334 = arith.select %and3A_331, %sub3A_325, %broadcast_in_dim3A_333 : vector<16xi1>, vector<16xi32>
      %swap3A_335 = arith.index_cast %scan3A_263 : i32 to index
      %swap3A_336 = arith.constant 48 : index
      %swap3A_337 = tpu.vector_load %arg7[%swap3A_335, %swap3A_336] {strides = array<i32>} : memref<250x80xi32, #tpu.memory_space<vmem>>, vector<1x16xi32>,
      %swap3A_338 = vector.shape_cast %swap3A_337 : vector<1x16xi32> to vector<16xi32>
      %swap3A_339 = vector.shape_cast %select_n3A_334 : vector<16xi32> to vector<1x16xi32>
      tpu.vector_store %arg7[%swap3A_335, %swap3A_336], %swap3A_339 {strides = array<i32>} : memref<250x80xi32, #tpu.memory_space<vmem>>, vector<1x16xi32>,
      %get3A_340 = arith.index_cast %scan3A_263 : i32 to index
      %get3A_341 = arith.constant 64 : index
      %get3A_342 = tpu.vector_load %arg7[%get3A_340, %get3A_341] {strides = array<i32>} : memref<250x80xi32, #tpu.memory_space<vmem>>, vector<1x16xi32>,
      %get3A_343 = vector.shape_cast %get3A_342 : vector<1x16xi32> to vector<16xi32>
      %sub3A_344 = vector.broadcast %mul3A_86 : i32 to vector<16xi32>
      %sub3A_345 = arith.subi %get3A_343, %sub3A_344 : vector<16xi32>
      %ge3A_346 = arith.constant 0 : i32
      %ge3A_347 = vector.broadcast %ge3A_346 : i32 to vector<16xi32>
      %ge3A_348 = arith.cmpi sge, %sub3A_345, %ge3A_347 : vector<16xi32>
      %lt3A_349 = vector.broadcast %select_n3A_91 : i32 to vector<16xi32>
      %lt3A_350 = arith.cmpi slt, %sub3A_345, %lt3A_349 : vector<16xi32>
      %and3A_351 = arith.andi %ge3A_348, %lt3A_350 : vector<16xi1>
      %jit3A_352 = arith.constant 1680 : i32
      %broadcast_in_dim3A_353 = vector.broadcast %jit3A_352 : i32 to vector<16xi32>
      %select_n3A_354 = arith.select %and3A_351, %sub3A_345, %broadcast_in_dim3A_353 : vector<16xi1>, vector<16xi32>
      %swap3A_355 = arith.index_cast %scan3A_263 : i32 to index
      %swap3A_356 = arith.constant 64 : index
      %swap3A_357 = tpu.vector_load %arg7[%swap3A_355, %swap3A_356] {strides = array<i32>} : memref<250x80xi32, #tpu.memory_space<vmem>>, vector<1x16xi32>,
      %swap3A_358 = vector.shape_cast %swap3A_357 : vector<1x16xi32> to vector<16xi32>
      %swap3A_359 = vector.shape_cast %select_n3A_354 : vector<16xi32> to vector<1x16xi32>
      tpu.vector_store %arg7[%swap3A_355, %swap3A_356], %swap3A_359 {strides = array<i32>} : memref<250x80xi32, #tpu.memory_space<vmem>>, vector<1x16xi32>,
      %scan3A_360 = arith.constant 0 : i32
      scf.yield %scan3A_360 : i32
    }
    %scan3A_108 = arith.constant 250 : i32
    %barrier3A_109 = arith.constant 0 : index
    tpu.barrier barrier_id(%barrier3A_109)
    %dma_start3A_110 = arith.constant 0 : i32
    %dma_start3A_111 = arith.constant 0 : i32
    %dma_start3A_112 = tpu.memref_slice %arg6[%dma_start3A_110, %dma_start3A_111] : memref<250x80xi32, #tpu.memory_space<vmem>> -> memref<1x80xi32, #tpu.memory_space<vmem>>
    %dma_start3A_113 = tpu.memref_squeeze %dma_start3A_112 : memref<1x80xi32, #tpu.memory_space<vmem>> -> memref<80xi32, #tpu.memory_space<vmem>>
    %dma_start3A_114 = arith.constant 0 : i32
    %dma_start3A_115 = arith.constant 0 : i32
    %dma_start3A_116 = tpu.memref_slice %arg2[%dma_start3A_114, %dma_start3A_115] : memref<10000x128xf32, #tpu.memory_space<hbm>> -> memref<10000x128xf32, #tpu.memory_space<hbm>>
    tpu.enqueue_indirect_dma source(%dma_start3A_116 : memref<10000x128xf32, #tpu.memory_space<hbm>>) target(%arg8 : memref<80x128xf32, #tpu.memory_space<vmem>>) offsets(%dma_start3A_113 : memref<80xi32, #tpu.memory_space<vmem>>) semaphore(%arg13 : memref<!tpu.dma_semaphore, #tpu.memory_space<semaphore_mem>>)
    %dma_start3A_117 = arith.constant 1 : i32
    %dma_start3A_118 = arith.constant 0 : i32
    %dma_start3A_119 = tpu.memref_slice %arg6[%dma_start3A_117, %dma_start3A_118] : memref<250x80xi32, #tpu.memory_space<vmem>> -> memref<1x80xi32, #tpu.memory_space<vmem>>
    %dma_start3A_120 = tpu.memref_squeeze %dma_start3A_119 : memref<1x80xi32, #tpu.memory_space<vmem>> -> memref<80xi32, #tpu.memory_space<vmem>>
    %dma_start3A_121 = arith.constant 0 : i32
    %dma_start3A_122 = arith.constant 0 : i32
    %dma_start3A_123 = tpu.memref_slice %arg2[%dma_start3A_121, %dma_start3A_122] : memref<10000x128xf32, #tpu.memory_space<hbm>> -> memref<10000x128xf32, #tpu.memory_space<hbm>>
    tpu.enqueue_indirect_dma source(%dma_start3A_123 : memref<10000x128xf32, #tpu.memory_space<hbm>>) target(%arg9 : memref<80x128xf32, #tpu.memory_space<vmem>>) offsets(%dma_start3A_120 : memref<80xi32, #tpu.memory_space<vmem>>) semaphore(%arg14 : memref<!tpu.dma_semaphore, #tpu.memory_space<semaphore_mem>>)
    %scan3A_124 = arith.constant 0 : i32
    %scan3A_125 = arith.constant 0 : i32
    %scan3A_126 = arith.constant 124 : i32
    %scan3A_127 = arith.addi %scan3A_125, %scan3A_126 : i32
    %scan3A_128 = arith.constant 1 : i32
    %scan3A_129 = scf.for %scan3A_263 = %scan3A_125 to %scan3A_127 step %scan3A_128 iter_args(%scan3A_264 = %scan3A_124) -> (i32)  : i32 {
      %mul3A_265 = arith.constant 2 : i32
      %mul3A_266 = arith.muli %mul3A_265, %scan3A_263 : i32
      %dma_wait3A_267 = arith.constant 0 : i32
      %dma_wait3A_268 = tpu.memref_slice %arg6[%mul3A_266, %dma_wait3A_267] : memref<250x80xi32, #tpu.memory_space<vmem>> -> memref<1x80xi32, #tpu.memory_space<vmem>>
      %dma_wait3A_269 = tpu.memref_squeeze %dma_wait3A_268 : memref<1x80xi32, #tpu.memory_space<vmem>> -> memref<80xi32, #tpu.memory_space<vmem>>
      %dma_wait3A_270 = arith.constant 0 : i32
      %dma_wait3A_271 = arith.constant 0 : i32
      %dma_wait3A_272 = tpu.memref_slice %arg2[%dma_wait3A_270, %dma_wait3A_271] : memref<10000x128xf32, #tpu.memory_space<hbm>> -> memref<10000x128xf32, #tpu.memory_space<hbm>>
      tpu.wait_indirect_dma semaphore(%arg13 : memref<!tpu.dma_semaphore, #tpu.memory_space<semaphore_mem>>) src(%dma_wait3A_272 : memref<10000x128xf32, #tpu.memory_space<hbm>>) dst(%arg8 : memref<80x128xf32, #tpu.memory_space<vmem>>)
      "tpu.region"() ({
        %run_scoped3A_298 = tpu.sem_alloc : memref<!tpu.dma_semaphore, #tpu.memory_space<semaphore_mem>>
        %dma_start3A_299 = arith.constant 0 : i32
        %dma_start3A_300 = tpu.memref_slice %arg7[%mul3A_266, %dma_start3A_299] : memref<250x80xi32, #tpu.memory_space<vmem>> -> memref<1x80xi32, #tpu.memory_space<vmem>>
        %dma_start3A_301 = tpu.memref_squeeze %dma_start3A_300 : memref<1x80xi32, #tpu.memory_space<vmem>> -> memref<80xi32, #tpu.memory_space<vmem>>
        %dma_start3A_302 = arith.constant 0 : i32
        %dma_start3A_303 = arith.constant 0 : i32
        %dma_start3A_304 = tpu.memref_slice %arg12[%dma_start3A_302, %dma_start3A_303] : memref<1688x128xf32, #tpu.memory_space<vmem_shared>> -> memref<1688x128xf32, #tpu.memory_space<vmem_shared>>
        tpu.enqueue_indirect_dma source(%arg8 : memref<80x128xf32, #tpu.memory_space<vmem>>) target(%dma_start3A_304 : memref<1688x128xf32, #tpu.memory_space<vmem_shared>>) offsets(%dma_start3A_301 : memref<80xi32, #tpu.memory_space<vmem>>) semaphore(%run_scoped3A_298 : memref<!tpu.dma_semaphore, #tpu.memory_space<semaphore_mem>>) {add = true}
        %dma_wait3A_305 = arith.constant 0 : i32
        %dma_wait3A_306 = tpu.memref_slice %arg7[%mul3A_266, %dma_wait3A_305] : memref<250x80xi32, #tpu.memory_space<vmem>> -> memref<1x80xi32, #tpu.memory_space<vmem>>
        %dma_wait3A_307 = tpu.memref_squeeze %dma_wait3A_306 : memref<1x80xi32, #tpu.memory_space<vmem>> -> memref<80xi32, #tpu.memory_space<vmem>>
        %dma_wait3A_308 = arith.constant 0 : i32
        %dma_wait3A_309 = arith.constant 0 : i32
        %dma_wait3A_310 = tpu.memref_slice %arg12[%dma_wait3A_308, %dma_wait3A_309] : memref<1688x128xf32, #tpu.memory_space<vmem_shared>> -> memref<1688x128xf32, #tpu.memory_space<vmem_shared>>
        tpu.wait_indirect_dma semaphore(%run_scoped3A_298 : memref<!tpu.dma_semaphore, #tpu.memory_space<semaphore_mem>>) src(%arg8 : memref<80x128xf32, #tpu.memory_space<vmem>>) dst(%dma_wait3A_310 : memref<1688x128xf32, #tpu.memory_space<vmem_shared>>)
        tpu.yield
      }) : () -> ()
      %add3A_273 = arith.constant 2 : i32
      %add3A_274 = arith.addi %mul3A_266, %add3A_273 : i32
      %dma_start3A_275 = arith.constant 0 : i32
      %dma_start3A_276 = tpu.memref_slice %arg6[%add3A_274, %dma_start3A_275] : memref<250x80xi32, #tpu.memory_space<vmem>> -> memref<1x80xi32, #tpu.memory_space<vmem>>
      %dma_start3A_277 = tpu.memref_squeeze %dma_start3A_276 : memref<1x80xi32, #tpu.memory_space<vmem>> -> memref<80xi32, #tpu.memory_space<vmem>>
      %dma_start3A_278 = arith.constant 0 : i32
      %dma_start3A_279 = arith.constant 0 : i32
      %dma_start3A_280 = tpu.memref_slice %arg2[%dma_start3A_278, %dma_start3A_279] : memref<10000x128xf32, #tpu.memory_space<hbm>> -> memref<10000x128xf32, #tpu.memory_space<hbm>>
      tpu.enqueue_indirect_dma source(%dma_start3A_280 : memref<10000x128xf32, #tpu.memory_space<hbm>>) target(%arg8 : memref<80x128xf32, #tpu.memory_space<vmem>>) offsets(%dma_start3A_277 : memref<80xi32, #tpu.memory_space<vmem>>) semaphore(%arg13 : memref<!tpu.dma_semaphore, #tpu.memory_space<semaphore_mem>>)
      %add3A_281 = arith.constant 1 : i32
      %add3A_282 = arith.addi %mul3A_266, %add3A_281 : i32
      %dma_wait3A_283 = arith.constant 0 : i32
      %dma_wait3A_284 = tpu.memref_slice %arg6[%add3A_282, %dma_wait3A_283] : memref<250x80xi32, #tpu.memory_space<vmem>> -> memref<1x80xi32, #tpu.memory_space<vmem>>
      %dma_wait3A_285 = tpu.memref_squeeze %dma_wait3A_284 : memref<1x80xi32, #tpu.memory_space<vmem>> -> memref<80xi32, #tpu.memory_space<vmem>>
      %dma_wait3A_286 = arith.constant 0 : i32
      %dma_wait3A_287 = arith.constant 0 : i32
      %dma_wait3A_288 = tpu.memref_slice %arg2[%dma_wait3A_286, %dma_wait3A_287] : memref<10000x128xf32, #tpu.memory_space<hbm>> -> memref<10000x128xf32, #tpu.memory_space<hbm>>
      tpu.wait_indirect_dma semaphore(%arg14 : memref<!tpu.dma_semaphore, #tpu.memory_space<semaphore_mem>>) src(%dma_wait3A_288 : memref<10000x128xf32, #tpu.memory_space<hbm>>) dst(%arg9 : memref<80x128xf32, #tpu.memory_space<vmem>>)
      "tpu.region"() ({
        %run_scoped3A_298 = tpu.sem_alloc : memref<!tpu.dma_semaphore, #tpu.memory_space<semaphore_mem>>
        %dma_start3A_299 = arith.constant 0 : i32
        %dma_start3A_300 = tpu.memref_slice %arg7[%add3A_282, %dma_start3A_299] : memref<250x80xi32, #tpu.memory_space<vmem>> -> memref<1x80xi32, #tpu.memory_space<vmem>>
        %dma_start3A_301 = tpu.memref_squeeze %dma_start3A_300 : memref<1x80xi32, #tpu.memory_space<vmem>> -> memref<80xi32, #tpu.memory_space<vmem>>
        %dma_start3A_302 = arith.constant 0 : i32
        %dma_start3A_303 = arith.constant 0 : i32
        %dma_start3A_304 = tpu.memref_slice %arg12[%dma_start3A_302, %dma_start3A_303] : memref<1688x128xf32, #tpu.memory_space<vmem_shared>> -> memref<1688x128xf32, #tpu.memory_space<vmem_shared>>
        tpu.enqueue_indirect_dma source(%arg9 : memref<80x128xf32, #tpu.memory_space<vmem>>) target(%dma_start3A_304 : memref<1688x128xf32, #tpu.memory_space<vmem_shared>>) offsets(%dma_start3A_301 : memref<80xi32, #tpu.memory_space<vmem>>) semaphore(%run_scoped3A_298 : memref<!tpu.dma_semaphore, #tpu.memory_space<semaphore_mem>>) {add = true}
        %dma_wait3A_305 = arith.constant 0 : i32
        %dma_wait3A_306 = tpu.memref_slice %arg7[%add3A_282, %dma_wait3A_305] : memref<250x80xi32, #tpu.memory_space<vmem>> -> memref<1x80xi32, #tpu.memory_space<vmem>>
        %dma_wait3A_307 = tpu.memref_squeeze %dma_wait3A_306 : memref<1x80xi32, #tpu.memory_space<vmem>> -> memref<80xi32, #tpu.memory_space<vmem>>
        %dma_wait3A_308 = arith.constant 0 : i32
        %dma_wait3A_309 = arith.constant 0 : i32
        %dma_wait3A_310 = tpu.memref_slice %arg12[%dma_wait3A_308, %dma_wait3A_309] : memref<1688x128xf32, #tpu.memory_space<vmem_shared>> -> memref<1688x128xf32, #tpu.memory_space<vmem_shared>>
        tpu.wait_indirect_dma semaphore(%run_scoped3A_298 : memref<!tpu.dma_semaphore, #tpu.memory_space<semaphore_mem>>) src(%arg9 : memref<80x128xf32, #tpu.memory_space<vmem>>) dst(%dma_wait3A_310 : memref<1688x128xf32, #tpu.memory_space<vmem_shared>>)
        tpu.yield
      }) : () -> ()
      %add3A_289 = arith.constant 3 : i32
      %add3A_290 = arith.addi %mul3A_266, %add3A_289 : i32
      %dma_start3A_291 = arith.constant 0 : i32
      %dma_start3A_292 = tpu.memref_slice %arg6[%add3A_290, %dma_start3A_291] : memref<250x80xi32, #tpu.memory_space<vmem>> -> memref<1x80xi32, #tpu.memory_space<vmem>>
      %dma_start3A_293 = tpu.memref_squeeze %dma_start3A_292 : memref<1x80xi32, #tpu.memory_space<vmem>> -> memref<80xi32, #tpu.memory_space<vmem>>
      %dma_start3A_294 = arith.constant 0 : i32
      %dma_start3A_295 = arith.constant 0 : i32
      %dma_start3A_296 = tpu.memref_slice %arg2[%dma_start3A_294, %dma_start3A_295] : memref<10000x128xf32, #tpu.memory_space<hbm>> -> memref<10000x128xf32, #tpu.memory_space<hbm>>
      tpu.enqueue_indirect_dma source(%dma_start3A_296 : memref<10000x128xf32, #tpu.memory_space<hbm>>) target(%arg9 : memref<80x128xf32, #tpu.memory_space<vmem>>) offsets(%dma_start3A_293 : memref<80xi32, #tpu.memory_space<vmem>>) semaphore(%arg14 : memref<!tpu.dma_semaphore, #tpu.memory_space<semaphore_mem>>)
      %scan3A_297 = arith.constant 0 : i32
      scf.yield %scan3A_297 : i32
    }
    %scan3A_130 = arith.constant 124 : i32
    %dma_wait3A_131 = arith.constant 248 : i32
    %dma_wait3A_132 = arith.constant 0 : i32
    %dma_wait3A_133 = tpu.memref_slice %arg6[%dma_wait3A_131, %dma_wait3A_132] : memref<250x80xi32, #tpu.memory_space<vmem>> -> memref<1x80xi32, #tpu.memory_space<vmem>>
    %dma_wait3A_134 = tpu.memref_squeeze %dma_wait3A_133 : memref<1x80xi32, #tpu.memory_space<vmem>> -> memref<80xi32, #tpu.memory_space<vmem>>
    %dma_wait3A_135 = arith.constant 0 : i32
    %dma_wait3A_136 = arith.constant 0 : i32
    %dma_wait3A_137 = tpu.memref_slice %arg2[%dma_wait3A_135, %dma_wait3A_136] : memref<10000x128xf32, #tpu.memory_space<hbm>> -> memref<10000x128xf32, #tpu.memory_space<hbm>>
    tpu.wait_indirect_dma semaphore(%arg13 : memref<!tpu.dma_semaphore, #tpu.memory_space<semaphore_mem>>) src(%dma_wait3A_137 : memref<10000x128xf32, #tpu.memory_space<hbm>>) dst(%arg8 : memref<80x128xf32, #tpu.memory_space<vmem>>)
    %run_scoped3A_138 = arith.constant 248 : i32
    "tpu.region"() ({
      %run_scoped3A_263 = tpu.sem_alloc : memref<!tpu.dma_semaphore, #tpu.memory_space<semaphore_mem>>
      %dma_start3A_264 = arith.constant 0 : i32
      %dma_start3A_265 = tpu.memref_slice %arg7[%run_scoped3A_138, %dma_start3A_264] : memref<250x80xi32, #tpu.memory_space<vmem>> -> memref<1x80xi32, #tpu.memory_space<vmem>>
      %dma_start3A_266 = tpu.memref_squeeze %dma_start3A_265 : memref<1x80xi32, #tpu.memory_space<vmem>> -> memref<80xi32, #tpu.memory_space<vmem>>
      %dma_start3A_267 = arith.constant 0 : i32
      %dma_start3A_268 = arith.constant 0 : i32
      %dma_start3A_269 = tpu.memref_slice %arg12[%dma_start3A_267, %dma_start3A_268] : memref<1688x128xf32, #tpu.memory_space<vmem_shared>> -> memref<1688x128xf32, #tpu.memory_space<vmem_shared>>
      tpu.enqueue_indirect_dma source(%arg8 : memref<80x128xf32, #tpu.memory_space<vmem>>) target(%dma_start3A_269 : memref<1688x128xf32, #tpu.memory_space<vmem_shared>>) offsets(%dma_start3A_266 : memref<80xi32, #tpu.memory_space<vmem>>) semaphore(%run_scoped3A_263 : memref<!tpu.dma_semaphore, #tpu.memory_space<semaphore_mem>>) {add = true}
      %dma_wait3A_270 = arith.constant 0 : i32
      %dma_wait3A_271 = tpu.memref_slice %arg7[%run_scoped3A_138, %dma_wait3A_270] : memref<250x80xi32, #tpu.memory_space<vmem>> -> memref<1x80xi32, #tpu.memory_space<vmem>>
      %dma_wait3A_272 = tpu.memref_squeeze %dma_wait3A_271 : memref<1x80xi32, #tpu.memory_space<vmem>> -> memref<80xi32, #tpu.memory_space<vmem>>
      %dma_wait3A_273 = arith.constant 0 : i32
      %dma_wait3A_274 = arith.constant 0 : i32
      %dma_wait3A_275 = tpu.memref_slice %arg12[%dma_wait3A_273, %dma_wait3A_274] : memref<1688x128xf32, #tpu.memory_space<vmem_shared>> -> memref<1688x128xf32, #tpu.memory_space<vmem_shared>>
      tpu.wait_indirect_dma semaphore(%run_scoped3A_263 : memref<!tpu.dma_semaphore, #tpu.memory_space<semaphore_mem>>) src(%arg8 : memref<80x128xf32, #tpu.memory_space<vmem>>) dst(%dma_wait3A_275 : memref<1688x128xf32, #tpu.memory_space<vmem_shared>>)
      tpu.yield
    }) : () -> ()
    %dma_wait3A_139 = arith.constant 249 : i32
    %dma_wait3A_140 = arith.constant 0 : i32
    %dma_wait3A_141 = tpu.memref_slice %arg6[%dma_wait3A_139, %dma_wait3A_140] : memref<250x80xi32, #tpu.memory_space<vmem>> -> memref<1x80xi32, #tpu.memory_space<vmem>>
    %dma_wait3A_142 = tpu.memref_squeeze %dma_wait3A_141 : memref<1x80xi32, #tpu.memory_space<vmem>> -> memref<80xi32, #tpu.memory_space<vmem>>
    %dma_wait3A_143 = arith.constant 0 : i32
    %dma_wait3A_144 = arith.constant 0 : i32
    %dma_wait3A_145 = tpu.memref_slice %arg2[%dma_wait3A_143, %dma_wait3A_144] : memref<10000x128xf32, #tpu.memory_space<hbm>> -> memref<10000x128xf32, #tpu.memory_space<hbm>>
    tpu.wait_indirect_dma semaphore(%arg14 : memref<!tpu.dma_semaphore, #tpu.memory_space<semaphore_mem>>) src(%dma_wait3A_145 : memref<10000x128xf32, #tpu.memory_space<hbm>>) dst(%arg9 : memref<80x128xf32, #tpu.memory_space<vmem>>)
    %run_scoped3A_146 = arith.constant 249 : i32
    "tpu.region"() ({
      %run_scoped3A_263 = tpu.sem_alloc : memref<!tpu.dma_semaphore, #tpu.memory_space<semaphore_mem>>
      %dma_start3A_264 = arith.constant 0 : i32
      %dma_start3A_265 = tpu.memref_slice %arg7[%run_scoped3A_146, %dma_start3A_264] : memref<250x80xi32, #tpu.memory_space<vmem>> -> memref<1x80xi32, #tpu.memory_space<vmem>>
      %dma_start3A_266 = tpu.memref_squeeze %dma_start3A_265 : memref<1x80xi32, #tpu.memory_space<vmem>> -> memref<80xi32, #tpu.memory_space<vmem>>
      %dma_start3A_267 = arith.constant 0 : i32
      %dma_start3A_268 = arith.constant 0 : i32
      %dma_start3A_269 = tpu.memref_slice %arg12[%dma_start3A_267, %dma_start3A_268] : memref<1688x128xf32, #tpu.memory_space<vmem_shared>> -> memref<1688x128xf32, #tpu.memory_space<vmem_shared>>
      tpu.enqueue_indirect_dma source(%arg9 : memref<80x128xf32, #tpu.memory_space<vmem>>) target(%dma_start3A_269 : memref<1688x128xf32, #tpu.memory_space<vmem_shared>>) offsets(%dma_start3A_266 : memref<80xi32, #tpu.memory_space<vmem>>) semaphore(%run_scoped3A_263 : memref<!tpu.dma_semaphore, #tpu.memory_space<semaphore_mem>>) {add = true}
      %dma_wait3A_270 = arith.constant 0 : i32
      %dma_wait3A_271 = tpu.memref_slice %arg7[%run_scoped3A_146, %dma_wait3A_270] : memref<250x80xi32, #tpu.memory_space<vmem>> -> memref<1x80xi32, #tpu.memory_space<vmem>>
      %dma_wait3A_272 = tpu.memref_squeeze %dma_wait3A_271 : memref<1x80xi32, #tpu.memory_space<vmem>> -> memref<80xi32, #tpu.memory_space<vmem>>
      %dma_wait3A_273 = arith.constant 0 : i32
      %dma_wait3A_274 = arith.constant 0 : i32
      %dma_wait3A_275 = tpu.memref_slice %arg12[%dma_wait3A_273, %dma_wait3A_274] : memref<1688x128xf32, #tpu.memory_space<vmem_shared>> -> memref<1688x128xf32, #tpu.memory_space<vmem_shared>>
      tpu.wait_indirect_dma semaphore(%run_scoped3A_263 : memref<!tpu.dma_semaphore, #tpu.memory_space<semaphore_mem>>) src(%arg9 : memref<80x128xf32, #tpu.memory_space<vmem>>) dst(%dma_wait3A_275 : memref<1688x128xf32, #tpu.memory_space<vmem_shared>>)
      tpu.yield
    }) : () -> ()
    %barrier3A_147 = arith.constant 0 : index
    tpu.barrier barrier_id(%barrier3A_147)
    %lt3A_148 = arith.constant 5 : i32
    %lt3A_149 = arith.cmpi slt, %add3A_84, %lt3A_148 : i32
    %lt3A_150 = arith.constant 15 : i32
    %lt3A_151 = arith.cmpi slt, %arg1, %lt3A_150 : i32
    %and3A_152 = arith.andi %lt3A_149, %lt3A_151 : i1
    %convert_element_type3A_153 = arith.extui %and3A_152 : i1 to i32
    %cond3A_154 = arith.constant 0 : i32
    %cond3A_155 = arith.cmpi ne, %convert_element_type3A_153, %cond3A_154 : i32
    scf.if %cond3A_155 {
      %mul3A_263 = arith.constant 112 : i32
      %mul3A_264 = arith.muli %mul3A_263, %arg1 : i32
      "tpu.region"() ({
        %run_scoped3A_268 = tpu.sem_alloc : memref<!tpu.dma_semaphore, #tpu.memory_space<semaphore_mem>>
        %dma_start3A_269 = arith.constant 0 : i32
        %dma_start3A_270 = tpu.memref_slice %arg12[%mul3A_264, %dma_start3A_269] : memref<1688x128xf32, #tpu.memory_space<vmem_shared>> -> memref<112x128xf32, #tpu.memory_space<vmem_shared>>
        %dma_start3A_271 = arith.constant 0 : i32
        %dma_start3A_272 = tpu.memref_slice %arg12[%mul3A_264, %dma_start3A_271] : memref<1688x128xf32, #tpu.memory_space<vmem_shared>> -> memref<112x128xf32, #tpu.memory_space<vmem_shared>>
        tpu.enqueue_dma source(%dma_start3A_272 : memref<112x128xf32, #tpu.memory_space<vmem_shared>>) target(%arg11 : memref<112x128xf32, #tpu.memory_space<vmem>>) target_semaphore(%run_scoped3A_268 : memref<!tpu.dma_semaphore, #tpu.memory_space<semaphore_mem>>)
        %dma_wait3A_273 = arith.constant 0 : i32
        %dma_wait3A_274 = tpu.memref_slice %arg12[%mul3A_264, %dma_wait3A_273] : memref<1688x128xf32, #tpu.memory_space<vmem_shared>> -> memref<112x128xf32, #tpu.memory_space<vmem_shared>>
        %dma_wait3A_275 = arith.constant 0 : i32
        %dma_wait3A_276 = tpu.memref_slice %arg12[%mul3A_264, %dma_wait3A_275] : memref<1688x128xf32, #tpu.memory_space<vmem_shared>> -> memref<112x128xf32, #tpu.memory_space<vmem_shared>>
        tpu.wait_dma2 semaphore(%run_scoped3A_268 : memref<!tpu.dma_semaphore, #tpu.memory_space<semaphore_mem>>) src(%dma_wait3A_276 : memref<112x128xf32, #tpu.memory_space<vmem_shared>>) dst(%arg11 : memref<112x128xf32, #tpu.memory_space<vmem>>)
        tpu.yield
      }) : () -> ()
      %mul3A_265 = arith.constant 112 : i32
      %mul3A_266 = arith.muli %mul3A_265, %arg1 : i32
      %add3A_267 = arith.addi %mul3A_86, %mul3A_266 : i32
      "tpu.region"() ({
        %run_scoped3A_268 = tpu.sem_alloc : memref<!tpu.dma_semaphore, #tpu.memory_space<semaphore_mem>>
        %dma_start3A_269 = arith.constant 0 : i32
        %dma_start3A_270 = tpu.memref_slice %arg5[%add3A_267, %dma_start3A_269] : memref<10000x128xf32, #tpu.memory_space<hbm>> -> memref<112x128xf32, #tpu.memory_space<hbm>>
        %dma_start3A_271 = arith.constant 0 : i32
        %dma_start3A_272 = tpu.memref_slice %arg5[%add3A_267, %dma_start3A_271] : memref<10000x128xf32, #tpu.memory_space<hbm>> -> memref<112x128xf32, #tpu.memory_space<hbm>>
        tpu.enqueue_dma source(%arg11 : memref<112x128xf32, #tpu.memory_space<vmem>>) target(%dma_start3A_272 : memref<112x128xf32, #tpu.memory_space<hbm>>) target_semaphore(%run_scoped3A_268 : memref<!tpu.dma_semaphore, #tpu.memory_space<semaphore_mem>>)
        %dma_wait3A_273 = arith.constant 0 : i32
        %dma_wait3A_274 = tpu.memref_slice %arg5[%add3A_267, %dma_wait3A_273] : memref<10000x128xf32, #tpu.memory_space<hbm>> -> memref<112x128xf32, #tpu.memory_space<hbm>>
        %dma_wait3A_275 = arith.constant 0 : i32
        %dma_wait3A_276 = tpu.memref_slice %arg5[%add3A_267, %dma_wait3A_275] : memref<10000x128xf32, #tpu.memory_space<hbm>> -> memref<112x128xf32, #tpu.memory_space<hbm>>
        tpu.wait_dma2 semaphore(%run_scoped3A_268 : memref<!tpu.dma_semaphore, #tpu.memory_space<semaphore_mem>>) src(%arg11 : memref<112x128xf32, #tpu.memory_space<vmem>>) dst(%dma_wait3A_276 : memref<112x128xf32, #tpu.memory_space<hbm>>)
        tpu.yield
      }) : () -> ()
    } else {
    }
    %eq3A_156 = arith.constant 5 : i32
    %eq3A_157 = arith.cmpi eq, %add3A_84, %eq3A_156 : i32
    %lt3A_158 = arith.constant 14 : i32
    %lt3A_159 = arith.cmpi slt, %arg1, %lt3A_158 : i32
    %and3A_160 = arith.andi %eq3A_157, %lt3A_159 : i1
    %convert_element_type3A_161 = arith.extui %and3A_160 : i1 to i32
    %cond3A_162 = arith.constant 0 : i32
    %cond3A_163 = arith.cmpi ne, %convert_element_type3A_161, %cond3A_162 : i32
    scf.if %cond3A_163 {
      %mul3A_263 = arith.constant 112 : i32
      %mul3A_264 = arith.muli %mul3A_263, %arg1 : i32
      "tpu.region"() ({
        %run_scoped3A_268 = tpu.sem_alloc : memref<!tpu.dma_semaphore, #tpu.memory_space<semaphore_mem>>
        %dma_start3A_269 = arith.constant 0 : i32
        %dma_start3A_270 = tpu.memref_slice %arg12[%mul3A_264, %dma_start3A_269] : memref<1688x128xf32, #tpu.memory_space<vmem_shared>> -> memref<112x128xf32, #tpu.memory_space<vmem_shared>>
        %dma_start3A_271 = arith.constant 0 : i32
        %dma_start3A_272 = tpu.memref_slice %arg12[%mul3A_264, %dma_start3A_271] : memref<1688x128xf32, #tpu.memory_space<vmem_shared>> -> memref<112x128xf32, #tpu.memory_space<vmem_shared>>
        tpu.enqueue_dma source(%dma_start3A_272 : memref<112x128xf32, #tpu.memory_space<vmem_shared>>) target(%arg11 : memref<112x128xf32, #tpu.memory_space<vmem>>) target_semaphore(%run_scoped3A_268 : memref<!tpu.dma_semaphore, #tpu.memory_space<semaphore_mem>>)
        %dma_wait3A_273 = arith.constant 0 : i32
        %dma_wait3A_274 = tpu.memref_slice %arg12[%mul3A_264, %dma_wait3A_273] : memref<1688x128xf32, #tpu.memory_space<vmem_shared>> -> memref<112x128xf32, #tpu.memory_space<vmem_shared>>
        %dma_wait3A_275 = arith.constant 0 : i32
        %dma_wait3A_276 = tpu.memref_slice %arg12[%mul3A_264, %dma_wait3A_275] : memref<1688x128xf32, #tpu.memory_space<vmem_shared>> -> memref<112x128xf32, #tpu.memory_space<vmem_shared>>
        tpu.wait_dma2 semaphore(%run_scoped3A_268 : memref<!tpu.dma_semaphore, #tpu.memory_space<semaphore_mem>>) src(%dma_wait3A_276 : memref<112x128xf32, #tpu.memory_space<vmem_shared>>) dst(%arg11 : memref<112x128xf32, #tpu.memory_space<vmem>>)
        tpu.yield
      }) : () -> ()
      %mul3A_265 = arith.constant 112 : i32
      %mul3A_266 = arith.muli %mul3A_265, %arg1 : i32
      %add3A_267 = arith.addi %mul3A_86, %mul3A_266 : i32
      "tpu.region"() ({
        %run_scoped3A_268 = tpu.sem_alloc : memref<!tpu.dma_semaphore, #tpu.memory_space<semaphore_mem>>
        %dma_start3A_269 = arith.constant 0 : i32
        %dma_start3A_270 = tpu.memref_slice %arg5[%add3A_267, %dma_start3A_269] : memref<10000x128xf32, #tpu.memory_space<hbm>> -> memref<112x128xf32, #tpu.memory_space<hbm>>
        %dma_start3A_271 = arith.constant 0 : i32
        %dma_start3A_272 = tpu.memref_slice %arg5[%add3A_267, %dma_start3A_271] : memref<10000x128xf32, #tpu.memory_space<hbm>> -> memref<112x128xf32, #tpu.memory_space<hbm>>
        tpu.enqueue_dma source(%arg11 : memref<112x128xf32, #tpu.memory_space<vmem>>) target(%dma_start3A_272 : memref<112x128xf32, #tpu.memory_space<hbm>>) target_semaphore(%run_scoped3A_268 : memref<!tpu.dma_semaphore, #tpu.memory_space<semaphore_mem>>)
        %dma_wait3A_273 = arith.constant 0 : i32
        %dma_wait3A_274 = tpu.memref_slice %arg5[%add3A_267, %dma_wait3A_273] : memref<10000x128xf32, #tpu.memory_space<hbm>> -> memref<112x128xf32, #tpu.memory_space<hbm>>
        %dma_wait3A_275 = arith.constant 0 : i32
        %dma_wait3A_276 = tpu.memref_slice %arg5[%add3A_267, %dma_wait3A_275] : memref<10000x128xf32, #tpu.memory_space<hbm>> -> memref<112x128xf32, #tpu.memory_space<hbm>>
        tpu.wait_dma2 semaphore(%run_scoped3A_268 : memref<!tpu.dma_semaphore, #tpu.memory_space<semaphore_mem>>) src(%arg11 : memref<112x128xf32, #tpu.memory_space<vmem>>) dst(%dma_wait3A_276 : memref<112x128xf32, #tpu.memory_space<hbm>>)
        tpu.yield
      }) : () -> ()
    } else {
    }
    %eq3A_164 = arith.constant 5 : i32
    %eq3A_165 = arith.cmpi eq, %add3A_84, %eq3A_164 : i32
    %eq3A_166 = arith.constant 14 : i32
    %eq3A_167 = arith.cmpi eq, %arg1, %eq3A_166 : i32
    %and3A_168 = arith.andi %eq3A_165, %eq3A_167 : i1
    %convert_element_type3A_169 = arith.extui %and3A_168 : i1 to i32
    %cond3A_170 = arith.constant 0 : i32
    %cond3A_171 = arith.cmpi ne, %convert_element_type3A_169, %cond3A_170 : i32
    scf.if %cond3A_171 {
      "tpu.region"() ({
        %run_scoped3A_265 = tpu.sem_alloc : memref<!tpu.dma_semaphore, #tpu.memory_space<semaphore_mem>>
        %dma_start3A_266 = arith.constant 0 : i32
        %dma_start3A_267 = arith.constant 0 : i32
        %dma_start3A_268 = tpu.memref_slice %arg11[%dma_start3A_266, %dma_start3A_267] : memref<112x128xf32, #tpu.memory_space<vmem>> -> memref<32x128xf32, #tpu.memory_space<vmem>>
        %dma_start3A_269 = arith.constant 1568 : i32
        %dma_start3A_270 = arith.constant 0 : i32
        %dma_start3A_271 = tpu.memref_slice %arg12[%dma_start3A_269, %dma_start3A_270] : memref<1688x128xf32, #tpu.memory_space<vmem_shared>> -> memref<32x128xf32, #tpu.memory_space<vmem_shared>>
        %dma_start3A_272 = arith.constant 0 : i32
        %dma_start3A_273 = arith.constant 0 : i32
        %dma_start3A_274 = tpu.memref_slice %arg11[%dma_start3A_272, %dma_start3A_273] : memref<112x128xf32, #tpu.memory_space<vmem>> -> memref<32x128xf32, #tpu.memory_space<vmem>>
        %dma_start3A_275 = arith.constant 1568 : i32
        %dma_start3A_276 = arith.constant 0 : i32
        %dma_start3A_277 = tpu.memref_slice %arg12[%dma_start3A_275, %dma_start3A_276] : memref<1688x128xf32, #tpu.memory_space<vmem_shared>> -> memref<32x128xf32, #tpu.memory_space<vmem_shared>>
        tpu.enqueue_dma source(%dma_start3A_277 : memref<32x128xf32, #tpu.memory_space<vmem_shared>>) target(%dma_start3A_274 : memref<32x128xf32, #tpu.memory_space<vmem>>) target_semaphore(%run_scoped3A_265 : memref<!tpu.dma_semaphore, #tpu.memory_space<semaphore_mem>>)
        %dma_wait3A_278 = arith.constant 0 : i32
        %dma_wait3A_279 = arith.constant 0 : i32
        %dma_wait3A_280 = tpu.memref_slice %arg11[%dma_wait3A_278, %dma_wait3A_279] : memref<112x128xf32, #tpu.memory_space<vmem>> -> memref<32x128xf32, #tpu.memory_space<vmem>>
        %dma_wait3A_281 = arith.constant 1568 : i32
        %dma_wait3A_282 = arith.constant 0 : i32
        %dma_wait3A_283 = tpu.memref_slice %arg12[%dma_wait3A_281, %dma_wait3A_282] : memref<1688x128xf32, #tpu.memory_space<vmem_shared>> -> memref<32x128xf32, #tpu.memory_space<vmem_shared>>
        %dma_wait3A_284 = arith.constant 0 : i32
        %dma_wait3A_285 = arith.constant 0 : i32
        %dma_wait3A_286 = tpu.memref_slice %arg11[%dma_wait3A_284, %dma_wait3A_285] : memref<112x128xf32, #tpu.memory_space<vmem>> -> memref<32x128xf32, #tpu.memory_space<vmem>>
        %dma_wait3A_287 = arith.constant 1568 : i32
        %dma_wait3A_288 = arith.constant 0 : i32
        %dma_wait3A_289 = tpu.memref_slice %arg12[%dma_wait3A_287, %dma_wait3A_288] : memref<1688x128xf32, #tpu.memory_space<vmem_shared>> -> memref<32x128xf32, #tpu.memory_space<vmem_shared>>
        tpu.wait_dma2 semaphore(%run_scoped3A_265 : memref<!tpu.dma_semaphore, #tpu.memory_space<semaphore_mem>>) src(%dma_wait3A_289 : memref<32x128xf32, #tpu.memory_space<vmem_shared>>) dst(%dma_wait3A_286 : memref<32x128xf32, #tpu.memory_space<vmem>>)
        tpu.yield
      }) : () -> ()
      %add3A_263 = arith.constant 1568 : i32
      %add3A_264 = arith.addi %mul3A_86, %add3A_263 : i32
      "tpu.region"() ({
        %run_scoped3A_265 = tpu.sem_alloc : memref<!tpu.dma_semaphore, #tpu.memory_space<semaphore_mem>>
        %dma_start3A_266 = arith.constant 0 : i32
        %dma_start3A_267 = arith.constant 0 : i32
        %dma_start3A_268 = tpu.memref_slice %arg11[%dma_start3A_266, %dma_start3A_267] : memref<112x128xf32, #tpu.memory_space<vmem>> -> memref<32x128xf32, #tpu.memory_space<vmem>>
        %dma_start3A_269 = arith.constant 0 : i32
        %dma_start3A_270 = tpu.memref_slice %arg5[%add3A_264, %dma_start3A_269] : memref<10000x128xf32, #tpu.memory_space<hbm>> -> memref<32x128xf32, #tpu.memory_space<hbm>>
        %dma_start3A_271 = arith.constant 0 : i32
        %dma_start3A_272 = tpu.memref_slice %arg5[%add3A_264, %dma_start3A_271] : memref<10000x128xf32, #tpu.memory_space<hbm>> -> memref<32x128xf32, #tpu.memory_space<hbm>>
        %dma_start3A_273 = arith.constant 0 : i32
        %dma_start3A_274 = arith.constant 0 : i32
        %dma_start3A_275 = tpu.memref_slice %arg11[%dma_start3A_273, %dma_start3A_274] : memref<112x128xf32, #tpu.memory_space<vmem>> -> memref<32x128xf32, #tpu.memory_space<vmem>>
        tpu.enqueue_dma source(%dma_start3A_275 : memref<32x128xf32, #tpu.memory_space<vmem>>) target(%dma_start3A_272 : memref<32x128xf32, #tpu.memory_space<hbm>>) target_semaphore(%run_scoped3A_265 : memref<!tpu.dma_semaphore, #tpu.memory_space<semaphore_mem>>)
        %dma_wait3A_276 = arith.constant 0 : i32
        %dma_wait3A_277 = arith.constant 0 : i32
        %dma_wait3A_278 = tpu.memref_slice %arg11[%dma_wait3A_276, %dma_wait3A_277] : memref<112x128xf32, #tpu.memory_space<vmem>> -> memref<32x128xf32, #tpu.memory_space<vmem>>
        %dma_wait3A_279 = arith.constant 0 : i32
        %dma_wait3A_280 = tpu.memref_slice %arg5[%add3A_264, %dma_wait3A_279] : memref<10000x128xf32, #tpu.memory_space<hbm>> -> memref<32x128xf32, #tpu.memory_space<hbm>>
        %dma_wait3A_281 = arith.constant 0 : i32
        %dma_wait3A_282 = tpu.memref_slice %arg5[%add3A_264, %dma_wait3A_281] : memref<10000x128xf32, #tpu.memory_space<hbm>> -> memref<32x128xf32, #tpu.memory_space<hbm>>
        %dma_wait3A_283 = arith.constant 0 : i32
        %dma_wait3A_284 = arith.constant 0 : i32
        %dma_wait3A_285 = tpu.memref_slice %arg11[%dma_wait3A_283, %dma_wait3A_284] : memref<112x128xf32, #tpu.memory_space<vmem>> -> memref<32x128xf32, #tpu.memory_space<vmem>>
        tpu.wait_dma2 semaphore(%run_scoped3A_265 : memref<!tpu.dma_semaphore, #tpu.memory_space<semaphore_mem>>) src(%dma_wait3A_285 : memref<32x128xf32, #tpu.memory_space<vmem>>) dst(%dma_wait3A_282 : memref<32x128xf32, #tpu.memory_space<hbm>>)
        tpu.yield
      }) : () -> ()
    } else {
    }
    %barrier3A_172 = arith.constant 0 : index
    tpu.barrier barrier_id(%barrier3A_172)
    %add3A_173 = arith.constant 4 : i32
    %add3A_174 = arith.addi %add3A_173, %arg0 : i32
    %mul3A_175 = arith.constant 1680 : i32
    %mul3A_176 = arith.muli %mul3A_175, %add3A_174 : i32
    %eq3A_177 = arith.constant 5 : i32
    %eq3A_178 = arith.cmpi eq, %add3A_174, %eq3A_177 : i32
    %jit3A_179 = arith.constant 1600 : i32
    %jit3A_180 = arith.constant 1680 : i32
    %select_n3A_181 = arith.select %eq3A_178, %jit3A_179, %jit3A_180 : i32
    %lt3A_182 = arith.constant 15 : i32
    %lt3A_183 = arith.cmpi slt, %arg1, %lt3A_182 : i32
    %convert_element_type3A_184 = arith.extui %lt3A_183 : i1 to i32
    %cond3A_185 = arith.constant 0 : i32
    %cond3A_186 = arith.cmpi ne, %convert_element_type3A_184, %cond3A_185 : i32
    scf.if %cond3A_186 {
      %mul3A_263 = arith.constant 112 : i32
      %mul3A_264 = arith.muli %mul3A_263, %arg1 : i32
      "tpu.region"() ({
        %run_scoped3A_265 = tpu.sem_alloc : memref<!tpu.dma_semaphore, #tpu.memory_space<semaphore_mem>>
        %dma_start3A_266 = arith.constant 0 : i32
        %dma_start3A_267 = tpu.memref_slice %arg12[%mul3A_264, %dma_start3A_266] : memref<1688x128xf32, #tpu.memory_space<vmem_shared>> -> memref<112x128xf32, #tpu.memory_space<vmem_shared>>
        %dma_start3A_268 = arith.constant 0 : i32
        %dma_start3A_269 = tpu.memref_slice %arg12[%mul3A_264, %dma_start3A_268] : memref<1688x128xf32, #tpu.memory_space<vmem_shared>> -> memref<112x128xf32, #tpu.memory_space<vmem_shared>>
        tpu.enqueue_dma source(%arg10 : memref<112x128xf32, #tpu.memory_space<vmem>>) target(%dma_start3A_269 : memref<112x128xf32, #tpu.memory_space<vmem_shared>>) target_semaphore(%run_scoped3A_265 : memref<!tpu.dma_semaphore, #tpu.memory_space<semaphore_mem>>)
        %dma_wait3A_270 = arith.constant 0 : i32
        %dma_wait3A_271 = tpu.memref_slice %arg12[%mul3A_264, %dma_wait3A_270] : memref<1688x128xf32, #tpu.memory_space<vmem_shared>> -> memref<112x128xf32, #tpu.memory_space<vmem_shared>>
        %dma_wait3A_272 = arith.constant 0 : i32
        %dma_wait3A_273 = tpu.memref_slice %arg12[%mul3A_264, %dma_wait3A_272] : memref<1688x128xf32, #tpu.memory_space<vmem_shared>> -> memref<112x128xf32, #tpu.memory_space<vmem_shared>>
        tpu.wait_dma2 semaphore(%run_scoped3A_265 : memref<!tpu.dma_semaphore, #tpu.memory_space<semaphore_mem>>) src(%arg10 : memref<112x128xf32, #tpu.memory_space<vmem>>) dst(%dma_wait3A_273 : memref<112x128xf32, #tpu.memory_space<vmem_shared>>)
        tpu.yield
      }) : () -> ()
    } else {
    }
    %eq3A_187 = arith.constant 15 : i32
    %eq3A_188 = arith.cmpi eq, %arg1, %eq3A_187 : i32
    %convert_element_type3A_189 = arith.extui %eq3A_188 : i1 to i32
    %cond3A_190 = arith.constant 0 : i32
    %cond3A_191 = arith.cmpi ne, %convert_element_type3A_189, %cond3A_190 : i32
    scf.if %cond3A_191 {
      "tpu.region"() ({
        %run_scoped3A_263 = tpu.sem_alloc : memref<!tpu.dma_semaphore, #tpu.memory_space<semaphore_mem>>
        %dma_start3A_264 = arith.constant 0 : i32
        %dma_start3A_265 = arith.constant 0 : i32
        %dma_start3A_266 = tpu.memref_slice %arg10[%dma_start3A_264, %dma_start3A_265] : memref<112x128xf32, #tpu.memory_space<vmem>> -> memref<8x128xf32, #tpu.memory_space<vmem>>
        %dma_start3A_267 = arith.constant 1680 : i32
        %dma_start3A_268 = arith.constant 0 : i32
        %dma_start3A_269 = tpu.memref_slice %arg12[%dma_start3A_267, %dma_start3A_268] : memref<1688x128xf32, #tpu.memory_space<vmem_shared>> -> memref<8x128xf32, #tpu.memory_space<vmem_shared>>
        %dma_start3A_270 = arith.constant 1680 : i32
        %dma_start3A_271 = arith.constant 0 : i32
        %dma_start3A_272 = tpu.memref_slice %arg12[%dma_start3A_270, %dma_start3A_271] : memref<1688x128xf32, #tpu.memory_space<vmem_shared>> -> memref<8x128xf32, #tpu.memory_space<vmem_shared>>
        %dma_start3A_273 = arith.constant 0 : i32
        %dma_start3A_274 = arith.constant 0 : i32
        %dma_start3A_275 = tpu.memref_slice %arg10[%dma_start3A_273, %dma_start3A_274] : memref<112x128xf32, #tpu.memory_space<vmem>> -> memref<8x128xf32, #tpu.memory_space<vmem>>
        tpu.enqueue_dma source(%dma_start3A_275 : memref<8x128xf32, #tpu.memory_space<vmem>>) target(%dma_start3A_272 : memref<8x128xf32, #tpu.memory_space<vmem_shared>>) target_semaphore(%run_scoped3A_263 : memref<!tpu.dma_semaphore, #tpu.memory_space<semaphore_mem>>)
        %dma_wait3A_276 = arith.constant 0 : i32
        %dma_wait3A_277 = arith.constant 0 : i32
        %dma_wait3A_278 = tpu.memref_slice %arg10[%dma_wait3A_276, %dma_wait3A_277] : memref<112x128xf32, #tpu.memory_space<vmem>> -> memref<8x128xf32, #tpu.memory_space<vmem>>
        %dma_wait3A_279 = arith.constant 1680 : i32
        %dma_wait3A_280 = arith.constant 0 : i32
        %dma_wait3A_281 = tpu.memref_slice %arg12[%dma_wait3A_279, %dma_wait3A_280] : memref<1688x128xf32, #tpu.memory_space<vmem_shared>> -> memref<8x128xf32, #tpu.memory_space<vmem_shared>>
        %dma_wait3A_282 = arith.constant 1680 : i32
        %dma_wait3A_283 = arith.constant 0 : i32
        %dma_wait3A_284 = tpu.memref_slice %arg12[%dma_wait3A_282, %dma_wait3A_283] : memref<1688x128xf32, #tpu.memory_space<vmem_shared>> -> memref<8x128xf32, #tpu.memory_space<vmem_shared>>
        %dma_wait3A_285 = arith.constant 0 : i32
        %dma_wait3A_286 = arith.constant 0 : i32
        %dma_wait3A_287 = tpu.memref_slice %arg10[%dma_wait3A_285, %dma_wait3A_286] : memref<112x128xf32, #tpu.memory_space<vmem>> -> memref<8x128xf32, #tpu.memory_space<vmem>>
        tpu.wait_dma2 semaphore(%run_scoped3A_263 : memref<!tpu.dma_semaphore, #tpu.memory_space<semaphore_mem>>) src(%dma_wait3A_287 : memref<8x128xf32, #tpu.memory_space<vmem>>) dst(%dma_wait3A_284 : memref<8x128xf32, #tpu.memory_space<vmem_shared>>)
        tpu.yield
      }) : () -> ()
    } else {
    }
    "tpu.region"() ({
      %run_scoped3A_263 = tpu.sem_alloc : memref<!tpu.dma_semaphore, #tpu.memory_space<semaphore_mem>>
      %dma_start3A_264 = arith.constant 0 : i32
      %dma_start3A_265 = arith.constant 0 : i32
      %dma_start3A_266 = tpu.memref_slice %arg4[%arg1, %dma_start3A_264, %dma_start3A_265] : memref<16x250x80xi32, #tpu.memory_space<hbm>> -> memref<1x250x80xi32, #tpu.memory_space<hbm>>
      %dma_start3A_267 = tpu.memref_squeeze %dma_start3A_266 : memref<1x250x80xi32, #tpu.memory_space<hbm>> -> memref<250x80xi32, #tpu.memory_space<hbm>>
      %dma_start3A_268 = arith.constant 0 : i32
      %dma_start3A_269 = arith.constant 0 : i32
      %dma_start3A_270 = tpu.memref_slice %arg4[%arg1, %dma_start3A_268, %dma_start3A_269] : memref<16x250x80xi32, #tpu.memory_space<hbm>> -> memref<1x250x80xi32, #tpu.memory_space<hbm>>
      %dma_start3A_271 = tpu.memref_squeeze %dma_start3A_270 : memref<1x250x80xi32, #tpu.memory_space<hbm>> -> memref<250x80xi32, #tpu.memory_space<hbm>>
      tpu.enqueue_dma source(%dma_start3A_271 : memref<250x80xi32, #tpu.memory_space<hbm>>) target(%arg7 : memref<250x80xi32, #tpu.memory_space<vmem>>) target_semaphore(%run_scoped3A_263 : memref<!tpu.dma_semaphore, #tpu.memory_space<semaphore_mem>>)
      %dma_wait3A_272 = arith.constant 0 : i32
      %dma_wait3A_273 = arith.constant 0 : i32
      %dma_wait3A_274 = tpu.memref_slice %arg4[%arg1, %dma_wait3A_272, %dma_wait3A_273] : memref<16x250x80xi32, #tpu.memory_space<hbm>> -> memref<1x250x80xi32, #tpu.memory_space<hbm>>
      %dma_wait3A_275 = tpu.memref_squeeze %dma_wait3A_274 : memref<1x250x80xi32, #tpu.memory_space<hbm>> -> memref<250x80xi32, #tpu.memory_space<hbm>>
      %dma_wait3A_276 = arith.constant 0 : i32
      %dma_wait3A_277 = arith.constant 0 : i32
      %dma_wait3A_278 = tpu.memref_slice %arg4[%arg1, %dma_wait3A_276, %dma_wait3A_277] : memref<16x250x80xi32, #tpu.memory_space<hbm>> -> memref<1x250x80xi32, #tpu.memory_space<hbm>>
      %dma_wait3A_279 = tpu.memref_squeeze %dma_wait3A_278 : memref<1x250x80xi32, #tpu.memory_space<hbm>> -> memref<250x80xi32, #tpu.memory_space<hbm>>
      tpu.wait_dma2 semaphore(%run_scoped3A_263 : memref<!tpu.dma_semaphore, #tpu.memory_space<semaphore_mem>>) src(%dma_wait3A_279 : memref<250x80xi32, #tpu.memory_space<hbm>>) dst(%arg7 : memref<250x80xi32, #tpu.memory_space<vmem>>)
      tpu.yield
    }) : () -> ()
    %scan3A_192 = arith.constant 0 : i32
    %scan3A_193 = arith.constant 0 : i32
    %scan3A_194 = arith.constant 250 : i32
    %scan3A_195 = arith.addi %scan3A_193, %scan3A_194 : i32
    %scan3A_196 = arith.constant 1 : i32
    %scan3A_197 = scf.for %scan3A_263 = %scan3A_193 to %scan3A_195 step %scan3A_196 iter_args(%scan3A_264 = %scan3A_192) -> (i32)  : i32 {
      %get3A = arith.index_cast %scan3A_263 : i32 to index
      %get3A_265 = arith.constant 0 : index
      %get3A_266 = tpu.vector_load %arg7[%get3A, %get3A_265] {strides = array<i32>} : memref<250x80xi32, #tpu.memory_space<vmem>>, vector<1x16xi32>,
      %get3A_267 = vector.shape_cast %get3A_266 : vector<1x16xi32> to vector<16xi32>
      %sub3A = vector.broadcast %mul3A_176 : i32 to vector<16xi32>
      %sub3A_268 = arith.subi %get3A_267, %sub3A : vector<16xi32>
      %ge3A = arith.constant 0 : i32
      %ge3A_269 = vector.broadcast %ge3A : i32 to vector<16xi32>
      %ge3A_270 = arith.cmpi sge, %sub3A_268, %ge3A_269 : vector<16xi32>
      %lt3A_271 = vector.broadcast %select_n3A_181 : i32 to vector<16xi32>
      %lt3A_272 = arith.cmpi slt, %sub3A_268, %lt3A_271 : vector<16xi32>
      %and3A_273 = arith.andi %ge3A_270, %lt3A_272 : vector<16xi1>
      %jit3A_274 = arith.constant 1680 : i32
      %broadcast_in_dim3A = vector.broadcast %jit3A_274 : i32 to vector<16xi32>
      %select_n3A_275 = arith.select %and3A_273, %sub3A_268, %broadcast_in_dim3A : vector<16xi1>, vector<16xi32>
      %swap3A = arith.index_cast %scan3A_263 : i32 to index
      %swap3A_276 = arith.constant 0 : index
      %swap3A_277 = tpu.vector_load %arg7[%swap3A, %swap3A_276] {strides = array<i32>} : memref<250x80xi32, #tpu.memory_space<vmem>>, vector<1x16xi32>,
      %swap3A_278 = vector.shape_cast %swap3A_277 : vector<1x16xi32> to vector<16xi32>
      %swap3A_279 = vector.shape_cast %select_n3A_275 : vector<16xi32> to vector<1x16xi32>
      tpu.vector_store %arg7[%swap3A, %swap3A_276], %swap3A_279 {strides = array<i32>} : memref<250x80xi32, #tpu.memory_space<vmem>>, vector<1x16xi32>,
      %get3A_280 = arith.index_cast %scan3A_263 : i32 to index
      %get3A_281 = arith.constant 16 : index
      %get3A_282 = tpu.vector_load %arg7[%get3A_280, %get3A_281] {strides = array<i32>} : memref<250x80xi32, #tpu.memory_space<vmem>>, vector<1x16xi32>,
      %get3A_283 = vector.shape_cast %get3A_282 : vector<1x16xi32> to vector<16xi32>
      %sub3A_284 = vector.broadcast %mul3A_176 : i32 to vector<16xi32>
      %sub3A_285 = arith.subi %get3A_283, %sub3A_284 : vector<16xi32>
      %ge3A_286 = arith.constant 0 : i32
      %ge3A_287 = vector.broadcast %ge3A_286 : i32 to vector<16xi32>
      %ge3A_288 = arith.cmpi sge, %sub3A_285, %ge3A_287 : vector<16xi32>
      %lt3A_289 = vector.broadcast %select_n3A_181 : i32 to vector<16xi32>
      %lt3A_290 = arith.cmpi slt, %sub3A_285, %lt3A_289 : vector<16xi32>
      %and3A_291 = arith.andi %ge3A_288, %lt3A_290 : vector<16xi1>
      %jit3A_292 = arith.constant 1680 : i32
      %broadcast_in_dim3A_293 = vector.broadcast %jit3A_292 : i32 to vector<16xi32>
      %select_n3A_294 = arith.select %and3A_291, %sub3A_285, %broadcast_in_dim3A_293 : vector<16xi1>, vector<16xi32>
      %swap3A_295 = arith.index_cast %scan3A_263 : i32 to index
      %swap3A_296 = arith.constant 16 : index
      %swap3A_297 = tpu.vector_load %arg7[%swap3A_295, %swap3A_296] {strides = array<i32>} : memref<250x80xi32, #tpu.memory_space<vmem>>, vector<1x16xi32>,
      %swap3A_298 = vector.shape_cast %swap3A_297 : vector<1x16xi32> to vector<16xi32>
      %swap3A_299 = vector.shape_cast %select_n3A_294 : vector<16xi32> to vector<1x16xi32>
      tpu.vector_store %arg7[%swap3A_295, %swap3A_296], %swap3A_299 {strides = array<i32>} : memref<250x80xi32, #tpu.memory_space<vmem>>, vector<1x16xi32>,
      %get3A_300 = arith.index_cast %scan3A_263 : i32 to index
      %get3A_301 = arith.constant 32 : index
      %get3A_302 = tpu.vector_load %arg7[%get3A_300, %get3A_301] {strides = array<i32>} : memref<250x80xi32, #tpu.memory_space<vmem>>, vector<1x16xi32>,
      %get3A_303 = vector.shape_cast %get3A_302 : vector<1x16xi32> to vector<16xi32>
      %sub3A_304 = vector.broadcast %mul3A_176 : i32 to vector<16xi32>
      %sub3A_305 = arith.subi %get3A_303, %sub3A_304 : vector<16xi32>
      %ge3A_306 = arith.constant 0 : i32
      %ge3A_307 = vector.broadcast %ge3A_306 : i32 to vector<16xi32>
      %ge3A_308 = arith.cmpi sge, %sub3A_305, %ge3A_307 : vector<16xi32>
      %lt3A_309 = vector.broadcast %select_n3A_181 : i32 to vector<16xi32>
      %lt3A_310 = arith.cmpi slt, %sub3A_305, %lt3A_309 : vector<16xi32>
      %and3A_311 = arith.andi %ge3A_308, %lt3A_310 : vector<16xi1>
      %jit3A_312 = arith.constant 1680 : i32
      %broadcast_in_dim3A_313 = vector.broadcast %jit3A_312 : i32 to vector<16xi32>
      %select_n3A_314 = arith.select %and3A_311, %sub3A_305, %broadcast_in_dim3A_313 : vector<16xi1>, vector<16xi32>
      %swap3A_315 = arith.index_cast %scan3A_263 : i32 to index
      %swap3A_316 = arith.constant 32 : index
      %swap3A_317 = tpu.vector_load %arg7[%swap3A_315, %swap3A_316] {strides = array<i32>} : memref<250x80xi32, #tpu.memory_space<vmem>>, vector<1x16xi32>,
      %swap3A_318 = vector.shape_cast %swap3A_317 : vector<1x16xi32> to vector<16xi32>
      %swap3A_319 = vector.shape_cast %select_n3A_314 : vector<16xi32> to vector<1x16xi32>
      tpu.vector_store %arg7[%swap3A_315, %swap3A_316], %swap3A_319 {strides = array<i32>} : memref<250x80xi32, #tpu.memory_space<vmem>>, vector<1x16xi32>,
      %get3A_320 = arith.index_cast %scan3A_263 : i32 to index
      %get3A_321 = arith.constant 48 : index
      %get3A_322 = tpu.vector_load %arg7[%get3A_320, %get3A_321] {strides = array<i32>} : memref<250x80xi32, #tpu.memory_space<vmem>>, vector<1x16xi32>,
      %get3A_323 = vector.shape_cast %get3A_322 : vector<1x16xi32> to vector<16xi32>
      %sub3A_324 = vector.broadcast %mul3A_176 : i32 to vector<16xi32>
      %sub3A_325 = arith.subi %get3A_323, %sub3A_324 : vector<16xi32>
      %ge3A_326 = arith.constant 0 : i32
      %ge3A_327 = vector.broadcast %ge3A_326 : i32 to vector<16xi32>
      %ge3A_328 = arith.cmpi sge, %sub3A_325, %ge3A_327 : vector<16xi32>
      %lt3A_329 = vector.broadcast %select_n3A_181 : i32 to vector<16xi32>
      %lt3A_330 = arith.cmpi slt, %sub3A_325, %lt3A_329 : vector<16xi32>
      %and3A_331 = arith.andi %ge3A_328, %lt3A_330 : vector<16xi1>
      %jit3A_332 = arith.constant 1680 : i32
      %broadcast_in_dim3A_333 = vector.broadcast %jit3A_332 : i32 to vector<16xi32>
      %select_n3A_334 = arith.select %and3A_331, %sub3A_325, %broadcast_in_dim3A_333 : vector<16xi1>, vector<16xi32>
      %swap3A_335 = arith.index_cast %scan3A_263 : i32 to index
      %swap3A_336 = arith.constant 48 : index
      %swap3A_337 = tpu.vector_load %arg7[%swap3A_335, %swap3A_336] {strides = array<i32>} : memref<250x80xi32, #tpu.memory_space<vmem>>, vector<1x16xi32>,
      %swap3A_338 = vector.shape_cast %swap3A_337 : vector<1x16xi32> to vector<16xi32>
      %swap3A_339 = vector.shape_cast %select_n3A_334 : vector<16xi32> to vector<1x16xi32>
      tpu.vector_store %arg7[%swap3A_335, %swap3A_336], %swap3A_339 {strides = array<i32>} : memref<250x80xi32, #tpu.memory_space<vmem>>, vector<1x16xi32>,
      %get3A_340 = arith.index_cast %scan3A_263 : i32 to index
      %get3A_341 = arith.constant 64 : index
      %get3A_342 = tpu.vector_load %arg7[%get3A_340, %get3A_341] {strides = array<i32>} : memref<250x80xi32, #tpu.memory_space<vmem>>, vector<1x16xi32>,
      %get3A_343 = vector.shape_cast %get3A_342 : vector<1x16xi32> to vector<16xi32>
      %sub3A_344 = vector.broadcast %mul3A_176 : i32 to vector<16xi32>
      %sub3A_345 = arith.subi %get3A_343, %sub3A_344 : vector<16xi32>
      %ge3A_346 = arith.constant 0 : i32
      %ge3A_347 = vector.broadcast %ge3A_346 : i32 to vector<16xi32>
      %ge3A_348 = arith.cmpi sge, %sub3A_345, %ge3A_347 : vector<16xi32>
      %lt3A_349 = vector.broadcast %select_n3A_181 : i32 to vector<16xi32>
      %lt3A_350 = arith.cmpi slt, %sub3A_345, %lt3A_349 : vector<16xi32>
      %and3A_351 = arith.andi %ge3A_348, %lt3A_350 : vector<16xi1>
      %jit3A_352 = arith.constant 1680 : i32
      %broadcast_in_dim3A_353 = vector.broadcast %jit3A_352 : i32 to vector<16xi32>
      %select_n3A_354 = arith.select %and3A_351, %sub3A_345, %broadcast_in_dim3A_353 : vector<16xi1>, vector<16xi32>
      %swap3A_355 = arith.index_cast %scan3A_263 : i32 to index
      %swap3A_356 = arith.constant 64 : index
      %swap3A_357 = tpu.vector_load %arg7[%swap3A_355, %swap3A_356] {strides = array<i32>} : memref<250x80xi32, #tpu.memory_space<vmem>>, vector<1x16xi32>,
      %swap3A_358 = vector.shape_cast %swap3A_357 : vector<1x16xi32> to vector<16xi32>
      %swap3A_359 = vector.shape_cast %select_n3A_354 : vector<16xi32> to vector<1x16xi32>
      tpu.vector_store %arg7[%swap3A_355, %swap3A_356], %swap3A_359 {strides = array<i32>} : memref<250x80xi32, #tpu.memory_space<vmem>>, vector<1x16xi32>,
      %scan3A_360 = arith.constant 0 : i32
      scf.yield %scan3A_360 : i32
    }
    %scan3A_198 = arith.constant 250 : i32
    %barrier3A_199 = arith.constant 0 : index
    tpu.barrier barrier_id(%barrier3A_199)
    %dma_start3A_200 = arith.constant 0 : i32
    %dma_start3A_201 = arith.constant 0 : i32
    %dma_start3A_202 = tpu.memref_slice %arg6[%dma_start3A_200, %dma_start3A_201] : memref<250x80xi32, #tpu.memory_space<vmem>> -> memref<1x80xi32, #tpu.memory_space<vmem>>
    %dma_start3A_203 = tpu.memref_squeeze %dma_start3A_202 : memref<1x80xi32, #tpu.memory_space<vmem>> -> memref<80xi32, #tpu.memory_space<vmem>>
    %dma_start3A_204 = arith.constant 0 : i32
    %dma_start3A_205 = arith.constant 0 : i32
    %dma_start3A_206 = tpu.memref_slice %arg2[%dma_start3A_204, %dma_start3A_205] : memref<10000x128xf32, #tpu.memory_space<hbm>> -> memref<10000x128xf32, #tpu.memory_space<hbm>>
    tpu.enqueue_indirect_dma source(%dma_start3A_206 : memref<10000x128xf32, #tpu.memory_space<hbm>>) target(%arg8 : memref<80x128xf32, #tpu.memory_space<vmem>>) offsets(%dma_start3A_203 : memref<80xi32, #tpu.memory_space<vmem>>) semaphore(%arg13 : memref<!tpu.dma_semaphore, #tpu.memory_space<semaphore_mem>>)
    %dma_start3A_207 = arith.constant 1 : i32
    %dma_start3A_208 = arith.constant 0 : i32
    %dma_start3A_209 = tpu.memref_slice %arg6[%dma_start3A_207, %dma_start3A_208] : memref<250x80xi32, #tpu.memory_space<vmem>> -> memref<1x80xi32, #tpu.memory_space<vmem>>
    %dma_start3A_210 = tpu.memref_squeeze %dma_start3A_209 : memref<1x80xi32, #tpu.memory_space<vmem>> -> memref<80xi32, #tpu.memory_space<vmem>>
    %dma_start3A_211 = arith.constant 0 : i32
    %dma_start3A_212 = arith.constant 0 : i32
    %dma_start3A_213 = tpu.memref_slice %arg2[%dma_start3A_211, %dma_start3A_212] : memref<10000x128xf32, #tpu.memory_space<hbm>> -> memref<10000x128xf32, #tpu.memory_space<hbm>>
    tpu.enqueue_indirect_dma source(%dma_start3A_213 : memref<10000x128xf32, #tpu.memory_space<hbm>>) target(%arg9 : memref<80x128xf32, #tpu.memory_space<vmem>>) offsets(%dma_start3A_210 : memref<80xi32, #tpu.memory_space<vmem>>) semaphore(%arg14 : memref<!tpu.dma_semaphore, #tpu.memory_space<semaphore_mem>>)
    %scan3A_214 = arith.constant 0 : i32
    %scan3A_215 = arith.constant 0 : i32
    %scan3A_216 = arith.constant 124 : i32
    %scan3A_217 = arith.addi %scan3A_215, %scan3A_216 : i32
    %scan3A_218 = arith.constant 1 : i32
    %scan3A_219 = scf.for %scan3A_263 = %scan3A_215 to %scan3A_217 step %scan3A_218 iter_args(%scan3A_264 = %scan3A_214) -> (i32)  : i32 {
      %mul3A_265 = arith.constant 2 : i32
      %mul3A_266 = arith.muli %mul3A_265, %scan3A_263 : i32
      %dma_wait3A_267 = arith.constant 0 : i32
      %dma_wait3A_268 = tpu.memref_slice %arg6[%mul3A_266, %dma_wait3A_267] : memref<250x80xi32, #tpu.memory_space<vmem>> -> memref<1x80xi32, #tpu.memory_space<vmem>>
      %dma_wait3A_269 = tpu.memref_squeeze %dma_wait3A_268 : memref<1x80xi32, #tpu.memory_space<vmem>> -> memref<80xi32, #tpu.memory_space<vmem>>
      %dma_wait3A_270 = arith.constant 0 : i32
      %dma_wait3A_271 = arith.constant 0 : i32
      %dma_wait3A_272 = tpu.memref_slice %arg2[%dma_wait3A_270, %dma_wait3A_271] : memref<10000x128xf32, #tpu.memory_space<hbm>> -> memref<10000x128xf32, #tpu.memory_space<hbm>>
      tpu.wait_indirect_dma semaphore(%arg13 : memref<!tpu.dma_semaphore, #tpu.memory_space<semaphore_mem>>) src(%dma_wait3A_272 : memref<10000x128xf32, #tpu.memory_space<hbm>>) dst(%arg8 : memref<80x128xf32, #tpu.memory_space<vmem>>)
      "tpu.region"() ({
        %run_scoped3A_298 = tpu.sem_alloc : memref<!tpu.dma_semaphore, #tpu.memory_space<semaphore_mem>>
        %dma_start3A_299 = arith.constant 0 : i32
        %dma_start3A_300 = tpu.memref_slice %arg7[%mul3A_266, %dma_start3A_299] : memref<250x80xi32, #tpu.memory_space<vmem>> -> memref<1x80xi32, #tpu.memory_space<vmem>>
        %dma_start3A_301 = tpu.memref_squeeze %dma_start3A_300 : memref<1x80xi32, #tpu.memory_space<vmem>> -> memref<80xi32, #tpu.memory_space<vmem>>
        %dma_start3A_302 = arith.constant 0 : i32
        %dma_start3A_303 = arith.constant 0 : i32
        %dma_start3A_304 = tpu.memref_slice %arg12[%dma_start3A_302, %dma_start3A_303] : memref<1688x128xf32, #tpu.memory_space<vmem_shared>> -> memref<1688x128xf32, #tpu.memory_space<vmem_shared>>
        tpu.enqueue_indirect_dma source(%arg8 : memref<80x128xf32, #tpu.memory_space<vmem>>) target(%dma_start3A_304 : memref<1688x128xf32, #tpu.memory_space<vmem_shared>>) offsets(%dma_start3A_301 : memref<80xi32, #tpu.memory_space<vmem>>) semaphore(%run_scoped3A_298 : memref<!tpu.dma_semaphore, #tpu.memory_space<semaphore_mem>>) {add = true}
        %dma_wait3A_305 = arith.constant 0 : i32
        %dma_wait3A_306 = tpu.memref_slice %arg7[%mul3A_266, %dma_wait3A_305] : memref<250x80xi32, #tpu.memory_space<vmem>> -> memref<1x80xi32, #tpu.memory_space<vmem>>
        %dma_wait3A_307 = tpu.memref_squeeze %dma_wait3A_306 : memref<1x80xi32, #tpu.memory_space<vmem>> -> memref<80xi32, #tpu.memory_space<vmem>>
        %dma_wait3A_308 = arith.constant 0 : i32
        %dma_wait3A_309 = arith.constant 0 : i32
        %dma_wait3A_310 = tpu.memref_slice %arg12[%dma_wait3A_308, %dma_wait3A_309] : memref<1688x128xf32, #tpu.memory_space<vmem_shared>> -> memref<1688x128xf32, #tpu.memory_space<vmem_shared>>
        tpu.wait_indirect_dma semaphore(%run_scoped3A_298 : memref<!tpu.dma_semaphore, #tpu.memory_space<semaphore_mem>>) src(%arg8 : memref<80x128xf32, #tpu.memory_space<vmem>>) dst(%dma_wait3A_310 : memref<1688x128xf32, #tpu.memory_space<vmem_shared>>)
        tpu.yield
      }) : () -> ()
      %add3A_273 = arith.constant 2 : i32
      %add3A_274 = arith.addi %mul3A_266, %add3A_273 : i32
      %dma_start3A_275 = arith.constant 0 : i32
      %dma_start3A_276 = tpu.memref_slice %arg6[%add3A_274, %dma_start3A_275] : memref<250x80xi32, #tpu.memory_space<vmem>> -> memref<1x80xi32, #tpu.memory_space<vmem>>
      %dma_start3A_277 = tpu.memref_squeeze %dma_start3A_276 : memref<1x80xi32, #tpu.memory_space<vmem>> -> memref<80xi32, #tpu.memory_space<vmem>>
      %dma_start3A_278 = arith.constant 0 : i32
      %dma_start3A_279 = arith.constant 0 : i32
      %dma_start3A_280 = tpu.memref_slice %arg2[%dma_start3A_278, %dma_start3A_279] : memref<10000x128xf32, #tpu.memory_space<hbm>> -> memref<10000x128xf32, #tpu.memory_space<hbm>>
      tpu.enqueue_indirect_dma source(%dma_start3A_280 : memref<10000x128xf32, #tpu.memory_space<hbm>>) target(%arg8 : memref<80x128xf32, #tpu.memory_space<vmem>>) offsets(%dma_start3A_277 : memref<80xi32, #tpu.memory_space<vmem>>) semaphore(%arg13 : memref<!tpu.dma_semaphore, #tpu.memory_space<semaphore_mem>>)
      %add3A_281 = arith.constant 1 : i32
      %add3A_282 = arith.addi %mul3A_266, %add3A_281 : i32
      %dma_wait3A_283 = arith.constant 0 : i32
      %dma_wait3A_284 = tpu.memref_slice %arg6[%add3A_282, %dma_wait3A_283] : memref<250x80xi32, #tpu.memory_space<vmem>> -> memref<1x80xi32, #tpu.memory_space<vmem>>
      %dma_wait3A_285 = tpu.memref_squeeze %dma_wait3A_284 : memref<1x80xi32, #tpu.memory_space<vmem>> -> memref<80xi32, #tpu.memory_space<vmem>>
      %dma_wait3A_286 = arith.constant 0 : i32
      %dma_wait3A_287 = arith.constant 0 : i32
      %dma_wait3A_288 = tpu.memref_slice %arg2[%dma_wait3A_286, %dma_wait3A_287] : memref<10000x128xf32, #tpu.memory_space<hbm>> -> memref<10000x128xf32, #tpu.memory_space<hbm>>
      tpu.wait_indirect_dma semaphore(%arg14 : memref<!tpu.dma_semaphore, #tpu.memory_space<semaphore_mem>>) src(%dma_wait3A_288 : memref<10000x128xf32, #tpu.memory_space<hbm>>) dst(%arg9 : memref<80x128xf32, #tpu.memory_space<vmem>>)
      "tpu.region"() ({
        %run_scoped3A_298 = tpu.sem_alloc : memref<!tpu.dma_semaphore, #tpu.memory_space<semaphore_mem>>
        %dma_start3A_299 = arith.constant 0 : i32
        %dma_start3A_300 = tpu.memref_slice %arg7[%add3A_282, %dma_start3A_299] : memref<250x80xi32, #tpu.memory_space<vmem>> -> memref<1x80xi32, #tpu.memory_space<vmem>>
        %dma_start3A_301 = tpu.memref_squeeze %dma_start3A_300 : memref<1x80xi32, #tpu.memory_space<vmem>> -> memref<80xi32, #tpu.memory_space<vmem>>
        %dma_start3A_302 = arith.constant 0 : i32
        %dma_start3A_303 = arith.constant 0 : i32
        %dma_start3A_304 = tpu.memref_slice %arg12[%dma_start3A_302, %dma_start3A_303] : memref<1688x128xf32, #tpu.memory_space<vmem_shared>> -> memref<1688x128xf32, #tpu.memory_space<vmem_shared>>
        tpu.enqueue_indirect_dma source(%arg9 : memref<80x128xf32, #tpu.memory_space<vmem>>) target(%dma_start3A_304 : memref<1688x128xf32, #tpu.memory_space<vmem_shared>>) offsets(%dma_start3A_301 : memref<80xi32, #tpu.memory_space<vmem>>) semaphore(%run_scoped3A_298 : memref<!tpu.dma_semaphore, #tpu.memory_space<semaphore_mem>>) {add = true}
        %dma_wait3A_305 = arith.constant 0 : i32
        %dma_wait3A_306 = tpu.memref_slice %arg7[%add3A_282, %dma_wait3A_305] : memref<250x80xi32, #tpu.memory_space<vmem>> -> memref<1x80xi32, #tpu.memory_space<vmem>>
        %dma_wait3A_307 = tpu.memref_squeeze %dma_wait3A_306 : memref<1x80xi32, #tpu.memory_space<vmem>> -> memref<80xi32, #tpu.memory_space<vmem>>
        %dma_wait3A_308 = arith.constant 0 : i32
        %dma_wait3A_309 = arith.constant 0 : i32
        %dma_wait3A_310 = tpu.memref_slice %arg12[%dma_wait3A_308, %dma_wait3A_309] : memref<1688x128xf32, #tpu.memory_space<vmem_shared>> -> memref<1688x128xf32, #tpu.memory_space<vmem_shared>>
        tpu.wait_indirect_dma semaphore(%run_scoped3A_298 : memref<!tpu.dma_semaphore, #tpu.memory_space<semaphore_mem>>) src(%arg9 : memref<80x128xf32, #tpu.memory_space<vmem>>) dst(%dma_wait3A_310 : memref<1688x128xf32, #tpu.memory_space<vmem_shared>>)
        tpu.yield
      }) : () -> ()
      %add3A_289 = arith.constant 3 : i32
      %add3A_290 = arith.addi %mul3A_266, %add3A_289 : i32
      %dma_start3A_291 = arith.constant 0 : i32
      %dma_start3A_292 = tpu.memref_slice %arg6[%add3A_290, %dma_start3A_291] : memref<250x80xi32, #tpu.memory_space<vmem>> -> memref<1x80xi32, #tpu.memory_space<vmem>>
      %dma_start3A_293 = tpu.memref_squeeze %dma_start3A_292 : memref<1x80xi32, #tpu.memory_space<vmem>> -> memref<80xi32, #tpu.memory_space<vmem>>
      %dma_start3A_294 = arith.constant 0 : i32
      %dma_start3A_295 = arith.constant 0 : i32
      %dma_start3A_296 = tpu.memref_slice %arg2[%dma_start3A_294, %dma_start3A_295] : memref<10000x128xf32, #tpu.memory_space<hbm>> -> memref<10000x128xf32, #tpu.memory_space<hbm>>
      tpu.enqueue_indirect_dma source(%dma_start3A_296 : memref<10000x128xf32, #tpu.memory_space<hbm>>) target(%arg9 : memref<80x128xf32, #tpu.memory_space<vmem>>) offsets(%dma_start3A_293 : memref<80xi32, #tpu.memory_space<vmem>>) semaphore(%arg14 : memref<!tpu.dma_semaphore, #tpu.memory_space<semaphore_mem>>)
      %scan3A_297 = arith.constant 0 : i32
      scf.yield %scan3A_297 : i32
    }
    %scan3A_220 = arith.constant 124 : i32
    %dma_wait3A_221 = arith.constant 248 : i32
    %dma_wait3A_222 = arith.constant 0 : i32
    %dma_wait3A_223 = tpu.memref_slice %arg6[%dma_wait3A_221, %dma_wait3A_222] : memref<250x80xi32, #tpu.memory_space<vmem>> -> memref<1x80xi32, #tpu.memory_space<vmem>>
    %dma_wait3A_224 = tpu.memref_squeeze %dma_wait3A_223 : memref<1x80xi32, #tpu.memory_space<vmem>> -> memref<80xi32, #tpu.memory_space<vmem>>
    %dma_wait3A_225 = arith.constant 0 : i32
    %dma_wait3A_226 = arith.constant 0 : i32
    %dma_wait3A_227 = tpu.memref_slice %arg2[%dma_wait3A_225, %dma_wait3A_226] : memref<10000x128xf32, #tpu.memory_space<hbm>> -> memref<10000x128xf32, #tpu.memory_space<hbm>>
    tpu.wait_indirect_dma semaphore(%arg13 : memref<!tpu.dma_semaphore, #tpu.memory_space<semaphore_mem>>) src(%dma_wait3A_227 : memref<10000x128xf32, #tpu.memory_space<hbm>>) dst(%arg8 : memref<80x128xf32, #tpu.memory_space<vmem>>)
    %run_scoped3A_228 = arith.constant 248 : i32
    "tpu.region"() ({
      %run_scoped3A_263 = tpu.sem_alloc : memref<!tpu.dma_semaphore, #tpu.memory_space<semaphore_mem>>
      %dma_start3A_264 = arith.constant 0 : i32
      %dma_start3A_265 = tpu.memref_slice %arg7[%run_scoped3A_228, %dma_start3A_264] : memref<250x80xi32, #tpu.memory_space<vmem>> -> memref<1x80xi32, #tpu.memory_space<vmem>>
      %dma_start3A_266 = tpu.memref_squeeze %dma_start3A_265 : memref<1x80xi32, #tpu.memory_space<vmem>> -> memref<80xi32, #tpu.memory_space<vmem>>
      %dma_start3A_267 = arith.constant 0 : i32
      %dma_start3A_268 = arith.constant 0 : i32
      %dma_start3A_269 = tpu.memref_slice %arg12[%dma_start3A_267, %dma_start3A_268] : memref<1688x128xf32, #tpu.memory_space<vmem_shared>> -> memref<1688x128xf32, #tpu.memory_space<vmem_shared>>
      tpu.enqueue_indirect_dma source(%arg8 : memref<80x128xf32, #tpu.memory_space<vmem>>) target(%dma_start3A_269 : memref<1688x128xf32, #tpu.memory_space<vmem_shared>>) offsets(%dma_start3A_266 : memref<80xi32, #tpu.memory_space<vmem>>) semaphore(%run_scoped3A_263 : memref<!tpu.dma_semaphore, #tpu.memory_space<semaphore_mem>>) {add = true}
      %dma_wait3A_270 = arith.constant 0 : i32
      %dma_wait3A_271 = tpu.memref_slice %arg7[%run_scoped3A_228, %dma_wait3A_270] : memref<250x80xi32, #tpu.memory_space<vmem>> -> memref<1x80xi32, #tpu.memory_space<vmem>>
      %dma_wait3A_272 = tpu.memref_squeeze %dma_wait3A_271 : memref<1x80xi32, #tpu.memory_space<vmem>> -> memref<80xi32, #tpu.memory_space<vmem>>
      %dma_wait3A_273 = arith.constant 0 : i32
      %dma_wait3A_274 = arith.constant 0 : i32
      %dma_wait3A_275 = tpu.memref_slice %arg12[%dma_wait3A_273, %dma_wait3A_274] : memref<1688x128xf32, #tpu.memory_space<vmem_shared>> -> memref<1688x128xf32, #tpu.memory_space<vmem_shared>>
      tpu.wait_indirect_dma semaphore(%run_scoped3A_263 : memref<!tpu.dma_semaphore, #tpu.memory_space<semaphore_mem>>) src(%arg8 : memref<80x128xf32, #tpu.memory_space<vmem>>) dst(%dma_wait3A_275 : memref<1688x128xf32, #tpu.memory_space<vmem_shared>>)
      tpu.yield
    }) : () -> ()
    %dma_wait3A_229 = arith.constant 249 : i32
    %dma_wait3A_230 = arith.constant 0 : i32
    %dma_wait3A_231 = tpu.memref_slice %arg6[%dma_wait3A_229, %dma_wait3A_230] : memref<250x80xi32, #tpu.memory_space<vmem>> -> memref<1x80xi32, #tpu.memory_space<vmem>>
    %dma_wait3A_232 = tpu.memref_squeeze %dma_wait3A_231 : memref<1x80xi32, #tpu.memory_space<vmem>> -> memref<80xi32, #tpu.memory_space<vmem>>
    %dma_wait3A_233 = arith.constant 0 : i32
    %dma_wait3A_234 = arith.constant 0 : i32
    %dma_wait3A_235 = tpu.memref_slice %arg2[%dma_wait3A_233, %dma_wait3A_234] : memref<10000x128xf32, #tpu.memory_space<hbm>> -> memref<10000x128xf32, #tpu.memory_space<hbm>>
    tpu.wait_indirect_dma semaphore(%arg14 : memref<!tpu.dma_semaphore, #tpu.memory_space<semaphore_mem>>) src(%dma_wait3A_235 : memref<10000x128xf32, #tpu.memory_space<hbm>>) dst(%arg9 : memref<80x128xf32, #tpu.memory_space<vmem>>)
    %run_scoped3A_236 = arith.constant 249 : i32
    "tpu.region"() ({
      %run_scoped3A_263 = tpu.sem_alloc : memref<!tpu.dma_semaphore, #tpu.memory_space<semaphore_mem>>
      %dma_start3A_264 = arith.constant 0 : i32
      %dma_start3A_265 = tpu.memref_slice %arg7[%run_scoped3A_236, %dma_start3A_264] : memref<250x80xi32, #tpu.memory_space<vmem>> -> memref<1x80xi32, #tpu.memory_space<vmem>>
      %dma_start3A_266 = tpu.memref_squeeze %dma_start3A_265 : memref<1x80xi32, #tpu.memory_space<vmem>> -> memref<80xi32, #tpu.memory_space<vmem>>
      %dma_start3A_267 = arith.constant 0 : i32
      %dma_start3A_268 = arith.constant 0 : i32
      %dma_start3A_269 = tpu.memref_slice %arg12[%dma_start3A_267, %dma_start3A_268] : memref<1688x128xf32, #tpu.memory_space<vmem_shared>> -> memref<1688x128xf32, #tpu.memory_space<vmem_shared>>
      tpu.enqueue_indirect_dma source(%arg9 : memref<80x128xf32, #tpu.memory_space<vmem>>) target(%dma_start3A_269 : memref<1688x128xf32, #tpu.memory_space<vmem_shared>>) offsets(%dma_start3A_266 : memref<80xi32, #tpu.memory_space<vmem>>) semaphore(%run_scoped3A_263 : memref<!tpu.dma_semaphore, #tpu.memory_space<semaphore_mem>>) {add = true}
      %dma_wait3A_270 = arith.constant 0 : i32
      %dma_wait3A_271 = tpu.memref_slice %arg7[%run_scoped3A_236, %dma_wait3A_270] : memref<250x80xi32, #tpu.memory_space<vmem>> -> memref<1x80xi32, #tpu.memory_space<vmem>>
      %dma_wait3A_272 = tpu.memref_squeeze %dma_wait3A_271 : memref<1x80xi32, #tpu.memory_space<vmem>> -> memref<80xi32, #tpu.memory_space<vmem>>
      %dma_wait3A_273 = arith.constant 0 : i32
      %dma_wait3A_274 = arith.constant 0 : i32
      %dma_wait3A_275 = tpu.memref_slice %arg12[%dma_wait3A_273, %dma_wait3A_274] : memref<1688x128xf32, #tpu.memory_space<vmem_shared>> -> memref<1688x128xf32, #tpu.memory_space<vmem_shared>>
      tpu.wait_indirect_dma semaphore(%run_scoped3A_263 : memref<!tpu.dma_semaphore, #tpu.memory_space<semaphore_mem>>) src(%arg9 : memref<80x128xf32, #tpu.memory_space<vmem>>) dst(%dma_wait3A_275 : memref<1688x128xf32, #tpu.memory_space<vmem_shared>>)
      tpu.yield
    }) : () -> ()
    %barrier3A_237 = arith.constant 0 : index
    tpu.barrier barrier_id(%barrier3A_237)
    %lt3A_238 = arith.constant 5 : i32
    %lt3A_239 = arith.cmpi slt, %add3A_174, %lt3A_238 : i32
    %lt3A_240 = arith.constant 15 : i32
    %lt3A_241 = arith.cmpi slt, %arg1, %lt3A_240 : i32
    %and3A_242 = arith.andi %lt3A_239, %lt3A_241 : i1
    %convert_element_type3A_243 = arith.extui %and3A_242 : i1 to i32
    %cond3A_244 = arith.constant 0 : i32
    %cond3A_245 = arith.cmpi ne, %convert_element_type3A_243, %cond3A_244 : i32
    scf.if %cond3A_245 {
      %mul3A_263 = arith.constant 112 : i32
      %mul3A_264 = arith.muli %mul3A_263, %arg1 : i32
      "tpu.region"() ({
        %run_scoped3A_268 = tpu.sem_alloc : memref<!tpu.dma_semaphore, #tpu.memory_space<semaphore_mem>>
        %dma_start3A_269 = arith.constant 0 : i32
        %dma_start3A_270 = tpu.memref_slice %arg12[%mul3A_264, %dma_start3A_269] : memref<1688x128xf32, #tpu.memory_space<vmem_shared>> -> memref<112x128xf32, #tpu.memory_space<vmem_shared>>
        %dma_start3A_271 = arith.constant 0 : i32
        %dma_start3A_272 = tpu.memref_slice %arg12[%mul3A_264, %dma_start3A_271] : memref<1688x128xf32, #tpu.memory_space<vmem_shared>> -> memref<112x128xf32, #tpu.memory_space<vmem_shared>>
        tpu.enqueue_dma source(%dma_start3A_272 : memref<112x128xf32, #tpu.memory_space<vmem_shared>>) target(%arg11 : memref<112x128xf32, #tpu.memory_space<vmem>>) target_semaphore(%run_scoped3A_268 : memref<!tpu.dma_semaphore, #tpu.memory_space<semaphore_mem>>)
        %dma_wait3A_273 = arith.constant 0 : i32
        %dma_wait3A_274 = tpu.memref_slice %arg12[%mul3A_264, %dma_wait3A_273] : memref<1688x128xf32, #tpu.memory_space<vmem_shared>> -> memref<112x128xf32, #tpu.memory_space<vmem_shared>>
        %dma_wait3A_275 = arith.constant 0 : i32
        %dma_wait3A_276 = tpu.memref_slice %arg12[%mul3A_264, %dma_wait3A_275] : memref<1688x128xf32, #tpu.memory_space<vmem_shared>> -> memref<112x128xf32, #tpu.memory_space<vmem_shared>>
        tpu.wait_dma2 semaphore(%run_scoped3A_268 : memref<!tpu.dma_semaphore, #tpu.memory_space<semaphore_mem>>) src(%dma_wait3A_276 : memref<112x128xf32, #tpu.memory_space<vmem_shared>>) dst(%arg11 : memref<112x128xf32, #tpu.memory_space<vmem>>)
        tpu.yield
      }) : () -> ()
      %mul3A_265 = arith.constant 112 : i32
      %mul3A_266 = arith.muli %mul3A_265, %arg1 : i32
      %add3A_267 = arith.addi %mul3A_176, %mul3A_266 : i32
      "tpu.region"() ({
        %run_scoped3A_268 = tpu.sem_alloc : memref<!tpu.dma_semaphore, #tpu.memory_space<semaphore_mem>>
        %dma_start3A_269 = arith.constant 0 : i32
        %dma_start3A_270 = tpu.memref_slice %arg5[%add3A_267, %dma_start3A_269] : memref<10000x128xf32, #tpu.memory_space<hbm>> -> memref<112x128xf32, #tpu.memory_space<hbm>>
        %dma_start3A_271 = arith.constant 0 : i32
        %dma_start3A_272 = tpu.memref_slice %arg5[%add3A_267, %dma_start3A_271] : memref<10000x128xf32, #tpu.memory_space<hbm>> -> memref<112x128xf32, #tpu.memory_space<hbm>>
        tpu.enqueue_dma source(%arg11 : memref<112x128xf32, #tpu.memory_space<vmem>>) target(%dma_start3A_272 : memref<112x128xf32, #tpu.memory_space<hbm>>) target_semaphore(%run_scoped3A_268 : memref<!tpu.dma_semaphore, #tpu.memory_space<semaphore_mem>>)
        %dma_wait3A_273 = arith.constant 0 : i32
        %dma_wait3A_274 = tpu.memref_slice %arg5[%add3A_267, %dma_wait3A_273] : memref<10000x128xf32, #tpu.memory_space<hbm>> -> memref<112x128xf32, #tpu.memory_space<hbm>>
        %dma_wait3A_275 = arith.constant 0 : i32
        %dma_wait3A_276 = tpu.memref_slice %arg5[%add3A_267, %dma_wait3A_275] : memref<10000x128xf32, #tpu.memory_space<hbm>> -> memref<112x128xf32, #tpu.memory_space<hbm>>
        tpu.wait_dma2 semaphore(%run_scoped3A_268 : memref<!tpu.dma_semaphore, #tpu.memory_space<semaphore_mem>>) src(%arg11 : memref<112x128xf32, #tpu.memory_space<vmem>>) dst(%dma_wait3A_276 : memref<112x128xf32, #tpu.memory_space<hbm>>)
        tpu.yield
      }) : () -> ()
    } else {
    }
    %eq3A_246 = arith.constant 5 : i32
    %eq3A_247 = arith.cmpi eq, %add3A_174, %eq3A_246 : i32
    %lt3A_248 = arith.constant 14 : i32
    %lt3A_249 = arith.cmpi slt, %arg1, %lt3A_248 : i32
    %and3A_250 = arith.andi %eq3A_247, %lt3A_249 : i1
    %convert_element_type3A_251 = arith.extui %and3A_250 : i1 to i32
    %cond3A_252 = arith.constant 0 : i32
    %cond3A_253 = arith.cmpi ne, %convert_element_type3A_251, %cond3A_252 : i32
    scf.if %cond3A_253 {
      %mul3A_263 = arith.constant 112 : i32
      %mul3A_264 = arith.muli %mul3A_263, %arg1 : i32
      "tpu.region"() ({
        %run_scoped3A_268 = tpu.sem_alloc : memref<!tpu.dma_semaphore, #tpu.memory_space<semaphore_mem>>
        %dma_start3A_269 = arith.constant 0 : i32
        %dma_start3A_270 = tpu.memref_slice %arg12[%mul3A_264, %dma_start3A_269] : memref<1688x128xf32, #tpu.memory_space<vmem_shared>> -> memref<112x128xf32, #tpu.memory_space<vmem_shared>>
        %dma_start3A_271 = arith.constant 0 : i32
        %dma_start3A_272 = tpu.memref_slice %arg12[%mul3A_264, %dma_start3A_271] : memref<1688x128xf32, #tpu.memory_space<vmem_shared>> -> memref<112x128xf32, #tpu.memory_space<vmem_shared>>
        tpu.enqueue_dma source(%dma_start3A_272 : memref<112x128xf32, #tpu.memory_space<vmem_shared>>) target(%arg11 : memref<112x128xf32, #tpu.memory_space<vmem>>) target_semaphore(%run_scoped3A_268 : memref<!tpu.dma_semaphore, #tpu.memory_space<semaphore_mem>>)
        %dma_wait3A_273 = arith.constant 0 : i32
        %dma_wait3A_274 = tpu.memref_slice %arg12[%mul3A_264, %dma_wait3A_273] : memref<1688x128xf32, #tpu.memory_space<vmem_shared>> -> memref<112x128xf32, #tpu.memory_space<vmem_shared>>
        %dma_wait3A_275 = arith.constant 0 : i32
        %dma_wait3A_276 = tpu.memref_slice %arg12[%mul3A_264, %dma_wait3A_275] : memref<1688x128xf32, #tpu.memory_space<vmem_shared>> -> memref<112x128xf32, #tpu.memory_space<vmem_shared>>
        tpu.wait_dma2 semaphore(%run_scoped3A_268 : memref<!tpu.dma_semaphore, #tpu.memory_space<semaphore_mem>>) src(%dma_wait3A_276 : memref<112x128xf32, #tpu.memory_space<vmem_shared>>) dst(%arg11 : memref<112x128xf32, #tpu.memory_space<vmem>>)
        tpu.yield
      }) : () -> ()
      %mul3A_265 = arith.constant 112 : i32
      %mul3A_266 = arith.muli %mul3A_265, %arg1 : i32
      %add3A_267 = arith.addi %mul3A_176, %mul3A_266 : i32
      "tpu.region"() ({
        %run_scoped3A_268 = tpu.sem_alloc : memref<!tpu.dma_semaphore, #tpu.memory_space<semaphore_mem>>
        %dma_start3A_269 = arith.constant 0 : i32
        %dma_start3A_270 = tpu.memref_slice %arg5[%add3A_267, %dma_start3A_269] : memref<10000x128xf32, #tpu.memory_space<hbm>> -> memref<112x128xf32, #tpu.memory_space<hbm>>
        %dma_start3A_271 = arith.constant 0 : i32
        %dma_start3A_272 = tpu.memref_slice %arg5[%add3A_267, %dma_start3A_271] : memref<10000x128xf32, #tpu.memory_space<hbm>> -> memref<112x128xf32, #tpu.memory_space<hbm>>
        tpu.enqueue_dma source(%arg11 : memref<112x128xf32, #tpu.memory_space<vmem>>) target(%dma_start3A_272 : memref<112x128xf32, #tpu.memory_space<hbm>>) target_semaphore(%run_scoped3A_268 : memref<!tpu.dma_semaphore, #tpu.memory_space<semaphore_mem>>)
        %dma_wait3A_273 = arith.constant 0 : i32
        %dma_wait3A_274 = tpu.memref_slice %arg5[%add3A_267, %dma_wait3A_273] : memref<10000x128xf32, #tpu.memory_space<hbm>> -> memref<112x128xf32, #tpu.memory_space<hbm>>
        %dma_wait3A_275 = arith.constant 0 : i32
        %dma_wait3A_276 = tpu.memref_slice %arg5[%add3A_267, %dma_wait3A_275] : memref<10000x128xf32, #tpu.memory_space<hbm>> -> memref<112x128xf32, #tpu.memory_space<hbm>>
        tpu.wait_dma2 semaphore(%run_scoped3A_268 : memref<!tpu.dma_semaphore, #tpu.memory_space<semaphore_mem>>) src(%arg11 : memref<112x128xf32, #tpu.memory_space<vmem>>) dst(%dma_wait3A_276 : memref<112x128xf32, #tpu.memory_space<hbm>>)
        tpu.yield
      }) : () -> ()
    } else {
    }
    %eq3A_254 = arith.constant 5 : i32
    %eq3A_255 = arith.cmpi eq, %add3A_174, %eq3A_254 : i32
    %eq3A_256 = arith.constant 14 : i32
    %eq3A_257 = arith.cmpi eq, %arg1, %eq3A_256 : i32
    %and3A_258 = arith.andi %eq3A_255, %eq3A_257 : i1
    %convert_element_type3A_259 = arith.extui %and3A_258 : i1 to i32
    %cond3A_260 = arith.constant 0 : i32
    %cond3A_261 = arith.cmpi ne, %convert_element_type3A_259, %cond3A_260 : i32
    scf.if %cond3A_261 {
      "tpu.region"() ({
        %run_scoped3A_265 = tpu.sem_alloc : memref<!tpu.dma_semaphore, #tpu.memory_space<semaphore_mem>>
        %dma_start3A_266 = arith.constant 0 : i32
        %dma_start3A_267 = arith.constant 0 : i32
        %dma_start3A_268 = tpu.memref_slice %arg11[%dma_start3A_266, %dma_start3A_267] : memref<112x128xf32, #tpu.memory_space<vmem>> -> memref<32x128xf32, #tpu.memory_space<vmem>>
        %dma_start3A_269 = arith.constant 1568 : i32
        %dma_start3A_270 = arith.constant 0 : i32
        %dma_start3A_271 = tpu.memref_slice %arg12[%dma_start3A_269, %dma_start3A_270] : memref<1688x128xf32, #tpu.memory_space<vmem_shared>> -> memref<32x128xf32, #tpu.memory_space<vmem_shared>>
        %dma_start3A_272 = arith.constant 0 : i32
        %dma_start3A_273 = arith.constant 0 : i32
        %dma_start3A_274 = tpu.memref_slice %arg11[%dma_start3A_272, %dma_start3A_273] : memref<112x128xf32, #tpu.memory_space<vmem>> -> memref<32x128xf32, #tpu.memory_space<vmem>>
        %dma_start3A_275 = arith.constant 1568 : i32
        %dma_start3A_276 = arith.constant 0 : i32
        %dma_start3A_277 = tpu.memref_slice %arg12[%dma_start3A_275, %dma_start3A_276] : memref<1688x128xf32, #tpu.memory_space<vmem_shared>> -> memref<32x128xf32, #tpu.memory_space<vmem_shared>>
        tpu.enqueue_dma source(%dma_start3A_277 : memref<32x128xf32, #tpu.memory_space<vmem_shared>>) target(%dma_start3A_274 : memref<32x128xf32, #tpu.memory_space<vmem>>) target_semaphore(%run_scoped3A_265 : memref<!tpu.dma_semaphore, #tpu.memory_space<semaphore_mem>>)
        %dma_wait3A_278 = arith.constant 0 : i32
        %dma_wait3A_279 = arith.constant 0 : i32
        %dma_wait3A_280 = tpu.memref_slice %arg11[%dma_wait3A_278, %dma_wait3A_279] : memref<112x128xf32, #tpu.memory_space<vmem>> -> memref<32x128xf32, #tpu.memory_space<vmem>>
        %dma_wait3A_281 = arith.constant 1568 : i32
        %dma_wait3A_282 = arith.constant 0 : i32
        %dma_wait3A_283 = tpu.memref_slice %arg12[%dma_wait3A_281, %dma_wait3A_282] : memref<1688x128xf32, #tpu.memory_space<vmem_shared>> -> memref<32x128xf32, #tpu.memory_space<vmem_shared>>
        %dma_wait3A_284 = arith.constant 0 : i32
        %dma_wait3A_285 = arith.constant 0 : i32
        %dma_wait3A_286 = tpu.memref_slice %arg11[%dma_wait3A_284, %dma_wait3A_285] : memref<112x128xf32, #tpu.memory_space<vmem>> -> memref<32x128xf32, #tpu.memory_space<vmem>>
        %dma_wait3A_287 = arith.constant 1568 : i32
        %dma_wait3A_288 = arith.constant 0 : i32
        %dma_wait3A_289 = tpu.memref_slice %arg12[%dma_wait3A_287, %dma_wait3A_288] : memref<1688x128xf32, #tpu.memory_space<vmem_shared>> -> memref<32x128xf32, #tpu.memory_space<vmem_shared>>
        tpu.wait_dma2 semaphore(%run_scoped3A_265 : memref<!tpu.dma_semaphore, #tpu.memory_space<semaphore_mem>>) src(%dma_wait3A_289 : memref<32x128xf32, #tpu.memory_space<vmem_shared>>) dst(%dma_wait3A_286 : memref<32x128xf32, #tpu.memory_space<vmem>>)
        tpu.yield
      }) : () -> ()
      %add3A_263 = arith.constant 1568 : i32
      %add3A_264 = arith.addi %mul3A_176, %add3A_263 : i32
      "tpu.region"() ({
        %run_scoped3A_265 = tpu.sem_alloc : memref<!tpu.dma_semaphore, #tpu.memory_space<semaphore_mem>>
        %dma_start3A_266 = arith.constant 0 : i32
        %dma_start3A_267 = arith.constant 0 : i32
        %dma_start3A_268 = tpu.memref_slice %arg11[%dma_start3A_266, %dma_start3A_267] : memref<112x128xf32, #tpu.memory_space<vmem>> -> memref<32x128xf32, #tpu.memory_space<vmem>>
        %dma_start3A_269 = arith.constant 0 : i32
        %dma_start3A_270 = tpu.memref_slice %arg5[%add3A_264, %dma_start3A_269] : memref<10000x128xf32, #tpu.memory_space<hbm>> -> memref<32x128xf32, #tpu.memory_space<hbm>>
        %dma_start3A_271 = arith.constant 0 : i32
        %dma_start3A_272 = tpu.memref_slice %arg5[%add3A_264, %dma_start3A_271] : memref<10000x128xf32, #tpu.memory_space<hbm>> -> memref<32x128xf32, #tpu.memory_space<hbm>>
        %dma_start3A_273 = arith.constant 0 : i32
        %dma_start3A_274 = arith.constant 0 : i32
        %dma_start3A_275 = tpu.memref_slice %arg11[%dma_start3A_273, %dma_start3A_274] : memref<112x128xf32, #tpu.memory_space<vmem>> -> memref<32x128xf32, #tpu.memory_space<vmem>>
        tpu.enqueue_dma source(%dma_start3A_275 : memref<32x128xf32, #tpu.memory_space<vmem>>) target(%dma_start3A_272 : memref<32x128xf32, #tpu.memory_space<hbm>>) target_semaphore(%run_scoped3A_265 : memref<!tpu.dma_semaphore, #tpu.memory_space<semaphore_mem>>)
        %dma_wait3A_276 = arith.constant 0 : i32
        %dma_wait3A_277 = arith.constant 0 : i32
        %dma_wait3A_278 = tpu.memref_slice %arg11[%dma_wait3A_276, %dma_wait3A_277] : memref<112x128xf32, #tpu.memory_space<vmem>> -> memref<32x128xf32, #tpu.memory_space<vmem>>
        %dma_wait3A_279 = arith.constant 0 : i32
        %dma_wait3A_280 = tpu.memref_slice %arg5[%add3A_264, %dma_wait3A_279] : memref<10000x128xf32, #tpu.memory_space<hbm>> -> memref<32x128xf32, #tpu.memory_space<hbm>>
        %dma_wait3A_281 = arith.constant 0 : i32
        %dma_wait3A_282 = tpu.memref_slice %arg5[%add3A_264, %dma_wait3A_281] : memref<10000x128xf32, #tpu.memory_space<hbm>> -> memref<32x128xf32, #tpu.memory_space<hbm>>
        %dma_wait3A_283 = arith.constant 0 : i32
        %dma_wait3A_284 = arith.constant 0 : i32
        %dma_wait3A_285 = tpu.memref_slice %arg11[%dma_wait3A_283, %dma_wait3A_284] : memref<112x128xf32, #tpu.memory_space<vmem>> -> memref<32x128xf32, #tpu.memory_space<vmem>>
        tpu.wait_dma2 semaphore(%run_scoped3A_265 : memref<!tpu.dma_semaphore, #tpu.memory_space<semaphore_mem>>) src(%dma_wait3A_285 : memref<32x128xf32, #tpu.memory_space<vmem>>) dst(%dma_wait3A_282 : memref<32x128xf32, #tpu.memory_space<hbm>>)
        tpu.yield
      }) : () -> ()
    } else {
    }
    %barrier3A_262 = arith.constant 0 : index
    tpu.barrier barrier_id(%barrier3A_262)
    return
  }
}

#map = affine_map<(d0, d1) -> (0, 0)>
#map1 = affine_map<(d0, d1) -> (0, 0, 0)>
module attributes {stable_mosaic.version = 14 : i64} {
  func.func @_agg_call(%arg0: i32, %arg1: i32, %arg2: memref<10000x128xf32, #tpu.memory_space<hbm>>, %arg3: memref<16x250x80xi32, #tpu.memory_space<hbm>>, %arg4: memref<16x250x80xi32, #tpu.memory_space<hbm>>, %arg5: memref<10000x128xf32, #tpu.memory_space<hbm>>, %arg6: memref<250x80xi32, #tpu.memory_space<vmem>>, %arg7: memref<250x80xi32, #tpu.memory_space<vmem>>, %arg8: memref<80x128xf32, #tpu.memory_space<vmem>>, %arg9: memref<80x128xf32, #tpu.memory_space<vmem>>, %arg10: memref<112x128xf32, #tpu.memory_space<vmem>>, %arg11: memref<112x128xf32, #tpu.memory_space<vmem>>, %arg12: memref<1688x128xf32, #tpu.memory_space<vmem_shared>>, %arg13: memref<!tpu.dma_semaphore, #tpu.memory_space<semaphore_mem>>, %arg14: memref<!tpu.dma_semaphore, #tpu.memory_space<semaphore_mem>>) attributes {dimension_semantics = [#tpu.dimension_semantics<core_parallel>, #tpu.dimension_semantics<subcore_parallel>], iteration_bounds = array<i64: 2, 16>, scalar_prefetch = 0 : i64, scratch_operands = 9 : i64, tpu.core_type = #tpu.core_type<sc_vector_subcore>, window_params = [{transform_indices = #map}, {transform_indices = #map1}, {transform_indices = #map1}, {transform_indices = #map}]} {
    %scan3A = arith.constant 0 : i32
    %scan3A_0 = arith.constant 0 : i32
    %scan3A_1 = arith.constant 112 : i32
    %scan3A_2 = arith.addi %scan3A_0, %scan3A_1 : i32
    %scan3A_3 = arith.constant 1 : i32
    %scan3A_4 = scf.for %scan3A_263 = %scan3A_0 to %scan3A_2 step %scan3A_3 iter_args(%scan3A_264 = %scan3A) -> (i32)  : i32 {
      %broadcast_in_dim3A = arith.constant 0.000000e+00 : f32
      %broadcast_in_dim3A_265 = vector.broadcast %broadcast_in_dim3A : f32 to vector<16xf32>
      %swap3A = arith.index_cast %scan3A_263 : i32 to index
      %swap3A_266 = arith.constant 0 : index
      %swap3A_267 = tpu.vector_load %arg10[%swap3A, %swap3A_266] {strides = array<i32>} : memref<112x128xf32, #tpu.memory_space<vmem>>, vector<1x16xf32>,
      %swap3A_268 = vector.shape_cast %swap3A_267 : vector<1x16xf32> to vector<16xf32>
      %swap3A_269 = vector.shape_cast %broadcast_in_dim3A_265 : vector<16xf32> to vector<1x16xf32>
      tpu.vector_store %arg10[%swap3A, %swap3A_266], %swap3A_269 {strides = array<i32>} : memref<112x128xf32, #tpu.memory_space<vmem>>, vector<1x16xf32>,
      %broadcast_in_dim3A_270 = arith.constant 0.000000e+00 : f32
      %broadcast_in_dim3A_271 = vector.broadcast %broadcast_in_dim3A_270 : f32 to vector<16xf32>
      %swap3A_272 = arith.index_cast %scan3A_263 : i32 to index
      %swap3A_273 = arith.constant 16 : index
      %swap3A_274 = tpu.vector_load %arg10[%swap3A_272, %swap3A_273] {strides = array<i32>} : memref<112x128xf32, #tpu.memory_space<vmem>>, vector<1x16xf32>,
      %swap3A_275 = vector.shape_cast %swap3A_274 : vector<1x16xf32> to vector<16xf32>
      %swap3A_276 = vector.shape_cast %broadcast_in_dim3A_271 : vector<16xf32> to vector<1x16xf32>
      tpu.vector_store %arg10[%swap3A_272, %swap3A_273], %swap3A_276 {strides = array<i32>} : memref<112x128xf32, #tpu.memory_space<vmem>>, vector<1x16xf32>,
      %broadcast_in_dim3A_277 = arith.constant 0.000000e+00 : f32
      %broadcast_in_dim3A_278 = vector.broadcast %broadcast_in_dim3A_277 : f32 to vector<16xf32>
      %swap3A_279 = arith.index_cast %scan3A_263 : i32 to index
      %swap3A_280 = arith.constant 32 : index
      %swap3A_281 = tpu.vector_load %arg10[%swap3A_279, %swap3A_280] {strides = array<i32>} : memref<112x128xf32, #tpu.memory_space<vmem>>, vector<1x16xf32>,
      %swap3A_282 = vector.shape_cast %swap3A_281 : vector<1x16xf32> to vector<16xf32>
      %swap3A_283 = vector.shape_cast %broadcast_in_dim3A_278 : vector<16xf32> to vector<1x16xf32>
      tpu.vector_store %arg10[%swap3A_279, %swap3A_280], %swap3A_283 {strides = array<i32>} : memref<112x128xf32, #tpu.memory_space<vmem>>, vector<1x16xf32>,
      %broadcast_in_dim3A_284 = arith.constant 0.000000e+00 : f32
      %broadcast_in_dim3A_285 = vector.broadcast %broadcast_in_dim3A_284 : f32 to vector<16xf32>
      %swap3A_286 = arith.index_cast %scan3A_263 : i32 to index
      %swap3A_287 = arith.constant 48 : index
      %swap3A_288 = tpu.vector_load %arg10[%swap3A_286, %swap3A_287] {strides = array<i32>} : memref<112x128xf32, #tpu.memory_space<vmem>>, vector<1x16xf32>,
      %swap3A_289 = vector.shape_cast %swap3A_288 : vector<1x16xf32> to vector<16xf32>
      %swap3A_290 = vector.shape_cast %broadcast_in_dim3A_285 : vector<16xf32> to vector<1x16xf32>
      tpu.vector_store %arg10[%swap3A_286, %swap3A_287], %swap3A_290 {strides = array<i32>} : memref<112x128xf32, #tpu.memory_space<vmem>>, vector<1x16xf32>,
      %broadcast_in_dim3A_291 = arith.constant 0.000000e+00 : f32
      %broadcast_in_dim3A_292 = vector.broadcast %broadcast_in_dim3A_291 : f32 to vector<16xf32>
      %swap3A_293 = arith.index_cast %scan3A_263 : i32 to index
      %swap3A_294 = arith.constant 64 : index
      %swap3A_295 = tpu.vector_load %arg10[%swap3A_293, %swap3A_294] {strides = array<i32>} : memref<112x128xf32, #tpu.memory_space<vmem>>, vector<1x16xf32>,
      %swap3A_296 = vector.shape_cast %swap3A_295 : vector<1x16xf32> to vector<16xf32>
      %swap3A_297 = vector.shape_cast %broadcast_in_dim3A_292 : vector<16xf32> to vector<1x16xf32>
      tpu.vector_store %arg10[%swap3A_293, %swap3A_294], %swap3A_297 {strides = array<i32>} : memref<112x128xf32, #tpu.memory_space<vmem>>, vector<1x16xf32>,
      %broadcast_in_dim3A_298 = arith.constant 0.000000e+00 : f32
      %broadcast_in_dim3A_299 = vector.broadcast %broadcast_in_dim3A_298 : f32 to vector<16xf32>
      %swap3A_300 = arith.index_cast %scan3A_263 : i32 to index
      %swap3A_301 = arith.constant 80 : index
      %swap3A_302 = tpu.vector_load %arg10[%swap3A_300, %swap3A_301] {strides = array<i32>} : memref<112x128xf32, #tpu.memory_space<vmem>>, vector<1x16xf32>,
      %swap3A_303 = vector.shape_cast %swap3A_302 : vector<1x16xf32> to vector<16xf32>
      %swap3A_304 = vector.shape_cast %broadcast_in_dim3A_299 : vector<16xf32> to vector<1x16xf32>
      tpu.vector_store %arg10[%swap3A_300, %swap3A_301], %swap3A_304 {strides = array<i32>} : memref<112x128xf32, #tpu.memory_space<vmem>>, vector<1x16xf32>,
      %broadcast_in_dim3A_305 = arith.constant 0.000000e+00 : f32
      %broadcast_in_dim3A_306 = vector.broadcast %broadcast_in_dim3A_305 : f32 to vector<16xf32>
      %swap3A_307 = arith.index_cast %scan3A_263 : i32 to index
      %swap3A_308 = arith.constant 96 : index
      %swap3A_309 = tpu.vector_load %arg10[%swap3A_307, %swap3A_308] {strides = array<i32>} : memref<112x128xf32, #tpu.memory_space<vmem>>, vector<1x16xf32>,
      %swap3A_310 = vector.shape_cast %swap3A_309 : vector<1x16xf32> to vector<16xf32>
      %swap3A_311 = vector.shape_cast %broadcast_in_dim3A_306 : vector<16xf32> to vector<1x16xf32>
      tpu.vector_store %arg10[%swap3A_307, %swap3A_308], %swap3A_311 {strides = array<i32>} : memref<112x128xf32, #tpu.memory_space<vmem>>, vector<1x16xf32>,
      %broadcast_in_dim3A_312 = arith.constant 0.000000e+00 : f32
      %broadcast_in_dim3A_313 = vector.broadcast %broadcast_in_dim3A_312 : f32 to vector<16xf32>
      %swap3A_314 = arith.index_cast %scan3A_263 : i32 to index
      %swap3A_315 = arith.constant 112 : index
      %swap3A_316 = tpu.vector_load %arg10[%swap3A_314, %swap3A_315] {strides = array<i32>} : memref<112x128xf32, #tpu.memory_space<vmem>>, vector<1x16xf32>,
      %swap3A_317 = vector.shape_cast %swap3A_316 : vector<1x16xf32> to vector<16xf32>
      %swap3A_318 = vector.shape_cast %broadcast_in_dim3A_313 : vector<16xf32> to vector<1x16xf32>
      tpu.vector_store %arg10[%swap3A_314, %swap3A_315], %swap3A_318 {strides = array<i32>} : memref<112x128xf32, #tpu.memory_space<vmem>>, vector<1x16xf32>,
      %scan3A_319 = arith.constant 0 : i32
      scf.yield %scan3A_319 : i32
    }
    %scan3A_5 = arith.constant 112 : i32
    "tpu.region"() ({
      %run_scoped3A_263 = tpu.sem_alloc : memref<!tpu.dma_semaphore, #tpu.memory_space<semaphore_mem>>
      %dma_start3A_264 = arith.constant 0 : i32
      %dma_start3A_265 = arith.constant 0 : i32
      %dma_start3A_266 = tpu.memref_slice %arg3[%arg1, %dma_start3A_264, %dma_start3A_265] : memref<16x250x80xi32, #tpu.memory_space<hbm>> -> memref<1x250x80xi32, #tpu.memory_space<hbm>>
      %dma_start3A_267 = tpu.memref_squeeze %dma_start3A_266 : memref<1x250x80xi32, #tpu.memory_space<hbm>> -> memref<250x80xi32, #tpu.memory_space<hbm>>
      %dma_start3A_268 = arith.constant 0 : i32
      %dma_start3A_269 = arith.constant 0 : i32
      %dma_start3A_270 = tpu.memref_slice %arg3[%arg1, %dma_start3A_268, %dma_start3A_269] : memref<16x250x80xi32, #tpu.memory_space<hbm>> -> memref<1x250x80xi32, #tpu.memory_space<hbm>>
      %dma_start3A_271 = tpu.memref_squeeze %dma_start3A_270 : memref<1x250x80xi32, #tpu.memory_space<hbm>> -> memref<250x80xi32, #tpu.memory_space<hbm>>
      tpu.enqueue_dma source(%dma_start3A_271 : memref<250x80xi32, #tpu.memory_space<hbm>>) target(%arg6 : memref<250x80xi32, #tpu.memory_space<vmem>>) target_semaphore(%run_scoped3A_263 : memref<!tpu.dma_semaphore, #tpu.memory_space<semaphore_mem>>)
      %dma_wait3A_272 = arith.constant 0 : i32
      %dma_wait3A_273 = arith.constant 0 : i32
      %dma_wait3A_274 = tpu.memref_slice %arg3[%arg1, %dma_wait3A_272, %dma_wait3A_273] : memref<16x250x80xi32, #tpu.memory_space<hbm>> -> memref<1x250x80xi32, #tpu.memory_space<hbm>>
      %dma_wait3A_275 = tpu.memref_squeeze %dma_wait3A_274 : memref<1x250x80xi32, #tpu.memory_space<hbm>> -> memref<250x80xi32, #tpu.memory_space<hbm>>
      %dma_wait3A_276 = arith.constant 0 : i32
      %dma_wait3A_277 = arith.constant 0 : i32
      %dma_wait3A_278 = tpu.memref_slice %arg3[%arg1, %dma_wait3A_276, %dma_wait3A_277] : memref<16x250x80xi32, #tpu.memory_space<hbm>> -> memref<1x250x80xi32, #tpu.memory_space<hbm>>
      %dma_wait3A_279 = tpu.memref_squeeze %dma_wait3A_278 : memref<1x250x80xi32, #tpu.memory_space<hbm>> -> memref<250x80xi32, #tpu.memory_space<hbm>>
      tpu.wait_dma2 semaphore(%run_scoped3A_263 : memref<!tpu.dma_semaphore, #tpu.memory_space<semaphore_mem>>) src(%dma_wait3A_279 : memref<250x80xi32, #tpu.memory_space<hbm>>) dst(%arg6 : memref<250x80xi32, #tpu.memory_space<vmem>>)
      tpu.yield
    }) : () -> ()
    %add3A = arith.constant 0 : i32
    %add3A_6 = arith.addi %add3A, %arg0 : i32
    %mul3A = arith.constant 1680 : i32
    %mul3A_7 = arith.muli %mul3A, %add3A_6 : i32
    %eq3A = arith.constant 5 : i32
    %eq3A_8 = arith.cmpi eq, %add3A_6, %eq3A : i32
    %jit3A = arith.constant 1600 : i32
    %jit3A_9 = arith.constant 1680 : i32
    %select_n3A = arith.select %eq3A_8, %jit3A, %jit3A_9 : i32
    %lt3A = arith.constant 15 : i32
    %lt3A_10 = arith.cmpi slt, %arg1, %lt3A : i32
    %convert_element_type3A = arith.extui %lt3A_10 : i1 to i32
    %cond3A = arith.constant 0 : i32
    %cond3A_11 = arith.cmpi ne, %convert_element_type3A, %cond3A : i32
    scf.if %cond3A_11 {
      %mul3A_263 = arith.constant 112 : i32
      %mul3A_264 = arith.muli %mul3A_263, %arg1 : i32
      "tpu.region"() ({
        %run_scoped3A_265 = tpu.sem_alloc : memref<!tpu.dma_semaphore, #tpu.memory_space<semaphore_mem>>
        %dma_start3A_266 = arith.constant 0 : i32
        %dma_start3A_267 = tpu.memref_slice %arg12[%mul3A_264, %dma_start3A_266] : memref<1688x128xf32, #tpu.memory_space<vmem_shared>> -> memref<112x128xf32, #tpu.memory_space<vmem_shared>>
        %dma_start3A_268 = arith.constant 0 : i32
        %dma_start3A_269 = tpu.memref_slice %arg12[%mul3A_264, %dma_start3A_268] : memref<1688x128xf32, #tpu.memory_space<vmem_shared>> -> memref<112x128xf32, #tpu.memory_space<vmem_shared>>
        tpu.enqueue_dma source(%arg10 : memref<112x128xf32, #tpu.memory_space<vmem>>) target(%dma_start3A_269 : memref<112x128xf32, #tpu.memory_space<vmem_shared>>) target_semaphore(%run_scoped3A_265 : memref<!tpu.dma_semaphore, #tpu.memory_space<semaphore_mem>>)
        %dma_wait3A_270 = arith.constant 0 : i32
        %dma_wait3A_271 = tpu.memref_slice %arg12[%mul3A_264, %dma_wait3A_270] : memref<1688x128xf32, #tpu.memory_space<vmem_shared>> -> memref<112x128xf32, #tpu.memory_space<vmem_shared>>
        %dma_wait3A_272 = arith.constant 0 : i32
        %dma_wait3A_273 = tpu.memref_slice %arg12[%mul3A_264, %dma_wait3A_272] : memref<1688x128xf32, #tpu.memory_space<vmem_shared>> -> memref<112x128xf32, #tpu.memory_space<vmem_shared>>
        tpu.wait_dma2 semaphore(%run_scoped3A_265 : memref<!tpu.dma_semaphore, #tpu.memory_space<semaphore_mem>>) src(%arg10 : memref<112x128xf32, #tpu.memory_space<vmem>>) dst(%dma_wait3A_273 : memref<112x128xf32, #tpu.memory_space<vmem_shared>>)
        tpu.yield
      }) : () -> ()
    } else {
    }
    %eq3A_12 = arith.constant 15 : i32
    %eq3A_13 = arith.cmpi eq, %arg1, %eq3A_12 : i32
    %convert_element_type3A_14 = arith.extui %eq3A_13 : i1 to i32
    %cond3A_15 = arith.constant 0 : i32
    %cond3A_16 = arith.cmpi ne, %convert_element_type3A_14, %cond3A_15 : i32
    scf.if %cond3A_16 {
      "tpu.region"() ({
        %run_scoped3A_263 = tpu.sem_alloc : memref<!tpu.dma_semaphore, #tpu.memory_space<semaphore_mem>>
        %dma_start3A_264 = arith.constant 0 : i32
        %dma_start3A_265 = arith.constant 0 : i32
        %dma_start3A_266 = tpu.memref_slice %arg10[%dma_start3A_264, %dma_start3A_265] : memref<112x128xf32, #tpu.memory_space<vmem>> -> memref<8x128xf32, #tpu.memory_space<vmem>>
        %dma_start3A_267 = arith.constant 1680 : i32
        %dma_start3A_268 = arith.constant 0 : i32
        %dma_start3A_269 = tpu.memref_slice %arg12[%dma_start3A_267, %dma_start3A_268] : memref<1688x128xf32, #tpu.memory_space<vmem_shared>> -> memref<8x128xf32, #tpu.memory_space<vmem_shared>>
        %dma_start3A_270 = arith.constant 1680 : i32
        %dma_start3A_271 = arith.constant 0 : i32
        %dma_start3A_272 = tpu.memref_slice %arg12[%dma_start3A_270, %dma_start3A_271] : memref<1688x128xf32, #tpu.memory_space<vmem_shared>> -> memref<8x128xf32, #tpu.memory_space<vmem_shared>>
        %dma_start3A_273 = arith.constant 0 : i32
        %dma_start3A_274 = arith.constant 0 : i32
        %dma_start3A_275 = tpu.memref_slice %arg10[%dma_start3A_273, %dma_start3A_274] : memref<112x128xf32, #tpu.memory_space<vmem>> -> memref<8x128xf32, #tpu.memory_space<vmem>>
        tpu.enqueue_dma source(%dma_start3A_275 : memref<8x128xf32, #tpu.memory_space<vmem>>) target(%dma_start3A_272 : memref<8x128xf32, #tpu.memory_space<vmem_shared>>) target_semaphore(%run_scoped3A_263 : memref<!tpu.dma_semaphore, #tpu.memory_space<semaphore_mem>>)
        %dma_wait3A_276 = arith.constant 0 : i32
        %dma_wait3A_277 = arith.constant 0 : i32
        %dma_wait3A_278 = tpu.memref_slice %arg10[%dma_wait3A_276, %dma_wait3A_277] : memref<112x128xf32, #tpu.memory_space<vmem>> -> memref<8x128xf32, #tpu.memory_space<vmem>>
        %dma_wait3A_279 = arith.constant 1680 : i32
        %dma_wait3A_280 = arith.constant 0 : i32
        %dma_wait3A_281 = tpu.memref_slice %arg12[%dma_wait3A_279, %dma_wait3A_280] : memref<1688x128xf32, #tpu.memory_space<vmem_shared>> -> memref<8x128xf32, #tpu.memory_space<vmem_shared>>
        %dma_wait3A_282 = arith.constant 1680 : i32
        %dma_wait3A_283 = arith.constant 0 : i32
        %dma_wait3A_284 = tpu.memref_slice %arg12[%dma_wait3A_282, %dma_wait3A_283] : memref<1688x128xf32, #tpu.memory_space<vmem_shared>> -> memref<8x128xf32, #tpu.memory_space<vmem_shared>>
        %dma_wait3A_285 = arith.constant 0 : i32
        %dma_wait3A_286 = arith.constant 0 : i32
        %dma_wait3A_287 = tpu.memref_slice %arg10[%dma_wait3A_285, %dma_wait3A_286] : memref<112x128xf32, #tpu.memory_space<vmem>> -> memref<8x128xf32, #tpu.memory_space<vmem>>
        tpu.wait_dma2 semaphore(%run_scoped3A_263 : memref<!tpu.dma_semaphore, #tpu.memory_space<semaphore_mem>>) src(%dma_wait3A_287 : memref<8x128xf32, #tpu.memory_space<vmem>>) dst(%dma_wait3A_284 : memref<8x128xf32, #tpu.memory_space<vmem_shared>>)
        tpu.yield
      }) : () -> ()
    } else {
    }
    "tpu.region"() ({
      %run_scoped3A_263 = tpu.sem_alloc : memref<!tpu.dma_semaphore, #tpu.memory_space<semaphore_mem>>
      %dma_start3A_264 = arith.constant 0 : i32
      %dma_start3A_265 = arith.constant 0 : i32
      %dma_start3A_266 = tpu.memref_slice %arg4[%arg1, %dma_start3A_264, %dma_start3A_265] : memref<16x250x80xi32, #tpu.memory_space<hbm>> -> memref<1x250x80xi32, #tpu.memory_space<hbm>>
      %dma_start3A_267 = tpu.memref_squeeze %dma_start3A_266 : memref<1x250x80xi32, #tpu.memory_space<hbm>> -> memref<250x80xi32, #tpu.memory_space<hbm>>
      %dma_start3A_268 = arith.constant 0 : i32
      %dma_start3A_269 = arith.constant 0 : i32
      %dma_start3A_270 = tpu.memref_slice %arg4[%arg1, %dma_start3A_268, %dma_start3A_269] : memref<16x250x80xi32, #tpu.memory_space<hbm>> -> memref<1x250x80xi32, #tpu.memory_space<hbm>>
      %dma_start3A_271 = tpu.memref_squeeze %dma_start3A_270 : memref<1x250x80xi32, #tpu.memory_space<hbm>> -> memref<250x80xi32, #tpu.memory_space<hbm>>
      tpu.enqueue_dma source(%dma_start3A_271 : memref<250x80xi32, #tpu.memory_space<hbm>>) target(%arg7 : memref<250x80xi32, #tpu.memory_space<vmem>>) target_semaphore(%run_scoped3A_263 : memref<!tpu.dma_semaphore, #tpu.memory_space<semaphore_mem>>)
      %dma_wait3A_272 = arith.constant 0 : i32
      %dma_wait3A_273 = arith.constant 0 : i32
      %dma_wait3A_274 = tpu.memref_slice %arg4[%arg1, %dma_wait3A_272, %dma_wait3A_273] : memref<16x250x80xi32, #tpu.memory_space<hbm>> -> memref<1x250x80xi32, #tpu.memory_space<hbm>>
      %dma_wait3A_275 = tpu.memref_squeeze %dma_wait3A_274 : memref<1x250x80xi32, #tpu.memory_space<hbm>> -> memref<250x80xi32, #tpu.memory_space<hbm>>
      %dma_wait3A_276 = arith.constant 0 : i32
      %dma_wait3A_277 = arith.constant 0 : i32
      %dma_wait3A_278 = tpu.memref_slice %arg4[%arg1, %dma_wait3A_276, %dma_wait3A_277] : memref<16x250x80xi32, #tpu.memory_space<hbm>> -> memref<1x250x80xi32, #tpu.memory_space<hbm>>
      %dma_wait3A_279 = tpu.memref_squeeze %dma_wait3A_278 : memref<1x250x80xi32, #tpu.memory_space<hbm>> -> memref<250x80xi32, #tpu.memory_space<hbm>>
      tpu.wait_dma2 semaphore(%run_scoped3A_263 : memref<!tpu.dma_semaphore, #tpu.memory_space<semaphore_mem>>) src(%dma_wait3A_279 : memref<250x80xi32, #tpu.memory_space<hbm>>) dst(%arg7 : memref<250x80xi32, #tpu.memory_space<vmem>>)
      tpu.yield
    }) : () -> ()
    %scan3A_17 = arith.constant 0 : i32
    %scan3A_18 = arith.constant 0 : i32
    %scan3A_19 = arith.constant 250 : i32
    %scan3A_20 = arith.addi %scan3A_18, %scan3A_19 : i32
    %scan3A_21 = arith.constant 1 : i32
    %scan3A_22 = scf.for %scan3A_263 = %scan3A_18 to %scan3A_20 step %scan3A_21 iter_args(%scan3A_264 = %scan3A_17) -> (i32)  : i32 {
      %get3A = arith.index_cast %scan3A_263 : i32 to index
      %get3A_265 = arith.constant 0 : index
      %get3A_266 = tpu.vector_load %arg7[%get3A, %get3A_265] {strides = array<i32>} : memref<250x80xi32, #tpu.memory_space<vmem>>, vector<1x16xi32>,
      %get3A_267 = vector.shape_cast %get3A_266 : vector<1x16xi32> to vector<16xi32>
      %sub3A = vector.broadcast %mul3A_7 : i32 to vector<16xi32>
      %sub3A_268 = arith.subi %get3A_267, %sub3A : vector<16xi32>
      %ge3A = arith.constant 0 : i32
      %ge3A_269 = vector.broadcast %ge3A : i32 to vector<16xi32>
      %ge3A_270 = arith.cmpi sge, %sub3A_268, %ge3A_269 : vector<16xi32>
      %lt3A_271 = vector.broadcast %select_n3A : i32 to vector<16xi32>
      %lt3A_272 = arith.cmpi slt, %sub3A_268, %lt3A_271 : vector<16xi32>
      %and3A_273 = arith.andi %ge3A_270, %lt3A_272 : vector<16xi1>
      %jit3A_274 = arith.constant 1680 : i32
      %broadcast_in_dim3A = vector.broadcast %jit3A_274 : i32 to vector<16xi32>
      %select_n3A_275 = arith.select %and3A_273, %sub3A_268, %broadcast_in_dim3A : vector<16xi1>, vector<16xi32>
      %swap3A = arith.index_cast %scan3A_263 : i32 to index
      %swap3A_276 = arith.constant 0 : index
      %swap3A_277 = tpu.vector_load %arg7[%swap3A, %swap3A_276] {strides = array<i32>} : memref<250x80xi32, #tpu.memory_space<vmem>>, vector<1x16xi32>,
      %swap3A_278 = vector.shape_cast %swap3A_277 : vector<1x16xi32> to vector<16xi32>
      %swap3A_279 = vector.shape_cast %select_n3A_275 : vector<16xi32> to vector<1x16xi32>
      tpu.vector_store %arg7[%swap3A, %swap3A_276], %swap3A_279 {strides = array<i32>} : memref<250x80xi32, #tpu.memory_space<vmem>>, vector<1x16xi32>,
      %get3A_280 = arith.index_cast %scan3A_263 : i32 to index
      %get3A_281 = arith.constant 16 : index
      %get3A_282 = tpu.vector_load %arg7[%get3A_280, %get3A_281] {strides = array<i32>} : memref<250x80xi32, #tpu.memory_space<vmem>>, vector<1x16xi32>,
      %get3A_283 = vector.shape_cast %get3A_282 : vector<1x16xi32> to vector<16xi32>
      %sub3A_284 = vector.broadcast %mul3A_7 : i32 to vector<16xi32>
      %sub3A_285 = arith.subi %get3A_283, %sub3A_284 : vector<16xi32>
      %ge3A_286 = arith.constant 0 : i32
      %ge3A_287 = vector.broadcast %ge3A_286 : i32 to vector<16xi32>
      %ge3A_288 = arith.cmpi sge, %sub3A_285, %ge3A_287 : vector<16xi32>
      %lt3A_289 = vector.broadcast %select_n3A : i32 to vector<16xi32>
      %lt3A_290 = arith.cmpi slt, %sub3A_285, %lt3A_289 : vector<16xi32>
      %and3A_291 = arith.andi %ge3A_288, %lt3A_290 : vector<16xi1>
      %jit3A_292 = arith.constant 1680 : i32
      %broadcast_in_dim3A_293 = vector.broadcast %jit3A_292 : i32 to vector<16xi32>
      %select_n3A_294 = arith.select %and3A_291, %sub3A_285, %broadcast_in_dim3A_293 : vector<16xi1>, vector<16xi32>
      %swap3A_295 = arith.index_cast %scan3A_263 : i32 to index
      %swap3A_296 = arith.constant 16 : index
      %swap3A_297 = tpu.vector_load %arg7[%swap3A_295, %swap3A_296] {strides = array<i32>} : memref<250x80xi32, #tpu.memory_space<vmem>>, vector<1x16xi32>,
      %swap3A_298 = vector.shape_cast %swap3A_297 : vector<1x16xi32> to vector<16xi32>
      %swap3A_299 = vector.shape_cast %select_n3A_294 : vector<16xi32> to vector<1x16xi32>
      tpu.vector_store %arg7[%swap3A_295, %swap3A_296], %swap3A_299 {strides = array<i32>} : memref<250x80xi32, #tpu.memory_space<vmem>>, vector<1x16xi32>,
      %get3A_300 = arith.index_cast %scan3A_263 : i32 to index
      %get3A_301 = arith.constant 32 : index
      %get3A_302 = tpu.vector_load %arg7[%get3A_300, %get3A_301] {strides = array<i32>} : memref<250x80xi32, #tpu.memory_space<vmem>>, vector<1x16xi32>,
      %get3A_303 = vector.shape_cast %get3A_302 : vector<1x16xi32> to vector<16xi32>
      %sub3A_304 = vector.broadcast %mul3A_7 : i32 to vector<16xi32>
      %sub3A_305 = arith.subi %get3A_303, %sub3A_304 : vector<16xi32>
      %ge3A_306 = arith.constant 0 : i32
      %ge3A_307 = vector.broadcast %ge3A_306 : i32 to vector<16xi32>
      %ge3A_308 = arith.cmpi sge, %sub3A_305, %ge3A_307 : vector<16xi32>
      %lt3A_309 = vector.broadcast %select_n3A : i32 to vector<16xi32>
      %lt3A_310 = arith.cmpi slt, %sub3A_305, %lt3A_309 : vector<16xi32>
      %and3A_311 = arith.andi %ge3A_308, %lt3A_310 : vector<16xi1>
      %jit3A_312 = arith.constant 1680 : i32
      %broadcast_in_dim3A_313 = vector.broadcast %jit3A_312 : i32 to vector<16xi32>
      %select_n3A_314 = arith.select %and3A_311, %sub3A_305, %broadcast_in_dim3A_313 : vector<16xi1>, vector<16xi32>
      %swap3A_315 = arith.index_cast %scan3A_263 : i32 to index
      %swap3A_316 = arith.constant 32 : index
      %swap3A_317 = tpu.vector_load %arg7[%swap3A_315, %swap3A_316] {strides = array<i32>} : memref<250x80xi32, #tpu.memory_space<vmem>>, vector<1x16xi32>,
      %swap3A_318 = vector.shape_cast %swap3A_317 : vector<1x16xi32> to vector<16xi32>
      %swap3A_319 = vector.shape_cast %select_n3A_314 : vector<16xi32> to vector<1x16xi32>
      tpu.vector_store %arg7[%swap3A_315, %swap3A_316], %swap3A_319 {strides = array<i32>} : memref<250x80xi32, #tpu.memory_space<vmem>>, vector<1x16xi32>,
      %get3A_320 = arith.index_cast %scan3A_263 : i32 to index
      %get3A_321 = arith.constant 48 : index
      %get3A_322 = tpu.vector_load %arg7[%get3A_320, %get3A_321] {strides = array<i32>} : memref<250x80xi32, #tpu.memory_space<vmem>>, vector<1x16xi32>,
      %get3A_323 = vector.shape_cast %get3A_322 : vector<1x16xi32> to vector<16xi32>
      %sub3A_324 = vector.broadcast %mul3A_7 : i32 to vector<16xi32>
      %sub3A_325 = arith.subi %get3A_323, %sub3A_324 : vector<16xi32>
      %ge3A_326 = arith.constant 0 : i32
      %ge3A_327 = vector.broadcast %ge3A_326 : i32 to vector<16xi32>
      %ge3A_328 = arith.cmpi sge, %sub3A_325, %ge3A_327 : vector<16xi32>
      %lt3A_329 = vector.broadcast %select_n3A : i32 to vector<16xi32>
      %lt3A_330 = arith.cmpi slt, %sub3A_325, %lt3A_329 : vector<16xi32>
      %and3A_331 = arith.andi %ge3A_328, %lt3A_330 : vector<16xi1>
      %jit3A_332 = arith.constant 1680 : i32
      %broadcast_in_dim3A_333 = vector.broadcast %jit3A_332 : i32 to vector<16xi32>
      %select_n3A_334 = arith.select %and3A_331, %sub3A_325, %broadcast_in_dim3A_333 : vector<16xi1>, vector<16xi32>
      %swap3A_335 = arith.index_cast %scan3A_263 : i32 to index
      %swap3A_336 = arith.constant 48 : index
      %swap3A_337 = tpu.vector_load %arg7[%swap3A_335, %swap3A_336] {strides = array<i32>} : memref<250x80xi32, #tpu.memory_space<vmem>>, vector<1x16xi32>,
      %swap3A_338 = vector.shape_cast %swap3A_337 : vector<1x16xi32> to vector<16xi32>
      %swap3A_339 = vector.shape_cast %select_n3A_334 : vector<16xi32> to vector<1x16xi32>
      tpu.vector_store %arg7[%swap3A_335, %swap3A_336], %swap3A_339 {strides = array<i32>} : memref<250x80xi32, #tpu.memory_space<vmem>>, vector<1x16xi32>,
      %get3A_340 = arith.index_cast %scan3A_263 : i32 to index
      %get3A_341 = arith.constant 64 : index
      %get3A_342 = tpu.vector_load %arg7[%get3A_340, %get3A_341] {strides = array<i32>} : memref<250x80xi32, #tpu.memory_space<vmem>>, vector<1x16xi32>,
      %get3A_343 = vector.shape_cast %get3A_342 : vector<1x16xi32> to vector<16xi32>
      %sub3A_344 = vector.broadcast %mul3A_7 : i32 to vector<16xi32>
      %sub3A_345 = arith.subi %get3A_343, %sub3A_344 : vector<16xi32>
      %ge3A_346 = arith.constant 0 : i32
      %ge3A_347 = vector.broadcast %ge3A_346 : i32 to vector<16xi32>
      %ge3A_348 = arith.cmpi sge, %sub3A_345, %ge3A_347 : vector<16xi32>
      %lt3A_349 = vector.broadcast %select_n3A : i32 to vector<16xi32>
      %lt3A_350 = arith.cmpi slt, %sub3A_345, %lt3A_349 : vector<16xi32>
      %and3A_351 = arith.andi %ge3A_348, %lt3A_350 : vector<16xi1>
      %jit3A_352 = arith.constant 1680 : i32
      %broadcast_in_dim3A_353 = vector.broadcast %jit3A_352 : i32 to vector<16xi32>
      %select_n3A_354 = arith.select %and3A_351, %sub3A_345, %broadcast_in_dim3A_353 : vector<16xi1>, vector<16xi32>
      %swap3A_355 = arith.index_cast %scan3A_263 : i32 to index
      %swap3A_356 = arith.constant 64 : index
      %swap3A_357 = tpu.vector_load %arg7[%swap3A_355, %swap3A_356] {strides = array<i32>} : memref<250x80xi32, #tpu.memory_space<vmem>>, vector<1x16xi32>,
      %swap3A_358 = vector.shape_cast %swap3A_357 : vector<1x16xi32> to vector<16xi32>
      %swap3A_359 = vector.shape_cast %select_n3A_354 : vector<16xi32> to vector<1x16xi32>
      tpu.vector_store %arg7[%swap3A_355, %swap3A_356], %swap3A_359 {strides = array<i32>} : memref<250x80xi32, #tpu.memory_space<vmem>>, vector<1x16xi32>,
      %scan3A_360 = arith.constant 0 : i32
      scf.yield %scan3A_360 : i32
    }
    %scan3A_23 = arith.constant 250 : i32
    %barrier3A = arith.constant 0 : index
    tpu.barrier barrier_id(%barrier3A)
    %dma_start3A = arith.constant 0 : i32
    %dma_start3A_24 = arith.constant 0 : i32
    %dma_start3A_25 = tpu.memref_slice %arg6[%dma_start3A, %dma_start3A_24] : memref<250x80xi32, #tpu.memory_space<vmem>> -> memref<1x80xi32, #tpu.memory_space<vmem>>
    %dma_start3A_26 = tpu.memref_squeeze %dma_start3A_25 : memref<1x80xi32, #tpu.memory_space<vmem>> -> memref<80xi32, #tpu.memory_space<vmem>>
    %dma_start3A_27 = arith.constant 0 : i32
    %dma_start3A_28 = arith.constant 0 : i32
    %dma_start3A_29 = tpu.memref_slice %arg2[%dma_start3A_27, %dma_start3A_28] : memref<10000x128xf32, #tpu.memory_space<hbm>> -> memref<10000x128xf32, #tpu.memory_space<hbm>>
    tpu.enqueue_indirect_dma source(%dma_start3A_29 : memref<10000x128xf32, #tpu.memory_space<hbm>>) target(%arg8 : memref<80x128xf32, #tpu.memory_space<vmem>>) offsets(%dma_start3A_26 : memref<80xi32, #tpu.memory_space<vmem>>) semaphore(%arg13 : memref<!tpu.dma_semaphore, #tpu.memory_space<semaphore_mem>>)
    %dma_start3A_30 = arith.constant 1 : i32
    %dma_start3A_31 = arith.constant 0 : i32
    %dma_start3A_32 = tpu.memref_slice %arg6[%dma_start3A_30, %dma_start3A_31] : memref<250x80xi32, #tpu.memory_space<vmem>> -> memref<1x80xi32, #tpu.memory_space<vmem>>
    %dma_start3A_33 = tpu.memref_squeeze %dma_start3A_32 : memref<1x80xi32, #tpu.memory_space<vmem>> -> memref<80xi32, #tpu.memory_space<vmem>>
    %dma_start3A_34 = arith.constant 0 : i32
    %dma_start3A_35 = arith.constant 0 : i32
    %dma_start3A_36 = tpu.memref_slice %arg2[%dma_start3A_34, %dma_start3A_35] : memref<10000x128xf32, #tpu.memory_space<hbm>> -> memref<10000x128xf32, #tpu.memory_space<hbm>>
    tpu.enqueue_indirect_dma source(%dma_start3A_36 : memref<10000x128xf32, #tpu.memory_space<hbm>>) target(%arg9 : memref<80x128xf32, #tpu.memory_space<vmem>>) offsets(%dma_start3A_33 : memref<80xi32, #tpu.memory_space<vmem>>) semaphore(%arg14 : memref<!tpu.dma_semaphore, #tpu.memory_space<semaphore_mem>>)
    %scan3A_37 = arith.constant 0 : i32
    %scan3A_38 = arith.constant 0 : i32
    %scan3A_39 = arith.constant 124 : i32
    %scan3A_40 = arith.addi %scan3A_38, %scan3A_39 : i32
    %scan3A_41 = arith.constant 1 : i32
    %scan3A_42 = scf.for %scan3A_263 = %scan3A_38 to %scan3A_40 step %scan3A_41 iter_args(%scan3A_264 = %scan3A_37) -> (i32)  : i32 {
      %mul3A_265 = arith.constant 2 : i32
      %mul3A_266 = arith.muli %mul3A_265, %scan3A_263 : i32
      %dma_wait3A_267 = arith.constant 0 : i32
      %dma_wait3A_268 = tpu.memref_slice %arg6[%mul3A_266, %dma_wait3A_267] : memref<250x80xi32, #tpu.memory_space<vmem>> -> memref<1x80xi32, #tpu.memory_space<vmem>>
      %dma_wait3A_269 = tpu.memref_squeeze %dma_wait3A_268 : memref<1x80xi32, #tpu.memory_space<vmem>> -> memref<80xi32, #tpu.memory_space<vmem>>
      %dma_wait3A_270 = arith.constant 0 : i32
      %dma_wait3A_271 = arith.constant 0 : i32
      %dma_wait3A_272 = tpu.memref_slice %arg2[%dma_wait3A_270, %dma_wait3A_271] : memref<10000x128xf32, #tpu.memory_space<hbm>> -> memref<10000x128xf32, #tpu.memory_space<hbm>>
      tpu.wait_indirect_dma semaphore(%arg13 : memref<!tpu.dma_semaphore, #tpu.memory_space<semaphore_mem>>) src(%dma_wait3A_272 : memref<10000x128xf32, #tpu.memory_space<hbm>>) dst(%arg8 : memref<80x128xf32, #tpu.memory_space<vmem>>)
      "tpu.region"() ({
        %run_scoped3A_298 = tpu.sem_alloc : memref<!tpu.dma_semaphore, #tpu.memory_space<semaphore_mem>>
        %dma_start3A_299 = arith.constant 0 : i32
        %dma_start3A_300 = tpu.memref_slice %arg7[%mul3A_266, %dma_start3A_299] : memref<250x80xi32, #tpu.memory_space<vmem>> -> memref<1x80xi32, #tpu.memory_space<vmem>>
        %dma_start3A_301 = tpu.memref_squeeze %dma_start3A_300 : memref<1x80xi32, #tpu.memory_space<vmem>> -> memref<80xi32, #tpu.memory_space<vmem>>
        %dma_start3A_302 = arith.constant 0 : i32
        %dma_start3A_303 = arith.constant 0 : i32
        %dma_start3A_304 = tpu.memref_slice %arg12[%dma_start3A_302, %dma_start3A_303] : memref<1688x128xf32, #tpu.memory_space<vmem_shared>> -> memref<1688x128xf32, #tpu.memory_space<vmem_shared>>
        tpu.enqueue_indirect_dma source(%arg8 : memref<80x128xf32, #tpu.memory_space<vmem>>) target(%dma_start3A_304 : memref<1688x128xf32, #tpu.memory_space<vmem_shared>>) offsets(%dma_start3A_301 : memref<80xi32, #tpu.memory_space<vmem>>) semaphore(%run_scoped3A_298 : memref<!tpu.dma_semaphore, #tpu.memory_space<semaphore_mem>>) {add = true}
        %dma_wait3A_305 = arith.constant 0 : i32
        %dma_wait3A_306 = tpu.memref_slice %arg7[%mul3A_266, %dma_wait3A_305] : memref<250x80xi32, #tpu.memory_space<vmem>> -> memref<1x80xi32, #tpu.memory_space<vmem>>
        %dma_wait3A_307 = tpu.memref_squeeze %dma_wait3A_306 : memref<1x80xi32, #tpu.memory_space<vmem>> -> memref<80xi32, #tpu.memory_space<vmem>>
        %dma_wait3A_308 = arith.constant 0 : i32
        %dma_wait3A_309 = arith.constant 0 : i32
        %dma_wait3A_310 = tpu.memref_slice %arg12[%dma_wait3A_308, %dma_wait3A_309] : memref<1688x128xf32, #tpu.memory_space<vmem_shared>> -> memref<1688x128xf32, #tpu.memory_space<vmem_shared>>
        tpu.wait_indirect_dma semaphore(%run_scoped3A_298 : memref<!tpu.dma_semaphore, #tpu.memory_space<semaphore_mem>>) src(%arg8 : memref<80x128xf32, #tpu.memory_space<vmem>>) dst(%dma_wait3A_310 : memref<1688x128xf32, #tpu.memory_space<vmem_shared>>)
        tpu.yield
      }) : () -> ()
      %add3A_273 = arith.constant 2 : i32
      %add3A_274 = arith.addi %mul3A_266, %add3A_273 : i32
      %dma_start3A_275 = arith.constant 0 : i32
      %dma_start3A_276 = tpu.memref_slice %arg6[%add3A_274, %dma_start3A_275] : memref<250x80xi32, #tpu.memory_space<vmem>> -> memref<1x80xi32, #tpu.memory_space<vmem>>
      %dma_start3A_277 = tpu.memref_squeeze %dma_start3A_276 : memref<1x80xi32, #tpu.memory_space<vmem>> -> memref<80xi32, #tpu.memory_space<vmem>>
      %dma_start3A_278 = arith.constant 0 : i32
      %dma_start3A_279 = arith.constant 0 : i32
      %dma_start3A_280 = tpu.memref_slice %arg2[%dma_start3A_278, %dma_start3A_279] : memref<10000x128xf32, #tpu.memory_space<hbm>> -> memref<10000x128xf32, #tpu.memory_space<hbm>>
      tpu.enqueue_indirect_dma source(%dma_start3A_280 : memref<10000x128xf32, #tpu.memory_space<hbm>>) target(%arg8 : memref<80x128xf32, #tpu.memory_space<vmem>>) offsets(%dma_start3A_277 : memref<80xi32, #tpu.memory_space<vmem>>) semaphore(%arg13 : memref<!tpu.dma_semaphore, #tpu.memory_space<semaphore_mem>>)
      %add3A_281 = arith.constant 1 : i32
      %add3A_282 = arith.addi %mul3A_266, %add3A_281 : i32
      %dma_wait3A_283 = arith.constant 0 : i32
      %dma_wait3A_284 = tpu.memref_slice %arg6[%add3A_282, %dma_wait3A_283] : memref<250x80xi32, #tpu.memory_space<vmem>> -> memref<1x80xi32, #tpu.memory_space<vmem>>
      %dma_wait3A_285 = tpu.memref_squeeze %dma_wait3A_284 : memref<1x80xi32, #tpu.memory_space<vmem>> -> memref<80xi32, #tpu.memory_space<vmem>>
      %dma_wait3A_286 = arith.constant 0 : i32
      %dma_wait3A_287 = arith.constant 0 : i32
      %dma_wait3A_288 = tpu.memref_slice %arg2[%dma_wait3A_286, %dma_wait3A_287] : memref<10000x128xf32, #tpu.memory_space<hbm>> -> memref<10000x128xf32, #tpu.memory_space<hbm>>
      tpu.wait_indirect_dma semaphore(%arg14 : memref<!tpu.dma_semaphore, #tpu.memory_space<semaphore_mem>>) src(%dma_wait3A_288 : memref<10000x128xf32, #tpu.memory_space<hbm>>) dst(%arg9 : memref<80x128xf32, #tpu.memory_space<vmem>>)
      "tpu.region"() ({
        %run_scoped3A_298 = tpu.sem_alloc : memref<!tpu.dma_semaphore, #tpu.memory_space<semaphore_mem>>
        %dma_start3A_299 = arith.constant 0 : i32
        %dma_start3A_300 = tpu.memref_slice %arg7[%add3A_282, %dma_start3A_299] : memref<250x80xi32, #tpu.memory_space<vmem>> -> memref<1x80xi32, #tpu.memory_space<vmem>>
        %dma_start3A_301 = tpu.memref_squeeze %dma_start3A_300 : memref<1x80xi32, #tpu.memory_space<vmem>> -> memref<80xi32, #tpu.memory_space<vmem>>
        %dma_start3A_302 = arith.constant 0 : i32
        %dma_start3A_303 = arith.constant 0 : i32
        %dma_start3A_304 = tpu.memref_slice %arg12[%dma_start3A_302, %dma_start3A_303] : memref<1688x128xf32, #tpu.memory_space<vmem_shared>> -> memref<1688x128xf32, #tpu.memory_space<vmem_shared>>
        tpu.enqueue_indirect_dma source(%arg9 : memref<80x128xf32, #tpu.memory_space<vmem>>) target(%dma_start3A_304 : memref<1688x128xf32, #tpu.memory_space<vmem_shared>>) offsets(%dma_start3A_301 : memref<80xi32, #tpu.memory_space<vmem>>) semaphore(%run_scoped3A_298 : memref<!tpu.dma_semaphore, #tpu.memory_space<semaphore_mem>>) {add = true}
        %dma_wait3A_305 = arith.constant 0 : i32
        %dma_wait3A_306 = tpu.memref_slice %arg7[%add3A_282, %dma_wait3A_305] : memref<250x80xi32, #tpu.memory_space<vmem>> -> memref<1x80xi32, #tpu.memory_space<vmem>>
        %dma_wait3A_307 = tpu.memref_squeeze %dma_wait3A_306 : memref<1x80xi32, #tpu.memory_space<vmem>> -> memref<80xi32, #tpu.memory_space<vmem>>
        %dma_wait3A_308 = arith.constant 0 : i32
        %dma_wait3A_309 = arith.constant 0 : i32
        %dma_wait3A_310 = tpu.memref_slice %arg12[%dma_wait3A_308, %dma_wait3A_309] : memref<1688x128xf32, #tpu.memory_space<vmem_shared>> -> memref<1688x128xf32, #tpu.memory_space<vmem_shared>>
        tpu.wait_indirect_dma semaphore(%run_scoped3A_298 : memref<!tpu.dma_semaphore, #tpu.memory_space<semaphore_mem>>) src(%arg9 : memref<80x128xf32, #tpu.memory_space<vmem>>) dst(%dma_wait3A_310 : memref<1688x128xf32, #tpu.memory_space<vmem_shared>>)
        tpu.yield
      }) : () -> ()
      %add3A_289 = arith.constant 3 : i32
      %add3A_290 = arith.addi %mul3A_266, %add3A_289 : i32
      %dma_start3A_291 = arith.constant 0 : i32
      %dma_start3A_292 = tpu.memref_slice %arg6[%add3A_290, %dma_start3A_291] : memref<250x80xi32, #tpu.memory_space<vmem>> -> memref<1x80xi32, #tpu.memory_space<vmem>>
      %dma_start3A_293 = tpu.memref_squeeze %dma_start3A_292 : memref<1x80xi32, #tpu.memory_space<vmem>> -> memref<80xi32, #tpu.memory_space<vmem>>
      %dma_start3A_294 = arith.constant 0 : i32
      %dma_start3A_295 = arith.constant 0 : i32
      %dma_start3A_296 = tpu.memref_slice %arg2[%dma_start3A_294, %dma_start3A_295] : memref<10000x128xf32, #tpu.memory_space<hbm>> -> memref<10000x128xf32, #tpu.memory_space<hbm>>
      tpu.enqueue_indirect_dma source(%dma_start3A_296 : memref<10000x128xf32, #tpu.memory_space<hbm>>) target(%arg9 : memref<80x128xf32, #tpu.memory_space<vmem>>) offsets(%dma_start3A_293 : memref<80xi32, #tpu.memory_space<vmem>>) semaphore(%arg14 : memref<!tpu.dma_semaphore, #tpu.memory_space<semaphore_mem>>)
      %scan3A_297 = arith.constant 0 : i32
      scf.yield %scan3A_297 : i32
    }
    %scan3A_43 = arith.constant 124 : i32
    %dma_wait3A = arith.constant 248 : i32
    %dma_wait3A_44 = arith.constant 0 : i32
    %dma_wait3A_45 = tpu.memref_slice %arg6[%dma_wait3A, %dma_wait3A_44] : memref<250x80xi32, #tpu.memory_space<vmem>> -> memref<1x80xi32, #tpu.memory_space<vmem>>
    %dma_wait3A_46 = tpu.memref_squeeze %dma_wait3A_45 : memref<1x80xi32, #tpu.memory_space<vmem>> -> memref<80xi32, #tpu.memory_space<vmem>>
    %dma_wait3A_47 = arith.constant 0 : i32
    %dma_wait3A_48 = arith.constant 0 : i32
    %dma_wait3A_49 = tpu.memref_slice %arg2[%dma_wait3A_47, %dma_wait3A_48] : memref<10000x128xf32, #tpu.memory_space<hbm>> -> memref<10000x128xf32, #tpu.memory_space<hbm>>
    tpu.wait_indirect_dma semaphore(%arg13 : memref<!tpu.dma_semaphore, #tpu.memory_space<semaphore_mem>>) src(%dma_wait3A_49 : memref<10000x128xf32, #tpu.memory_space<hbm>>) dst(%arg8 : memref<80x128xf32, #tpu.memory_space<vmem>>)
    %run_scoped3A = arith.constant 248 : i32
    "tpu.region"() ({
      %run_scoped3A_263 = tpu.sem_alloc : memref<!tpu.dma_semaphore, #tpu.memory_space<semaphore_mem>>
      %dma_start3A_264 = arith.constant 0 : i32
      %dma_start3A_265 = tpu.memref_slice %arg7[%run_scoped3A, %dma_start3A_264] : memref<250x80xi32, #tpu.memory_space<vmem>> -> memref<1x80xi32, #tpu.memory_space<vmem>>
      %dma_start3A_266 = tpu.memref_squeeze %dma_start3A_265 : memref<1x80xi32, #tpu.memory_space<vmem>> -> memref<80xi32, #tpu.memory_space<vmem>>
      %dma_start3A_267 = arith.constant 0 : i32
      %dma_start3A_268 = arith.constant 0 : i32
      %dma_start3A_269 = tpu.memref_slice %arg12[%dma_start3A_267, %dma_start3A_268] : memref<1688x128xf32, #tpu.memory_space<vmem_shared>> -> memref<1688x128xf32, #tpu.memory_space<vmem_shared>>
      tpu.enqueue_indirect_dma source(%arg8 : memref<80x128xf32, #tpu.memory_space<vmem>>) target(%dma_start3A_269 : memref<1688x128xf32, #tpu.memory_space<vmem_shared>>) offsets(%dma_start3A_266 : memref<80xi32, #tpu.memory_space<vmem>>) semaphore(%run_scoped3A_263 : memref<!tpu.dma_semaphore, #tpu.memory_space<semaphore_mem>>) {add = true}
      %dma_wait3A_270 = arith.constant 0 : i32
      %dma_wait3A_271 = tpu.memref_slice %arg7[%run_scoped3A, %dma_wait3A_270] : memref<250x80xi32, #tpu.memory_space<vmem>> -> memref<1x80xi32, #tpu.memory_space<vmem>>
      %dma_wait3A_272 = tpu.memref_squeeze %dma_wait3A_271 : memref<1x80xi32, #tpu.memory_space<vmem>> -> memref<80xi32, #tpu.memory_space<vmem>>
      %dma_wait3A_273 = arith.constant 0 : i32
      %dma_wait3A_274 = arith.constant 0 : i32
      %dma_wait3A_275 = tpu.memref_slice %arg12[%dma_wait3A_273, %dma_wait3A_274] : memref<1688x128xf32, #tpu.memory_space<vmem_shared>> -> memref<1688x128xf32, #tpu.memory_space<vmem_shared>>
      tpu.wait_indirect_dma semaphore(%run_scoped3A_263 : memref<!tpu.dma_semaphore, #tpu.memory_space<semaphore_mem>>) src(%arg8 : memref<80x128xf32, #tpu.memory_space<vmem>>) dst(%dma_wait3A_275 : memref<1688x128xf32, #tpu.memory_space<vmem_shared>>)
      tpu.yield
    }) : () -> ()
    %dma_wait3A_50 = arith.constant 249 : i32
    %dma_wait3A_51 = arith.constant 0 : i32
    %dma_wait3A_52 = tpu.memref_slice %arg6[%dma_wait3A_50, %dma_wait3A_51] : memref<250x80xi32, #tpu.memory_space<vmem>> -> memref<1x80xi32, #tpu.memory_space<vmem>>
    %dma_wait3A_53 = tpu.memref_squeeze %dma_wait3A_52 : memref<1x80xi32, #tpu.memory_space<vmem>> -> memref<80xi32, #tpu.memory_space<vmem>>
    %dma_wait3A_54 = arith.constant 0 : i32
    %dma_wait3A_55 = arith.constant 0 : i32
    %dma_wait3A_56 = tpu.memref_slice %arg2[%dma_wait3A_54, %dma_wait3A_55] : memref<10000x128xf32, #tpu.memory_space<hbm>> -> memref<10000x128xf32, #tpu.memory_space<hbm>>
    tpu.wait_indirect_dma semaphore(%arg14 : memref<!tpu.dma_semaphore, #tpu.memory_space<semaphore_mem>>) src(%dma_wait3A_56 : memref<10000x128xf32, #tpu.memory_space<hbm>>) dst(%arg9 : memref<80x128xf32, #tpu.memory_space<vmem>>)
    %run_scoped3A_57 = arith.constant 249 : i32
    "tpu.region"() ({
      %run_scoped3A_263 = tpu.sem_alloc : memref<!tpu.dma_semaphore, #tpu.memory_space<semaphore_mem>>
      %dma_start3A_264 = arith.constant 0 : i32
      %dma_start3A_265 = tpu.memref_slice %arg7[%run_scoped3A_57, %dma_start3A_264] : memref<250x80xi32, #tpu.memory_space<vmem>> -> memref<1x80xi32, #tpu.memory_space<vmem>>
      %dma_start3A_266 = tpu.memref_squeeze %dma_start3A_265 : memref<1x80xi32, #tpu.memory_space<vmem>> -> memref<80xi32, #tpu.memory_space<vmem>>
      %dma_start3A_267 = arith.constant 0 : i32
      %dma_start3A_268 = arith.constant 0 : i32
      %dma_start3A_269 = tpu.memref_slice %arg12[%dma_start3A_267, %dma_start3A_268] : memref<1688x128xf32, #tpu.memory_space<vmem_shared>> -> memref<1688x128xf32, #tpu.memory_space<vmem_shared>>
      tpu.enqueue_indirect_dma source(%arg9 : memref<80x128xf32, #tpu.memory_space<vmem>>) target(%dma_start3A_269 : memref<1688x128xf32, #tpu.memory_space<vmem_shared>>) offsets(%dma_start3A_266 : memref<80xi32, #tpu.memory_space<vmem>>) semaphore(%run_scoped3A_263 : memref<!tpu.dma_semaphore, #tpu.memory_space<semaphore_mem>>) {add = true}
      %dma_wait3A_270 = arith.constant 0 : i32
      %dma_wait3A_271 = tpu.memref_slice %arg7[%run_scoped3A_57, %dma_wait3A_270] : memref<250x80xi32, #tpu.memory_space<vmem>> -> memref<1x80xi32, #tpu.memory_space<vmem>>
      %dma_wait3A_272 = tpu.memref_squeeze %dma_wait3A_271 : memref<1x80xi32, #tpu.memory_space<vmem>> -> memref<80xi32, #tpu.memory_space<vmem>>
      %dma_wait3A_273 = arith.constant 0 : i32
      %dma_wait3A_274 = arith.constant 0 : i32
      %dma_wait3A_275 = tpu.memref_slice %arg12[%dma_wait3A_273, %dma_wait3A_274] : memref<1688x128xf32, #tpu.memory_space<vmem_shared>> -> memref<1688x128xf32, #tpu.memory_space<vmem_shared>>
      tpu.wait_indirect_dma semaphore(%run_scoped3A_263 : memref<!tpu.dma_semaphore, #tpu.memory_space<semaphore_mem>>) src(%arg9 : memref<80x128xf32, #tpu.memory_space<vmem>>) dst(%dma_wait3A_275 : memref<1688x128xf32, #tpu.memory_space<vmem_shared>>)
      tpu.yield
    }) : () -> ()
    %barrier3A_58 = arith.constant 0 : index
    tpu.barrier barrier_id(%barrier3A_58)
    %lt3A_59 = arith.constant 5 : i32
    %lt3A_60 = arith.cmpi slt, %add3A_6, %lt3A_59 : i32
    %lt3A_61 = arith.constant 15 : i32
    %lt3A_62 = arith.cmpi slt, %arg1, %lt3A_61 : i32
    %and3A = arith.andi %lt3A_60, %lt3A_62 : i1
    %convert_element_type3A_63 = arith.extui %and3A : i1 to i32
    %cond3A_64 = arith.constant 0 : i32
    %cond3A_65 = arith.cmpi ne, %convert_element_type3A_63, %cond3A_64 : i32
    scf.if %cond3A_65 {
      %mul3A_263 = arith.constant 112 : i32
      %mul3A_264 = arith.muli %mul3A_263, %arg1 : i32
      "tpu.region"() ({
        %run_scoped3A_268 = tpu.sem_alloc : memref<!tpu.dma_semaphore, #tpu.memory_space<semaphore_mem>>
        %dma_start3A_269 = arith.constant 0 : i32
        %dma_start3A_270 = tpu.memref_slice %arg12[%mul3A_264, %dma_start3A_269] : memref<1688x128xf32, #tpu.memory_space<vmem_shared>> -> memref<112x128xf32, #tpu.memory_space<vmem_shared>>
        %dma_start3A_271 = arith.constant 0 : i32
        %dma_start3A_272 = tpu.memref_slice %arg12[%mul3A_264, %dma_start3A_271] : memref<1688x128xf32, #tpu.memory_space<vmem_shared>> -> memref<112x128xf32, #tpu.memory_space<vmem_shared>>
        tpu.enqueue_dma source(%dma_start3A_272 : memref<112x128xf32, #tpu.memory_space<vmem_shared>>) target(%arg11 : memref<112x128xf32, #tpu.memory_space<vmem>>) target_semaphore(%run_scoped3A_268 : memref<!tpu.dma_semaphore, #tpu.memory_space<semaphore_mem>>)
        %dma_wait3A_273 = arith.constant 0 : i32
        %dma_wait3A_274 = tpu.memref_slice %arg12[%mul3A_264, %dma_wait3A_273] : memref<1688x128xf32, #tpu.memory_space<vmem_shared>> -> memref<112x128xf32, #tpu.memory_space<vmem_shared>>
        %dma_wait3A_275 = arith.constant 0 : i32
        %dma_wait3A_276 = tpu.memref_slice %arg12[%mul3A_264, %dma_wait3A_275] : memref<1688x128xf32, #tpu.memory_space<vmem_shared>> -> memref<112x128xf32, #tpu.memory_space<vmem_shared>>
        tpu.wait_dma2 semaphore(%run_scoped3A_268 : memref<!tpu.dma_semaphore, #tpu.memory_space<semaphore_mem>>) src(%dma_wait3A_276 : memref<112x128xf32, #tpu.memory_space<vmem_shared>>) dst(%arg11 : memref<112x128xf32, #tpu.memory_space<vmem>>)
        tpu.yield
      }) : () -> ()
      %mul3A_265 = arith.constant 112 : i32
      %mul3A_266 = arith.muli %mul3A_265, %arg1 : i32
      %add3A_267 = arith.addi %mul3A_7, %mul3A_266 : i32
      "tpu.region"() ({
        %run_scoped3A_268 = tpu.sem_alloc : memref<!tpu.dma_semaphore, #tpu.memory_space<semaphore_mem>>
        %dma_start3A_269 = arith.constant 0 : i32
        %dma_start3A_270 = tpu.memref_slice %arg5[%add3A_267, %dma_start3A_269] : memref<10000x128xf32, #tpu.memory_space<hbm>> -> memref<112x128xf32, #tpu.memory_space<hbm>>
        %dma_start3A_271 = arith.constant 0 : i32
        %dma_start3A_272 = tpu.memref_slice %arg5[%add3A_267, %dma_start3A_271] : memref<10000x128xf32, #tpu.memory_space<hbm>> -> memref<112x128xf32, #tpu.memory_space<hbm>>
        tpu.enqueue_dma source(%arg11 : memref<112x128xf32, #tpu.memory_space<vmem>>) target(%dma_start3A_272 : memref<112x128xf32, #tpu.memory_space<hbm>>) target_semaphore(%run_scoped3A_268 : memref<!tpu.dma_semaphore, #tpu.memory_space<semaphore_mem>>)
        %dma_wait3A_273 = arith.constant 0 : i32
        %dma_wait3A_274 = tpu.memref_slice %arg5[%add3A_267, %dma_wait3A_273] : memref<10000x128xf32, #tpu.memory_space<hbm>> -> memref<112x128xf32, #tpu.memory_space<hbm>>
        %dma_wait3A_275 = arith.constant 0 : i32
        %dma_wait3A_276 = tpu.memref_slice %arg5[%add3A_267, %dma_wait3A_275] : memref<10000x128xf32, #tpu.memory_space<hbm>> -> memref<112x128xf32, #tpu.memory_space<hbm>>
        tpu.wait_dma2 semaphore(%run_scoped3A_268 : memref<!tpu.dma_semaphore, #tpu.memory_space<semaphore_mem>>) src(%arg11 : memref<112x128xf32, #tpu.memory_space<vmem>>) dst(%dma_wait3A_276 : memref<112x128xf32, #tpu.memory_space<hbm>>)
        tpu.yield
      }) : () -> ()
    } else {
    }
    %eq3A_66 = arith.constant 5 : i32
    %eq3A_67 = arith.cmpi eq, %add3A_6, %eq3A_66 : i32
    %lt3A_68 = arith.constant 14 : i32
    %lt3A_69 = arith.cmpi slt, %arg1, %lt3A_68 : i32
    %and3A_70 = arith.andi %eq3A_67, %lt3A_69 : i1
    %convert_element_type3A_71 = arith.extui %and3A_70 : i1 to i32
    %cond3A_72 = arith.constant 0 : i32
    %cond3A_73 = arith.cmpi ne, %convert_element_type3A_71, %cond3A_72 : i32
    scf.if %cond3A_73 {
      %mul3A_263 = arith.constant 112 : i32
      %mul3A_264 = arith.muli %mul3A_263, %arg1 : i32
      "tpu.region"() ({
        %run_scoped3A_268 = tpu.sem_alloc : memref<!tpu.dma_semaphore, #tpu.memory_space<semaphore_mem>>
        %dma_start3A_269 = arith.constant 0 : i32
        %dma_start3A_270 = tpu.memref_slice %arg12[%mul3A_264, %dma_start3A_269] : memref<1688x128xf32, #tpu.memory_space<vmem_shared>> -> memref<112x128xf32, #tpu.memory_space<vmem_shared>>
        %dma_start3A_271 = arith.constant 0 : i32
        %dma_start3A_272 = tpu.memref_slice %arg12[%mul3A_264, %dma_start3A_271] : memref<1688x128xf32, #tpu.memory_space<vmem_shared>> -> memref<112x128xf32, #tpu.memory_space<vmem_shared>>
        tpu.enqueue_dma source(%dma_start3A_272 : memref<112x128xf32, #tpu.memory_space<vmem_shared>>) target(%arg11 : memref<112x128xf32, #tpu.memory_space<vmem>>) target_semaphore(%run_scoped3A_268 : memref<!tpu.dma_semaphore, #tpu.memory_space<semaphore_mem>>)
        %dma_wait3A_273 = arith.constant 0 : i32
        %dma_wait3A_274 = tpu.memref_slice %arg12[%mul3A_264, %dma_wait3A_273] : memref<1688x128xf32, #tpu.memory_space<vmem_shared>> -> memref<112x128xf32, #tpu.memory_space<vmem_shared>>
        %dma_wait3A_275 = arith.constant 0 : i32
        %dma_wait3A_276 = tpu.memref_slice %arg12[%mul3A_264, %dma_wait3A_275] : memref<1688x128xf32, #tpu.memory_space<vmem_shared>> -> memref<112x128xf32, #tpu.memory_space<vmem_shared>>
        tpu.wait_dma2 semaphore(%run_scoped3A_268 : memref<!tpu.dma_semaphore, #tpu.memory_space<semaphore_mem>>) src(%dma_wait3A_276 : memref<112x128xf32, #tpu.memory_space<vmem_shared>>) dst(%arg11 : memref<112x128xf32, #tpu.memory_space<vmem>>)
        tpu.yield
      }) : () -> ()
      %mul3A_265 = arith.constant 112 : i32
      %mul3A_266 = arith.muli %mul3A_265, %arg1 : i32
      %add3A_267 = arith.addi %mul3A_7, %mul3A_266 : i32
      "tpu.region"() ({
        %run_scoped3A_268 = tpu.sem_alloc : memref<!tpu.dma_semaphore, #tpu.memory_space<semaphore_mem>>
        %dma_start3A_269 = arith.constant 0 : i32
        %dma_start3A_270 = tpu.memref_slice %arg5[%add3A_267, %dma_start3A_269] : memref<10000x128xf32, #tpu.memory_space<hbm>> -> memref<112x128xf32, #tpu.memory_space<hbm>>
        %dma_start3A_271 = arith.constant 0 : i32
        %dma_start3A_272 = tpu.memref_slice %arg5[%add3A_267, %dma_start3A_271] : memref<10000x128xf32, #tpu.memory_space<hbm>> -> memref<112x128xf32, #tpu.memory_space<hbm>>
        tpu.enqueue_dma source(%arg11 : memref<112x128xf32, #tpu.memory_space<vmem>>) target(%dma_start3A_272 : memref<112x128xf32, #tpu.memory_space<hbm>>) target_semaphore(%run_scoped3A_268 : memref<!tpu.dma_semaphore, #tpu.memory_space<semaphore_mem>>)
        %dma_wait3A_273 = arith.constant 0 : i32
        %dma_wait3A_274 = tpu.memref_slice %arg5[%add3A_267, %dma_wait3A_273] : memref<10000x128xf32, #tpu.memory_space<hbm>> -> memref<112x128xf32, #tpu.memory_space<hbm>>
        %dma_wait3A_275 = arith.constant 0 : i32
        %dma_wait3A_276 = tpu.memref_slice %arg5[%add3A_267, %dma_wait3A_275] : memref<10000x128xf32, #tpu.memory_space<hbm>> -> memref<112x128xf32, #tpu.memory_space<hbm>>
        tpu.wait_dma2 semaphore(%run_scoped3A_268 : memref<!tpu.dma_semaphore, #tpu.memory_space<semaphore_mem>>) src(%arg11 : memref<112x128xf32, #tpu.memory_space<vmem>>) dst(%dma_wait3A_276 : memref<112x128xf32, #tpu.memory_space<hbm>>)
        tpu.yield
      }) : () -> ()
    } else {
    }
    %eq3A_74 = arith.constant 5 : i32
    %eq3A_75 = arith.cmpi eq, %add3A_6, %eq3A_74 : i32
    %eq3A_76 = arith.constant 14 : i32
    %eq3A_77 = arith.cmpi eq, %arg1, %eq3A_76 : i32
    %and3A_78 = arith.andi %eq3A_75, %eq3A_77 : i1
    %convert_element_type3A_79 = arith.extui %and3A_78 : i1 to i32
    %cond3A_80 = arith.constant 0 : i32
    %cond3A_81 = arith.cmpi ne, %convert_element_type3A_79, %cond3A_80 : i32
    scf.if %cond3A_81 {
      "tpu.region"() ({
        %run_scoped3A_265 = tpu.sem_alloc : memref<!tpu.dma_semaphore, #tpu.memory_space<semaphore_mem>>
        %dma_start3A_266 = arith.constant 0 : i32
        %dma_start3A_267 = arith.constant 0 : i32
        %dma_start3A_268 = tpu.memref_slice %arg11[%dma_start3A_266, %dma_start3A_267] : memref<112x128xf32, #tpu.memory_space<vmem>> -> memref<32x128xf32, #tpu.memory_space<vmem>>
        %dma_start3A_269 = arith.constant 1568 : i32
        %dma_start3A_270 = arith.constant 0 : i32
        %dma_start3A_271 = tpu.memref_slice %arg12[%dma_start3A_269, %dma_start3A_270] : memref<1688x128xf32, #tpu.memory_space<vmem_shared>> -> memref<32x128xf32, #tpu.memory_space<vmem_shared>>
        %dma_start3A_272 = arith.constant 0 : i32
        %dma_start3A_273 = arith.constant 0 : i32
        %dma_start3A_274 = tpu.memref_slice %arg11[%dma_start3A_272, %dma_start3A_273] : memref<112x128xf32, #tpu.memory_space<vmem>> -> memref<32x128xf32, #tpu.memory_space<vmem>>
        %dma_start3A_275 = arith.constant 1568 : i32
        %dma_start3A_276 = arith.constant 0 : i32
        %dma_start3A_277 = tpu.memref_slice %arg12[%dma_start3A_275, %dma_start3A_276] : memref<1688x128xf32, #tpu.memory_space<vmem_shared>> -> memref<32x128xf32, #tpu.memory_space<vmem_shared>>
        tpu.enqueue_dma source(%dma_start3A_277 : memref<32x128xf32, #tpu.memory_space<vmem_shared>>) target(%dma_start3A_274 : memref<32x128xf32, #tpu.memory_space<vmem>>) target_semaphore(%run_scoped3A_265 : memref<!tpu.dma_semaphore, #tpu.memory_space<semaphore_mem>>)
        %dma_wait3A_278 = arith.constant 0 : i32
        %dma_wait3A_279 = arith.constant 0 : i32
        %dma_wait3A_280 = tpu.memref_slice %arg11[%dma_wait3A_278, %dma_wait3A_279] : memref<112x128xf32, #tpu.memory_space<vmem>> -> memref<32x128xf32, #tpu.memory_space<vmem>>
        %dma_wait3A_281 = arith.constant 1568 : i32
        %dma_wait3A_282 = arith.constant 0 : i32
        %dma_wait3A_283 = tpu.memref_slice %arg12[%dma_wait3A_281, %dma_wait3A_282] : memref<1688x128xf32, #tpu.memory_space<vmem_shared>> -> memref<32x128xf32, #tpu.memory_space<vmem_shared>>
        %dma_wait3A_284 = arith.constant 0 : i32
        %dma_wait3A_285 = arith.constant 0 : i32
        %dma_wait3A_286 = tpu.memref_slice %arg11[%dma_wait3A_284, %dma_wait3A_285] : memref<112x128xf32, #tpu.memory_space<vmem>> -> memref<32x128xf32, #tpu.memory_space<vmem>>
        %dma_wait3A_287 = arith.constant 1568 : i32
        %dma_wait3A_288 = arith.constant 0 : i32
        %dma_wait3A_289 = tpu.memref_slice %arg12[%dma_wait3A_287, %dma_wait3A_288] : memref<1688x128xf32, #tpu.memory_space<vmem_shared>> -> memref<32x128xf32, #tpu.memory_space<vmem_shared>>
        tpu.wait_dma2 semaphore(%run_scoped3A_265 : memref<!tpu.dma_semaphore, #tpu.memory_space<semaphore_mem>>) src(%dma_wait3A_289 : memref<32x128xf32, #tpu.memory_space<vmem_shared>>) dst(%dma_wait3A_286 : memref<32x128xf32, #tpu.memory_space<vmem>>)
        tpu.yield
      }) : () -> ()
      %add3A_263 = arith.constant 1568 : i32
      %add3A_264 = arith.addi %mul3A_7, %add3A_263 : i32
      "tpu.region"() ({
        %run_scoped3A_265 = tpu.sem_alloc : memref<!tpu.dma_semaphore, #tpu.memory_space<semaphore_mem>>
        %dma_start3A_266 = arith.constant 0 : i32
        %dma_start3A_267 = arith.constant 0 : i32
        %dma_start3A_268 = tpu.memref_slice %arg11[%dma_start3A_266, %dma_start3A_267] : memref<112x128xf32, #tpu.memory_space<vmem>> -> memref<32x128xf32, #tpu.memory_space<vmem>>
        %dma_start3A_269 = arith.constant 0 : i32
        %dma_start3A_270 = tpu.memref_slice %arg5[%add3A_264, %dma_start3A_269] : memref<10000x128xf32, #tpu.memory_space<hbm>> -> memref<32x128xf32, #tpu.memory_space<hbm>>
        %dma_start3A_271 = arith.constant 0 : i32
        %dma_start3A_272 = tpu.memref_slice %arg5[%add3A_264, %dma_start3A_271] : memref<10000x128xf32, #tpu.memory_space<hbm>> -> memref<32x128xf32, #tpu.memory_space<hbm>>
        %dma_start3A_273 = arith.constant 0 : i32
        %dma_start3A_274 = arith.constant 0 : i32
        %dma_start3A_275 = tpu.memref_slice %arg11[%dma_start3A_273, %dma_start3A_274] : memref<112x128xf32, #tpu.memory_space<vmem>> -> memref<32x128xf32, #tpu.memory_space<vmem>>
        tpu.enqueue_dma source(%dma_start3A_275 : memref<32x128xf32, #tpu.memory_space<vmem>>) target(%dma_start3A_272 : memref<32x128xf32, #tpu.memory_space<hbm>>) target_semaphore(%run_scoped3A_265 : memref<!tpu.dma_semaphore, #tpu.memory_space<semaphore_mem>>)
        %dma_wait3A_276 = arith.constant 0 : i32
        %dma_wait3A_277 = arith.constant 0 : i32
        %dma_wait3A_278 = tpu.memref_slice %arg11[%dma_wait3A_276, %dma_wait3A_277] : memref<112x128xf32, #tpu.memory_space<vmem>> -> memref<32x128xf32, #tpu.memory_space<vmem>>
        %dma_wait3A_279 = arith.constant 0 : i32
        %dma_wait3A_280 = tpu.memref_slice %arg5[%add3A_264, %dma_wait3A_279] : memref<10000x128xf32, #tpu.memory_space<hbm>> -> memref<32x128xf32, #tpu.memory_space<hbm>>
        %dma_wait3A_281 = arith.constant 0 : i32
        %dma_wait3A_282 = tpu.memref_slice %arg5[%add3A_264, %dma_wait3A_281] : memref<10000x128xf32, #tpu.memory_space<hbm>> -> memref<32x128xf32, #tpu.memory_space<hbm>>
        %dma_wait3A_283 = arith.constant 0 : i32
        %dma_wait3A_284 = arith.constant 0 : i32
        %dma_wait3A_285 = tpu.memref_slice %arg11[%dma_wait3A_283, %dma_wait3A_284] : memref<112x128xf32, #tpu.memory_space<vmem>> -> memref<32x128xf32, #tpu.memory_space<vmem>>
        tpu.wait_dma2 semaphore(%run_scoped3A_265 : memref<!tpu.dma_semaphore, #tpu.memory_space<semaphore_mem>>) src(%dma_wait3A_285 : memref<32x128xf32, #tpu.memory_space<vmem>>) dst(%dma_wait3A_282 : memref<32x128xf32, #tpu.memory_space<hbm>>)
        tpu.yield
      }) : () -> ()
    } else {
    }
    %barrier3A_82 = arith.constant 0 : index
    tpu.barrier barrier_id(%barrier3A_82)
    %add3A_83 = arith.constant 2 : i32
    %add3A_84 = arith.addi %add3A_83, %arg0 : i32
    %mul3A_85 = arith.constant 1680 : i32
    %mul3A_86 = arith.muli %mul3A_85, %add3A_84 : i32
    %eq3A_87 = arith.constant 5 : i32
    %eq3A_88 = arith.cmpi eq, %add3A_84, %eq3A_87 : i32
    %jit3A_89 = arith.constant 1600 : i32
    %jit3A_90 = arith.constant 1680 : i32
    %select_n3A_91 = arith.select %eq3A_88, %jit3A_89, %jit3A_90 : i32
    %lt3A_92 = arith.constant 15 : i32
    %lt3A_93 = arith.cmpi slt, %arg1, %lt3A_92 : i32
    %convert_element_type3A_94 = arith.extui %lt3A_93 : i1 to i32
    %cond3A_95 = arith.constant 0 : i32
    %cond3A_96 = arith.cmpi ne, %convert_element_type3A_94, %cond3A_95 : i32
    scf.if %cond3A_96 {
      %mul3A_263 = arith.constant 112 : i32
      %mul3A_264 = arith.muli %mul3A_263, %arg1 : i32
      "tpu.region"() ({
        %run_scoped3A_265 = tpu.sem_alloc : memref<!tpu.dma_semaphore, #tpu.memory_space<semaphore_mem>>
        %dma_start3A_266 = arith.constant 0 : i32
        %dma_start3A_267 = tpu.memref_slice %arg12[%mul3A_264, %dma_start3A_266] : memref<1688x128xf32, #tpu.memory_space<vmem_shared>> -> memref<112x128xf32, #tpu.memory_space<vmem_shared>>
        %dma_start3A_268 = arith.constant 0 : i32
        %dma_start3A_269 = tpu.memref_slice %arg12[%mul3A_264, %dma_start3A_268] : memref<1688x128xf32, #tpu.memory_space<vmem_shared>> -> memref<112x128xf32, #tpu.memory_space<vmem_shared>>
        tpu.enqueue_dma source(%arg10 : memref<112x128xf32, #tpu.memory_space<vmem>>) target(%dma_start3A_269 : memref<112x128xf32, #tpu.memory_space<vmem_shared>>) target_semaphore(%run_scoped3A_265 : memref<!tpu.dma_semaphore, #tpu.memory_space<semaphore_mem>>)
        %dma_wait3A_270 = arith.constant 0 : i32
        %dma_wait3A_271 = tpu.memref_slice %arg12[%mul3A_264, %dma_wait3A_270] : memref<1688x128xf32, #tpu.memory_space<vmem_shared>> -> memref<112x128xf32, #tpu.memory_space<vmem_shared>>
        %dma_wait3A_272 = arith.constant 0 : i32
        %dma_wait3A_273 = tpu.memref_slice %arg12[%mul3A_264, %dma_wait3A_272] : memref<1688x128xf32, #tpu.memory_space<vmem_shared>> -> memref<112x128xf32, #tpu.memory_space<vmem_shared>>
        tpu.wait_dma2 semaphore(%run_scoped3A_265 : memref<!tpu.dma_semaphore, #tpu.memory_space<semaphore_mem>>) src(%arg10 : memref<112x128xf32, #tpu.memory_space<vmem>>) dst(%dma_wait3A_273 : memref<112x128xf32, #tpu.memory_space<vmem_shared>>)
        tpu.yield
      }) : () -> ()
    } else {
    }
    %eq3A_97 = arith.constant 15 : i32
    %eq3A_98 = arith.cmpi eq, %arg1, %eq3A_97 : i32
    %convert_element_type3A_99 = arith.extui %eq3A_98 : i1 to i32
    %cond3A_100 = arith.constant 0 : i32
    %cond3A_101 = arith.cmpi ne, %convert_element_type3A_99, %cond3A_100 : i32
    scf.if %cond3A_101 {
      "tpu.region"() ({
        %run_scoped3A_263 = tpu.sem_alloc : memref<!tpu.dma_semaphore, #tpu.memory_space<semaphore_mem>>
        %dma_start3A_264 = arith.constant 0 : i32
        %dma_start3A_265 = arith.constant 0 : i32
        %dma_start3A_266 = tpu.memref_slice %arg10[%dma_start3A_264, %dma_start3A_265] : memref<112x128xf32, #tpu.memory_space<vmem>> -> memref<8x128xf32, #tpu.memory_space<vmem>>
        %dma_start3A_267 = arith.constant 1680 : i32
        %dma_start3A_268 = arith.constant 0 : i32
        %dma_start3A_269 = tpu.memref_slice %arg12[%dma_start3A_267, %dma_start3A_268] : memref<1688x128xf32, #tpu.memory_space<vmem_shared>> -> memref<8x128xf32, #tpu.memory_space<vmem_shared>>
        %dma_start3A_270 = arith.constant 1680 : i32
        %dma_start3A_271 = arith.constant 0 : i32
        %dma_start3A_272 = tpu.memref_slice %arg12[%dma_start3A_270, %dma_start3A_271] : memref<1688x128xf32, #tpu.memory_space<vmem_shared>> -> memref<8x128xf32, #tpu.memory_space<vmem_shared>>
        %dma_start3A_273 = arith.constant 0 : i32
        %dma_start3A_274 = arith.constant 0 : i32
        %dma_start3A_275 = tpu.memref_slice %arg10[%dma_start3A_273, %dma_start3A_274] : memref<112x128xf32, #tpu.memory_space<vmem>> -> memref<8x128xf32, #tpu.memory_space<vmem>>
        tpu.enqueue_dma source(%dma_start3A_275 : memref<8x128xf32, #tpu.memory_space<vmem>>) target(%dma_start3A_272 : memref<8x128xf32, #tpu.memory_space<vmem_shared>>) target_semaphore(%run_scoped3A_263 : memref<!tpu.dma_semaphore, #tpu.memory_space<semaphore_mem>>)
        %dma_wait3A_276 = arith.constant 0 : i32
        %dma_wait3A_277 = arith.constant 0 : i32
        %dma_wait3A_278 = tpu.memref_slice %arg10[%dma_wait3A_276, %dma_wait3A_277] : memref<112x128xf32, #tpu.memory_space<vmem>> -> memref<8x128xf32, #tpu.memory_space<vmem>>
        %dma_wait3A_279 = arith.constant 1680 : i32
        %dma_wait3A_280 = arith.constant 0 : i32
        %dma_wait3A_281 = tpu.memref_slice %arg12[%dma_wait3A_279, %dma_wait3A_280] : memref<1688x128xf32, #tpu.memory_space<vmem_shared>> -> memref<8x128xf32, #tpu.memory_space<vmem_shared>>
        %dma_wait3A_282 = arith.constant 1680 : i32
        %dma_wait3A_283 = arith.constant 0 : i32
        %dma_wait3A_284 = tpu.memref_slice %arg12[%dma_wait3A_282, %dma_wait3A_283] : memref<1688x128xf32, #tpu.memory_space<vmem_shared>> -> memref<8x128xf32, #tpu.memory_space<vmem_shared>>
        %dma_wait3A_285 = arith.constant 0 : i32
        %dma_wait3A_286 = arith.constant 0 : i32
        %dma_wait3A_287 = tpu.memref_slice %arg10[%dma_wait3A_285, %dma_wait3A_286] : memref<112x128xf32, #tpu.memory_space<vmem>> -> memref<8x128xf32, #tpu.memory_space<vmem>>
        tpu.wait_dma2 semaphore(%run_scoped3A_263 : memref<!tpu.dma_semaphore, #tpu.memory_space<semaphore_mem>>) src(%dma_wait3A_287 : memref<8x128xf32, #tpu.memory_space<vmem>>) dst(%dma_wait3A_284 : memref<8x128xf32, #tpu.memory_space<vmem_shared>>)
        tpu.yield
      }) : () -> ()
    } else {
    }
    "tpu.region"() ({
      %run_scoped3A_263 = tpu.sem_alloc : memref<!tpu.dma_semaphore, #tpu.memory_space<semaphore_mem>>
      %dma_start3A_264 = arith.constant 0 : i32
      %dma_start3A_265 = arith.constant 0 : i32
      %dma_start3A_266 = tpu.memref_slice %arg4[%arg1, %dma_start3A_264, %dma_start3A_265] : memref<16x250x80xi32, #tpu.memory_space<hbm>> -> memref<1x250x80xi32, #tpu.memory_space<hbm>>
      %dma_start3A_267 = tpu.memref_squeeze %dma_start3A_266 : memref<1x250x80xi32, #tpu.memory_space<hbm>> -> memref<250x80xi32, #tpu.memory_space<hbm>>
      %dma_start3A_268 = arith.constant 0 : i32
      %dma_start3A_269 = arith.constant 0 : i32
      %dma_start3A_270 = tpu.memref_slice %arg4[%arg1, %dma_start3A_268, %dma_start3A_269] : memref<16x250x80xi32, #tpu.memory_space<hbm>> -> memref<1x250x80xi32, #tpu.memory_space<hbm>>
      %dma_start3A_271 = tpu.memref_squeeze %dma_start3A_270 : memref<1x250x80xi32, #tpu.memory_space<hbm>> -> memref<250x80xi32, #tpu.memory_space<hbm>>
      tpu.enqueue_dma source(%dma_start3A_271 : memref<250x80xi32, #tpu.memory_space<hbm>>) target(%arg7 : memref<250x80xi32, #tpu.memory_space<vmem>>) target_semaphore(%run_scoped3A_263 : memref<!tpu.dma_semaphore, #tpu.memory_space<semaphore_mem>>)
      %dma_wait3A_272 = arith.constant 0 : i32
      %dma_wait3A_273 = arith.constant 0 : i32
      %dma_wait3A_274 = tpu.memref_slice %arg4[%arg1, %dma_wait3A_272, %dma_wait3A_273] : memref<16x250x80xi32, #tpu.memory_space<hbm>> -> memref<1x250x80xi32, #tpu.memory_space<hbm>>
      %dma_wait3A_275 = tpu.memref_squeeze %dma_wait3A_274 : memref<1x250x80xi32, #tpu.memory_space<hbm>> -> memref<250x80xi32, #tpu.memory_space<hbm>>
      %dma_wait3A_276 = arith.constant 0 : i32
      %dma_wait3A_277 = arith.constant 0 : i32
      %dma_wait3A_278 = tpu.memref_slice %arg4[%arg1, %dma_wait3A_276, %dma_wait3A_277] : memref<16x250x80xi32, #tpu.memory_space<hbm>> -> memref<1x250x80xi32, #tpu.memory_space<hbm>>
      %dma_wait3A_279 = tpu.memref_squeeze %dma_wait3A_278 : memref<1x250x80xi32, #tpu.memory_space<hbm>> -> memref<250x80xi32, #tpu.memory_space<hbm>>
      tpu.wait_dma2 semaphore(%run_scoped3A_263 : memref<!tpu.dma_semaphore, #tpu.memory_space<semaphore_mem>>) src(%dma_wait3A_279 : memref<250x80xi32, #tpu.memory_space<hbm>>) dst(%arg7 : memref<250x80xi32, #tpu.memory_space<vmem>>)
      tpu.yield
    }) : () -> ()
    %scan3A_102 = arith.constant 0 : i32
    %scan3A_103 = arith.constant 0 : i32
    %scan3A_104 = arith.constant 250 : i32
    %scan3A_105 = arith.addi %scan3A_103, %scan3A_104 : i32
    %scan3A_106 = arith.constant 1 : i32
    %scan3A_107 = scf.for %scan3A_263 = %scan3A_103 to %scan3A_105 step %scan3A_106 iter_args(%scan3A_264 = %scan3A_102) -> (i32)  : i32 {
      %get3A = arith.index_cast %scan3A_263 : i32 to index
      %get3A_265 = arith.constant 0 : index
      %get3A_266 = tpu.vector_load %arg7[%get3A, %get3A_265] {strides = array<i32>} : memref<250x80xi32, #tpu.memory_space<vmem>>, vector<1x16xi32>,
      %get3A_267 = vector.shape_cast %get3A_266 : vector<1x16xi32> to vector<16xi32>
      %sub3A = vector.broadcast %mul3A_86 : i32 to vector<16xi32>
      %sub3A_268 = arith.subi %get3A_267, %sub3A : vector<16xi32>
      %ge3A = arith.constant 0 : i32
      %ge3A_269 = vector.broadcast %ge3A : i32 to vector<16xi32>
      %ge3A_270 = arith.cmpi sge, %sub3A_268, %ge3A_269 : vector<16xi32>
      %lt3A_271 = vector.broadcast %select_n3A_91 : i32 to vector<16xi32>
      %lt3A_272 = arith.cmpi slt, %sub3A_268, %lt3A_271 : vector<16xi32>
      %and3A_273 = arith.andi %ge3A_270, %lt3A_272 : vector<16xi1>
      %jit3A_274 = arith.constant 1680 : i32
      %broadcast_in_dim3A = vector.broadcast %jit3A_274 : i32 to vector<16xi32>
      %select_n3A_275 = arith.select %and3A_273, %sub3A_268, %broadcast_in_dim3A : vector<16xi1>, vector<16xi32>
      %swap3A = arith.index_cast %scan3A_263 : i32 to index
      %swap3A_276 = arith.constant 0 : index
      %swap3A_277 = tpu.vector_load %arg7[%swap3A, %swap3A_276] {strides = array<i32>} : memref<250x80xi32, #tpu.memory_space<vmem>>, vector<1x16xi32>,
      %swap3A_278 = vector.shape_cast %swap3A_277 : vector<1x16xi32> to vector<16xi32>
      %swap3A_279 = vector.shape_cast %select_n3A_275 : vector<16xi32> to vector<1x16xi32>
      tpu.vector_store %arg7[%swap3A, %swap3A_276], %swap3A_279 {strides = array<i32>} : memref<250x80xi32, #tpu.memory_space<vmem>>, vector<1x16xi32>,
      %get3A_280 = arith.index_cast %scan3A_263 : i32 to index
      %get3A_281 = arith.constant 16 : index
      %get3A_282 = tpu.vector_load %arg7[%get3A_280, %get3A_281] {strides = array<i32>} : memref<250x80xi32, #tpu.memory_space<vmem>>, vector<1x16xi32>,
      %get3A_283 = vector.shape_cast %get3A_282 : vector<1x16xi32> to vector<16xi32>
      %sub3A_284 = vector.broadcast %mul3A_86 : i32 to vector<16xi32>
      %sub3A_285 = arith.subi %get3A_283, %sub3A_284 : vector<16xi32>
      %ge3A_286 = arith.constant 0 : i32
      %ge3A_287 = vector.broadcast %ge3A_286 : i32 to vector<16xi32>
      %ge3A_288 = arith.cmpi sge, %sub3A_285, %ge3A_287 : vector<16xi32>
      %lt3A_289 = vector.broadcast %select_n3A_91 : i32 to vector<16xi32>
      %lt3A_290 = arith.cmpi slt, %sub3A_285, %lt3A_289 : vector<16xi32>
      %and3A_291 = arith.andi %ge3A_288, %lt3A_290 : vector<16xi1>
      %jit3A_292 = arith.constant 1680 : i32
      %broadcast_in_dim3A_293 = vector.broadcast %jit3A_292 : i32 to vector<16xi32>
      %select_n3A_294 = arith.select %and3A_291, %sub3A_285, %broadcast_in_dim3A_293 : vector<16xi1>, vector<16xi32>
      %swap3A_295 = arith.index_cast %scan3A_263 : i32 to index
      %swap3A_296 = arith.constant 16 : index
      %swap3A_297 = tpu.vector_load %arg7[%swap3A_295, %swap3A_296] {strides = array<i32>} : memref<250x80xi32, #tpu.memory_space<vmem>>, vector<1x16xi32>,
      %swap3A_298 = vector.shape_cast %swap3A_297 : vector<1x16xi32> to vector<16xi32>
      %swap3A_299 = vector.shape_cast %select_n3A_294 : vector<16xi32> to vector<1x16xi32>
      tpu.vector_store %arg7[%swap3A_295, %swap3A_296], %swap3A_299 {strides = array<i32>} : memref<250x80xi32, #tpu.memory_space<vmem>>, vector<1x16xi32>,
      %get3A_300 = arith.index_cast %scan3A_263 : i32 to index
      %get3A_301 = arith.constant 32 : index
      %get3A_302 = tpu.vector_load %arg7[%get3A_300, %get3A_301] {strides = array<i32>} : memref<250x80xi32, #tpu.memory_space<vmem>>, vector<1x16xi32>,
      %get3A_303 = vector.shape_cast %get3A_302 : vector<1x16xi32> to vector<16xi32>
      %sub3A_304 = vector.broadcast %mul3A_86 : i32 to vector<16xi32>
      %sub3A_305 = arith.subi %get3A_303, %sub3A_304 : vector<16xi32>
      %ge3A_306 = arith.constant 0 : i32
      %ge3A_307 = vector.broadcast %ge3A_306 : i32 to vector<16xi32>
      %ge3A_308 = arith.cmpi sge, %sub3A_305, %ge3A_307 : vector<16xi32>
      %lt3A_309 = vector.broadcast %select_n3A_91 : i32 to vector<16xi32>
      %lt3A_310 = arith.cmpi slt, %sub3A_305, %lt3A_309 : vector<16xi32>
      %and3A_311 = arith.andi %ge3A_308, %lt3A_310 : vector<16xi1>
      %jit3A_312 = arith.constant 1680 : i32
      %broadcast_in_dim3A_313 = vector.broadcast %jit3A_312 : i32 to vector<16xi32>
      %select_n3A_314 = arith.select %and3A_311, %sub3A_305, %broadcast_in_dim3A_313 : vector<16xi1>, vector<16xi32>
      %swap3A_315 = arith.index_cast %scan3A_263 : i32 to index
      %swap3A_316 = arith.constant 32 : index
      %swap3A_317 = tpu.vector_load %arg7[%swap3A_315, %swap3A_316] {strides = array<i32>} : memref<250x80xi32, #tpu.memory_space<vmem>>, vector<1x16xi32>,
      %swap3A_318 = vector.shape_cast %swap3A_317 : vector<1x16xi32> to vector<16xi32>
      %swap3A_319 = vector.shape_cast %select_n3A_314 : vector<16xi32> to vector<1x16xi32>
      tpu.vector_store %arg7[%swap3A_315, %swap3A_316], %swap3A_319 {strides = array<i32>} : memref<250x80xi32, #tpu.memory_space<vmem>>, vector<1x16xi32>,
      %get3A_320 = arith.index_cast %scan3A_263 : i32 to index
      %get3A_321 = arith.constant 48 : index
      %get3A_322 = tpu.vector_load %arg7[%get3A_320, %get3A_321] {strides = array<i32>} : memref<250x80xi32, #tpu.memory_space<vmem>>, vector<1x16xi32>,
      %get3A_323 = vector.shape_cast %get3A_322 : vector<1x16xi32> to vector<16xi32>
      %sub3A_324 = vector.broadcast %mul3A_86 : i32 to vector<16xi32>
      %sub3A_325 = arith.subi %get3A_323, %sub3A_324 : vector<16xi32>
      %ge3A_326 = arith.constant 0 : i32
      %ge3A_327 = vector.broadcast %ge3A_326 : i32 to vector<16xi32>
      %ge3A_328 = arith.cmpi sge, %sub3A_325, %ge3A_327 : vector<16xi32>
      %lt3A_329 = vector.broadcast %select_n3A_91 : i32 to vector<16xi32>
      %lt3A_330 = arith.cmpi slt, %sub3A_325, %lt3A_329 : vector<16xi32>
      %and3A_331 = arith.andi %ge3A_328, %lt3A_330 : vector<16xi1>
      %jit3A_332 = arith.constant 1680 : i32
      %broadcast_in_dim3A_333 = vector.broadcast %jit3A_332 : i32 to vector<16xi32>
      %select_n3A_334 = arith.select %and3A_331, %sub3A_325, %broadcast_in_dim3A_333 : vector<16xi1>, vector<16xi32>
      %swap3A_335 = arith.index_cast %scan3A_263 : i32 to index
      %swap3A_336 = arith.constant 48 : index
      %swap3A_337 = tpu.vector_load %arg7[%swap3A_335, %swap3A_336] {strides = array<i32>} : memref<250x80xi32, #tpu.memory_space<vmem>>, vector<1x16xi32>,
      %swap3A_338 = vector.shape_cast %swap3A_337 : vector<1x16xi32> to vector<16xi32>
      %swap3A_339 = vector.shape_cast %select_n3A_334 : vector<16xi32> to vector<1x16xi32>
      tpu.vector_store %arg7[%swap3A_335, %swap3A_336], %swap3A_339 {strides = array<i32>} : memref<250x80xi32, #tpu.memory_space<vmem>>, vector<1x16xi32>,
      %get3A_340 = arith.index_cast %scan3A_263 : i32 to index
      %get3A_341 = arith.constant 64 : index
      %get3A_342 = tpu.vector_load %arg7[%get3A_340, %get3A_341] {strides = array<i32>} : memref<250x80xi32, #tpu.memory_space<vmem>>, vector<1x16xi32>,
      %get3A_343 = vector.shape_cast %get3A_342 : vector<1x16xi32> to vector<16xi32>
      %sub3A_344 = vector.broadcast %mul3A_86 : i32 to vector<16xi32>
      %sub3A_345 = arith.subi %get3A_343, %sub3A_344 : vector<16xi32>
      %ge3A_346 = arith.constant 0 : i32
      %ge3A_347 = vector.broadcast %ge3A_346 : i32 to vector<16xi32>
      %ge3A_348 = arith.cmpi sge, %sub3A_345, %ge3A_347 : vector<16xi32>
      %lt3A_349 = vector.broadcast %select_n3A_91 : i32 to vector<16xi32>
      %lt3A_350 = arith.cmpi slt, %sub3A_345, %lt3A_349 : vector<16xi32>
      %and3A_351 = arith.andi %ge3A_348, %lt3A_350 : vector<16xi1>
      %jit3A_352 = arith.constant 1680 : i32
      %broadcast_in_dim3A_353 = vector.broadcast %jit3A_352 : i32 to vector<16xi32>
      %select_n3A_354 = arith.select %and3A_351, %sub3A_345, %broadcast_in_dim3A_353 : vector<16xi1>, vector<16xi32>
      %swap3A_355 = arith.index_cast %scan3A_263 : i32 to index
      %swap3A_356 = arith.constant 64 : index
      %swap3A_357 = tpu.vector_load %arg7[%swap3A_355, %swap3A_356] {strides = array<i32>} : memref<250x80xi32, #tpu.memory_space<vmem>>, vector<1x16xi32>,
      %swap3A_358 = vector.shape_cast %swap3A_357 : vector<1x16xi32> to vector<16xi32>
      %swap3A_359 = vector.shape_cast %select_n3A_354 : vector<16xi32> to vector<1x16xi32>
      tpu.vector_store %arg7[%swap3A_355, %swap3A_356], %swap3A_359 {strides = array<i32>} : memref<250x80xi32, #tpu.memory_space<vmem>>, vector<1x16xi32>,
      %scan3A_360 = arith.constant 0 : i32
      scf.yield %scan3A_360 : i32
    }
    %scan3A_108 = arith.constant 250 : i32
    %barrier3A_109 = arith.constant 0 : index
    tpu.barrier barrier_id(%barrier3A_109)
    %dma_start3A_110 = arith.constant 0 : i32
    %dma_start3A_111 = arith.constant 0 : i32
    %dma_start3A_112 = tpu.memref_slice %arg6[%dma_start3A_110, %dma_start3A_111] : memref<250x80xi32, #tpu.memory_space<vmem>> -> memref<1x80xi32, #tpu.memory_space<vmem>>
    %dma_start3A_113 = tpu.memref_squeeze %dma_start3A_112 : memref<1x80xi32, #tpu.memory_space<vmem>> -> memref<80xi32, #tpu.memory_space<vmem>>
    %dma_start3A_114 = arith.constant 0 : i32
    %dma_start3A_115 = arith.constant 0 : i32
    %dma_start3A_116 = tpu.memref_slice %arg2[%dma_start3A_114, %dma_start3A_115] : memref<10000x128xf32, #tpu.memory_space<hbm>> -> memref<10000x128xf32, #tpu.memory_space<hbm>>
    tpu.enqueue_indirect_dma source(%dma_start3A_116 : memref<10000x128xf32, #tpu.memory_space<hbm>>) target(%arg8 : memref<80x128xf32, #tpu.memory_space<vmem>>) offsets(%dma_start3A_113 : memref<80xi32, #tpu.memory_space<vmem>>) semaphore(%arg13 : memref<!tpu.dma_semaphore, #tpu.memory_space<semaphore_mem>>)
    %dma_start3A_117 = arith.constant 1 : i32
    %dma_start3A_118 = arith.constant 0 : i32
    %dma_start3A_119 = tpu.memref_slice %arg6[%dma_start3A_117, %dma_start3A_118] : memref<250x80xi32, #tpu.memory_space<vmem>> -> memref<1x80xi32, #tpu.memory_space<vmem>>
    %dma_start3A_120 = tpu.memref_squeeze %dma_start3A_119 : memref<1x80xi32, #tpu.memory_space<vmem>> -> memref<80xi32, #tpu.memory_space<vmem>>
    %dma_start3A_121 = arith.constant 0 : i32
    %dma_start3A_122 = arith.constant 0 : i32
    %dma_start3A_123 = tpu.memref_slice %arg2[%dma_start3A_121, %dma_start3A_122] : memref<10000x128xf32, #tpu.memory_space<hbm>> -> memref<10000x128xf32, #tpu.memory_space<hbm>>
    tpu.enqueue_indirect_dma source(%dma_start3A_123 : memref<10000x128xf32, #tpu.memory_space<hbm>>) target(%arg9 : memref<80x128xf32, #tpu.memory_space<vmem>>) offsets(%dma_start3A_120 : memref<80xi32, #tpu.memory_space<vmem>>) semaphore(%arg14 : memref<!tpu.dma_semaphore, #tpu.memory_space<semaphore_mem>>)
    %scan3A_124 = arith.constant 0 : i32
    %scan3A_125 = arith.constant 0 : i32
    %scan3A_126 = arith.constant 124 : i32
    %scan3A_127 = arith.addi %scan3A_125, %scan3A_126 : i32
    %scan3A_128 = arith.constant 1 : i32
    %scan3A_129 = scf.for %scan3A_263 = %scan3A_125 to %scan3A_127 step %scan3A_128 iter_args(%scan3A_264 = %scan3A_124) -> (i32)  : i32 {
      %mul3A_265 = arith.constant 2 : i32
      %mul3A_266 = arith.muli %mul3A_265, %scan3A_263 : i32
      %dma_wait3A_267 = arith.constant 0 : i32
      %dma_wait3A_268 = tpu.memref_slice %arg6[%mul3A_266, %dma_wait3A_267] : memref<250x80xi32, #tpu.memory_space<vmem>> -> memref<1x80xi32, #tpu.memory_space<vmem>>
      %dma_wait3A_269 = tpu.memref_squeeze %dma_wait3A_268 : memref<1x80xi32, #tpu.memory_space<vmem>> -> memref<80xi32, #tpu.memory_space<vmem>>
      %dma_wait3A_270 = arith.constant 0 : i32
      %dma_wait3A_271 = arith.constant 0 : i32
      %dma_wait3A_272 = tpu.memref_slice %arg2[%dma_wait3A_270, %dma_wait3A_271] : memref<10000x128xf32, #tpu.memory_space<hbm>> -> memref<10000x128xf32, #tpu.memory_space<hbm>>
      tpu.wait_indirect_dma semaphore(%arg13 : memref<!tpu.dma_semaphore, #tpu.memory_space<semaphore_mem>>) src(%dma_wait3A_272 : memref<10000x128xf32, #tpu.memory_space<hbm>>) dst(%arg8 : memref<80x128xf32, #tpu.memory_space<vmem>>)
      "tpu.region"() ({
        %run_scoped3A_298 = tpu.sem_alloc : memref<!tpu.dma_semaphore, #tpu.memory_space<semaphore_mem>>
        %dma_start3A_299 = arith.constant 0 : i32
        %dma_start3A_300 = tpu.memref_slice %arg7[%mul3A_266, %dma_start3A_299] : memref<250x80xi32, #tpu.memory_space<vmem>> -> memref<1x80xi32, #tpu.memory_space<vmem>>
        %dma_start3A_301 = tpu.memref_squeeze %dma_start3A_300 : memref<1x80xi32, #tpu.memory_space<vmem>> -> memref<80xi32, #tpu.memory_space<vmem>>
        %dma_start3A_302 = arith.constant 0 : i32
        %dma_start3A_303 = arith.constant 0 : i32
        %dma_start3A_304 = tpu.memref_slice %arg12[%dma_start3A_302, %dma_start3A_303] : memref<1688x128xf32, #tpu.memory_space<vmem_shared>> -> memref<1688x128xf32, #tpu.memory_space<vmem_shared>>
        tpu.enqueue_indirect_dma source(%arg8 : memref<80x128xf32, #tpu.memory_space<vmem>>) target(%dma_start3A_304 : memref<1688x128xf32, #tpu.memory_space<vmem_shared>>) offsets(%dma_start3A_301 : memref<80xi32, #tpu.memory_space<vmem>>) semaphore(%run_scoped3A_298 : memref<!tpu.dma_semaphore, #tpu.memory_space<semaphore_mem>>) {add = true}
        %dma_wait3A_305 = arith.constant 0 : i32
        %dma_wait3A_306 = tpu.memref_slice %arg7[%mul3A_266, %dma_wait3A_305] : memref<250x80xi32, #tpu.memory_space<vmem>> -> memref<1x80xi32, #tpu.memory_space<vmem>>
        %dma_wait3A_307 = tpu.memref_squeeze %dma_wait3A_306 : memref<1x80xi32, #tpu.memory_space<vmem>> -> memref<80xi32, #tpu.memory_space<vmem>>
        %dma_wait3A_308 = arith.constant 0 : i32
        %dma_wait3A_309 = arith.constant 0 : i32
        %dma_wait3A_310 = tpu.memref_slice %arg12[%dma_wait3A_308, %dma_wait3A_309] : memref<1688x128xf32, #tpu.memory_space<vmem_shared>> -> memref<1688x128xf32, #tpu.memory_space<vmem_shared>>
        tpu.wait_indirect_dma semaphore(%run_scoped3A_298 : memref<!tpu.dma_semaphore, #tpu.memory_space<semaphore_mem>>) src(%arg8 : memref<80x128xf32, #tpu.memory_space<vmem>>) dst(%dma_wait3A_310 : memref<1688x128xf32, #tpu.memory_space<vmem_shared>>)
        tpu.yield
      }) : () -> ()
      %add3A_273 = arith.constant 2 : i32
      %add3A_274 = arith.addi %mul3A_266, %add3A_273 : i32
      %dma_start3A_275 = arith.constant 0 : i32
      %dma_start3A_276 = tpu.memref_slice %arg6[%add3A_274, %dma_start3A_275] : memref<250x80xi32, #tpu.memory_space<vmem>> -> memref<1x80xi32, #tpu.memory_space<vmem>>
      %dma_start3A_277 = tpu.memref_squeeze %dma_start3A_276 : memref<1x80xi32, #tpu.memory_space<vmem>> -> memref<80xi32, #tpu.memory_space<vmem>>
      %dma_start3A_278 = arith.constant 0 : i32
      %dma_start3A_279 = arith.constant 0 : i32
      %dma_start3A_280 = tpu.memref_slice %arg2[%dma_start3A_278, %dma_start3A_279] : memref<10000x128xf32, #tpu.memory_space<hbm>> -> memref<10000x128xf32, #tpu.memory_space<hbm>>
      tpu.enqueue_indirect_dma source(%dma_start3A_280 : memref<10000x128xf32, #tpu.memory_space<hbm>>) target(%arg8 : memref<80x128xf32, #tpu.memory_space<vmem>>) offsets(%dma_start3A_277 : memref<80xi32, #tpu.memory_space<vmem>>) semaphore(%arg13 : memref<!tpu.dma_semaphore, #tpu.memory_space<semaphore_mem>>)
      %add3A_281 = arith.constant 1 : i32
      %add3A_282 = arith.addi %mul3A_266, %add3A_281 : i32
      %dma_wait3A_283 = arith.constant 0 : i32
      %dma_wait3A_284 = tpu.memref_slice %arg6[%add3A_282, %dma_wait3A_283] : memref<250x80xi32, #tpu.memory_space<vmem>> -> memref<1x80xi32, #tpu.memory_space<vmem>>
      %dma_wait3A_285 = tpu.memref_squeeze %dma_wait3A_284 : memref<1x80xi32, #tpu.memory_space<vmem>> -> memref<80xi32, #tpu.memory_space<vmem>>
      %dma_wait3A_286 = arith.constant 0 : i32
      %dma_wait3A_287 = arith.constant 0 : i32
      %dma_wait3A_288 = tpu.memref_slice %arg2[%dma_wait3A_286, %dma_wait3A_287] : memref<10000x128xf32, #tpu.memory_space<hbm>> -> memref<10000x128xf32, #tpu.memory_space<hbm>>
      tpu.wait_indirect_dma semaphore(%arg14 : memref<!tpu.dma_semaphore, #tpu.memory_space<semaphore_mem>>) src(%dma_wait3A_288 : memref<10000x128xf32, #tpu.memory_space<hbm>>) dst(%arg9 : memref<80x128xf32, #tpu.memory_space<vmem>>)
      "tpu.region"() ({
        %run_scoped3A_298 = tpu.sem_alloc : memref<!tpu.dma_semaphore, #tpu.memory_space<semaphore_mem>>
        %dma_start3A_299 = arith.constant 0 : i32
        %dma_start3A_300 = tpu.memref_slice %arg7[%add3A_282, %dma_start3A_299] : memref<250x80xi32, #tpu.memory_space<vmem>> -> memref<1x80xi32, #tpu.memory_space<vmem>>
        %dma_start3A_301 = tpu.memref_squeeze %dma_start3A_300 : memref<1x80xi32, #tpu.memory_space<vmem>> -> memref<80xi32, #tpu.memory_space<vmem>>
        %dma_start3A_302 = arith.constant 0 : i32
        %dma_start3A_303 = arith.constant 0 : i32
        %dma_start3A_304 = tpu.memref_slice %arg12[%dma_start3A_302, %dma_start3A_303] : memref<1688x128xf32, #tpu.memory_space<vmem_shared>> -> memref<1688x128xf32, #tpu.memory_space<vmem_shared>>
        tpu.enqueue_indirect_dma source(%arg9 : memref<80x128xf32, #tpu.memory_space<vmem>>) target(%dma_start3A_304 : memref<1688x128xf32, #tpu.memory_space<vmem_shared>>) offsets(%dma_start3A_301 : memref<80xi32, #tpu.memory_space<vmem>>) semaphore(%run_scoped3A_298 : memref<!tpu.dma_semaphore, #tpu.memory_space<semaphore_mem>>) {add = true}
        %dma_wait3A_305 = arith.constant 0 : i32
        %dma_wait3A_306 = tpu.memref_slice %arg7[%add3A_282, %dma_wait3A_305] : memref<250x80xi32, #tpu.memory_space<vmem>> -> memref<1x80xi32, #tpu.memory_space<vmem>>
        %dma_wait3A_307 = tpu.memref_squeeze %dma_wait3A_306 : memref<1x80xi32, #tpu.memory_space<vmem>> -> memref<80xi32, #tpu.memory_space<vmem>>
        %dma_wait3A_308 = arith.constant 0 : i32
        %dma_wait3A_309 = arith.constant 0 : i32
        %dma_wait3A_310 = tpu.memref_slice %arg12[%dma_wait3A_308, %dma_wait3A_309] : memref<1688x128xf32, #tpu.memory_space<vmem_shared>> -> memref<1688x128xf32, #tpu.memory_space<vmem_shared>>
        tpu.wait_indirect_dma semaphore(%run_scoped3A_298 : memref<!tpu.dma_semaphore, #tpu.memory_space<semaphore_mem>>) src(%arg9 : memref<80x128xf32, #tpu.memory_space<vmem>>) dst(%dma_wait3A_310 : memref<1688x128xf32, #tpu.memory_space<vmem_shared>>)
        tpu.yield
      }) : () -> ()
      %add3A_289 = arith.constant 3 : i32
      %add3A_290 = arith.addi %mul3A_266, %add3A_289 : i32
      %dma_start3A_291 = arith.constant 0 : i32
      %dma_start3A_292 = tpu.memref_slice %arg6[%add3A_290, %dma_start3A_291] : memref<250x80xi32, #tpu.memory_space<vmem>> -> memref<1x80xi32, #tpu.memory_space<vmem>>
      %dma_start3A_293 = tpu.memref_squeeze %dma_start3A_292 : memref<1x80xi32, #tpu.memory_space<vmem>> -> memref<80xi32, #tpu.memory_space<vmem>>
      %dma_start3A_294 = arith.constant 0 : i32
      %dma_start3A_295 = arith.constant 0 : i32
      %dma_start3A_296 = tpu.memref_slice %arg2[%dma_start3A_294, %dma_start3A_295] : memref<10000x128xf32, #tpu.memory_space<hbm>> -> memref<10000x128xf32, #tpu.memory_space<hbm>>
      tpu.enqueue_indirect_dma source(%dma_start3A_296 : memref<10000x128xf32, #tpu.memory_space<hbm>>) target(%arg9 : memref<80x128xf32, #tpu.memory_space<vmem>>) offsets(%dma_start3A_293 : memref<80xi32, #tpu.memory_space<vmem>>) semaphore(%arg14 : memref<!tpu.dma_semaphore, #tpu.memory_space<semaphore_mem>>)
      %scan3A_297 = arith.constant 0 : i32
      scf.yield %scan3A_297 : i32
    }
    %scan3A_130 = arith.constant 124 : i32
    %dma_wait3A_131 = arith.constant 248 : i32
    %dma_wait3A_132 = arith.constant 0 : i32
    %dma_wait3A_133 = tpu.memref_slice %arg6[%dma_wait3A_131, %dma_wait3A_132] : memref<250x80xi32, #tpu.memory_space<vmem>> -> memref<1x80xi32, #tpu.memory_space<vmem>>
    %dma_wait3A_134 = tpu.memref_squeeze %dma_wait3A_133 : memref<1x80xi32, #tpu.memory_space<vmem>> -> memref<80xi32, #tpu.memory_space<vmem>>
    %dma_wait3A_135 = arith.constant 0 : i32
    %dma_wait3A_136 = arith.constant 0 : i32
    %dma_wait3A_137 = tpu.memref_slice %arg2[%dma_wait3A_135, %dma_wait3A_136] : memref<10000x128xf32, #tpu.memory_space<hbm>> -> memref<10000x128xf32, #tpu.memory_space<hbm>>
    tpu.wait_indirect_dma semaphore(%arg13 : memref<!tpu.dma_semaphore, #tpu.memory_space<semaphore_mem>>) src(%dma_wait3A_137 : memref<10000x128xf32, #tpu.memory_space<hbm>>) dst(%arg8 : memref<80x128xf32, #tpu.memory_space<vmem>>)
    %run_scoped3A_138 = arith.constant 248 : i32
    "tpu.region"() ({
      %run_scoped3A_263 = tpu.sem_alloc : memref<!tpu.dma_semaphore, #tpu.memory_space<semaphore_mem>>
      %dma_start3A_264 = arith.constant 0 : i32
      %dma_start3A_265 = tpu.memref_slice %arg7[%run_scoped3A_138, %dma_start3A_264] : memref<250x80xi32, #tpu.memory_space<vmem>> -> memref<1x80xi32, #tpu.memory_space<vmem>>
      %dma_start3A_266 = tpu.memref_squeeze %dma_start3A_265 : memref<1x80xi32, #tpu.memory_space<vmem>> -> memref<80xi32, #tpu.memory_space<vmem>>
      %dma_start3A_267 = arith.constant 0 : i32
      %dma_start3A_268 = arith.constant 0 : i32
      %dma_start3A_269 = tpu.memref_slice %arg12[%dma_start3A_267, %dma_start3A_268] : memref<1688x128xf32, #tpu.memory_space<vmem_shared>> -> memref<1688x128xf32, #tpu.memory_space<vmem_shared>>
      tpu.enqueue_indirect_dma source(%arg8 : memref<80x128xf32, #tpu.memory_space<vmem>>) target(%dma_start3A_269 : memref<1688x128xf32, #tpu.memory_space<vmem_shared>>) offsets(%dma_start3A_266 : memref<80xi32, #tpu.memory_space<vmem>>) semaphore(%run_scoped3A_263 : memref<!tpu.dma_semaphore, #tpu.memory_space<semaphore_mem>>) {add = true}
      %dma_wait3A_270 = arith.constant 0 : i32
      %dma_wait3A_271 = tpu.memref_slice %arg7[%run_scoped3A_138, %dma_wait3A_270] : memref<250x80xi32, #tpu.memory_space<vmem>> -> memref<1x80xi32, #tpu.memory_space<vmem>>
      %dma_wait3A_272 = tpu.memref_squeeze %dma_wait3A_271 : memref<1x80xi32, #tpu.memory_space<vmem>> -> memref<80xi32, #tpu.memory_space<vmem>>
      %dma_wait3A_273 = arith.constant 0 : i32
      %dma_wait3A_274 = arith.constant 0 : i32
      %dma_wait3A_275 = tpu.memref_slice %arg12[%dma_wait3A_273, %dma_wait3A_274] : memref<1688x128xf32, #tpu.memory_space<vmem_shared>> -> memref<1688x128xf32, #tpu.memory_space<vmem_shared>>
      tpu.wait_indirect_dma semaphore(%run_scoped3A_263 : memref<!tpu.dma_semaphore, #tpu.memory_space<semaphore_mem>>) src(%arg8 : memref<80x128xf32, #tpu.memory_space<vmem>>) dst(%dma_wait3A_275 : memref<1688x128xf32, #tpu.memory_space<vmem_shared>>)
      tpu.yield
    }) : () -> ()
    %dma_wait3A_139 = arith.constant 249 : i32
    %dma_wait3A_140 = arith.constant 0 : i32
    %dma_wait3A_141 = tpu.memref_slice %arg6[%dma_wait3A_139, %dma_wait3A_140] : memref<250x80xi32, #tpu.memory_space<vmem>> -> memref<1x80xi32, #tpu.memory_space<vmem>>
    %dma_wait3A_142 = tpu.memref_squeeze %dma_wait3A_141 : memref<1x80xi32, #tpu.memory_space<vmem>> -> memref<80xi32, #tpu.memory_space<vmem>>
    %dma_wait3A_143 = arith.constant 0 : i32
    %dma_wait3A_144 = arith.constant 0 : i32
    %dma_wait3A_145 = tpu.memref_slice %arg2[%dma_wait3A_143, %dma_wait3A_144] : memref<10000x128xf32, #tpu.memory_space<hbm>> -> memref<10000x128xf32, #tpu.memory_space<hbm>>
    tpu.wait_indirect_dma semaphore(%arg14 : memref<!tpu.dma_semaphore, #tpu.memory_space<semaphore_mem>>) src(%dma_wait3A_145 : memref<10000x128xf32, #tpu.memory_space<hbm>>) dst(%arg9 : memref<80x128xf32, #tpu.memory_space<vmem>>)
    %run_scoped3A_146 = arith.constant 249 : i32
    "tpu.region"() ({
      %run_scoped3A_263 = tpu.sem_alloc : memref<!tpu.dma_semaphore, #tpu.memory_space<semaphore_mem>>
      %dma_start3A_264 = arith.constant 0 : i32
      %dma_start3A_265 = tpu.memref_slice %arg7[%run_scoped3A_146, %dma_start3A_264] : memref<250x80xi32, #tpu.memory_space<vmem>> -> memref<1x80xi32, #tpu.memory_space<vmem>>
      %dma_start3A_266 = tpu.memref_squeeze %dma_start3A_265 : memref<1x80xi32, #tpu.memory_space<vmem>> -> memref<80xi32, #tpu.memory_space<vmem>>
      %dma_start3A_267 = arith.constant 0 : i32
      %dma_start3A_268 = arith.constant 0 : i32
      %dma_start3A_269 = tpu.memref_slice %arg12[%dma_start3A_267, %dma_start3A_268] : memref<1688x128xf32, #tpu.memory_space<vmem_shared>> -> memref<1688x128xf32, #tpu.memory_space<vmem_shared>>
      tpu.enqueue_indirect_dma source(%arg9 : memref<80x128xf32, #tpu.memory_space<vmem>>) target(%dma_start3A_269 : memref<1688x128xf32, #tpu.memory_space<vmem_shared>>) offsets(%dma_start3A_266 : memref<80xi32, #tpu.memory_space<vmem>>) semaphore(%run_scoped3A_263 : memref<!tpu.dma_semaphore, #tpu.memory_space<semaphore_mem>>) {add = true}
      %dma_wait3A_270 = arith.constant 0 : i32
      %dma_wait3A_271 = tpu.memref_slice %arg7[%run_scoped3A_146, %dma_wait3A_270] : memref<250x80xi32, #tpu.memory_space<vmem>> -> memref<1x80xi32, #tpu.memory_space<vmem>>
      %dma_wait3A_272 = tpu.memref_squeeze %dma_wait3A_271 : memref<1x80xi32, #tpu.memory_space<vmem>> -> memref<80xi32, #tpu.memory_space<vmem>>
      %dma_wait3A_273 = arith.constant 0 : i32
      %dma_wait3A_274 = arith.constant 0 : i32
      %dma_wait3A_275 = tpu.memref_slice %arg12[%dma_wait3A_273, %dma_wait3A_274] : memref<1688x128xf32, #tpu.memory_space<vmem_shared>> -> memref<1688x128xf32, #tpu.memory_space<vmem_shared>>
      tpu.wait_indirect_dma semaphore(%run_scoped3A_263 : memref<!tpu.dma_semaphore, #tpu.memory_space<semaphore_mem>>) src(%arg9 : memref<80x128xf32, #tpu.memory_space<vmem>>) dst(%dma_wait3A_275 : memref<1688x128xf32, #tpu.memory_space<vmem_shared>>)
      tpu.yield
    }) : () -> ()
    %barrier3A_147 = arith.constant 0 : index
    tpu.barrier barrier_id(%barrier3A_147)
    %lt3A_148 = arith.constant 5 : i32
    %lt3A_149 = arith.cmpi slt, %add3A_84, %lt3A_148 : i32
    %lt3A_150 = arith.constant 15 : i32
    %lt3A_151 = arith.cmpi slt, %arg1, %lt3A_150 : i32
    %and3A_152 = arith.andi %lt3A_149, %lt3A_151 : i1
    %convert_element_type3A_153 = arith.extui %and3A_152 : i1 to i32
    %cond3A_154 = arith.constant 0 : i32
    %cond3A_155 = arith.cmpi ne, %convert_element_type3A_153, %cond3A_154 : i32
    scf.if %cond3A_155 {
      %mul3A_263 = arith.constant 112 : i32
      %mul3A_264 = arith.muli %mul3A_263, %arg1 : i32
      "tpu.region"() ({
        %run_scoped3A_268 = tpu.sem_alloc : memref<!tpu.dma_semaphore, #tpu.memory_space<semaphore_mem>>
        %dma_start3A_269 = arith.constant 0 : i32
        %dma_start3A_270 = tpu.memref_slice %arg12[%mul3A_264, %dma_start3A_269] : memref<1688x128xf32, #tpu.memory_space<vmem_shared>> -> memref<112x128xf32, #tpu.memory_space<vmem_shared>>
        %dma_start3A_271 = arith.constant 0 : i32
        %dma_start3A_272 = tpu.memref_slice %arg12[%mul3A_264, %dma_start3A_271] : memref<1688x128xf32, #tpu.memory_space<vmem_shared>> -> memref<112x128xf32, #tpu.memory_space<vmem_shared>>
        tpu.enqueue_dma source(%dma_start3A_272 : memref<112x128xf32, #tpu.memory_space<vmem_shared>>) target(%arg11 : memref<112x128xf32, #tpu.memory_space<vmem>>) target_semaphore(%run_scoped3A_268 : memref<!tpu.dma_semaphore, #tpu.memory_space<semaphore_mem>>)
        %dma_wait3A_273 = arith.constant 0 : i32
        %dma_wait3A_274 = tpu.memref_slice %arg12[%mul3A_264, %dma_wait3A_273] : memref<1688x128xf32, #tpu.memory_space<vmem_shared>> -> memref<112x128xf32, #tpu.memory_space<vmem_shared>>
        %dma_wait3A_275 = arith.constant 0 : i32
        %dma_wait3A_276 = tpu.memref_slice %arg12[%mul3A_264, %dma_wait3A_275] : memref<1688x128xf32, #tpu.memory_space<vmem_shared>> -> memref<112x128xf32, #tpu.memory_space<vmem_shared>>
        tpu.wait_dma2 semaphore(%run_scoped3A_268 : memref<!tpu.dma_semaphore, #tpu.memory_space<semaphore_mem>>) src(%dma_wait3A_276 : memref<112x128xf32, #tpu.memory_space<vmem_shared>>) dst(%arg11 : memref<112x128xf32, #tpu.memory_space<vmem>>)
        tpu.yield
      }) : () -> ()
      %mul3A_265 = arith.constant 112 : i32
      %mul3A_266 = arith.muli %mul3A_265, %arg1 : i32
      %add3A_267 = arith.addi %mul3A_86, %mul3A_266 : i32
      "tpu.region"() ({
        %run_scoped3A_268 = tpu.sem_alloc : memref<!tpu.dma_semaphore, #tpu.memory_space<semaphore_mem>>
        %dma_start3A_269 = arith.constant 0 : i32
        %dma_start3A_270 = tpu.memref_slice %arg5[%add3A_267, %dma_start3A_269] : memref<10000x128xf32, #tpu.memory_space<hbm>> -> memref<112x128xf32, #tpu.memory_space<hbm>>
        %dma_start3A_271 = arith.constant 0 : i32
        %dma_start3A_272 = tpu.memref_slice %arg5[%add3A_267, %dma_start3A_271] : memref<10000x128xf32, #tpu.memory_space<hbm>> -> memref<112x128xf32, #tpu.memory_space<hbm>>
        tpu.enqueue_dma source(%arg11 : memref<112x128xf32, #tpu.memory_space<vmem>>) target(%dma_start3A_272 : memref<112x128xf32, #tpu.memory_space<hbm>>) target_semaphore(%run_scoped3A_268 : memref<!tpu.dma_semaphore, #tpu.memory_space<semaphore_mem>>)
        %dma_wait3A_273 = arith.constant 0 : i32
        %dma_wait3A_274 = tpu.memref_slice %arg5[%add3A_267, %dma_wait3A_273] : memref<10000x128xf32, #tpu.memory_space<hbm>> -> memref<112x128xf32, #tpu.memory_space<hbm>>
        %dma_wait3A_275 = arith.constant 0 : i32
        %dma_wait3A_276 = tpu.memref_slice %arg5[%add3A_267, %dma_wait3A_275] : memref<10000x128xf32, #tpu.memory_space<hbm>> -> memref<112x128xf32, #tpu.memory_space<hbm>>
        tpu.wait_dma2 semaphore(%run_scoped3A_268 : memref<!tpu.dma_semaphore, #tpu.memory_space<semaphore_mem>>) src(%arg11 : memref<112x128xf32, #tpu.memory_space<vmem>>) dst(%dma_wait3A_276 : memref<112x128xf32, #tpu.memory_space<hbm>>)
        tpu.yield
      }) : () -> ()
    } else {
    }
    %eq3A_156 = arith.constant 5 : i32
    %eq3A_157 = arith.cmpi eq, %add3A_84, %eq3A_156 : i32
    %lt3A_158 = arith.constant 14 : i32
    %lt3A_159 = arith.cmpi slt, %arg1, %lt3A_158 : i32
    %and3A_160 = arith.andi %eq3A_157, %lt3A_159 : i1
    %convert_element_type3A_161 = arith.extui %and3A_160 : i1 to i32
    %cond3A_162 = arith.constant 0 : i32
    %cond3A_163 = arith.cmpi ne, %convert_element_type3A_161, %cond3A_162 : i32
    scf.if %cond3A_163 {
      %mul3A_263 = arith.constant 112 : i32
      %mul3A_264 = arith.muli %mul3A_263, %arg1 : i32
      "tpu.region"() ({
        %run_scoped3A_268 = tpu.sem_alloc : memref<!tpu.dma_semaphore, #tpu.memory_space<semaphore_mem>>
        %dma_start3A_269 = arith.constant 0 : i32
        %dma_start3A_270 = tpu.memref_slice %arg12[%mul3A_264, %dma_start3A_269] : memref<1688x128xf32, #tpu.memory_space<vmem_shared>> -> memref<112x128xf32, #tpu.memory_space<vmem_shared>>
        %dma_start3A_271 = arith.constant 0 : i32
        %dma_start3A_272 = tpu.memref_slice %arg12[%mul3A_264, %dma_start3A_271] : memref<1688x128xf32, #tpu.memory_space<vmem_shared>> -> memref<112x128xf32, #tpu.memory_space<vmem_shared>>
        tpu.enqueue_dma source(%dma_start3A_272 : memref<112x128xf32, #tpu.memory_space<vmem_shared>>) target(%arg11 : memref<112x128xf32, #tpu.memory_space<vmem>>) target_semaphore(%run_scoped3A_268 : memref<!tpu.dma_semaphore, #tpu.memory_space<semaphore_mem>>)
        %dma_wait3A_273 = arith.constant 0 : i32
        %dma_wait3A_274 = tpu.memref_slice %arg12[%mul3A_264, %dma_wait3A_273] : memref<1688x128xf32, #tpu.memory_space<vmem_shared>> -> memref<112x128xf32, #tpu.memory_space<vmem_shared>>
        %dma_wait3A_275 = arith.constant 0 : i32
        %dma_wait3A_276 = tpu.memref_slice %arg12[%mul3A_264, %dma_wait3A_275] : memref<1688x128xf32, #tpu.memory_space<vmem_shared>> -> memref<112x128xf32, #tpu.memory_space<vmem_shared>>
        tpu.wait_dma2 semaphore(%run_scoped3A_268 : memref<!tpu.dma_semaphore, #tpu.memory_space<semaphore_mem>>) src(%dma_wait3A_276 : memref<112x128xf32, #tpu.memory_space<vmem_shared>>) dst(%arg11 : memref<112x128xf32, #tpu.memory_space<vmem>>)
        tpu.yield
      }) : () -> ()
      %mul3A_265 = arith.constant 112 : i32
      %mul3A_266 = arith.muli %mul3A_265, %arg1 : i32
      %add3A_267 = arith.addi %mul3A_86, %mul3A_266 : i32
      "tpu.region"() ({
        %run_scoped3A_268 = tpu.sem_alloc : memref<!tpu.dma_semaphore, #tpu.memory_space<semaphore_mem>>
        %dma_start3A_269 = arith.constant 0 : i32
        %dma_start3A_270 = tpu.memref_slice %arg5[%add3A_267, %dma_start3A_269] : memref<10000x128xf32, #tpu.memory_space<hbm>> -> memref<112x128xf32, #tpu.memory_space<hbm>>
        %dma_start3A_271 = arith.constant 0 : i32
        %dma_start3A_272 = tpu.memref_slice %arg5[%add3A_267, %dma_start3A_271] : memref<10000x128xf32, #tpu.memory_space<hbm>> -> memref<112x128xf32, #tpu.memory_space<hbm>>
        tpu.enqueue_dma source(%arg11 : memref<112x128xf32, #tpu.memory_space<vmem>>) target(%dma_start3A_272 : memref<112x128xf32, #tpu.memory_space<hbm>>) target_semaphore(%run_scoped3A_268 : memref<!tpu.dma_semaphore, #tpu.memory_space<semaphore_mem>>)
        %dma_wait3A_273 = arith.constant 0 : i32
        %dma_wait3A_274 = tpu.memref_slice %arg5[%add3A_267, %dma_wait3A_273] : memref<10000x128xf32, #tpu.memory_space<hbm>> -> memref<112x128xf32, #tpu.memory_space<hbm>>
        %dma_wait3A_275 = arith.constant 0 : i32
        %dma_wait3A_276 = tpu.memref_slice %arg5[%add3A_267, %dma_wait3A_275] : memref<10000x128xf32, #tpu.memory_space<hbm>> -> memref<112x128xf32, #tpu.memory_space<hbm>>
        tpu.wait_dma2 semaphore(%run_scoped3A_268 : memref<!tpu.dma_semaphore, #tpu.memory_space<semaphore_mem>>) src(%arg11 : memref<112x128xf32, #tpu.memory_space<vmem>>) dst(%dma_wait3A_276 : memref<112x128xf32, #tpu.memory_space<hbm>>)
        tpu.yield
      }) : () -> ()
    } else {
    }
    %eq3A_164 = arith.constant 5 : i32
    %eq3A_165 = arith.cmpi eq, %add3A_84, %eq3A_164 : i32
    %eq3A_166 = arith.constant 14 : i32
    %eq3A_167 = arith.cmpi eq, %arg1, %eq3A_166 : i32
    %and3A_168 = arith.andi %eq3A_165, %eq3A_167 : i1
    %convert_element_type3A_169 = arith.extui %and3A_168 : i1 to i32
    %cond3A_170 = arith.constant 0 : i32
    %cond3A_171 = arith.cmpi ne, %convert_element_type3A_169, %cond3A_170 : i32
    scf.if %cond3A_171 {
      "tpu.region"() ({
        %run_scoped3A_265 = tpu.sem_alloc : memref<!tpu.dma_semaphore, #tpu.memory_space<semaphore_mem>>
        %dma_start3A_266 = arith.constant 0 : i32
        %dma_start3A_267 = arith.constant 0 : i32
        %dma_start3A_268 = tpu.memref_slice %arg11[%dma_start3A_266, %dma_start3A_267] : memref<112x128xf32, #tpu.memory_space<vmem>> -> memref<32x128xf32, #tpu.memory_space<vmem>>
        %dma_start3A_269 = arith.constant 1568 : i32
        %dma_start3A_270 = arith.constant 0 : i32
        %dma_start3A_271 = tpu.memref_slice %arg12[%dma_start3A_269, %dma_start3A_270] : memref<1688x128xf32, #tpu.memory_space<vmem_shared>> -> memref<32x128xf32, #tpu.memory_space<vmem_shared>>
        %dma_start3A_272 = arith.constant 0 : i32
        %dma_start3A_273 = arith.constant 0 : i32
        %dma_start3A_274 = tpu.memref_slice %arg11[%dma_start3A_272, %dma_start3A_273] : memref<112x128xf32, #tpu.memory_space<vmem>> -> memref<32x128xf32, #tpu.memory_space<vmem>>
        %dma_start3A_275 = arith.constant 1568 : i32
        %dma_start3A_276 = arith.constant 0 : i32
        %dma_start3A_277 = tpu.memref_slice %arg12[%dma_start3A_275, %dma_start3A_276] : memref<1688x128xf32, #tpu.memory_space<vmem_shared>> -> memref<32x128xf32, #tpu.memory_space<vmem_shared>>
        tpu.enqueue_dma source(%dma_start3A_277 : memref<32x128xf32, #tpu.memory_space<vmem_shared>>) target(%dma_start3A_274 : memref<32x128xf32, #tpu.memory_space<vmem>>) target_semaphore(%run_scoped3A_265 : memref<!tpu.dma_semaphore, #tpu.memory_space<semaphore_mem>>)
        %dma_wait3A_278 = arith.constant 0 : i32
        %dma_wait3A_279 = arith.constant 0 : i32
        %dma_wait3A_280 = tpu.memref_slice %arg11[%dma_wait3A_278, %dma_wait3A_279] : memref<112x128xf32, #tpu.memory_space<vmem>> -> memref<32x128xf32, #tpu.memory_space<vmem>>
        %dma_wait3A_281 = arith.constant 1568 : i32
        %dma_wait3A_282 = arith.constant 0 : i32
        %dma_wait3A_283 = tpu.memref_slice %arg12[%dma_wait3A_281, %dma_wait3A_282] : memref<1688x128xf32, #tpu.memory_space<vmem_shared>> -> memref<32x128xf32, #tpu.memory_space<vmem_shared>>
        %dma_wait3A_284 = arith.constant 0 : i32
        %dma_wait3A_285 = arith.constant 0 : i32
        %dma_wait3A_286 = tpu.memref_slice %arg11[%dma_wait3A_284, %dma_wait3A_285] : memref<112x128xf32, #tpu.memory_space<vmem>> -> memref<32x128xf32, #tpu.memory_space<vmem>>
        %dma_wait3A_287 = arith.constant 1568 : i32
        %dma_wait3A_288 = arith.constant 0 : i32
        %dma_wait3A_289 = tpu.memref_slice %arg12[%dma_wait3A_287, %dma_wait3A_288] : memref<1688x128xf32, #tpu.memory_space<vmem_shared>> -> memref<32x128xf32, #tpu.memory_space<vmem_shared>>
        tpu.wait_dma2 semaphore(%run_scoped3A_265 : memref<!tpu.dma_semaphore, #tpu.memory_space<semaphore_mem>>) src(%dma_wait3A_289 : memref<32x128xf32, #tpu.memory_space<vmem_shared>>) dst(%dma_wait3A_286 : memref<32x128xf32, #tpu.memory_space<vmem>>)
        tpu.yield
      }) : () -> ()
      %add3A_263 = arith.constant 1568 : i32
      %add3A_264 = arith.addi %mul3A_86, %add3A_263 : i32
      "tpu.region"() ({
        %run_scoped3A_265 = tpu.sem_alloc : memref<!tpu.dma_semaphore, #tpu.memory_space<semaphore_mem>>
        %dma_start3A_266 = arith.constant 0 : i32
        %dma_start3A_267 = arith.constant 0 : i32
        %dma_start3A_268 = tpu.memref_slice %arg11[%dma_start3A_266, %dma_start3A_267] : memref<112x128xf32, #tpu.memory_space<vmem>> -> memref<32x128xf32, #tpu.memory_space<vmem>>
        %dma_start3A_269 = arith.constant 0 : i32
        %dma_start3A_270 = tpu.memref_slice %arg5[%add3A_264, %dma_start3A_269] : memref<10000x128xf32, #tpu.memory_space<hbm>> -> memref<32x128xf32, #tpu.memory_space<hbm>>
        %dma_start3A_271 = arith.constant 0 : i32
        %dma_start3A_272 = tpu.memref_slice %arg5[%add3A_264, %dma_start3A_271] : memref<10000x128xf32, #tpu.memory_space<hbm>> -> memref<32x128xf32, #tpu.memory_space<hbm>>
        %dma_start3A_273 = arith.constant 0 : i32
        %dma_start3A_274 = arith.constant 0 : i32
        %dma_start3A_275 = tpu.memref_slice %arg11[%dma_start3A_273, %dma_start3A_274] : memref<112x128xf32, #tpu.memory_space<vmem>> -> memref<32x128xf32, #tpu.memory_space<vmem>>
        tpu.enqueue_dma source(%dma_start3A_275 : memref<32x128xf32, #tpu.memory_space<vmem>>) target(%dma_start3A_272 : memref<32x128xf32, #tpu.memory_space<hbm>>) target_semaphore(%run_scoped3A_265 : memref<!tpu.dma_semaphore, #tpu.memory_space<semaphore_mem>>)
        %dma_wait3A_276 = arith.constant 0 : i32
        %dma_wait3A_277 = arith.constant 0 : i32
        %dma_wait3A_278 = tpu.memref_slice %arg11[%dma_wait3A_276, %dma_wait3A_277] : memref<112x128xf32, #tpu.memory_space<vmem>> -> memref<32x128xf32, #tpu.memory_space<vmem>>
        %dma_wait3A_279 = arith.constant 0 : i32
        %dma_wait3A_280 = tpu.memref_slice %arg5[%add3A_264, %dma_wait3A_279] : memref<10000x128xf32, #tpu.memory_space<hbm>> -> memref<32x128xf32, #tpu.memory_space<hbm>>
        %dma_wait3A_281 = arith.constant 0 : i32
        %dma_wait3A_282 = tpu.memref_slice %arg5[%add3A_264, %dma_wait3A_281] : memref<10000x128xf32, #tpu.memory_space<hbm>> -> memref<32x128xf32, #tpu.memory_space<hbm>>
        %dma_wait3A_283 = arith.constant 0 : i32
        %dma_wait3A_284 = arith.constant 0 : i32
        %dma_wait3A_285 = tpu.memref_slice %arg11[%dma_wait3A_283, %dma_wait3A_284] : memref<112x128xf32, #tpu.memory_space<vmem>> -> memref<32x128xf32, #tpu.memory_space<vmem>>
        tpu.wait_dma2 semaphore(%run_scoped3A_265 : memref<!tpu.dma_semaphore, #tpu.memory_space<semaphore_mem>>) src(%dma_wait3A_285 : memref<32x128xf32, #tpu.memory_space<vmem>>) dst(%dma_wait3A_282 : memref<32x128xf32, #tpu.memory_space<hbm>>)
        tpu.yield
      }) : () -> ()
    } else {
    }
    %barrier3A_172 = arith.constant 0 : index
    tpu.barrier barrier_id(%barrier3A_172)
    %add3A_173 = arith.constant 4 : i32
    %add3A_174 = arith.addi %add3A_173, %arg0 : i32
    %mul3A_175 = arith.constant 1680 : i32
    %mul3A_176 = arith.muli %mul3A_175, %add3A_174 : i32
    %eq3A_177 = arith.constant 5 : i32
    %eq3A_178 = arith.cmpi eq, %add3A_174, %eq3A_177 : i32
    %jit3A_179 = arith.constant 1600 : i32
    %jit3A_180 = arith.constant 1680 : i32
    %select_n3A_181 = arith.select %eq3A_178, %jit3A_179, %jit3A_180 : i32
    %lt3A_182 = arith.constant 15 : i32
    %lt3A_183 = arith.cmpi slt, %arg1, %lt3A_182 : i32
    %convert_element_type3A_184 = arith.extui %lt3A_183 : i1 to i32
    %cond3A_185 = arith.constant 0 : i32
    %cond3A_186 = arith.cmpi ne, %convert_element_type3A_184, %cond3A_185 : i32
    scf.if %cond3A_186 {
      %mul3A_263 = arith.constant 112 : i32
      %mul3A_264 = arith.muli %mul3A_263, %arg1 : i32
      "tpu.region"() ({
        %run_scoped3A_265 = tpu.sem_alloc : memref<!tpu.dma_semaphore, #tpu.memory_space<semaphore_mem>>
        %dma_start3A_266 = arith.constant 0 : i32
        %dma_start3A_267 = tpu.memref_slice %arg12[%mul3A_264, %dma_start3A_266] : memref<1688x128xf32, #tpu.memory_space<vmem_shared>> -> memref<112x128xf32, #tpu.memory_space<vmem_shared>>
        %dma_start3A_268 = arith.constant 0 : i32
        %dma_start3A_269 = tpu.memref_slice %arg12[%mul3A_264, %dma_start3A_268] : memref<1688x128xf32, #tpu.memory_space<vmem_shared>> -> memref<112x128xf32, #tpu.memory_space<vmem_shared>>
        tpu.enqueue_dma source(%arg10 : memref<112x128xf32, #tpu.memory_space<vmem>>) target(%dma_start3A_269 : memref<112x128xf32, #tpu.memory_space<vmem_shared>>) target_semaphore(%run_scoped3A_265 : memref<!tpu.dma_semaphore, #tpu.memory_space<semaphore_mem>>)
        %dma_wait3A_270 = arith.constant 0 : i32
        %dma_wait3A_271 = tpu.memref_slice %arg12[%mul3A_264, %dma_wait3A_270] : memref<1688x128xf32, #tpu.memory_space<vmem_shared>> -> memref<112x128xf32, #tpu.memory_space<vmem_shared>>
        %dma_wait3A_272 = arith.constant 0 : i32
        %dma_wait3A_273 = tpu.memref_slice %arg12[%mul3A_264, %dma_wait3A_272] : memref<1688x128xf32, #tpu.memory_space<vmem_shared>> -> memref<112x128xf32, #tpu.memory_space<vmem_shared>>
        tpu.wait_dma2 semaphore(%run_scoped3A_265 : memref<!tpu.dma_semaphore, #tpu.memory_space<semaphore_mem>>) src(%arg10 : memref<112x128xf32, #tpu.memory_space<vmem>>) dst(%dma_wait3A_273 : memref<112x128xf32, #tpu.memory_space<vmem_shared>>)
        tpu.yield
      }) : () -> ()
    } else {
    }
    %eq3A_187 = arith.constant 15 : i32
    %eq3A_188 = arith.cmpi eq, %arg1, %eq3A_187 : i32
    %convert_element_type3A_189 = arith.extui %eq3A_188 : i1 to i32
    %cond3A_190 = arith.constant 0 : i32
    %cond3A_191 = arith.cmpi ne, %convert_element_type3A_189, %cond3A_190 : i32
    scf.if %cond3A_191 {
      "tpu.region"() ({
        %run_scoped3A_263 = tpu.sem_alloc : memref<!tpu.dma_semaphore, #tpu.memory_space<semaphore_mem>>
        %dma_start3A_264 = arith.constant 0 : i32
        %dma_start3A_265 = arith.constant 0 : i32
        %dma_start3A_266 = tpu.memref_slice %arg10[%dma_start3A_264, %dma_start3A_265] : memref<112x128xf32, #tpu.memory_space<vmem>> -> memref<8x128xf32, #tpu.memory_space<vmem>>
        %dma_start3A_267 = arith.constant 1680 : i32
        %dma_start3A_268 = arith.constant 0 : i32
        %dma_start3A_269 = tpu.memref_slice %arg12[%dma_start3A_267, %dma_start3A_268] : memref<1688x128xf32, #tpu.memory_space<vmem_shared>> -> memref<8x128xf32, #tpu.memory_space<vmem_shared>>
        %dma_start3A_270 = arith.constant 1680 : i32
        %dma_start3A_271 = arith.constant 0 : i32
        %dma_start3A_272 = tpu.memref_slice %arg12[%dma_start3A_270, %dma_start3A_271] : memref<1688x128xf32, #tpu.memory_space<vmem_shared>> -> memref<8x128xf32, #tpu.memory_space<vmem_shared>>
        %dma_start3A_273 = arith.constant 0 : i32
        %dma_start3A_274 = arith.constant 0 : i32
        %dma_start3A_275 = tpu.memref_slice %arg10[%dma_start3A_273, %dma_start3A_274] : memref<112x128xf32, #tpu.memory_space<vmem>> -> memref<8x128xf32, #tpu.memory_space<vmem>>
        tpu.enqueue_dma source(%dma_start3A_275 : memref<8x128xf32, #tpu.memory_space<vmem>>) target(%dma_start3A_272 : memref<8x128xf32, #tpu.memory_space<vmem_shared>>) target_semaphore(%run_scoped3A_263 : memref<!tpu.dma_semaphore, #tpu.memory_space<semaphore_mem>>)
        %dma_wait3A_276 = arith.constant 0 : i32
        %dma_wait3A_277 = arith.constant 0 : i32
        %dma_wait3A_278 = tpu.memref_slice %arg10[%dma_wait3A_276, %dma_wait3A_277] : memref<112x128xf32, #tpu.memory_space<vmem>> -> memref<8x128xf32, #tpu.memory_space<vmem>>
        %dma_wait3A_279 = arith.constant 1680 : i32
        %dma_wait3A_280 = arith.constant 0 : i32
        %dma_wait3A_281 = tpu.memref_slice %arg12[%dma_wait3A_279, %dma_wait3A_280] : memref<1688x128xf32, #tpu.memory_space<vmem_shared>> -> memref<8x128xf32, #tpu.memory_space<vmem_shared>>
        %dma_wait3A_282 = arith.constant 1680 : i32
        %dma_wait3A_283 = arith.constant 0 : i32
        %dma_wait3A_284 = tpu.memref_slice %arg12[%dma_wait3A_282, %dma_wait3A_283] : memref<1688x128xf32, #tpu.memory_space<vmem_shared>> -> memref<8x128xf32, #tpu.memory_space<vmem_shared>>
        %dma_wait3A_285 = arith.constant 0 : i32
        %dma_wait3A_286 = arith.constant 0 : i32
        %dma_wait3A_287 = tpu.memref_slice %arg10[%dma_wait3A_285, %dma_wait3A_286] : memref<112x128xf32, #tpu.memory_space<vmem>> -> memref<8x128xf32, #tpu.memory_space<vmem>>
        tpu.wait_dma2 semaphore(%run_scoped3A_263 : memref<!tpu.dma_semaphore, #tpu.memory_space<semaphore_mem>>) src(%dma_wait3A_287 : memref<8x128xf32, #tpu.memory_space<vmem>>) dst(%dma_wait3A_284 : memref<8x128xf32, #tpu.memory_space<vmem_shared>>)
        tpu.yield
      }) : () -> ()
    } else {
    }
    "tpu.region"() ({
      %run_scoped3A_263 = tpu.sem_alloc : memref<!tpu.dma_semaphore, #tpu.memory_space<semaphore_mem>>
      %dma_start3A_264 = arith.constant 0 : i32
      %dma_start3A_265 = arith.constant 0 : i32
      %dma_start3A_266 = tpu.memref_slice %arg4[%arg1, %dma_start3A_264, %dma_start3A_265] : memref<16x250x80xi32, #tpu.memory_space<hbm>> -> memref<1x250x80xi32, #tpu.memory_space<hbm>>
      %dma_start3A_267 = tpu.memref_squeeze %dma_start3A_266 : memref<1x250x80xi32, #tpu.memory_space<hbm>> -> memref<250x80xi32, #tpu.memory_space<hbm>>
      %dma_start3A_268 = arith.constant 0 : i32
      %dma_start3A_269 = arith.constant 0 : i32
      %dma_start3A_270 = tpu.memref_slice %arg4[%arg1, %dma_start3A_268, %dma_start3A_269] : memref<16x250x80xi32, #tpu.memory_space<hbm>> -> memref<1x250x80xi32, #tpu.memory_space<hbm>>
      %dma_start3A_271 = tpu.memref_squeeze %dma_start3A_270 : memref<1x250x80xi32, #tpu.memory_space<hbm>> -> memref<250x80xi32, #tpu.memory_space<hbm>>
      tpu.enqueue_dma source(%dma_start3A_271 : memref<250x80xi32, #tpu.memory_space<hbm>>) target(%arg7 : memref<250x80xi32, #tpu.memory_space<vmem>>) target_semaphore(%run_scoped3A_263 : memref<!tpu.dma_semaphore, #tpu.memory_space<semaphore_mem>>)
      %dma_wait3A_272 = arith.constant 0 : i32
      %dma_wait3A_273 = arith.constant 0 : i32
      %dma_wait3A_274 = tpu.memref_slice %arg4[%arg1, %dma_wait3A_272, %dma_wait3A_273] : memref<16x250x80xi32, #tpu.memory_space<hbm>> -> memref<1x250x80xi32, #tpu.memory_space<hbm>>
      %dma_wait3A_275 = tpu.memref_squeeze %dma_wait3A_274 : memref<1x250x80xi32, #tpu.memory_space<hbm>> -> memref<250x80xi32, #tpu.memory_space<hbm>>
      %dma_wait3A_276 = arith.constant 0 : i32
      %dma_wait3A_277 = arith.constant 0 : i32
      %dma_wait3A_278 = tpu.memref_slice %arg4[%arg1, %dma_wait3A_276, %dma_wait3A_277] : memref<16x250x80xi32, #tpu.memory_space<hbm>> -> memref<1x250x80xi32, #tpu.memory_space<hbm>>
      %dma_wait3A_279 = tpu.memref_squeeze %dma_wait3A_278 : memref<1x250x80xi32, #tpu.memory_space<hbm>> -> memref<250x80xi32, #tpu.memory_space<hbm>>
      tpu.wait_dma2 semaphore(%run_scoped3A_263 : memref<!tpu.dma_semaphore, #tpu.memory_space<semaphore_mem>>) src(%dma_wait3A_279 : memref<250x80xi32, #tpu.memory_space<hbm>>) dst(%arg7 : memref<250x80xi32, #tpu.memory_space<vmem>>)
      tpu.yield
    }) : () -> ()
    %scan3A_192 = arith.constant 0 : i32
    %scan3A_193 = arith.constant 0 : i32
    %scan3A_194 = arith.constant 250 : i32
    %scan3A_195 = arith.addi %scan3A_193, %scan3A_194 : i32
    %scan3A_196 = arith.constant 1 : i32
    %scan3A_197 = scf.for %scan3A_263 = %scan3A_193 to %scan3A_195 step %scan3A_196 iter_args(%scan3A_264 = %scan3A_192) -> (i32)  : i32 {
      %get3A = arith.index_cast %scan3A_263 : i32 to index
      %get3A_265 = arith.constant 0 : index
      %get3A_266 = tpu.vector_load %arg7[%get3A, %get3A_265] {strides = array<i32>} : memref<250x80xi32, #tpu.memory_space<vmem>>, vector<1x16xi32>,
      %get3A_267 = vector.shape_cast %get3A_266 : vector<1x16xi32> to vector<16xi32>
      %sub3A = vector.broadcast %mul3A_176 : i32 to vector<16xi32>
      %sub3A_268 = arith.subi %get3A_267, %sub3A : vector<16xi32>
      %ge3A = arith.constant 0 : i32
      %ge3A_269 = vector.broadcast %ge3A : i32 to vector<16xi32>
      %ge3A_270 = arith.cmpi sge, %sub3A_268, %ge3A_269 : vector<16xi32>
      %lt3A_271 = vector.broadcast %select_n3A_181 : i32 to vector<16xi32>
      %lt3A_272 = arith.cmpi slt, %sub3A_268, %lt3A_271 : vector<16xi32>
      %and3A_273 = arith.andi %ge3A_270, %lt3A_272 : vector<16xi1>
      %jit3A_274 = arith.constant 1680 : i32
      %broadcast_in_dim3A = vector.broadcast %jit3A_274 : i32 to vector<16xi32>
      %select_n3A_275 = arith.select %and3A_273, %sub3A_268, %broadcast_in_dim3A : vector<16xi1>, vector<16xi32>
      %swap3A = arith.index_cast %scan3A_263 : i32 to index
      %swap3A_276 = arith.constant 0 : index
      %swap3A_277 = tpu.vector_load %arg7[%swap3A, %swap3A_276] {strides = array<i32>} : memref<250x80xi32, #tpu.memory_space<vmem>>, vector<1x16xi32>,
      %swap3A_278 = vector.shape_cast %swap3A_277 : vector<1x16xi32> to vector<16xi32>
      %swap3A_279 = vector.shape_cast %select_n3A_275 : vector<16xi32> to vector<1x16xi32>
      tpu.vector_store %arg7[%swap3A, %swap3A_276], %swap3A_279 {strides = array<i32>} : memref<250x80xi32, #tpu.memory_space<vmem>>, vector<1x16xi32>,
      %get3A_280 = arith.index_cast %scan3A_263 : i32 to index
      %get3A_281 = arith.constant 16 : index
      %get3A_282 = tpu.vector_load %arg7[%get3A_280, %get3A_281] {strides = array<i32>} : memref<250x80xi32, #tpu.memory_space<vmem>>, vector<1x16xi32>,
      %get3A_283 = vector.shape_cast %get3A_282 : vector<1x16xi32> to vector<16xi32>
      %sub3A_284 = vector.broadcast %mul3A_176 : i32 to vector<16xi32>
      %sub3A_285 = arith.subi %get3A_283, %sub3A_284 : vector<16xi32>
      %ge3A_286 = arith.constant 0 : i32
      %ge3A_287 = vector.broadcast %ge3A_286 : i32 to vector<16xi32>
      %ge3A_288 = arith.cmpi sge, %sub3A_285, %ge3A_287 : vector<16xi32>
      %lt3A_289 = vector.broadcast %select_n3A_181 : i32 to vector<16xi32>
      %lt3A_290 = arith.cmpi slt, %sub3A_285, %lt3A_289 : vector<16xi32>
      %and3A_291 = arith.andi %ge3A_288, %lt3A_290 : vector<16xi1>
      %jit3A_292 = arith.constant 1680 : i32
      %broadcast_in_dim3A_293 = vector.broadcast %jit3A_292 : i32 to vector<16xi32>
      %select_n3A_294 = arith.select %and3A_291, %sub3A_285, %broadcast_in_dim3A_293 : vector<16xi1>, vector<16xi32>
      %swap3A_295 = arith.index_cast %scan3A_263 : i32 to index
      %swap3A_296 = arith.constant 16 : index
      %swap3A_297 = tpu.vector_load %arg7[%swap3A_295, %swap3A_296] {strides = array<i32>} : memref<250x80xi32, #tpu.memory_space<vmem>>, vector<1x16xi32>,
      %swap3A_298 = vector.shape_cast %swap3A_297 : vector<1x16xi32> to vector<16xi32>
      %swap3A_299 = vector.shape_cast %select_n3A_294 : vector<16xi32> to vector<1x16xi32>
      tpu.vector_store %arg7[%swap3A_295, %swap3A_296], %swap3A_299 {strides = array<i32>} : memref<250x80xi32, #tpu.memory_space<vmem>>, vector<1x16xi32>,
      %get3A_300 = arith.index_cast %scan3A_263 : i32 to index
      %get3A_301 = arith.constant 32 : index
      %get3A_302 = tpu.vector_load %arg7[%get3A_300, %get3A_301] {strides = array<i32>} : memref<250x80xi32, #tpu.memory_space<vmem>>, vector<1x16xi32>,
      %get3A_303 = vector.shape_cast %get3A_302 : vector<1x16xi32> to vector<16xi32>
      %sub3A_304 = vector.broadcast %mul3A_176 : i32 to vector<16xi32>
      %sub3A_305 = arith.subi %get3A_303, %sub3A_304 : vector<16xi32>
      %ge3A_306 = arith.constant 0 : i32
      %ge3A_307 = vector.broadcast %ge3A_306 : i32 to vector<16xi32>
      %ge3A_308 = arith.cmpi sge, %sub3A_305, %ge3A_307 : vector<16xi32>
      %lt3A_309 = vector.broadcast %select_n3A_181 : i32 to vector<16xi32>
      %lt3A_310 = arith.cmpi slt, %sub3A_305, %lt3A_309 : vector<16xi32>
      %and3A_311 = arith.andi %ge3A_308, %lt3A_310 : vector<16xi1>
      %jit3A_312 = arith.constant 1680 : i32
      %broadcast_in_dim3A_313 = vector.broadcast %jit3A_312 : i32 to vector<16xi32>
      %select_n3A_314 = arith.select %and3A_311, %sub3A_305, %broadcast_in_dim3A_313 : vector<16xi1>, vector<16xi32>
      %swap3A_315 = arith.index_cast %scan3A_263 : i32 to index
      %swap3A_316 = arith.constant 32 : index
      %swap3A_317 = tpu.vector_load %arg7[%swap3A_315, %swap3A_316] {strides = array<i32>} : memref<250x80xi32, #tpu.memory_space<vmem>>, vector<1x16xi32>,
      %swap3A_318 = vector.shape_cast %swap3A_317 : vector<1x16xi32> to vector<16xi32>
      %swap3A_319 = vector.shape_cast %select_n3A_314 : vector<16xi32> to vector<1x16xi32>
      tpu.vector_store %arg7[%swap3A_315, %swap3A_316], %swap3A_319 {strides = array<i32>} : memref<250x80xi32, #tpu.memory_space<vmem>>, vector<1x16xi32>,
      %get3A_320 = arith.index_cast %scan3A_263 : i32 to index
      %get3A_321 = arith.constant 48 : index
      %get3A_322 = tpu.vector_load %arg7[%get3A_320, %get3A_321] {strides = array<i32>} : memref<250x80xi32, #tpu.memory_space<vmem>>, vector<1x16xi32>,
      %get3A_323 = vector.shape_cast %get3A_322 : vector<1x16xi32> to vector<16xi32>
      %sub3A_324 = vector.broadcast %mul3A_176 : i32 to vector<16xi32>
      %sub3A_325 = arith.subi %get3A_323, %sub3A_324 : vector<16xi32>
      %ge3A_326 = arith.constant 0 : i32
      %ge3A_327 = vector.broadcast %ge3A_326 : i32 to vector<16xi32>
      %ge3A_328 = arith.cmpi sge, %sub3A_325, %ge3A_327 : vector<16xi32>
      %lt3A_329 = vector.broadcast %select_n3A_181 : i32 to vector<16xi32>
      %lt3A_330 = arith.cmpi slt, %sub3A_325, %lt3A_329 : vector<16xi32>
      %and3A_331 = arith.andi %ge3A_328, %lt3A_330 : vector<16xi1>
      %jit3A_332 = arith.constant 1680 : i32
      %broadcast_in_dim3A_333 = vector.broadcast %jit3A_332 : i32 to vector<16xi32>
      %select_n3A_334 = arith.select %and3A_331, %sub3A_325, %broadcast_in_dim3A_333 : vector<16xi1>, vector<16xi32>
      %swap3A_335 = arith.index_cast %scan3A_263 : i32 to index
      %swap3A_336 = arith.constant 48 : index
      %swap3A_337 = tpu.vector_load %arg7[%swap3A_335, %swap3A_336] {strides = array<i32>} : memref<250x80xi32, #tpu.memory_space<vmem>>, vector<1x16xi32>,
      %swap3A_338 = vector.shape_cast %swap3A_337 : vector<1x16xi32> to vector<16xi32>
      %swap3A_339 = vector.shape_cast %select_n3A_334 : vector<16xi32> to vector<1x16xi32>
      tpu.vector_store %arg7[%swap3A_335, %swap3A_336], %swap3A_339 {strides = array<i32>} : memref<250x80xi32, #tpu.memory_space<vmem>>, vector<1x16xi32>,
      %get3A_340 = arith.index_cast %scan3A_263 : i32 to index
      %get3A_341 = arith.constant 64 : index
      %get3A_342 = tpu.vector_load %arg7[%get3A_340, %get3A_341] {strides = array<i32>} : memref<250x80xi32, #tpu.memory_space<vmem>>, vector<1x16xi32>,
      %get3A_343 = vector.shape_cast %get3A_342 : vector<1x16xi32> to vector<16xi32>
      %sub3A_344 = vector.broadcast %mul3A_176 : i32 to vector<16xi32>
      %sub3A_345 = arith.subi %get3A_343, %sub3A_344 : vector<16xi32>
      %ge3A_346 = arith.constant 0 : i32
      %ge3A_347 = vector.broadcast %ge3A_346 : i32 to vector<16xi32>
      %ge3A_348 = arith.cmpi sge, %sub3A_345, %ge3A_347 : vector<16xi32>
      %lt3A_349 = vector.broadcast %select_n3A_181 : i32 to vector<16xi32>
      %lt3A_350 = arith.cmpi slt, %sub3A_345, %lt3A_349 : vector<16xi32>
      %and3A_351 = arith.andi %ge3A_348, %lt3A_350 : vector<16xi1>
      %jit3A_352 = arith.constant 1680 : i32
      %broadcast_in_dim3A_353 = vector.broadcast %jit3A_352 : i32 to vector<16xi32>
      %select_n3A_354 = arith.select %and3A_351, %sub3A_345, %broadcast_in_dim3A_353 : vector<16xi1>, vector<16xi32>
      %swap3A_355 = arith.index_cast %scan3A_263 : i32 to index
      %swap3A_356 = arith.constant 64 : index
      %swap3A_357 = tpu.vector_load %arg7[%swap3A_355, %swap3A_356] {strides = array<i32>} : memref<250x80xi32, #tpu.memory_space<vmem>>, vector<1x16xi32>,
      %swap3A_358 = vector.shape_cast %swap3A_357 : vector<1x16xi32> to vector<16xi32>
      %swap3A_359 = vector.shape_cast %select_n3A_354 : vector<16xi32> to vector<1x16xi32>
      tpu.vector_store %arg7[%swap3A_355, %swap3A_356], %swap3A_359 {strides = array<i32>} : memref<250x80xi32, #tpu.memory_space<vmem>>, vector<1x16xi32>,
      %scan3A_360 = arith.constant 0 : i32
      scf.yield %scan3A_360 : i32
    }
    %scan3A_198 = arith.constant 250 : i32
    %barrier3A_199 = arith.constant 0 : index
    tpu.barrier barrier_id(%barrier3A_199)
    %dma_start3A_200 = arith.constant 0 : i32
    %dma_start3A_201 = arith.constant 0 : i32
    %dma_start3A_202 = tpu.memref_slice %arg6[%dma_start3A_200, %dma_start3A_201] : memref<250x80xi32, #tpu.memory_space<vmem>> -> memref<1x80xi32, #tpu.memory_space<vmem>>
    %dma_start3A_203 = tpu.memref_squeeze %dma_start3A_202 : memref<1x80xi32, #tpu.memory_space<vmem>> -> memref<80xi32, #tpu.memory_space<vmem>>
    %dma_start3A_204 = arith.constant 0 : i32
    %dma_start3A_205 = arith.constant 0 : i32
    %dma_start3A_206 = tpu.memref_slice %arg2[%dma_start3A_204, %dma_start3A_205] : memref<10000x128xf32, #tpu.memory_space<hbm>> -> memref<10000x128xf32, #tpu.memory_space<hbm>>
    tpu.enqueue_indirect_dma source(%dma_start3A_206 : memref<10000x128xf32, #tpu.memory_space<hbm>>) target(%arg8 : memref<80x128xf32, #tpu.memory_space<vmem>>) offsets(%dma_start3A_203 : memref<80xi32, #tpu.memory_space<vmem>>) semaphore(%arg13 : memref<!tpu.dma_semaphore, #tpu.memory_space<semaphore_mem>>)
    %dma_start3A_207 = arith.constant 1 : i32
    %dma_start3A_208 = arith.constant 0 : i32
    %dma_start3A_209 = tpu.memref_slice %arg6[%dma_start3A_207, %dma_start3A_208] : memref<250x80xi32, #tpu.memory_space<vmem>> -> memref<1x80xi32, #tpu.memory_space<vmem>>
    %dma_start3A_210 = tpu.memref_squeeze %dma_start3A_209 : memref<1x80xi32, #tpu.memory_space<vmem>> -> memref<80xi32, #tpu.memory_space<vmem>>
    %dma_start3A_211 = arith.constant 0 : i32
    %dma_start3A_212 = arith.constant 0 : i32
    %dma_start3A_213 = tpu.memref_slice %arg2[%dma_start3A_211, %dma_start3A_212] : memref<10000x128xf32, #tpu.memory_space<hbm>> -> memref<10000x128xf32, #tpu.memory_space<hbm>>
    tpu.enqueue_indirect_dma source(%dma_start3A_213 : memref<10000x128xf32, #tpu.memory_space<hbm>>) target(%arg9 : memref<80x128xf32, #tpu.memory_space<vmem>>) offsets(%dma_start3A_210 : memref<80xi32, #tpu.memory_space<vmem>>) semaphore(%arg14 : memref<!tpu.dma_semaphore, #tpu.memory_space<semaphore_mem>>)
    %scan3A_214 = arith.constant 0 : i32
    %scan3A_215 = arith.constant 0 : i32
    %scan3A_216 = arith.constant 124 : i32
    %scan3A_217 = arith.addi %scan3A_215, %scan3A_216 : i32
    %scan3A_218 = arith.constant 1 : i32
    %scan3A_219 = scf.for %scan3A_263 = %scan3A_215 to %scan3A_217 step %scan3A_218 iter_args(%scan3A_264 = %scan3A_214) -> (i32)  : i32 {
      %mul3A_265 = arith.constant 2 : i32
      %mul3A_266 = arith.muli %mul3A_265, %scan3A_263 : i32
      %dma_wait3A_267 = arith.constant 0 : i32
      %dma_wait3A_268 = tpu.memref_slice %arg6[%mul3A_266, %dma_wait3A_267] : memref<250x80xi32, #tpu.memory_space<vmem>> -> memref<1x80xi32, #tpu.memory_space<vmem>>
      %dma_wait3A_269 = tpu.memref_squeeze %dma_wait3A_268 : memref<1x80xi32, #tpu.memory_space<vmem>> -> memref<80xi32, #tpu.memory_space<vmem>>
      %dma_wait3A_270 = arith.constant 0 : i32
      %dma_wait3A_271 = arith.constant 0 : i32
      %dma_wait3A_272 = tpu.memref_slice %arg2[%dma_wait3A_270, %dma_wait3A_271] : memref<10000x128xf32, #tpu.memory_space<hbm>> -> memref<10000x128xf32, #tpu.memory_space<hbm>>
      tpu.wait_indirect_dma semaphore(%arg13 : memref<!tpu.dma_semaphore, #tpu.memory_space<semaphore_mem>>) src(%dma_wait3A_272 : memref<10000x128xf32, #tpu.memory_space<hbm>>) dst(%arg8 : memref<80x128xf32, #tpu.memory_space<vmem>>)
      "tpu.region"() ({
        %run_scoped3A_298 = tpu.sem_alloc : memref<!tpu.dma_semaphore, #tpu.memory_space<semaphore_mem>>
        %dma_start3A_299 = arith.constant 0 : i32
        %dma_start3A_300 = tpu.memref_slice %arg7[%mul3A_266, %dma_start3A_299] : memref<250x80xi32, #tpu.memory_space<vmem>> -> memref<1x80xi32, #tpu.memory_space<vmem>>
        %dma_start3A_301 = tpu.memref_squeeze %dma_start3A_300 : memref<1x80xi32, #tpu.memory_space<vmem>> -> memref<80xi32, #tpu.memory_space<vmem>>
        %dma_start3A_302 = arith.constant 0 : i32
        %dma_start3A_303 = arith.constant 0 : i32
        %dma_start3A_304 = tpu.memref_slice %arg12[%dma_start3A_302, %dma_start3A_303] : memref<1688x128xf32, #tpu.memory_space<vmem_shared>> -> memref<1688x128xf32, #tpu.memory_space<vmem_shared>>
        tpu.enqueue_indirect_dma source(%arg8 : memref<80x128xf32, #tpu.memory_space<vmem>>) target(%dma_start3A_304 : memref<1688x128xf32, #tpu.memory_space<vmem_shared>>) offsets(%dma_start3A_301 : memref<80xi32, #tpu.memory_space<vmem>>) semaphore(%run_scoped3A_298 : memref<!tpu.dma_semaphore, #tpu.memory_space<semaphore_mem>>) {add = true}
        %dma_wait3A_305 = arith.constant 0 : i32
        %dma_wait3A_306 = tpu.memref_slice %arg7[%mul3A_266, %dma_wait3A_305] : memref<250x80xi32, #tpu.memory_space<vmem>> -> memref<1x80xi32, #tpu.memory_space<vmem>>
        %dma_wait3A_307 = tpu.memref_squeeze %dma_wait3A_306 : memref<1x80xi32, #tpu.memory_space<vmem>> -> memref<80xi32, #tpu.memory_space<vmem>>
        %dma_wait3A_308 = arith.constant 0 : i32
        %dma_wait3A_309 = arith.constant 0 : i32
        %dma_wait3A_310 = tpu.memref_slice %arg12[%dma_wait3A_308, %dma_wait3A_309] : memref<1688x128xf32, #tpu.memory_space<vmem_shared>> -> memref<1688x128xf32, #tpu.memory_space<vmem_shared>>
        tpu.wait_indirect_dma semaphore(%run_scoped3A_298 : memref<!tpu.dma_semaphore, #tpu.memory_space<semaphore_mem>>) src(%arg8 : memref<80x128xf32, #tpu.memory_space<vmem>>) dst(%dma_wait3A_310 : memref<1688x128xf32, #tpu.memory_space<vmem_shared>>)
        tpu.yield
      }) : () -> ()
      %add3A_273 = arith.constant 2 : i32
      %add3A_274 = arith.addi %mul3A_266, %add3A_273 : i32
      %dma_start3A_275 = arith.constant 0 : i32
      %dma_start3A_276 = tpu.memref_slice %arg6[%add3A_274, %dma_start3A_275] : memref<250x80xi32, #tpu.memory_space<vmem>> -> memref<1x80xi32, #tpu.memory_space<vmem>>
      %dma_start3A_277 = tpu.memref_squeeze %dma_start3A_276 : memref<1x80xi32, #tpu.memory_space<vmem>> -> memref<80xi32, #tpu.memory_space<vmem>>
      %dma_start3A_278 = arith.constant 0 : i32
      %dma_start3A_279 = arith.constant 0 : i32
      %dma_start3A_280 = tpu.memref_slice %arg2[%dma_start3A_278, %dma_start3A_279] : memref<10000x128xf32, #tpu.memory_space<hbm>> -> memref<10000x128xf32, #tpu.memory_space<hbm>>
      tpu.enqueue_indirect_dma source(%dma_start3A_280 : memref<10000x128xf32, #tpu.memory_space<hbm>>) target(%arg8 : memref<80x128xf32, #tpu.memory_space<vmem>>) offsets(%dma_start3A_277 : memref<80xi32, #tpu.memory_space<vmem>>) semaphore(%arg13 : memref<!tpu.dma_semaphore, #tpu.memory_space<semaphore_mem>>)
      %add3A_281 = arith.constant 1 : i32
      %add3A_282 = arith.addi %mul3A_266, %add3A_281 : i32
      %dma_wait3A_283 = arith.constant 0 : i32
      %dma_wait3A_284 = tpu.memref_slice %arg6[%add3A_282, %dma_wait3A_283] : memref<250x80xi32, #tpu.memory_space<vmem>> -> memref<1x80xi32, #tpu.memory_space<vmem>>
      %dma_wait3A_285 = tpu.memref_squeeze %dma_wait3A_284 : memref<1x80xi32, #tpu.memory_space<vmem>> -> memref<80xi32, #tpu.memory_space<vmem>>
      %dma_wait3A_286 = arith.constant 0 : i32
      %dma_wait3A_287 = arith.constant 0 : i32
      %dma_wait3A_288 = tpu.memref_slice %arg2[%dma_wait3A_286, %dma_wait3A_287] : memref<10000x128xf32, #tpu.memory_space<hbm>> -> memref<10000x128xf32, #tpu.memory_space<hbm>>
      tpu.wait_indirect_dma semaphore(%arg14 : memref<!tpu.dma_semaphore, #tpu.memory_space<semaphore_mem>>) src(%dma_wait3A_288 : memref<10000x128xf32, #tpu.memory_space<hbm>>) dst(%arg9 : memref<80x128xf32, #tpu.memory_space<vmem>>)
      "tpu.region"() ({
        %run_scoped3A_298 = tpu.sem_alloc : memref<!tpu.dma_semaphore, #tpu.memory_space<semaphore_mem>>
        %dma_start3A_299 = arith.constant 0 : i32
        %dma_start3A_300 = tpu.memref_slice %arg7[%add3A_282, %dma_start3A_299] : memref<250x80xi32, #tpu.memory_space<vmem>> -> memref<1x80xi32, #tpu.memory_space<vmem>>
        %dma_start3A_301 = tpu.memref_squeeze %dma_start3A_300 : memref<1x80xi32, #tpu.memory_space<vmem>> -> memref<80xi32, #tpu.memory_space<vmem>>
        %dma_start3A_302 = arith.constant 0 : i32
        %dma_start3A_303 = arith.constant 0 : i32
        %dma_start3A_304 = tpu.memref_slice %arg12[%dma_start3A_302, %dma_start3A_303] : memref<1688x128xf32, #tpu.memory_space<vmem_shared>> -> memref<1688x128xf32, #tpu.memory_space<vmem_shared>>
        tpu.enqueue_indirect_dma source(%arg9 : memref<80x128xf32, #tpu.memory_space<vmem>>) target(%dma_start3A_304 : memref<1688x128xf32, #tpu.memory_space<vmem_shared>>) offsets(%dma_start3A_301 : memref<80xi32, #tpu.memory_space<vmem>>) semaphore(%run_scoped3A_298 : memref<!tpu.dma_semaphore, #tpu.memory_space<semaphore_mem>>) {add = true}
        %dma_wait3A_305 = arith.constant 0 : i32
        %dma_wait3A_306 = tpu.memref_slice %arg7[%add3A_282, %dma_wait3A_305] : memref<250x80xi32, #tpu.memory_space<vmem>> -> memref<1x80xi32, #tpu.memory_space<vmem>>
        %dma_wait3A_307 = tpu.memref_squeeze %dma_wait3A_306 : memref<1x80xi32, #tpu.memory_space<vmem>> -> memref<80xi32, #tpu.memory_space<vmem>>
        %dma_wait3A_308 = arith.constant 0 : i32
        %dma_wait3A_309 = arith.constant 0 : i32
        %dma_wait3A_310 = tpu.memref_slice %arg12[%dma_wait3A_308, %dma_wait3A_309] : memref<1688x128xf32, #tpu.memory_space<vmem_shared>> -> memref<1688x128xf32, #tpu.memory_space<vmem_shared>>
        tpu.wait_indirect_dma semaphore(%run_scoped3A_298 : memref<!tpu.dma_semaphore, #tpu.memory_space<semaphore_mem>>) src(%arg9 : memref<80x128xf32, #tpu.memory_space<vmem>>) dst(%dma_wait3A_310 : memref<1688x128xf32, #tpu.memory_space<vmem_shared>>)
        tpu.yield
      }) : () -> ()
      %add3A_289 = arith.constant 3 : i32
      %add3A_290 = arith.addi %mul3A_266, %add3A_289 : i32
      %dma_start3A_291 = arith.constant 0 : i32
      %dma_start3A_292 = tpu.memref_slice %arg6[%add3A_290, %dma_start3A_291] : memref<250x80xi32, #tpu.memory_space<vmem>> -> memref<1x80xi32, #tpu.memory_space<vmem>>
      %dma_start3A_293 = tpu.memref_squeeze %dma_start3A_292 : memref<1x80xi32, #tpu.memory_space<vmem>> -> memref<80xi32, #tpu.memory_space<vmem>>
      %dma_start3A_294 = arith.constant 0 : i32
      %dma_start3A_295 = arith.constant 0 : i32
      %dma_start3A_296 = tpu.memref_slice %arg2[%dma_start3A_294, %dma_start3A_295] : memref<10000x128xf32, #tpu.memory_space<hbm>> -> memref<10000x128xf32, #tpu.memory_space<hbm>>
      tpu.enqueue_indirect_dma source(%dma_start3A_296 : memref<10000x128xf32, #tpu.memory_space<hbm>>) target(%arg9 : memref<80x128xf32, #tpu.memory_space<vmem>>) offsets(%dma_start3A_293 : memref<80xi32, #tpu.memory_space<vmem>>) semaphore(%arg14 : memref<!tpu.dma_semaphore, #tpu.memory_space<semaphore_mem>>)
      %scan3A_297 = arith.constant 0 : i32
      scf.yield %scan3A_297 : i32
    }
    %scan3A_220 = arith.constant 124 : i32
    %dma_wait3A_221 = arith.constant 248 : i32
    %dma_wait3A_222 = arith.constant 0 : i32
    %dma_wait3A_223 = tpu.memref_slice %arg6[%dma_wait3A_221, %dma_wait3A_222] : memref<250x80xi32, #tpu.memory_space<vmem>> -> memref<1x80xi32, #tpu.memory_space<vmem>>
    %dma_wait3A_224 = tpu.memref_squeeze %dma_wait3A_223 : memref<1x80xi32, #tpu.memory_space<vmem>> -> memref<80xi32, #tpu.memory_space<vmem>>
    %dma_wait3A_225 = arith.constant 0 : i32
    %dma_wait3A_226 = arith.constant 0 : i32
    %dma_wait3A_227 = tpu.memref_slice %arg2[%dma_wait3A_225, %dma_wait3A_226] : memref<10000x128xf32, #tpu.memory_space<hbm>> -> memref<10000x128xf32, #tpu.memory_space<hbm>>
    tpu.wait_indirect_dma semaphore(%arg13 : memref<!tpu.dma_semaphore, #tpu.memory_space<semaphore_mem>>) src(%dma_wait3A_227 : memref<10000x128xf32, #tpu.memory_space<hbm>>) dst(%arg8 : memref<80x128xf32, #tpu.memory_space<vmem>>)
    %run_scoped3A_228 = arith.constant 248 : i32
    "tpu.region"() ({
      %run_scoped3A_263 = tpu.sem_alloc : memref<!tpu.dma_semaphore, #tpu.memory_space<semaphore_mem>>
      %dma_start3A_264 = arith.constant 0 : i32
      %dma_start3A_265 = tpu.memref_slice %arg7[%run_scoped3A_228, %dma_start3A_264] : memref<250x80xi32, #tpu.memory_space<vmem>> -> memref<1x80xi32, #tpu.memory_space<vmem>>
      %dma_start3A_266 = tpu.memref_squeeze %dma_start3A_265 : memref<1x80xi32, #tpu.memory_space<vmem>> -> memref<80xi32, #tpu.memory_space<vmem>>
      %dma_start3A_267 = arith.constant 0 : i32
      %dma_start3A_268 = arith.constant 0 : i32
      %dma_start3A_269 = tpu.memref_slice %arg12[%dma_start3A_267, %dma_start3A_268] : memref<1688x128xf32, #tpu.memory_space<vmem_shared>> -> memref<1688x128xf32, #tpu.memory_space<vmem_shared>>
      tpu.enqueue_indirect_dma source(%arg8 : memref<80x128xf32, #tpu.memory_space<vmem>>) target(%dma_start3A_269 : memref<1688x128xf32, #tpu.memory_space<vmem_shared>>) offsets(%dma_start3A_266 : memref<80xi32, #tpu.memory_space<vmem>>) semaphore(%run_scoped3A_263 : memref<!tpu.dma_semaphore, #tpu.memory_space<semaphore_mem>>) {add = true}
      %dma_wait3A_270 = arith.constant 0 : i32
      %dma_wait3A_271 = tpu.memref_slice %arg7[%run_scoped3A_228, %dma_wait3A_270] : memref<250x80xi32, #tpu.memory_space<vmem>> -> memref<1x80xi32, #tpu.memory_space<vmem>>
      %dma_wait3A_272 = tpu.memref_squeeze %dma_wait3A_271 : memref<1x80xi32, #tpu.memory_space<vmem>> -> memref<80xi32, #tpu.memory_space<vmem>>
      %dma_wait3A_273 = arith.constant 0 : i32
      %dma_wait3A_274 = arith.constant 0 : i32
      %dma_wait3A_275 = tpu.memref_slice %arg12[%dma_wait3A_273, %dma_wait3A_274] : memref<1688x128xf32, #tpu.memory_space<vmem_shared>> -> memref<1688x128xf32, #tpu.memory_space<vmem_shared>>
      tpu.wait_indirect_dma semaphore(%run_scoped3A_263 : memref<!tpu.dma_semaphore, #tpu.memory_space<semaphore_mem>>) src(%arg8 : memref<80x128xf32, #tpu.memory_space<vmem>>) dst(%dma_wait3A_275 : memref<1688x128xf32, #tpu.memory_space<vmem_shared>>)
      tpu.yield
    }) : () -> ()
    %dma_wait3A_229 = arith.constant 249 : i32
    %dma_wait3A_230 = arith.constant 0 : i32
    %dma_wait3A_231 = tpu.memref_slice %arg6[%dma_wait3A_229, %dma_wait3A_230] : memref<250x80xi32, #tpu.memory_space<vmem>> -> memref<1x80xi32, #tpu.memory_space<vmem>>
    %dma_wait3A_232 = tpu.memref_squeeze %dma_wait3A_231 : memref<1x80xi32, #tpu.memory_space<vmem>> -> memref<80xi32, #tpu.memory_space<vmem>>
    %dma_wait3A_233 = arith.constant 0 : i32
    %dma_wait3A_234 = arith.constant 0 : i32
    %dma_wait3A_235 = tpu.memref_slice %arg2[%dma_wait3A_233, %dma_wait3A_234] : memref<10000x128xf32, #tpu.memory_space<hbm>> -> memref<10000x128xf32, #tpu.memory_space<hbm>>
    tpu.wait_indirect_dma semaphore(%arg14 : memref<!tpu.dma_semaphore, #tpu.memory_space<semaphore_mem>>) src(%dma_wait3A_235 : memref<10000x128xf32, #tpu.memory_space<hbm>>) dst(%arg9 : memref<80x128xf32, #tpu.memory_space<vmem>>)
    %run_scoped3A_236 = arith.constant 249 : i32
    "tpu.region"() ({
      %run_scoped3A_263 = tpu.sem_alloc : memref<!tpu.dma_semaphore, #tpu.memory_space<semaphore_mem>>
      %dma_start3A_264 = arith.constant 0 : i32
      %dma_start3A_265 = tpu.memref_slice %arg7[%run_scoped3A_236, %dma_start3A_264] : memref<250x80xi32, #tpu.memory_space<vmem>> -> memref<1x80xi32, #tpu.memory_space<vmem>>
      %dma_start3A_266 = tpu.memref_squeeze %dma_start3A_265 : memref<1x80xi32, #tpu.memory_space<vmem>> -> memref<80xi32, #tpu.memory_space<vmem>>
      %dma_start3A_267 = arith.constant 0 : i32
      %dma_start3A_268 = arith.constant 0 : i32
      %dma_start3A_269 = tpu.memref_slice %arg12[%dma_start3A_267, %dma_start3A_268] : memref<1688x128xf32, #tpu.memory_space<vmem_shared>> -> memref<1688x128xf32, #tpu.memory_space<vmem_shared>>
      tpu.enqueue_indirect_dma source(%arg9 : memref<80x128xf32, #tpu.memory_space<vmem>>) target(%dma_start3A_269 : memref<1688x128xf32, #tpu.memory_space<vmem_shared>>) offsets(%dma_start3A_266 : memref<80xi32, #tpu.memory_space<vmem>>) semaphore(%run_scoped3A_263 : memref<!tpu.dma_semaphore, #tpu.memory_space<semaphore_mem>>) {add = true}
      %dma_wait3A_270 = arith.constant 0 : i32
      %dma_wait3A_271 = tpu.memref_slice %arg7[%run_scoped3A_236, %dma_wait3A_270] : memref<250x80xi32, #tpu.memory_space<vmem>> -> memref<1x80xi32, #tpu.memory_space<vmem>>
      %dma_wait3A_272 = tpu.memref_squeeze %dma_wait3A_271 : memref<1x80xi32, #tpu.memory_space<vmem>> -> memref<80xi32, #tpu.memory_space<vmem>>
      %dma_wait3A_273 = arith.constant 0 : i32
      %dma_wait3A_274 = arith.constant 0 : i32
      %dma_wait3A_275 = tpu.memref_slice %arg12[%dma_wait3A_273, %dma_wait3A_274] : memref<1688x128xf32, #tpu.memory_space<vmem_shared>> -> memref<1688x128xf32, #tpu.memory_space<vmem_shared>>
      tpu.wait_indirect_dma semaphore(%run_scoped3A_263 : memref<!tpu.dma_semaphore, #tpu.memory_space<semaphore_mem>>) src(%arg9 : memref<80x128xf32, #tpu.memory_space<vmem>>) dst(%dma_wait3A_275 : memref<1688x128xf32, #tpu.memory_space<vmem_shared>>)
      tpu.yield
    }) : () -> ()
    %barrier3A_237 = arith.constant 0 : index
    tpu.barrier barrier_id(%barrier3A_237)
    %lt3A_238 = arith.constant 5 : i32
    %lt3A_239 = arith.cmpi slt, %add3A_174, %lt3A_238 : i32
    %lt3A_240 = arith.constant 15 : i32
    %lt3A_241 = arith.cmpi slt, %arg1, %lt3A_240 : i32
    %and3A_242 = arith.andi %lt3A_239, %lt3A_241 : i1
    %convert_element_type3A_243 = arith.extui %and3A_242 : i1 to i32
    %cond3A_244 = arith.constant 0 : i32
    %cond3A_245 = arith.cmpi ne, %convert_element_type3A_243, %cond3A_244 : i32
    scf.if %cond3A_245 {
      %mul3A_263 = arith.constant 112 : i32
      %mul3A_264 = arith.muli %mul3A_263, %arg1 : i32
      "tpu.region"() ({
        %run_scoped3A_268 = tpu.sem_alloc : memref<!tpu.dma_semaphore, #tpu.memory_space<semaphore_mem>>
        %dma_start3A_269 = arith.constant 0 : i32
        %dma_start3A_270 = tpu.memref_slice %arg12[%mul3A_264, %dma_start3A_269] : memref<1688x128xf32, #tpu.memory_space<vmem_shared>> -> memref<112x128xf32, #tpu.memory_space<vmem_shared>>
        %dma_start3A_271 = arith.constant 0 : i32
        %dma_start3A_272 = tpu.memref_slice %arg12[%mul3A_264, %dma_start3A_271] : memref<1688x128xf32, #tpu.memory_space<vmem_shared>> -> memref<112x128xf32, #tpu.memory_space<vmem_shared>>
        tpu.enqueue_dma source(%dma_start3A_272 : memref<112x128xf32, #tpu.memory_space<vmem_shared>>) target(%arg11 : memref<112x128xf32, #tpu.memory_space<vmem>>) target_semaphore(%run_scoped3A_268 : memref<!tpu.dma_semaphore, #tpu.memory_space<semaphore_mem>>)
        %dma_wait3A_273 = arith.constant 0 : i32
        %dma_wait3A_274 = tpu.memref_slice %arg12[%mul3A_264, %dma_wait3A_273] : memref<1688x128xf32, #tpu.memory_space<vmem_shared>> -> memref<112x128xf32, #tpu.memory_space<vmem_shared>>
        %dma_wait3A_275 = arith.constant 0 : i32
        %dma_wait3A_276 = tpu.memref_slice %arg12[%mul3A_264, %dma_wait3A_275] : memref<1688x128xf32, #tpu.memory_space<vmem_shared>> -> memref<112x128xf32, #tpu.memory_space<vmem_shared>>
        tpu.wait_dma2 semaphore(%run_scoped3A_268 : memref<!tpu.dma_semaphore, #tpu.memory_space<semaphore_mem>>) src(%dma_wait3A_276 : memref<112x128xf32, #tpu.memory_space<vmem_shared>>) dst(%arg11 : memref<112x128xf32, #tpu.memory_space<vmem>>)
        tpu.yield
      }) : () -> ()
      %mul3A_265 = arith.constant 112 : i32
      %mul3A_266 = arith.muli %mul3A_265, %arg1 : i32
      %add3A_267 = arith.addi %mul3A_176, %mul3A_266 : i32
      "tpu.region"() ({
        %run_scoped3A_268 = tpu.sem_alloc : memref<!tpu.dma_semaphore, #tpu.memory_space<semaphore_mem>>
        %dma_start3A_269 = arith.constant 0 : i32
        %dma_start3A_270 = tpu.memref_slice %arg5[%add3A_267, %dma_start3A_269] : memref<10000x128xf32, #tpu.memory_space<hbm>> -> memref<112x128xf32, #tpu.memory_space<hbm>>
        %dma_start3A_271 = arith.constant 0 : i32
        %dma_start3A_272 = tpu.memref_slice %arg5[%add3A_267, %dma_start3A_271] : memref<10000x128xf32, #tpu.memory_space<hbm>> -> memref<112x128xf32, #tpu.memory_space<hbm>>
        tpu.enqueue_dma source(%arg11 : memref<112x128xf32, #tpu.memory_space<vmem>>) target(%dma_start3A_272 : memref<112x128xf32, #tpu.memory_space<hbm>>) target_semaphore(%run_scoped3A_268 : memref<!tpu.dma_semaphore, #tpu.memory_space<semaphore_mem>>)
        %dma_wait3A_273 = arith.constant 0 : i32
        %dma_wait3A_274 = tpu.memref_slice %arg5[%add3A_267, %dma_wait3A_273] : memref<10000x128xf32, #tpu.memory_space<hbm>> -> memref<112x128xf32, #tpu.memory_space<hbm>>
        %dma_wait3A_275 = arith.constant 0 : i32
        %dma_wait3A_276 = tpu.memref_slice %arg5[%add3A_267, %dma_wait3A_275] : memref<10000x128xf32, #tpu.memory_space<hbm>> -> memref<112x128xf32, #tpu.memory_space<hbm>>
        tpu.wait_dma2 semaphore(%run_scoped3A_268 : memref<!tpu.dma_semaphore, #tpu.memory_space<semaphore_mem>>) src(%arg11 : memref<112x128xf32, #tpu.memory_space<vmem>>) dst(%dma_wait3A_276 : memref<112x128xf32, #tpu.memory_space<hbm>>)
        tpu.yield
      }) : () -> ()
    } else {
    }
    %eq3A_246 = arith.constant 5 : i32
    %eq3A_247 = arith.cmpi eq, %add3A_174, %eq3A_246 : i32
    %lt3A_248 = arith.constant 14 : i32
    %lt3A_249 = arith.cmpi slt, %arg1, %lt3A_248 : i32
    %and3A_250 = arith.andi %eq3A_247, %lt3A_249 : i1
    %convert_element_type3A_251 = arith.extui %and3A_250 : i1 to i32
    %cond3A_252 = arith.constant 0 : i32
    %cond3A_253 = arith.cmpi ne, %convert_element_type3A_251, %cond3A_252 : i32
    scf.if %cond3A_253 {
      %mul3A_263 = arith.constant 112 : i32
      %mul3A_264 = arith.muli %mul3A_263, %arg1 : i32
      "tpu.region"() ({
        %run_scoped3A_268 = tpu.sem_alloc : memref<!tpu.dma_semaphore, #tpu.memory_space<semaphore_mem>>
        %dma_start3A_269 = arith.constant 0 : i32
        %dma_start3A_270 = tpu.memref_slice %arg12[%mul3A_264, %dma_start3A_269] : memref<1688x128xf32, #tpu.memory_space<vmem_shared>> -> memref<112x128xf32, #tpu.memory_space<vmem_shared>>
        %dma_start3A_271 = arith.constant 0 : i32
        %dma_start3A_272 = tpu.memref_slice %arg12[%mul3A_264, %dma_start3A_271] : memref<1688x128xf32, #tpu.memory_space<vmem_shared>> -> memref<112x128xf32, #tpu.memory_space<vmem_shared>>
        tpu.enqueue_dma source(%dma_start3A_272 : memref<112x128xf32, #tpu.memory_space<vmem_shared>>) target(%arg11 : memref<112x128xf32, #tpu.memory_space<vmem>>) target_semaphore(%run_scoped3A_268 : memref<!tpu.dma_semaphore, #tpu.memory_space<semaphore_mem>>)
        %dma_wait3A_273 = arith.constant 0 : i32
        %dma_wait3A_274 = tpu.memref_slice %arg12[%mul3A_264, %dma_wait3A_273] : memref<1688x128xf32, #tpu.memory_space<vmem_shared>> -> memref<112x128xf32, #tpu.memory_space<vmem_shared>>
        %dma_wait3A_275 = arith.constant 0 : i32
        %dma_wait3A_276 = tpu.memref_slice %arg12[%mul3A_264, %dma_wait3A_275] : memref<1688x128xf32, #tpu.memory_space<vmem_shared>> -> memref<112x128xf32, #tpu.memory_space<vmem_shared>>
        tpu.wait_dma2 semaphore(%run_scoped3A_268 : memref<!tpu.dma_semaphore, #tpu.memory_space<semaphore_mem>>) src(%dma_wait3A_276 : memref<112x128xf32, #tpu.memory_space<vmem_shared>>) dst(%arg11 : memref<112x128xf32, #tpu.memory_space<vmem>>)
        tpu.yield
      }) : () -> ()
      %mul3A_265 = arith.constant 112 : i32
      %mul3A_266 = arith.muli %mul3A_265, %arg1 : i32
      %add3A_267 = arith.addi %mul3A_176, %mul3A_266 : i32
      "tpu.region"() ({
        %run_scoped3A_268 = tpu.sem_alloc : memref<!tpu.dma_semaphore, #tpu.memory_space<semaphore_mem>>
        %dma_start3A_269 = arith.constant 0 : i32
        %dma_start3A_270 = tpu.memref_slice %arg5[%add3A_267, %dma_start3A_269] : memref<10000x128xf32, #tpu.memory_space<hbm>> -> memref<112x128xf32, #tpu.memory_space<hbm>>
        %dma_start3A_271 = arith.constant 0 : i32
        %dma_start3A_272 = tpu.memref_slice %arg5[%add3A_267, %dma_start3A_271] : memref<10000x128xf32, #tpu.memory_space<hbm>> -> memref<112x128xf32, #tpu.memory_space<hbm>>
        tpu.enqueue_dma source(%arg11 : memref<112x128xf32, #tpu.memory_space<vmem>>) target(%dma_start3A_272 : memref<112x128xf32, #tpu.memory_space<hbm>>) target_semaphore(%run_scoped3A_268 : memref<!tpu.dma_semaphore, #tpu.memory_space<semaphore_mem>>)
        %dma_wait3A_273 = arith.constant 0 : i32
        %dma_wait3A_274 = tpu.memref_slice %arg5[%add3A_267, %dma_wait3A_273] : memref<10000x128xf32, #tpu.memory_space<hbm>> -> memref<112x128xf32, #tpu.memory_space<hbm>>
        %dma_wait3A_275 = arith.constant 0 : i32
        %dma_wait3A_276 = tpu.memref_slice %arg5[%add3A_267, %dma_wait3A_275] : memref<10000x128xf32, #tpu.memory_space<hbm>> -> memref<112x128xf32, #tpu.memory_space<hbm>>
        tpu.wait_dma2 semaphore(%run_scoped3A_268 : memref<!tpu.dma_semaphore, #tpu.memory_space<semaphore_mem>>) src(%arg11 : memref<112x128xf32, #tpu.memory_space<vmem>>) dst(%dma_wait3A_276 : memref<112x128xf32, #tpu.memory_space<hbm>>)
        tpu.yield
      }) : () -> ()
    } else {
    }
    %eq3A_254 = arith.constant 5 : i32
    %eq3A_255 = arith.cmpi eq, %add3A_174, %eq3A_254 : i32
    %eq3A_256 = arith.constant 14 : i32
    %eq3A_257 = arith.cmpi eq, %arg1, %eq3A_256 : i32
    %and3A_258 = arith.andi %eq3A_255, %eq3A_257 : i1
    %convert_element_type3A_259 = arith.extui %and3A_258 : i1 to i32
    %cond3A_260 = arith.constant 0 : i32
    %cond3A_261 = arith.cmpi ne, %convert_element_type3A_259, %cond3A_260 : i32
    scf.if %cond3A_261 {
      "tpu.region"() ({
        %run_scoped3A_265 = tpu.sem_alloc : memref<!tpu.dma_semaphore, #tpu.memory_space<semaphore_mem>>
        %dma_start3A_266 = arith.constant 0 : i32
        %dma_start3A_267 = arith.constant 0 : i32
        %dma_start3A_268 = tpu.memref_slice %arg11[%dma_start3A_266, %dma_start3A_267] : memref<112x128xf32, #tpu.memory_space<vmem>> -> memref<32x128xf32, #tpu.memory_space<vmem>>
        %dma_start3A_269 = arith.constant 1568 : i32
        %dma_start3A_270 = arith.constant 0 : i32
        %dma_start3A_271 = tpu.memref_slice %arg12[%dma_start3A_269, %dma_start3A_270] : memref<1688x128xf32, #tpu.memory_space<vmem_shared>> -> memref<32x128xf32, #tpu.memory_space<vmem_shared>>
        %dma_start3A_272 = arith.constant 0 : i32
        %dma_start3A_273 = arith.constant 0 : i32
        %dma_start3A_274 = tpu.memref_slice %arg11[%dma_start3A_272, %dma_start3A_273] : memref<112x128xf32, #tpu.memory_space<vmem>> -> memref<32x128xf32, #tpu.memory_space<vmem>>
        %dma_start3A_275 = arith.constant 1568 : i32
        %dma_start3A_276 = arith.constant 0 : i32
        %dma_start3A_277 = tpu.memref_slice %arg12[%dma_start3A_275, %dma_start3A_276] : memref<1688x128xf32, #tpu.memory_space<vmem_shared>> -> memref<32x128xf32, #tpu.memory_space<vmem_shared>>
        tpu.enqueue_dma source(%dma_start3A_277 : memref<32x128xf32, #tpu.memory_space<vmem_shared>>) target(%dma_start3A_274 : memref<32x128xf32, #tpu.memory_space<vmem>>) target_semaphore(%run_scoped3A_265 : memref<!tpu.dma_semaphore, #tpu.memory_space<semaphore_mem>>)
        %dma_wait3A_278 = arith.constant 0 : i32
        %dma_wait3A_279 = arith.constant 0 : i32
        %dma_wait3A_280 = tpu.memref_slice %arg11[%dma_wait3A_278, %dma_wait3A_279] : memref<112x128xf32, #tpu.memory_space<vmem>> -> memref<32x128xf32, #tpu.memory_space<vmem>>
        %dma_wait3A_281 = arith.constant 1568 : i32
        %dma_wait3A_282 = arith.constant 0 : i32
        %dma_wait3A_283 = tpu.memref_slice %arg12[%dma_wait3A_281, %dma_wait3A_282] : memref<1688x128xf32, #tpu.memory_space<vmem_shared>> -> memref<32x128xf32, #tpu.memory_space<vmem_shared>>
        %dma_wait3A_284 = arith.constant 0 : i32
        %dma_wait3A_285 = arith.constant 0 : i32
        %dma_wait3A_286 = tpu.memref_slice %arg11[%dma_wait3A_284, %dma_wait3A_285] : memref<112x128xf32, #tpu.memory_space<vmem>> -> memref<32x128xf32, #tpu.memory_space<vmem>>
        %dma_wait3A_287 = arith.constant 1568 : i32
        %dma_wait3A_288 = arith.constant 0 : i32
        %dma_wait3A_289 = tpu.memref_slice %arg12[%dma_wait3A_287, %dma_wait3A_288] : memref<1688x128xf32, #tpu.memory_space<vmem_shared>> -> memref<32x128xf32, #tpu.memory_space<vmem_shared>>
        tpu.wait_dma2 semaphore(%run_scoped3A_265 : memref<!tpu.dma_semaphore, #tpu.memory_space<semaphore_mem>>) src(%dma_wait3A_289 : memref<32x128xf32, #tpu.memory_space<vmem_shared>>) dst(%dma_wait3A_286 : memref<32x128xf32, #tpu.memory_space<vmem>>)
        tpu.yield
      }) : () -> ()
      %add3A_263 = arith.constant 1568 : i32
      %add3A_264 = arith.addi %mul3A_176, %add3A_263 : i32
      "tpu.region"() ({
        %run_scoped3A_265 = tpu.sem_alloc : memref<!tpu.dma_semaphore, #tpu.memory_space<semaphore_mem>>
        %dma_start3A_266 = arith.constant 0 : i32
        %dma_start3A_267 = arith.constant 0 : i32
        %dma_start3A_268 = tpu.memref_slice %arg11[%dma_start3A_266, %dma_start3A_267] : memref<112x128xf32, #tpu.memory_space<vmem>> -> memref<32x128xf32, #tpu.memory_space<vmem>>
        %dma_start3A_269 = arith.constant 0 : i32
        %dma_start3A_270 = tpu.memref_slice %arg5[%add3A_264, %dma_start3A_269] : memref<10000x128xf32, #tpu.memory_space<hbm>> -> memref<32x128xf32, #tpu.memory_space<hbm>>
        %dma_start3A_271 = arith.constant 0 : i32
        %dma_start3A_272 = tpu.memref_slice %arg5[%add3A_264, %dma_start3A_271] : memref<10000x128xf32, #tpu.memory_space<hbm>> -> memref<32x128xf32, #tpu.memory_space<hbm>>
        %dma_start3A_273 = arith.constant 0 : i32
        %dma_start3A_274 = arith.constant 0 : i32
        %dma_start3A_275 = tpu.memref_slice %arg11[%dma_start3A_273, %dma_start3A_274] : memref<112x128xf32, #tpu.memory_space<vmem>> -> memref<32x128xf32, #tpu.memory_space<vmem>>
        tpu.enqueue_dma source(%dma_start3A_275 : memref<32x128xf32, #tpu.memory_space<vmem>>) target(%dma_start3A_272 : memref<32x128xf32, #tpu.memory_space<hbm>>) target_semaphore(%run_scoped3A_265 : memref<!tpu.dma_semaphore, #tpu.memory_space<semaphore_mem>>)
        %dma_wait3A_276 = arith.constant 0 : i32
        %dma_wait3A_277 = arith.constant 0 : i32
        %dma_wait3A_278 = tpu.memref_slice %arg11[%dma_wait3A_276, %dma_wait3A_277] : memref<112x128xf32, #tpu.memory_space<vmem>> -> memref<32x128xf32, #tpu.memory_space<vmem>>
        %dma_wait3A_279 = arith.constant 0 : i32
        %dma_wait3A_280 = tpu.memref_slice %arg5[%add3A_264, %dma_wait3A_279] : memref<10000x128xf32, #tpu.memory_space<hbm>> -> memref<32x128xf32, #tpu.memory_space<hbm>>
        %dma_wait3A_281 = arith.constant 0 : i32
        %dma_wait3A_282 = tpu.memref_slice %arg5[%add3A_264, %dma_wait3A_281] : memref<10000x128xf32, #tpu.memory_space<hbm>> -> memref<32x128xf32, #tpu.memory_space<hbm>>
        %dma_wait3A_283 = arith.constant 0 : i32
        %dma_wait3A_284 = arith.constant 0 : i32
        %dma_wait3A_285 = tpu.memref_slice %arg11[%dma_wait3A_283, %dma_wait3A_284] : memref<112x128xf32, #tpu.memory_space<vmem>> -> memref<32x128xf32, #tpu.memory_space<vmem>>
        tpu.wait_dma2 semaphore(%run_scoped3A_265 : memref<!tpu.dma_semaphore, #tpu.memory_space<semaphore_mem>>) src(%dma_wait3A_285 : memref<32x128xf32, #tpu.memory_space<vmem>>) dst(%dma_wait3A_282 : memref<32x128xf32, #tpu.memory_space<hbm>>)
        tpu.yield
      }) : () -> ()
    } else {
    }
    %barrier3A_262 = arith.constant 0 : index
    tpu.barrier barrier_id(%barrier3A_262)
    return
  }
}

module attributes {stable_mosaic.version = 14 : i64} {
  func.func @_mm1_body(%arg0: i32, %arg1: memref<2000x128xf32, #tpu.memory_space<vmem>>, %arg2: memref<128x128xf32, #tpu.memory_space<vmem>>, %arg3: memref<2000x1xf32, #tpu.memory_space<vmem>>, %arg4: memref<2000x128xf32, #tpu.memory_space<vmem>>, %arg5: memref<2000x1xf32, #tpu.memory_space<vmem>>) attributes {dimension_semantics = [#tpu.dimension_semantics<arbitrary>], iteration_bounds = array<i64: 5>, scalar_prefetch = 0 : i64, scratch_operands = 0 : i64, tpu.core_type = #tpu.core_type<tc>, window_params = [{transform_indices = @transform_0, window_bounds = array<i64: 2000, 128>}, {pipeline_mode = #tpu.pipeline_mode<synchronous>, transform_indices = @transform_1, window_bounds = array<i64: 128, 128>}, {transform_indices = @transform_2, window_bounds = array<i64: 2000, 1>}, {transform_indices = @transform_3, window_bounds = array<i64: 2000, 128>}, {transform_indices = @transform_4, window_bounds = array<i64: 2000, 1>}]} {
    %get3A = arith.constant 0 : index
    %get3A_0 = arith.constant 0 : index
    %get3A_1 = vector.load %arg3[%get3A, %get3A_0] : memref<2000x1xf32, #tpu.memory_space<vmem>>, vector<2000x1xf32>
    %add3A = arith.constant 1.000000e+00 : f32
    %add3A_2 = vector.broadcast %add3A : f32 to vector<2000x1xf32>
    %add3A_3 = arith.addf %get3A_1, %add3A_2 : vector<2000x1xf32>
    %rsqrt3A = math.rsqrt %add3A_3 : vector<2000x1xf32>
    %swap3A = arith.constant 0 : index
    %swap3A_4 = arith.constant 0 : index
    %swap3A_5 = vector.load %arg5[%swap3A, %swap3A_4] : memref<2000x1xf32, #tpu.memory_space<vmem>>, vector<2000x1xf32>
    tpu.vector_store %arg5[%swap3A, %swap3A_4], %rsqrt3A {strides = array<i32>} : memref<2000x1xf32, #tpu.memory_space<vmem>>, vector<2000x1xf32>,
    %get3A_6 = arith.constant 0 : index
    %get3A_7 = arith.constant 0 : index
    %get3A_8 = vector.load %arg1[%get3A_6, %get3A_7] : memref<2000x128xf32, #tpu.memory_space<vmem>>, vector<2000x128xf32>
    %get3A_9 = arith.constant 0 : index
    %get3A_10 = arith.constant 0 : index
    %get3A_11 = vector.load %arg2[%get3A_9, %get3A_10] : memref<128x128xf32, #tpu.memory_space<vmem>>, vector<128x128xf32>
    %dot_general3A = arith.constant dense<0.000000e+00> : vector<2000x128xf32>
    %dot_general3A_12 = tpu.matmul %get3A_8, %get3A_11, %dot_general3A {dimension_numbers = #tpu.dot_dimension_numbers<[1], [0], [0], [1], [0, 0, 1, 1], [], []>, transpose_lhs_hint = false} : vector<2000x128xf32>, vector<128x128xf32>, vector<2000x128xf32> -> vector<2000x128xf32>
    %mul3A = vector.broadcast %rsqrt3A : vector<2000x1xf32> to vector<2000x128xf32>
    %mul3A_13 = arith.mulf %mul3A, %dot_general3A_12 : vector<2000x128xf32>
    %swap3A_14 = arith.constant 0 : index
    %swap3A_15 = arith.constant 0 : index
    %swap3A_16 = vector.load %arg4[%swap3A_14, %swap3A_15] : memref<2000x128xf32, #tpu.memory_space<vmem>>, vector<2000x128xf32>
    tpu.vector_store %arg4[%swap3A_14, %swap3A_15], %mul3A_13 {strides = array<i32>} : memref<2000x128xf32, #tpu.memory_space<vmem>>, vector<2000x128xf32>,
    return
  }
  func.func @transform_0(%arg0: i32) -> (i32, i32) {
    %c0_i32 = arith.constant 0 : i32
    %c0_i32_0 = arith.constant 0 : i32
    return %arg0, %c0_i32 : i32, i32
  }
  func.func @transform_1(%arg0: i32) -> (i32, i32) {
    %c0_i32 = arith.constant 0 : i32
    %c0_i32_0 = arith.constant 0 : i32
    %c0_i32_1 = arith.constant 0 : i32
    return %c0_i32, %c0_i32_0 : i32, i32
  }
  func.func @transform_2(%arg0: i32) -> (i32, i32) {
    %c0_i32 = arith.constant 0 : i32
    %c0_i32_0 = arith.constant 0 : i32
    return %arg0, %c0_i32 : i32, i32
  }
  func.func @transform_3(%arg0: i32) -> (i32, i32) {
    %c0_i32 = arith.constant 0 : i32
    %c0_i32_0 = arith.constant 0 : i32
    return %arg0, %c0_i32 : i32, i32
  }
  func.func @transform_4(%arg0: i32) -> (i32, i32) {
    %c0_i32 = arith.constant 0 : i32
    %c0_i32_0 = arith.constant 0 : i32
    return %arg0, %c0_i32 : i32, i32
  }
}

module attributes {stable_mosaic.version = 14 : i64} {
  func.func @_mm2_body(%arg0: i32, %arg1: memref<2000x128xf32, #tpu.memory_space<vmem>>, %arg2: memref<2000x128xf32, #tpu.memory_space<vmem>>, %arg3: memref<2000x1xf32, #tpu.memory_space<vmem>>, %arg4: memref<1x128xf32, #tpu.memory_space<vmem>>, %arg5: memref<128x128xf32, #tpu.memory_space<vmem>>, %arg6: memref<2000x128xf32, #tpu.memory_space<vmem>>) attributes {dimension_semantics = [#tpu.dimension_semantics<arbitrary>], iteration_bounds = array<i64: 5>, scalar_prefetch = 0 : i64, scratch_operands = 0 : i64, tpu.core_type = #tpu.core_type<tc>, window_params = [{transform_indices = @transform_0, window_bounds = array<i64: 2000, 128>}, {transform_indices = @transform_1, window_bounds = array<i64: 2000, 128>}, {transform_indices = @transform_2, window_bounds = array<i64: 2000, 1>}, {pipeline_mode = #tpu.pipeline_mode<synchronous>, transform_indices = @transform_3, window_bounds = array<i64: 1, 128>}, {pipeline_mode = #tpu.pipeline_mode<synchronous>, transform_indices = @transform_4, window_bounds = array<i64: 128, 128>}, {transform_indices = @transform_5, window_bounds = array<i64: 2000, 128>}]} {
    %get3A = arith.constant 0 : index
    %get3A_0 = arith.constant 0 : index
    %get3A_1 = vector.load %arg3[%get3A, %get3A_0] : memref<2000x1xf32, #tpu.memory_space<vmem>>, vector<2000x1xf32>
    %get3A_2 = arith.constant 0 : index
    %get3A_3 = arith.constant 0 : index
    %get3A_4 = vector.load %arg1[%get3A_2, %get3A_3] : memref<2000x128xf32, #tpu.memory_space<vmem>>, vector<2000x128xf32>
    %get3A_5 = arith.constant 0 : index
    %get3A_6 = arith.constant 0 : index
    %get3A_7 = vector.load %arg2[%get3A_5, %get3A_6] : memref<2000x128xf32, #tpu.memory_space<vmem>>, vector<2000x128xf32>
    %add3A = arith.addf %get3A_4, %get3A_7 : vector<2000x128xf32>
    %mul3A = vector.broadcast %get3A_1 : vector<2000x1xf32> to vector<2000x128xf32>
    %mul3A_8 = arith.mulf %mul3A, %add3A : vector<2000x128xf32>
    %get3A_9 = arith.constant 0 : index
    %get3A_10 = arith.constant 0 : index
    %get3A_11 = vector.load %arg4[%get3A_9, %get3A_10] : memref<1x128xf32, #tpu.memory_space<vmem>>, vector<1x128xf32>
    %add3A_12 = vector.broadcast %get3A_11 : vector<1x128xf32> to vector<2000x128xf32>
    %add3A_13 = arith.addf %mul3A_8, %add3A_12 : vector<2000x128xf32>
    %max3A = arith.constant 0.000000e+00 : f32
    %max3A_14 = vector.broadcast %max3A : f32 to vector<2000x128xf32>
    %max3A_15 = arith.maximumf %add3A_13, %max3A_14 : vector<2000x128xf32>
    %get3A_16 = arith.constant 0 : index
    %get3A_17 = arith.constant 0 : index
    %get3A_18 = vector.load %arg5[%get3A_16, %get3A_17] : memref<128x128xf32, #tpu.memory_space<vmem>>, vector<128x128xf32>
    %dot_general3A = arith.constant dense<0.000000e+00> : vector<2000x128xf32>
    %dot_general3A_19 = tpu.matmul %max3A_15, %get3A_18, %dot_general3A {dimension_numbers = #tpu.dot_dimension_numbers<[1], [0], [0], [1], [0, 0, 1, 1], [], []>, transpose_lhs_hint = false} : vector<2000x128xf32>, vector<128x128xf32>, vector<2000x128xf32> -> vector<2000x128xf32>
    %mul3A_20 = vector.broadcast %get3A_1 : vector<2000x1xf32> to vector<2000x128xf32>
    %mul3A_21 = arith.mulf %mul3A_20, %dot_general3A_19 : vector<2000x128xf32>
    %swap3A = arith.constant 0 : index
    %swap3A_22 = arith.constant 0 : index
    %swap3A_23 = vector.load %arg6[%swap3A, %swap3A_22] : memref<2000x128xf32, #tpu.memory_space<vmem>>, vector<2000x128xf32>
    tpu.vector_store %arg6[%swap3A, %swap3A_22], %mul3A_21 {strides = array<i32>} : memref<2000x128xf32, #tpu.memory_space<vmem>>, vector<2000x128xf32>,
    return
  }
  func.func @transform_0(%arg0: i32) -> (i32, i32) {
    %c0_i32 = arith.constant 0 : i32
    %c0_i32_0 = arith.constant 0 : i32
    return %arg0, %c0_i32 : i32, i32
  }
  func.func @transform_1(%arg0: i32) -> (i32, i32) {
    %c0_i32 = arith.constant 0 : i32
    %c0_i32_0 = arith.constant 0 : i32
    return %arg0, %c0_i32 : i32, i32
  }
  func.func @transform_2(%arg0: i32) -> (i32, i32) {
    %c0_i32 = arith.constant 0 : i32
    %c0_i32_0 = arith.constant 0 : i32
    return %arg0, %c0_i32 : i32, i32
  }
  func.func @transform_3(%arg0: i32) -> (i32, i32) {
    %c0_i32 = arith.constant 0 : i32
    %c0_i32_0 = arith.constant 0 : i32
    %c0_i32_1 = arith.constant 0 : i32
    return %c0_i32, %c0_i32_0 : i32, i32
  }
  func.func @transform_4(%arg0: i32) -> (i32, i32) {
    %c0_i32 = arith.constant 0 : i32
    %c0_i32_0 = arith.constant 0 : i32
    %c0_i32_1 = arith.constant 0 : i32
    return %c0_i32, %c0_i32_0 : i32, i32
  }
  func.func @transform_5(%arg0: i32) -> (i32, i32) {
    %c0_i32 = arith.constant 0 : i32
    %c0_i32_0 = arith.constant 0 : i32
    return %arg0, %c0_i32 : i32, i32
  }
}

module attributes {stable_mosaic.version = 14 : i64} {
  func.func @_mm3_body(%arg0: i32, %arg1: memref<2000x128xf32, #tpu.memory_space<vmem>>, %arg2: memref<2000x128xf32, #tpu.memory_space<vmem>>, %arg3: memref<2000x1xf32, #tpu.memory_space<vmem>>, %arg4: memref<1x128xf32, #tpu.memory_space<vmem>>, %arg5: memref<128x512xf32, #tpu.memory_space<vmem>>, %arg6: memref<1x512xf32, #tpu.memory_space<vmem>>, %arg7: memref<1x512xf32, #tpu.memory_space<vmem>>, %arg8: memref<2000x512xf32, #tpu.memory_space<vmem>>) attributes {dimension_semantics = [#tpu.dimension_semantics<arbitrary>], iteration_bounds = array<i64: 5>, scalar_prefetch = 0 : i64, scratch_operands = 0 : i64, tpu.core_type = #tpu.core_type<tc>, window_params = [{transform_indices = @transform_0, window_bounds = array<i64: 2000, 128>}, {transform_indices = @transform_1, window_bounds = array<i64: 2000, 128>}, {transform_indices = @transform_2, window_bounds = array<i64: 2000, 1>}, {pipeline_mode = #tpu.pipeline_mode<synchronous>, transform_indices = @transform_3, window_bounds = array<i64: 1, 128>}, {pipeline_mode = #tpu.pipeline_mode<synchronous>, transform_indices = @transform_4, window_bounds = array<i64: 128, 512>}, {pipeline_mode = #tpu.pipeline_mode<synchronous>, transform_indices = @transform_5, window_bounds = array<i64: 1, 512>}, {pipeline_mode = #tpu.pipeline_mode<synchronous>, transform_indices = @transform_6, window_bounds = array<i64: 1, 512>}, {transform_indices = @transform_7, window_bounds = array<i64: 2000, 512>}]} {
    %get3A = arith.constant 0 : index
    %get3A_0 = arith.constant 0 : index
    %get3A_1 = vector.load %arg3[%get3A, %get3A_0] : memref<2000x1xf32, #tpu.memory_space<vmem>>, vector<2000x1xf32>
    %get3A_2 = arith.constant 0 : index
    %get3A_3 = arith.constant 0 : index
    %get3A_4 = vector.load %arg1[%get3A_2, %get3A_3] : memref<2000x128xf32, #tpu.memory_space<vmem>>, vector<2000x128xf32>
    %get3A_5 = arith.constant 0 : index
    %get3A_6 = arith.constant 0 : index
    %get3A_7 = vector.load %arg2[%get3A_5, %get3A_6] : memref<2000x128xf32, #tpu.memory_space<vmem>>, vector<2000x128xf32>
    %add3A = arith.addf %get3A_4, %get3A_7 : vector<2000x128xf32>
    %mul3A = vector.broadcast %get3A_1 : vector<2000x1xf32> to vector<2000x128xf32>
    %mul3A_8 = arith.mulf %mul3A, %add3A : vector<2000x128xf32>
    %get3A_9 = arith.constant 0 : index
    %get3A_10 = arith.constant 0 : index
    %get3A_11 = vector.load %arg4[%get3A_9, %get3A_10] : memref<1x128xf32, #tpu.memory_space<vmem>>, vector<1x128xf32>
    %add3A_12 = vector.broadcast %get3A_11 : vector<1x128xf32> to vector<2000x128xf32>
    %add3A_13 = arith.addf %mul3A_8, %add3A_12 : vector<2000x128xf32>
    %max3A = arith.constant 0.000000e+00 : f32
    %max3A_14 = vector.broadcast %max3A : f32 to vector<2000x128xf32>
    %max3A_15 = arith.maximumf %add3A_13, %max3A_14 : vector<2000x128xf32>
    %get3A_16 = arith.constant 0 : index
    %get3A_17 = arith.constant 0 : index
    %get3A_18 = vector.load %arg5[%get3A_16, %get3A_17] : memref<128x512xf32, #tpu.memory_space<vmem>>, vector<128x512xf32>
    %dot_general3A = arith.constant dense<0.000000e+00> : vector<2000x512xf32>
    %dot_general3A_19 = tpu.matmul %max3A_15, %get3A_18, %dot_general3A {dimension_numbers = #tpu.dot_dimension_numbers<[1], [0], [0], [1], [0, 0, 1, 1], [], []>, transpose_lhs_hint = false} : vector<2000x128xf32>, vector<128x512xf32>, vector<2000x512xf32> -> vector<2000x512xf32>
    %get3A_20 = arith.constant 0 : index
    %get3A_21 = arith.constant 0 : index
    %get3A_22 = vector.load %arg6[%get3A_20, %get3A_21] : memref<1x512xf32, #tpu.memory_space<vmem>>, vector<1x512xf32>
    %add3A_23 = vector.broadcast %get3A_22 : vector<1x512xf32> to vector<2000x512xf32>
    %add3A_24 = arith.addf %dot_general3A_19, %add3A_23 : vector<2000x512xf32>
    %get3A_25 = arith.constant 0 : index
    %get3A_26 = arith.constant 0 : index
    %get3A_27 = vector.load %arg7[%get3A_25, %get3A_26] : memref<1x512xf32, #tpu.memory_space<vmem>>, vector<1x512xf32>
    %add3A_28 = vector.broadcast %get3A_27 : vector<1x512xf32> to vector<2000x512xf32>
    %add3A_29 = arith.addf %add3A_24, %add3A_28 : vector<2000x512xf32>
    %swap3A = arith.constant 0 : index
    %swap3A_30 = arith.constant 0 : index
    %swap3A_31 = vector.load %arg8[%swap3A, %swap3A_30] : memref<2000x512xf32, #tpu.memory_space<vmem>>, vector<2000x512xf32>
    tpu.vector_store %arg8[%swap3A, %swap3A_30], %add3A_29 {strides = array<i32>} : memref<2000x512xf32, #tpu.memory_space<vmem>>, vector<2000x512xf32>,
    return
  }
  func.func @transform_0(%arg0: i32) -> (i32, i32) {
    %c0_i32 = arith.constant 0 : i32
    %c0_i32_0 = arith.constant 0 : i32
    return %arg0, %c0_i32 : i32, i32
  }
  func.func @transform_1(%arg0: i32) -> (i32, i32) {
    %c0_i32 = arith.constant 0 : i32
    %c0_i32_0 = arith.constant 0 : i32
    return %arg0, %c0_i32 : i32, i32
  }
  func.func @transform_2(%arg0: i32) -> (i32, i32) {
    %c0_i32 = arith.constant 0 : i32
    %c0_i32_0 = arith.constant 0 : i32
    return %arg0, %c0_i32 : i32, i32
  }
  func.func @transform_3(%arg0: i32) -> (i32, i32) {
    %c0_i32 = arith.constant 0 : i32
    %c0_i32_0 = arith.constant 0 : i32
    %c0_i32_1 = arith.constant 0 : i32
    return %c0_i32, %c0_i32_0 : i32, i32
  }
  func.func @transform_4(%arg0: i32) -> (i32, i32) {
    %c0_i32 = arith.constant 0 : i32
    %c0_i32_0 = arith.constant 0 : i32
    %c0_i32_1 = arith.constant 0 : i32
    return %c0_i32, %c0_i32_0 : i32, i32
  }
  func.func @transform_5(%arg0: i32) -> (i32, i32) {
    %c0_i32 = arith.constant 0 : i32
    %c0_i32_0 = arith.constant 0 : i32
    %c0_i32_1 = arith.constant 0 : i32
    return %c0_i32, %c0_i32_0 : i32, i32
  }
  func.func @transform_6(%arg0: i32) -> (i32, i32) {
    %c0_i32 = arith.constant 0 : i32
    %c0_i32_0 = arith.constant 0 : i32
    %c0_i32_1 = arith.constant 0 : i32
    return %c0_i32, %c0_i32_0 : i32, i32
  }
  func.func @transform_7(%arg0: i32) -> (i32, i32) {
    %c0_i32 = arith.constant 0 : i32
    %c0_i32_0 = arith.constant 0 : i32
    return %arg0, %c0_i32 : i32, i32
  }
}

module attributes {stable_mosaic.version = 14 : i64} {
  func.func @_lstm_body(%arg0: i32, %arg1: memref<400x512xf32, #tpu.memory_space<vmem>>, %arg2: memref<128x512xf32, #tpu.memory_space<vmem>>, %arg3: memref<128x64xf32, #tpu.memory_space<vmem>>, %arg4: memref<1x64xf32, #tpu.memory_space<vmem>>, %arg5: memref<400x64xf32, #tpu.memory_space<vmem>>, %arg6: memref<1x128xf32, #tpu.memory_space<vmem>>, %arg7: memref<1x128xf32, #tpu.memory_space<vmem>>, %arg8: memref<400x128xf32, #tpu.memory_space<vmem>>) attributes {dimension_semantics = [#tpu.dimension_semantics<arbitrary>], iteration_bounds = array<i64: 25>, scalar_prefetch = 0 : i64, scratch_operands = 3 : i64, tpu.core_type = #tpu.core_type<tc>, window_params = [{transform_indices = @transform_0, window_bounds = array<i64: 400, 512>}, {pipeline_mode = #tpu.pipeline_mode<synchronous>, transform_indices = @transform_1, window_bounds = array<i64: 128, 512>}, {pipeline_mode = #tpu.pipeline_mode<synchronous>, transform_indices = @transform_2, window_bounds = array<i64: 128, 64>}, {pipeline_mode = #tpu.pipeline_mode<synchronous>, transform_indices = @transform_3, window_bounds = array<i64: 1, 64>}, {transform_indices = @transform_4, window_bounds = array<i64: 400, 64>}]} {
    %eq3A = arith.constant 0 : i32
    %eq3A_0 = arith.cmpi eq, %arg0, %eq3A : i32
    %convert_element_type3A = arith.extui %eq3A_0 : i1 to i32
    %cond3A = arith.constant 0 : i32
    %cond3A_1 = arith.cmpi ne, %convert_element_type3A, %cond3A : i32
    scf.if %cond3A_1 {
      %broadcast_in_dim3A = arith.constant 0.000000e+00 : f32
      %broadcast_in_dim3A_18 = vector.broadcast %broadcast_in_dim3A : f32 to vector<1x128xf32>
      %swap3A_19 = arith.constant 0 : index
      %swap3A_20 = arith.constant 0 : index
      %swap3A_21 = vector.load %arg6[%swap3A_19, %swap3A_20] : memref<1x128xf32, #tpu.memory_space<vmem>>, vector<1x128xf32>
      tpu.vector_store %arg6[%swap3A_19, %swap3A_20], %broadcast_in_dim3A_18 {strides = array<i32>} : memref<1x128xf32, #tpu.memory_space<vmem>>, vector<1x128xf32>,
      %broadcast_in_dim3A_22 = arith.constant 0.000000e+00 : f32
      %broadcast_in_dim3A_23 = vector.broadcast %broadcast_in_dim3A_22 : f32 to vector<1x128xf32>
      %swap3A_24 = arith.constant 0 : index
      %swap3A_25 = arith.constant 0 : index
      %swap3A_26 = vector.load %arg7[%swap3A_24, %swap3A_25] : memref<1x128xf32, #tpu.memory_space<vmem>>, vector<1x128xf32>
      tpu.vector_store %arg7[%swap3A_24, %swap3A_25], %broadcast_in_dim3A_23 {strides = array<i32>} : memref<1x128xf32, #tpu.memory_space<vmem>>, vector<1x128xf32>,
    } else {
    }
    %scan3A = arith.constant 0 : i32
    %scan3A_2 = arith.constant 400 : i32
    %scan3A_3 = arith.addi %scan3A, %scan3A_2 : i32
    %scan3A_4 = arith.constant 1 : i32
    scf.for %scan3A_18 = %scan3A to %scan3A_3 step %scan3A_4  : i32 {
      %get3A_19 = arith.constant 0 : index
      %get3A_20 = arith.constant 0 : index
      %get3A_21 = vector.load %arg6[%get3A_19, %get3A_20] : memref<1x128xf32, #tpu.memory_space<vmem>>, vector<1x128xf32>
      %get3A_22 = arith.index_cast %scan3A_18 : i32 to index
      %get3A_23 = arith.constant 0 : index
      %get3A_24 = vector.load %arg1[%get3A_22, %get3A_23] : memref<400x512xf32, #tpu.memory_space<vmem>>, vector<1x512xf32>
      %get3A_25 = arith.constant 0 : index
      %get3A_26 = arith.constant 0 : index
      %get3A_27 = vector.load %arg2[%get3A_25, %get3A_26] : memref<128x512xf32, #tpu.memory_space<vmem>>, vector<128x512xf32>
      %dot_general3A_28 = arith.constant dense<0.000000e+00> : vector<1x512xf32>
      %dot_general3A_29 = tpu.matmul %get3A_21, %get3A_27, %dot_general3A_28 {dimension_numbers = #tpu.dot_dimension_numbers<[1], [0], [0], [1], [0, 0, 1, 1], [], []>, transpose_lhs_hint = false} : vector<1x128xf32>, vector<128x512xf32>, vector<1x512xf32> -> vector<1x512xf32>
      %add3A_30 = arith.addf %get3A_24, %dot_general3A_29 : vector<1x512xf32>
      %slice3A = vector.extract_strided_slice %add3A_30 {offsets = [0, 0], sizes = [1, 128], strides = [1, 1]} : vector<1x512xf32> to vector<1x128xf32>
      %logistic3A = arith.negf %slice3A : vector<1x128xf32>
      %logistic3A_31 = math.exp %logistic3A : vector<1x128xf32>
      %logistic3A_32 = arith.constant 1.000000e+00 : f32
      %logistic3A_33 = vector.broadcast %logistic3A_32 : f32 to vector<1x128xf32>
      %logistic3A_34 = arith.addf %logistic3A_33, %logistic3A_31 : vector<1x128xf32>
      %logistic3A_35 = arith.divf %logistic3A_33, %logistic3A_34 : vector<1x128xf32>
      %slice3A_36 = vector.extract_strided_slice %add3A_30 {offsets = [0, 128], sizes = [1, 128], strides = [1, 1]} : vector<1x512xf32> to vector<1x128xf32>
      %logistic3A_37 = arith.negf %slice3A_36 : vector<1x128xf32>
      %logistic3A_38 = math.exp %logistic3A_37 : vector<1x128xf32>
      %logistic3A_39 = arith.constant 1.000000e+00 : f32
      %logistic3A_40 = vector.broadcast %logistic3A_39 : f32 to vector<1x128xf32>
      %logistic3A_41 = arith.addf %logistic3A_40, %logistic3A_38 : vector<1x128xf32>
      %logistic3A_42 = arith.divf %logistic3A_40, %logistic3A_41 : vector<1x128xf32>
      %slice3A_43 = vector.extract_strided_slice %add3A_30 {offsets = [0, 256], sizes = [1, 128], strides = [1, 1]} : vector<1x512xf32> to vector<1x128xf32>
      %tanh3A = math.tanh %slice3A_43 : vector<1x128xf32>
      %slice3A_44 = vector.extract_strided_slice %add3A_30 {offsets = [0, 384], sizes = [1, 128], strides = [1, 1]} : vector<1x512xf32> to vector<1x128xf32>
      %logistic3A_45 = arith.negf %slice3A_44 : vector<1x128xf32>
      %logistic3A_46 = math.exp %logistic3A_45 : vector<1x128xf32>
      %logistic3A_47 = arith.constant 1.000000e+00 : f32
      %logistic3A_48 = vector.broadcast %logistic3A_47 : f32 to vector<1x128xf32>
      %logistic3A_49 = arith.addf %logistic3A_48, %logistic3A_46 : vector<1x128xf32>
      %logistic3A_50 = arith.divf %logistic3A_48, %logistic3A_49 : vector<1x128xf32>
      %get3A_51 = arith.constant 0 : index
      %get3A_52 = arith.constant 0 : index
      %get3A_53 = vector.load %arg7[%get3A_51, %get3A_52] : memref<1x128xf32, #tpu.memory_space<vmem>>, vector<1x128xf32>
      %mul3A = arith.mulf %logistic3A_42, %get3A_53 : vector<1x128xf32>
      %mul3A_54 = arith.mulf %logistic3A_35, %tanh3A : vector<1x128xf32>
      %add3A_55 = arith.addf %mul3A, %mul3A_54 : vector<1x128xf32>
      %tanh3A_56 = math.tanh %add3A_55 : vector<1x128xf32>
      %mul3A_57 = arith.mulf %logistic3A_50, %tanh3A_56 : vector<1x128xf32>
      %swap3A_58 = arith.constant 0 : index
      %swap3A_59 = arith.constant 0 : index
      %swap3A_60 = vector.load %arg7[%swap3A_58, %swap3A_59] : memref<1x128xf32, #tpu.memory_space<vmem>>, vector<1x128xf32>
      tpu.vector_store %arg7[%swap3A_58, %swap3A_59], %add3A_55 {strides = array<i32>} : memref<1x128xf32, #tpu.memory_space<vmem>>, vector<1x128xf32>,
      %swap3A_61 = arith.constant 0 : index
      %swap3A_62 = arith.constant 0 : index
      %swap3A_63 = vector.load %arg6[%swap3A_61, %swap3A_62] : memref<1x128xf32, #tpu.memory_space<vmem>>, vector<1x128xf32>
      tpu.vector_store %arg6[%swap3A_61, %swap3A_62], %mul3A_57 {strides = array<i32>} : memref<1x128xf32, #tpu.memory_space<vmem>>, vector<1x128xf32>,
      %swap3A_64 = arith.index_cast %scan3A_18 : i32 to index
      %swap3A_65 = arith.constant 0 : index
      %swap3A_66 = vector.load %arg8[%swap3A_64, %swap3A_65] : memref<400x128xf32, #tpu.memory_space<vmem>>, vector<1x128xf32>
      tpu.vector_store %arg8[%swap3A_64, %swap3A_65], %mul3A_57 {strides = array<i32>} : memref<400x128xf32, #tpu.memory_space<vmem>>, vector<1x128xf32>,
    }
    %scan3A_5 = arith.constant 400 : i32
    %get3A = arith.constant 0 : index
    %get3A_6 = arith.constant 0 : index
    %get3A_7 = vector.load %arg8[%get3A, %get3A_6] : memref<400x128xf32, #tpu.memory_space<vmem>>, vector<400x128xf32>
    %get3A_8 = arith.constant 0 : index
    %get3A_9 = arith.constant 0 : index
    %get3A_10 = vector.load %arg3[%get3A_8, %get3A_9] : memref<128x64xf32, #tpu.memory_space<vmem>>, vector<128x64xf32>
    %dot_general3A = arith.constant dense<0.000000e+00> : vector<400x64xf32>
    %dot_general3A_11 = tpu.matmul %get3A_7, %get3A_10, %dot_general3A {dimension_numbers = #tpu.dot_dimension_numbers<[1], [0], [0], [1], [0, 0, 1, 1], [], []>, transpose_lhs_hint = false} : vector<400x128xf32>, vector<128x64xf32>, vector<400x64xf32> -> vector<400x64xf32>
    %get3A_12 = arith.constant 0 : index
    %get3A_13 = arith.constant 0 : index
    %get3A_14 = vector.load %arg4[%get3A_12, %get3A_13] : memref<1x64xf32, #tpu.memory_space<vmem>>, vector<1x64xf32>
    %add3A = vector.broadcast %get3A_14 : vector<1x64xf32> to vector<400x64xf32>
    %add3A_15 = arith.addf %dot_general3A_11, %add3A : vector<400x64xf32>
    %swap3A = arith.constant 0 : index
    %swap3A_16 = arith.constant 0 : index
    %swap3A_17 = vector.load %arg5[%swap3A, %swap3A_16] : memref<400x64xf32, #tpu.memory_space<vmem>>, vector<400x64xf32>
    tpu.vector_store %arg5[%swap3A, %swap3A_16], %add3A_15 {strides = array<i32>} : memref<400x64xf32, #tpu.memory_space<vmem>>, vector<400x64xf32>,
    return
  }
  func.func @transform_0(%arg0: i32) -> (i32, i32) {
    %c0_i32 = arith.constant 0 : i32
    %c0_i32_0 = arith.constant 0 : i32
    return %arg0, %c0_i32 : i32, i32
  }
  func.func @transform_1(%arg0: i32) -> (i32, i32) {
    %c0_i32 = arith.constant 0 : i32
    %c0_i32_0 = arith.constant 0 : i32
    %c0_i32_1 = arith.constant 0 : i32
    return %c0_i32, %c0_i32_0 : i32, i32
  }
  func.func @transform_2(%arg0: i32) -> (i32, i32) {
    %c0_i32 = arith.constant 0 : i32
    %c0_i32_0 = arith.constant 0 : i32
    %c0_i32_1 = arith.constant 0 : i32
    return %c0_i32, %c0_i32_0 : i32, i32
  }
  func.func @transform_3(%arg0: i32) -> (i32, i32) {
    %c0_i32 = arith.constant 0 : i32
    %c0_i32_0 = arith.constant 0 : i32
    %c0_i32_1 = arith.constant 0 : i32
    return %c0_i32, %c0_i32_0 : i32, i32
  }
  func.func @transform_4(%arg0: i32) -> (i32, i32) {
    %c0_i32 = arith.constant 0 : i32
    %c0_i32_0 = arith.constant 0 : i32
    return %arg0, %c0_i32 : i32, i32
  }
}

</mosaic_0001>

<sc_bundles>
// kernel: kernel.12.cloned.1.call-start
scs
__scs_entry_jumppad:
0x0: {  	(pc) =	sbr.rel $0x88, $3  }
0x1: {  	(tag) =	ssettag $0x0;
	lr =	simm.s32 $0x1  }
0x2: {  	[smem:$0x3F95] =	sst lr;
	_ =	strace $0xD0000000  }
0x3: {  	_ = 	snop  }
0x4: {  	_ = 	snop  }
0x5: {  	_ = 	snop  }
0x6: {  	_ = 	snop  }
0x7: {  	_ = 	snop  }
__scs_overlays_trampoline_lowered:
0x8: {  	[smem:$0x3FA4] =	sst s0  }
0x9: {  	[smem:$0x3FA5] =	sst s1  }
0xa: {  	[smem:$0x3FA6] =	sst s2  }
0xb: {  	[smem:$0x3FA7] =	sst s3  }
0xc: {  	[smem:$0x3FA8] =	sst s4  }
0xd: {  	[smem:$0x3FA9] =	sst s5  }
0xe: {  	[smem:$0x3FAA] =	sst s6  }
0xf: {  	[smem:$0x3FAB] =	sst s7  }
0x10: {  	[smem:$0x3FAC] =	sst s8  }
0x11: {  	[smem:$0x3FAD] =	sst s9;
	s0 =	simm.s32 @!p0 $0x0  }
0x12: {  	s1 =	sld [smem:$0x3F93];
	s0 =	simm.s32 @p0 $0x1  }
0x13: {  	[smem:$0x3FAE] =	sst s0;
	s0 =	simm.s32 @!p1 $0x0  }
0x14: {  	s2 =	sld [smem:$0x3F92];
	s0 =	simm.s32 @p1 $0x1  }
0x15: {  	[smem:$0x3FAF] =	sst s0;
	s0 =	simm.s32 @!p2 $0x0  }
0x16: {  	s3 =	sld [smem:$0x3FDB];
	s0 =	simm.s32 @p2 $0x1  }
0x17: {  	s4 =	simm.s32 $0x1BF5;
	[smem:$0x3FB1] =	sst s0  }
0x18: {  	s0 =	sld [smem:$0x3F94];
	_ =	swait.ge [sflag:s4], $0x0  }
0x19: {  	s7 =	sld [smem:$0x3F95]  }
0x1a: {  	s8 =	sadd.s32 $0xFFFFE003, lr  }
0x1b: {  	s9 =	sadd.s32 $0xFFFFFEF7, lr;
	s5 =	simm.s32 $0xFFFFFFFF;
	p2 =	slt.u32 s8, $0xFFFFF086  }
0x1c: {  	p1 =	slt.u32 s9, $0xF7A;
	s5 =	simm.s32 @!p2 $0x0  }
0x1d: {  	s5 =	simm.s32 @p1 $0x1;
	p0 =	seq.s32 s7, s2  }
0x1e: {  	s7 =	smul.u32 @!p0 $0xF7A, s2;
	p2 =	seq.s32 @!p0 s5, $0x0  }
0x1f: {  	s9 =	smul.u32 $0xF7A, s1;
	s8 =	simm.s32 @!p0 $0x1BF5;
	p2 =	por !p2, p0  }
0x20: {  	[sflag:s8] =	ssyncset.s32 @!p0 $0xFFFFF086;
	s6 =	sadd.s32 @!p0 s3, s7;
	s7 =	simm.s32 @!p0 $0x108  }
0x21: {  	s3 =	sadd.s32 s3, s9;
	s6 =	sadd.s32 @!p0 $0x88, s6;
	s7 =	simm.s32 @p2 $0x1082  }
0x22: {  	[simem:s7], [sflag:s8] =	dma.local @!p0 [hbm:s6], $0xF7A  }
0x23: {  	s9 =	sor.u32 $0xD0000000, s2;
	s6 =	simm.s32 $0x108;
	_ =	swait.ge @!p0 [sflag:s8], $0x0  }
0x24: {  	s3 =	sadd.s32 $0x88, s3;
	s6 =	simm.s32 @!p1 $0x1082;
	[sflag:s4] =	ssyncset.s32 $0xFFFFF086  }
0x25: {  	[simem:s6], [sflag:s4] =	dma.local [hbm:s3], $0xF7A  }
0x26: {  	[smem:$0x3F95] =	sst s1;
	(tag) =	ssettag s2;
	_ =	strace s9  }
0x27: {  	s1 =	sld [smem:$0x3FA5]  }
0x28: {  	s2 =	sld [smem:$0x3FA6]  }
0x29: {  	s4 =	sld [smem:$0x3FA8]  }
0x2a: {  	p0 =	seq.s32 s5, $0x0;
	s5 =	sld [smem:$0x3FA9]  }
0x2b: {  	s6 =	sld [smem:$0x3FAA]  }
0x2c: {  	s7 =	sld [smem:$0x3FAB]  }
0x2d: {  	s3 =	simm.s32 $0x108;
	s8 =	sld [smem:$0x3FAC]  }
0x2e: {  	s3 =	simm.s32 @!p0 $0x1082;
	s9 =	sld [smem:$0x3FAD]  }
0x2f: {  	lr =	sadd.s32 s0, s3;
	s0 =	sld [smem:$0x3FA4]  }
0x30: {  	s3 =	sld [smem:$0x3FA7]  }
0x31: {  	[smem:$0x3FB0] =	sst s10  }
0x32: {  	s10 =	sld [smem:$0x3FAE];
	_ =	sdelay $0x3  }
0x33: {  	p0 =	seq.s32 s10, $0x1;
	s10 =	sld [smem:$0x3FB0];
	_ =	sdelay $0x3  }
0x34: {  	[smem:$0x3FB0] =	sst s10  }
0x35: {  	s10 =	sld [smem:$0x3FAF];
	_ =	sdelay $0x3  }
0x36: {  	p1 =	seq.s32 s10, $0x1;
	s10 =	sld [smem:$0x3FB0];
	_ =	sdelay $0x3  }
0x37: {  	[smem:$0x3FB0] =	sst s10  }
0x38: {  	s10 =	sld [smem:$0x3FB1]  }
0x39: {  	_ = 	snop;
	(pc) =	sbr.ind lr, $3  }
0x3a: {  	_ = 	snop  }
0x3b: {  	_ = 	snop  }
0x3c: {  	p2 =	seq.s32 s10, $0x1;
	s10 =	sld [smem:$0x3FB0]  }
0x3d: {  	_ =	shalt  }
0x3e: {  	_ =	shalt  }
0x3f: {  	_ =	shalt  }
0x40: {  	_ =	shalt  }
0x41: {  	_ =	shalt  }
0x42: {  	_ =	shalt  }
0x43: {  	_ =	shalt  }
0x44: {  	_ =	shalt  }
0x45: {  	_ =	shalt  }
0x46: {  	_ =	shalt  }
0x47: {  	_ =	shalt  }
0x48: {  	_ =	shalt  }
0x49: {  	_ =	shalt  }
0x4a: {  	_ =	shalt  }
0x4b: {  	_ =	shalt  }
0x4c: {  	_ =	shalt  }
0x4d: {  	_ =	shalt  }
0x4e: {  	_ =	shalt  }
0x4f: {  	_ =	shalt  }
0x50: {  	_ =	shalt  }
0x51: {  	_ =	shalt  }
0x52: {  	_ =	shalt  }
0x53: {  	_ =	shalt  }
0x54: {  	_ =	shalt  }
0x55: {  	_ =	shalt  }
0x56: {  	_ =	shalt  }
0x57: {  	_ =	shalt  }
0x58: {  	_ =	shalt  }
0x59: {  	_ =	shalt  }
0x5a: {  	_ =	shalt  }
0x5b: {  	_ =	shalt  }
0x5c: {  	_ =	shalt  }
0x5d: {  	_ =	shalt  }
0x5e: {  	_ =	shalt  }
0x5f: {  	_ =	shalt  }
0x60: {  	_ =	shalt  }
0x61: {  	_ =	shalt  }
0x62: {  	_ =	shalt  }
0x63: {  	_ =	shalt  }
0x64: {  	_ =	shalt  }
0x65: {  	_ =	shalt  }
0x66: {  	_ =	shalt  }
0x67: {  	_ =	shalt  }
0x68: {  	_ =	shalt  }
0x69: {  	_ =	shalt  }
0x6a: {  	_ =	shalt  }
0x6b: {  	_ =	shalt  }
0x6c: {  	_ =	shalt  }
0x6d: {  	_ =	shalt  }
0x6e: {  	_ =	shalt  }
0x6f: {  	_ =	shalt  }
0x70: {  	_ =	shalt  }
0x71: {  	_ =	shalt  }
0x72: {  	_ =	shalt  }
0x73: {  	_ =	shalt  }
0x74: {  	_ =	shalt  }
0x75: {  	_ =	shalt  }
0x76: {  	_ =	shalt  }
0x77: {  	_ =	shalt  }
0x78: {  	_ =	shalt  }
0x79: {  	_ =	shalt  }
0x7a: {  	_ =	shalt  }
0x7b: {  	_ =	shalt  }
0x7c: {  	_ =	shalt  }
0x7d: {  	_ =	shalt  }
0x7e: {  	_ =	shalt  }
0x7f: {  	_ =	shalt  }
0x80: {  	_ =	shalt  }
0x81: {  	_ =	shalt  }
0x82: {  	_ =	shalt  }
0x83: {  	_ =	shalt  }
0x84: {  	_ =	shalt  }
0x85: {  	_ =	shalt  }
0x86: {  	_ =	shalt  }
0x87: {  	_ =	shalt  }
.Lfunc_end0:
.L_simem_size_0:
called_computation.1_lowered:
.L_overlay_start_0:
0x88: {  	s2 =	sld [smem:$0x3FD9]  }
0x89: {  	s3 =	sld [smem:$0x3FFE];
	_ =	sdelay $0x1  }
0x8a: {  	s1 =	srdreg.scid  }
0x8b: {  	s0 =	sand.u32 $0x1, s1  }
0x8c: {  	s17 =	sshll.u32 s0, $0xA;
	s2 =	sadd.s32 s3, s2  }
0x8d: {  	s2 =	sadd.s32 s2, s17  }
0x8e: {  	[smem:$0x3FBC] =	sst s2  }
0x8f: {  	_ = 	snop  }
0x90: {  	s2 =	sld [smem:$0x3FD0];
	(tm) =	ssettm $0x1  }
0x91: {  	s18 =	sld [smem:$0x3FFB];
	_ =	sdelay $0x3  }
0x92: {  	_ =	strace s18  }
0x93: {  	s3 =	sld [smem:$0x3FFC];
	_ =	sdelay $0x3  }
0x94: {  	_ =	strace s3  }
0x95: {  	s3 =	sld [smem:$0x3FFD];
	_ =	sdelay $0x3  }
0x96: {  	_ =	strace s3  }
0x97: {  	_ =	strace $0x8FFFFFFF  }
0x98: {  	s19 =	sld [smem:$0x3FDB];
	_ =	sdelay $0x1  }
0x99: {  	s4 =	simm.s32 $_scs_section_size  }
0x9a: {  	s5 =	simm.s32 $_size__tile_overlayer_lowered;
	s6 =	simm.s32 $_tile_overlayer_lowered  }
0x9b: {  	s22 =	simm.s32 $0x1BFF;
	s21 =	sshll.u32 s6, $0x1;
	s3 =	sadd.s32 s4, s19  }
0x9c: {  	s7 =	simm.s32 $0x0;
	s20 =	sshll.u32 s5, $0x1;
	s5 =	sadd.s32 s21, s3  }
0x9d: {  	[timem:s7], [sflag:s22] =	dma.local [hbm:s5], s20  }
0x9e: {  	_ =	swait.ge [sflag:s22], s20  }
0x9f: {  	s4 =	ssub.s32 $0x0, s20;
	[sflag:s22] =	ssyncset.done $0x0  }
0xa0: {  	[sflag:s22] =	ssyncadd.s32 s4;
	_ =	sdelay $0x1  }
0xa1: {  	s23 =	simm.s32 $0x1B8B  }
0xa2: {  	_ =	swait.ge [sflag:s23], $0x1  }
0xa3: {  	[sflag:s23] =	ssyncset.done $0x0  }
0xa4: {  	s25 =	simm.s32 $0x1B8E;
	s24 =	sld [smem:$0x3FFE];
	[sflag:s23] =	ssyncadd.s32 $0xFFFFFFFF  }
0xa5: {  	s26 =	simm.s32 $execute0_lowered;
	[smem:$0x3FD2] =	sst s25  }
0xa6: {  	s5 =	sshll.u32 s26, $0x1;
	_ =	strace $0x80000049;
	[dreg:$0x1] =	wrdreg $0xFFFFFFFF  }
0xa7: {  	s28 =	simm.s32 $_size_execute0_lowered;
	s3 =	sadd.s32 s3, s5;
	[dreg:$0x0] =	wrdreg $0x0  }
0xa8: {  	s5 =	sshll.u32 s28, $0x1;
	[dreg:$0x2] =	wrdreg s3  }
0xa9: {  	[dreg:$0x3] =	wrdreg s5  }
0xaa: {  	[dreg:$0x4] =	wrdreg $0xC0  }
0xab: {  	_ =	task [dreg:s7], $0x5FFFF  }
0xac: {  	[dreg:$0x1] =	wrdreg $0xFFFFFFFF  }
0xad: {  	[dreg:$0x0] =	wrdreg $0x60  }
0xae: {  	[dreg:$0x2] =	wrdreg s24  }
0xaf: {  	[dreg:$0x3] =	wrdreg s2  }
0xb0: {  	[dreg:$0x4] =	wrdreg $0x1C0000  }
0xb1: {  	[dreg:$0x5] =	wrdreg $0x9  }
0xb2: {  	_ =	task.clear_ibuf [dreg:s7], $0x6FFFF;
	_ =	strace $0x90000049  }
0xb3: {  	s29 =	simm.s32 $0x9;
	_ =	strace $0x8000004B  }
0xb4: {  	_ =	swait.ge [sflag:s29], $0x1  }
0xb5: {  	[sflag:s29] =	ssyncadd.s32 $0xFFFFFFFF  }
0xb6: {  	_ =	strace $0x9000004B  }
0xb7: {  	_ =	sfence  }
0xb8: {  	s30 =	sld [smem:$0x0];
	_ =	sdelay $0x2  }
0xb9: {  	s31 =	sshll.u32 s1, $0xD;
	s1 =	sshrl.u32 s1, $0x2  }
0xba: {  	s3 =	sand.u32 $0x4000, s31;
	s1 =	sadd.s32 s1, s30  }
0xbb: {  	s0 =	sor.u32 s3, s0;
	s1 =	sshll.u32 s1, $0x11  }
0xbc: {  	s0 =	sor.u32 s1, s0  }
0xbd: {  	s0 =	sadd.s32 $0x8F2B, s0  }
0xbe: {  	[sflag:s0] =	ssyncadd.remote.s32 $0x1  }
0xbf: {  	_ =	sfence.sel $0xFFFF  }
0xc0: {  	[dreg:$0x0] =	wrdreg $0xFFFFFFFF;
	(pc) =	sbr.abs _section_cstart, $3  }
0xc1: {  	[dreg:$0x1] =	wrdreg $0xFFFFFFFF  }
0xc2: {  	_ =	task.clear_ibuf [dreg:s7], $0x2FFFF;
	_ =	strace $0x9FFFFFFF  }
0xc3: {  	(tm) =	ssettm $0x7FFFFFFF  }
tec
execute0_lowered:
.L_overlay_start_1:
0x0: {  	(tag) =	ssettag $0x1  }
0x1: {  	s14 =	rddreg [dreg:$0x0]  }
0x2: {  	s8 =	rddreg [dreg:$0x1]  }
0x3: {  	s1 =	rddreg [dreg:$0x2]  }
0x4: {  	s0 =	rddreg [dreg:$0x3];
	s2 =	simm.s32 $0x0  }
0x5: {  	s5 =	srdreg.scid;
	s3 =	stileid.u32;
	s24 =	simm.s32 $0x640  }
0x6: {  	s16 =	simm.s32 $0x3;
	s17 =	simm.s32 $0x8000;
	s18 =	simm.s32 $0x50  }
0x7: {  	s19 =	simm.s32 $0x10000;
	s20 =	simm.s32 $0x80;
	s23 =	simm.s32 $0x2  }
0x8: {  	s26 =	simm.s32 $0x0;
	[smem:$0x7FF] =	sst s2;
	s4 =	sadd.s32 $0x13A00, s14  }
0x9: {  	s11 =	sand.u32 $0x1, s5;
	s9 =	sshll.u32 s3, $0xC;
	s10 =	smul.u32 $0x70, s3  }
0xa: {  	s12 =	sadd.s32 $0x3AC00, s14;
	s29 =	smul.u32 $0xE000, s3;
	p0 =	sne.s32 s3, $0xF  }
0xb: {  	p1 =	slt.u32 s3, $0xE;
	p2 =	seq.s32 s3, $0xE;
	s30 =	smul.u32 $0x3800, s3  }
0xc: {  	s31 =	smul.u32 $0x700, s3;
	_ =	strace $0x8000004A;
	s5 =	ssub.s32 $0x2, s11  }
0xd: {  	s21 =	smul.u32 $0x690, s11;
	s6 =	sadd.s32 s9, s14;
	s8 =	sadd.s32 s8, s9  }
0xe: {  	p3 =	seq.s32 s11, $0x1;
	p4 =	seq.s32 s11, $0x0;
	s14 =	sadd.s32 $0x61B00, s14  }
0xf: {  	s7 =	sshrl.u32 s5, $0x1;
	s24 =	simm.s32 @!p3 $0x690;
	p0 =	por !p4, !p0  }
0x10: {  	s11 =	sadd.s32 s31, s12;
	p1 =	por !p1, !p3;
	p2 =	por !p2, !p3  }
0x11: {  	p3 =	seq.s32 s3, $0xF;
	s15 =	ssub.s32 s5, s7;
	s5 =	sadd.s32 $0x3A00, s6  }
0x12: {  	s13 =	sadd.s32 s10, s21;
	s6 =	sadd.s32 $0x34800, s1;
	s7 =	sshrl.u32 s29, $0x2  }
0x13: {  	s22 =	sadd.s32 $0xD20, s21;
	s25 =	sadd.s32 $0x1A40, s21;
	p0 =	por !p0, !p0  }
0x14: {  	s11 =	sadd.s32 $0x1A400, s11;
	p1 =	por !p1, !p1;
	p2 =	por !p2, !p2  }
0x15: {  	v0 =	vmov s21;
	s21 =	simm.s32 $0x12800;
	v3 =	vmov s24;
	s24 =	simm.s32 $0xFC00;
	s13 =	sshll.u32 s13, $0x4  }
0x16: {  	s7 =	sadd.s32 s7, s1;
	s10 =	sadd.s32 s10, s22;
	s15 =	smax.u32 s15, $0x1  }
0x17: {  	s9 =	sadd.s32 s12, s13;
	s10 =	sshll.u32 s10, $0x4;
	s13 =	sshrl.u32 s30, $0x3  }
0x18: {  	v1 =	vmov s22;
	s22 =	simm.s32 $0x1;
	s10 =	sadd.s32 s12, s10;
	s12 =	sadd.s32 s12, s13  }
0x19: {  	v4 =	vimm.f32 $0.0e+00;
	v2 =	vmov s25;
	s25 =	simm.s32 $0xFC80;
	s13 =	sadd.s32 $0x31000, s1;
	s12 =	sadd.s32 $0x20D00, s12  }
.LBB2_1:
0x1a: {  	s28 =	simm.s32 $0x0;
	s29 =	simm.s32 $0x200  }
.LBB2_2:
0x1b: {  	p4 =	sne.s32 s29, $0xDE00;
	[tilespmem:s28+$0x15070] =	vst v4  }
0x1c: {  	[tilespmem:s28+$0x15000] =	vst v4  }
0x1d: {  	[tilespmem:s28+$0x15010] =	vst v4  }
.Ltmp0:
0x1e: {  	[tilespmem:s28+$0x15020] =	vst v4;
	(pc) =	sbr.rel @p4 .LBB2_2-.Ltmp0, $4  }
0x1f: {  	[tilespmem:s28+$0x15030] =	vst v4  }
0x20: {  	[tilespmem:s28+$0x15040] =	vst v4  }
0x21: {  	[tilespmem:s28+$0x15050] =	vst v4  }
0x22: {  	[tilespmem:s28+$0x15060] =	vst v4;
	s28 =	sshra.s32 s29, $0x2;
	s29 =	sadd.s32 $0x200, s29  }
0x23: {  	[tilespmem:s28+$0x15070] =	vst v4  }
0x24: {  	[tilespmem:s28+$0x15000] =	vst v4  }
0x25: {  	[tilespmem:s28+$0x15010] =	vst v4  }
0x26: {  	[tilespmem:s28+$0x15020] =	vst v4  }
0x27: {  	[tilespmem:s28+$0x15030] =	vst v4  }
0x28: {  	[tilespmem:s28+$0x15040] =	vst v4  }
0x29: {  	[tilespmem:s28+$0x15050] =	vst v4  }
0x2a: {  	[tilespmem:s28+$0x15060] =	vst v4  }
0x2b: {  	[tilespmem:s2], [sflag:$0x3] =	stream.linear.gather [hbm4b:s5+s2], $0x7D00, $0x38;
	[tilespmem:$0x1F4C0] =	vst v63  }
0x2c: {  	_ =	swait.ge [sflag:s16], $0x7D00  }
0x2d: {  	[sflag:s16] =	ssyncset.done $0x0  }
0x2e: {  	s28 =	simm.s32 @p3 $0x15000;
	[sflag:s16] =	ssyncadd.s32 $0xFFFF8300  }
0x2f: {  	[spmem:s6] =	stream.linear.scatter @p3 [tilespmem:s28], [sflag:$0x3], $0x400, $0x38;
	[tilespmem:$0x1F4C0] =	vst v63  }
0x30: {  	s28 =	simm.s32 @p3 $0x3  }
0x31: {  	_ =	swait.ge @p3 [sflag:s28], $0x400  }
0x32: {  	[sflag:s28] =	ssyncset.done @p3 $0x0  }
0x33: {  	[sflag:s28] =	ssyncadd.s32 @p3 $0xFFFFFC00;
	s28 =	simm.s32 @!p3 $0x15000  }
0x34: {  	[spmem:s7] =	stream.linear.scatter @!p3 [tilespmem:s28], [sflag:$0x3], $0x3800, $0x38;
	[tilespmem:$0x1F4C0] =	vst v63  }
0x35: {  	s28 =	simm.s32 @!p3 $0x3  }
0x36: {  	_ =	swait.ge @!p3 [sflag:s28], $0x3800  }
0x37: {  	[sflag:s28] =	ssyncset.done @!p3 $0x0  }
0x38: {  	[sflag:s28] =	ssyncadd.s32 @!p3 $0xFFFFC800;
	s28 =	simm.s32 $0x0  }
0x39: {  	[tilespmem:s17], [sflag:$0x3] =	stream.linear.gather [hbm4b:s8+s28], $0x7D00, $0x38;
	[tilespmem:$0x1F4C0] =	vst v63  }
0x3a: {  	_ =	swait.ge [sflag:s16], $0x7D00  }
0x3b: {  	[sflag:s16] =	ssyncset.done $0x0  }
0x3c: {  	s28 =	simm.s32 $0x0;
	[sflag:s16] =	ssyncadd.s32 $0xFFFF8300  }
0x3d: {  	v7 =	vld [tilespmem:s28+$0x8000]  }
0x3e: {  	v8 =	vld [tilespmem:s28+$0x8010]  }
0x3f: {  	v6 =	vld [tilespmem:s28+$0x8020]  }
0x40: {  	s29 =	simm.s32 $0x200;
	v5 =	vld [tilespmem:s28+$0x8030]  }
.LBB2_4:
0x41: {  	p4 =	sne.s32 s29, $0x1F200;
	v9 =	vld [tilespmem:s28+$0x8040]  }
0x42: {  	v7 =	vsub.s32 v7, v0  }
0x43: {  	v7 =	vmin.u32 v7, $0x690;
	v8 =	vsub.s32 v8, v0  }
.Ltmp1:
0x44: {  	s30 =	sshra.s32 s29, $0x2;
	[tilespmem:s28+$0x8000] =	vst v7;
	v8 =	vmin.u32 v8, $0x690;
	v6 =	vsub.s32 v6, v0;
	(pc) =	sbr.rel @p4 .LBB2_4-.Ltmp1, $4  }
0x45: {  	v7 =	vld [tilespmem:s30+$0x8000];
	[tilespmem:s28+$0x8010] =	vst v8;
	v6 =	vmin.u32 v6, $0x690;
	v5 =	vsub.s32 v5, v0  }
0x46: {  	v8 =	vld [tilespmem:s30+$0x8010];
	[tilespmem:s28+$0x8020] =	vst v6;
	v5 =	vmin.u32 v5, $0x690;
	v9 =	vsub.s32 v9, v0  }
0x47: {  	v6 =	vld [tilespmem:s30+$0x8020];
	[tilespmem:s28+$0x8030] =	vst v5;
	v9 =	vmin.u32 v9, $0x690  }
0x48: {  	s29 =	sadd.s32 $0x200, s29;
	v5 =	vld [tilespmem:s30+$0x8030];
	[tilespmem:s28+$0x8040] =	vst v9;
	s28 =	smov.u32 s30  }
0x49: {  	v9 =	vld [tilespmem:s28+$0x8040]  }
0x4a: {  	v7 =	vsub.s32 v7, v0  }
0x4b: {  	v7 =	vmin.u32 v7, $0x690;
	v8 =	vsub.s32 v8, v0  }
0x4c: {  	[tilespmem:s28+$0x8000] =	vst v7;
	v7 =	vmin.u32 v8, $0x690;
	v6 =	vsub.s32 v6, v0  }
0x4d: {  	[tilespmem:s28+$0x8010] =	vst v7;
	v6 =	vmin.u32 v6, $0x690;
	v5 =	vsub.s32 v5, v0  }
0x4e: {  	[tilespmem:s28+$0x8020] =	vst v6;
	v5 =	vmin.u32 v5, $0x690;
	v6 =	vsub.s32 v9, v0  }
0x4f: {  	[tilespmem:s28+$0x8030] =	vst v5;
	v5 =	vmin.u32 v6, $0x690  }
0x50: {  	[tilespmem:s28+$0x8040] =	vst v5  }
0x51: {  	s28 =	simm.s32 $0x0;
	[bflag:$0x0] =	sbarrier.arrive $0xFFFF  }
0x52: {  	[tilespmem:s19], [sflag:$0x1] =	stream.indirect.gather [hbm4b:s4+s18], $0x80, s28, s18, $0xb8;
	[tilespmem:$0x1F4C0] =	vst v63  }
0x53: {  	_ = 	snop  }
0x54: {  	[tilespmem:s21], [sflag:$0x2] =	stream.indirect.gather [hbm4b:s4+s18], $0x80, s20, s18, $0xb8;
	[tilespmem:$0x1F4C0] =	vst v63  }
0x55: {  	_ =	swait.ge [sflag:s22], $0x2800  }
0x56: {  	[sflag:s22] =	ssyncset.done $0x0  }
0x57: {  	s28 =	simm.s32 $0x8000;
	[sflag:s22] =	ssyncadd.s32 $0xFFFFD800  }
0x58: {  	[spmem:s1] =	stream.indirect.scatter.add.f32 [tilespmem:s19], [sflag:$0x3], $0x80, s28, s18, $0xb8;
	[tilespmem:$0x1F4C0] =	vst v63  }
0x59: {  	_ =	swait.ge [sflag:s16], $0x2800  }
0x5a: {  	[sflag:s16] =	ssyncset.done $0x0  }
0x5b: {  	s28 =	simm.s32 $0x100;
	[sflag:s16] =	ssyncadd.s32 $0xFFFFD800  }
0x5c: {  	[tilespmem:s19], [sflag:$0x1] =	stream.indirect.gather [hbm4b:s4+s18], $0x80, s28, s18, $0xb8;
	[tilespmem:$0x1F4C0] =	vst v63  }
0x5d: {  	_ =	swait.ge [sflag:s23], $0x2800  }
0x5e: {  	[sflag:s23] =	ssyncset.done $0x0  }
0x5f: {  	s28 =	simm.s32 $0x8080;
	[sflag:s23] =	ssyncadd.s32 $0xFFFFD800  }
0x60: {  	[spmem:s1] =	stream.indirect.scatter.add.f32 [tilespmem:s21], [sflag:$0x3], $0x80, s28, s18, $0xb8;
	[tilespmem:$0x1F4C0] =	vst v63  }
0x61: {  	_ =	swait.ge [sflag:s16], $0x2800  }
0x62: {  	[sflag:s16] =	ssyncset.done $0x0  }
0x63: {  	s29 =	simm.s32 $0x180;
	s28 =	simm.s32 $0x400;
	[sflag:s16] =	ssyncadd.s32 $0xFFFFD800  }
.LBB2_6:
0x64: {  	[tilespmem:s21], [sflag:$0x2] =	stream.indirect.gather [hbm4b:s4+s18], $0x80, s29, s18, $0xb8;
	[tilespmem:$0x1F4C0] =	vst v63  }
0x65: {  	s29 =	smov.u32 s28  }
0x66: {  	p4 =	sne.s32 s28, $0x1EC00;
	s28 =	sadd.s32 $0x400, s28;
	_ =	swait.ge [sflag:s22], $0x2800  }
0x67: {  	s29 =	sshra.s32 s29, $0x2;
	[sflag:s22] =	ssyncset.done $0x0  }
0x68: {  	s30 =	sadd.s32 $0x8000, s29;
	[sflag:s22] =	ssyncadd.s32 $0xFFFFD800  }
0x69: {  	[spmem:s1] =	stream.indirect.scatter.add.f32 [tilespmem:s19], [sflag:$0x3], $0x80, s30, s18, $0xb8;
	[tilespmem:$0x1F4C0] =	vst v63  }
0x6a: {  	_ =	swait.ge [sflag:s16], $0x2800  }
0x6b: {  	[sflag:s16] =	ssyncset.done $0x0  }
0x6c: {  	s30 =	sadd.s32 $0x100, s29;
	[sflag:s16] =	ssyncadd.s32 $0xFFFFD800  }
0x6d: {  	[tilespmem:s19], [sflag:$0x1] =	stream.indirect.gather [hbm4b:s4+s18], $0x80, s30, s18, $0xb8;
	[tilespmem:$0x1F4C0] =	vst v63  }
0x6e: {  	_ =	swait.ge [sflag:s23], $0x2800  }
0x6f: {  	[sflag:s23] =	ssyncset.done $0x0  }
.Ltmp2:
0x70: {  	s30 =	sadd.s32 $0x8080, s29;
	[sflag:s23] =	ssyncadd.s32 $0xFFFFD800;
	(pc) =	sbr.rel @p4 .LBB2_6-.Ltmp2, $4  }
0x71: {  	[spmem:s1] =	stream.indirect.scatter.add.f32 [tilespmem:s21], [sflag:$0x3], $0x80, s30, s18, $0xb8;
	[tilespmem:$0x1F4C0] =	vst v63  }
0x72: {  	_ =	swait.ge [sflag:s16], $0x2800  }
0x73: {  	[sflag:s16] =	ssyncset.done $0x0  }
0x74: {  	s29 =	sadd.s32 $0x180, s29;
	[sflag:s16] =	ssyncadd.s32 $0xFFFFD800  }
0x75: {  	[tilespmem:s21], [sflag:$0x2] =	stream.indirect.gather [hbm4b:s4+s18], $0x80, s29, s18, $0xb8;
	[tilespmem:$0x1F4C0] =	vst v63  }
0x76: {  	_ =	swait.ge [sflag:s22], $0x2800  }
0x77: {  	[sflag:s22] =	ssyncset.done $0x0  }
0x78: {  	[sflag:s22] =	ssyncadd.s32 $0xFFFFD800  }
0x79: {  	[spmem:s1] =	stream.indirect.scatter.add.f32 [tilespmem:s19], [sflag:$0x3], $0x80, s24, s18, $0xb8;
	[tilespmem:$0x1F4C0] =	vst v63  }
0x7a: {  	_ =	swait.ge [sflag:s16], $0x2800  }
0x7b: {  	[sflag:s16] =	ssyncset.done $0x0  }
0x7c: {  	[sflag:s16] =	ssyncadd.s32 $0xFFFFD800  }
0x7d: {  	_ =	swait.ge [sflag:s23], $0x2800  }
0x7e: {  	[sflag:s23] =	ssyncset.done $0x0  }
0x7f: {  	[sflag:s23] =	ssyncadd.s32 $0xFFFFD800  }
0x80: {  	[spmem:s1] =	stream.indirect.scatter.add.f32 [tilespmem:s21], [sflag:$0x3], $0x80, s25, s18, $0xb8;
	[tilespmem:$0x1F4C0] =	vst v63  }
0x81: {  	_ =	swait.ge [sflag:s16], $0x2800  }
0x82: {  	[sflag:s16] =	ssyncset.done $0x0  }
0x83: {  	[sflag:s16] =	ssyncadd.s32 $0xFFFFD800  }
0x84: {  	[bflag:$0x0] =	sbarrier.arrive $0xFFFF  }
0x85: {  	s28 =	simm.s32 @p3 $0x15000;
	[bflag:$0x0] =	sbarrier.arrive @p3 $0xFFFF  }
0x86: {  	[spmem:s6] =	stream.linear.scatter @p3 [tilespmem:s28], [sflag:$0x3], $0x400, $0x38;
	[tilespmem:$0x1F4C0] =	vst v63  }
0x87: {  	s28 =	simm.s32 @p3 $0x3  }
0x88: {  	_ =	swait.ge @p3 [sflag:s28], $0x400  }
0x89: {  	[sflag:s28] =	ssyncset.done @p3 $0x0  }
0x8a: {  	s29 =	simm.s32 @!p3 $0x3;
	[sflag:s28] =	ssyncadd.s32 @p3 $0xFFFFFC00;
	s28 =	simm.s32 @!p3 $0x18800  }
0x8b: {  	[tilespmem:s28], [sflag:$0x3] =	stream.linear.gather @!p3 [spmem:s7], $0x3800, $0x38;
	[tilespmem:$0x1F4C0] =	vst v63  }
0x8c: {  	_ =	swait.ge @!p3 [sflag:s29], $0x3800  }
0x8d: {  	[sflag:s29] =	ssyncset.done @!p3 $0x0  }
0x8e: {  	s30 =	simm.s32 @!p3 $0x0;
	[sflag:s29] =	ssyncadd.s32 @!p3 $0xFFFFC800  }
0x8f: {  	[hbm4b:s9+s30] =	stream.linear.scatter @!p3 [tilespmem:s28], [sflag:$0x3], $0x3800, $0x38;
	[tilespmem:$0x1F4C0] =	vst v63  }
0x90: {  	_ =	swait.ge @!p3 [sflag:s29], $0x3800  }
0x91: {  	[sflag:s29] =	ssyncset.done @!p3 $0x0  }
0x92: {  	[sflag:s29] =	ssyncadd.s32 @!p3 $0xFFFFC800  }
0x93: {  	s28 =	simm.s32 @!p3 $0x15000;
	[bflag:$0x0] =	sbarrier.arrive @!p3 $0xFFFF  }
0x94: {  	[spmem:s7] =	stream.linear.scatter @!p3 [tilespmem:s28], [sflag:$0x3], $0x3800, $0x38;
	[tilespmem:$0x1F4C0] =	vst v63  }
0x95: {  	_ =	swait.ge @!p3 [sflag:s29], $0x3800  }
0x96: {  	[sflag:s29] =	ssyncset.done @!p3 $0x0  }
0x97: {  	s28 =	simm.s32 $0x0;
	[sflag:s29] =	ssyncadd.s32 @!p3 $0xFFFFC800  }
0x98: {  	[tilespmem:s17], [sflag:$0x3] =	stream.linear.gather [hbm4b:s8+s28], $0x7D00, $0x38;
	[tilespmem:$0x1F4C0] =	vst v63  }
0x99: {  	_ =	swait.ge [sflag:s16], $0x7D00  }
0x9a: {  	[sflag:s16] =	ssyncset.done $0x0  }
0x9b: {  	s28 =	simm.s32 $0x0;
	[sflag:s16] =	ssyncadd.s32 $0xFFFF8300  }
0x9c: {  	v5 =	vld [tilespmem:s28+$0x8000]  }
0x9d: {  	v7 =	vld [tilespmem:s28+$0x8010]  }
0x9e: {  	p4 =	por @p3 $0x0, $0x0;
	p5 =	por @p3 $0x0, $0x0;
	v8 =	vld [tilespmem:s28+$0x8020]  }
0x9f: {  	p5 =	por @!p3 p1, p1;
	p4 =	por @!p3 p2, p2;
	s29 =	simm.s32 $0x200;
	v6 =	vld [tilespmem:s28+$0x8030]  }
.LBB2_8:
0xa0: {  	p6 =	sne.s32 s29, $0x1F200;
	v9 =	vld [tilespmem:s28+$0x8040]  }
0xa1: {  	v5 =	vsub.s32 v5, v1  }
0xa2: {  	v5 =	vmin.u32 v5, $0x690;
	v7 =	vsub.s32 v7, v1  }
.Ltmp3:
0xa3: {  	s30 =	sshra.s32 s29, $0x2;
	[tilespmem:s28+$0x8000] =	vst v5;
	v7 =	vmin.u32 v7, $0x690;
	v8 =	vsub.s32 v8, v1;
	(pc) =	sbr.rel @p6 .LBB2_8-.Ltmp3, $4  }
0xa4: {  	v5 =	vld [tilespmem:s30+$0x8000];
	[tilespmem:s28+$0x8010] =	vst v7;
	v8 =	vmin.u32 v8, $0x690;
	v6 =	vsub.s32 v6, v1  }
0xa5: {  	v7 =	vld [tilespmem:s30+$0x8010];
	[tilespmem:s28+$0x8020] =	vst v8;
	v6 =	vmin.u32 v6, $0x690;
	v9 =	vsub.s32 v9, v1  }
0xa6: {  	v8 =	vld [tilespmem:s30+$0x8020];
	[tilespmem:s28+$0x8030] =	vst v6;
	v9 =	vmin.u32 v9, $0x690  }
0xa7: {  	s29 =	sadd.s32 $0x200, s29;
	v6 =	vld [tilespmem:s30+$0x8030];
	[tilespmem:s28+$0x8040] =	vst v9;
	s28 =	smov.u32 s30  }
0xa8: {  	v9 =	vld [tilespmem:s28+$0x8040]  }
0xa9: {  	v5 =	vsub.s32 v5, v1  }
0xaa: {  	v5 =	vmin.u32 v5, $0x690;
	v7 =	vsub.s32 v7, v1  }
0xab: {  	[tilespmem:s28+$0x8000] =	vst v5;
	v5 =	vmin.u32 v7, $0x690;
	v7 =	vsub.s32 v8, v1  }
0xac: {  	[tilespmem:s28+$0x8010] =	vst v5;
	v5 =	vmin.u32 v7, $0x690;
	v6 =	vsub.s32 v6, v1  }
0xad: {  	[tilespmem:s28+$0x8020] =	vst v5;
	v5 =	vmin.u32 v6, $0x690;
	v6 =	vsub.s32 v9, v1  }
0xae: {  	[tilespmem:s28+$0x8030] =	vst v5;
	v5 =	vmin.u32 v6, $0x690  }
0xaf: {  	[tilespmem:s28+$0x8040] =	vst v5  }
0xb0: {  	s28 =	simm.s32 $0x0;
	[bflag:$0x0] =	sbarrier.arrive $0xFFFF  }
0xb1: {  	[tilespmem:s19], [sflag:$0x1] =	stream.indirect.gather [hbm4b:s4+s18], $0x80, s28, s18, $0xb8;
	[tilespmem:$0x1F4C0] =	vst v63  }
0xb2: {  	_ = 	snop  }
0xb3: {  	[tilespmem:s21], [sflag:$0x2] =	stream.indirect.gather [hbm4b:s4+s18], $0x80, s20, s18, $0xb8;
	[tilespmem:$0x1F4C0] =	vst v63  }
0xb4: {  	_ =	swait.ge [sflag:s22], $0x2800  }
0xb5: {  	[sflag:s22] =	ssyncset.done $0x0  }
0xb6: {  	s28 =	simm.s32 $0x8000;
	[sflag:s22] =	ssyncadd.s32 $0xFFFFD800  }
0xb7: {  	[spmem:s1] =	stream.indirect.scatter.add.f32 [tilespmem:s19], [sflag:$0x3], $0x80, s28, s18, $0xb8;
	[tilespmem:$0x1F4C0] =	vst v63  }
0xb8: {  	_ =	swait.ge [sflag:s16], $0x2800  }
0xb9: {  	[sflag:s16] =	ssyncset.done $0x0  }
0xba: {  	s28 =	simm.s32 $0x100;
	[sflag:s16] =	ssyncadd.s32 $0xFFFFD800  }
0xbb: {  	[tilespmem:s19], [sflag:$0x1] =	stream.indirect.gather [hbm4b:s4+s18], $0x80, s28, s18, $0xb8;
	[tilespmem:$0x1F4C0] =	vst v63  }
0xbc: {  	_ =	swait.ge [sflag:s23], $0x2800  }
0xbd: {  	[sflag:s23] =	ssyncset.done $0x0  }
0xbe: {  	s28 =	simm.s32 $0x8080;
	[sflag:s23] =	ssyncadd.s32 $0xFFFFD800  }
0xbf: {  	[spmem:s1] =	stream.indirect.scatter.add.f32 [tilespmem:s21], [sflag:$0x3], $0x80, s28, s18, $0xb8;
	[tilespmem:$0x1F4C0] =	vst v63  }
0xc0: {  	_ =	swait.ge [sflag:s16], $0x2800  }
0xc1: {  	[sflag:s16] =	ssyncset.done $0x0  }
0xc2: {  	s29 =	simm.s32 $0x180;
	s28 =	simm.s32 $0x400;
	[sflag:s16] =	ssyncadd.s32 $0xFFFFD800  }
.LBB2_10:
0xc3: {  	[tilespmem:s21], [sflag:$0x2] =	stream.indirect.gather [hbm4b:s4+s18], $0x80, s29, s18, $0xb8;
	[tilespmem:$0x1F4C0] =	vst v63  }
0xc4: {  	s29 =	smov.u32 s28  }
0xc5: {  	p6 =	sne.s32 s28, $0x1EC00;
	s28 =	sadd.s32 $0x400, s28;
	_ =	swait.ge [sflag:s22], $0x2800  }
0xc6: {  	s29 =	sshra.s32 s29, $0x2;
	[sflag:s22] =	ssyncset.done $0x0  }
0xc7: {  	s30 =	sadd.s32 $0x8000, s29;
	[sflag:s22] =	ssyncadd.s32 $0xFFFFD800  }
0xc8: {  	[spmem:s1] =	stream.indirect.scatter.add.f32 [tilespmem:s19], [sflag:$0x3], $0x80, s30, s18, $0xb8;
	[tilespmem:$0x1F4C0] =	vst v63  }
0xc9: {  	_ =	swait.ge [sflag:s16], $0x2800  }
0xca: {  	[sflag:s16] =	ssyncset.done $0x0  }
0xcb: {  	s30 =	sadd.s32 $0x100, s29;
	[sflag:s16] =	ssyncadd.s32 $0xFFFFD800  }
0xcc: {  	[tilespmem:s19], [sflag:$0x1] =	stream.indirect.gather [hbm4b:s4+s18], $0x80, s30, s18, $0xb8;
	[tilespmem:$0x1F4C0] =	vst v63  }
0xcd: {  	_ =	swait.ge [sflag:s23], $0x2800  }
0xce: {  	[sflag:s23] =	ssyncset.done $0x0  }
.Ltmp4:
0xcf: {  	s30 =	sadd.s32 $0x8080, s29;
	[sflag:s23] =	ssyncadd.s32 $0xFFFFD800;
	(pc) =	sbr.rel @p6 .LBB2_10-.Ltmp4, $4  }
0xd0: {  	[spmem:s1] =	stream.indirect.scatter.add.f32 [tilespmem:s21], [sflag:$0x3], $0x80, s30, s18, $0xb8;
	[tilespmem:$0x1F4C0] =	vst v63  }
0xd1: {  	_ =	swait.ge [sflag:s16], $0x2800  }
0xd2: {  	[sflag:s16] =	ssyncset.done $0x0  }
0xd3: {  	s29 =	sadd.s32 $0x180, s29;
	[sflag:s16] =	ssyncadd.s32 $0xFFFFD800  }
0xd4: {  	[tilespmem:s21], [sflag:$0x2] =	stream.indirect.gather [hbm4b:s4+s18], $0x80, s29, s18, $0xb8;
	[tilespmem:$0x1F4C0] =	vst v63  }
0xd5: {  	_ =	swait.ge [sflag:s22], $0x2800  }
0xd6: {  	[sflag:s22] =	ssyncset.done $0x0  }
0xd7: {  	[sflag:s22] =	ssyncadd.s32 $0xFFFFD800  }
0xd8: {  	[spmem:s1] =	stream.indirect.scatter.add.f32 [tilespmem:s19], [sflag:$0x3], $0x80, s24, s18, $0xb8;
	[tilespmem:$0x1F4C0] =	vst v63  }
0xd9: {  	_ =	swait.ge [sflag:s16], $0x2800  }
0xda: {  	[sflag:s16] =	ssyncset.done $0x0  }
0xdb: {  	[sflag:s16] =	ssyncadd.s32 $0xFFFFD800  }
0xdc: {  	_ =	swait.ge [sflag:s23], $0x2800  }
0xdd: {  	[sflag:s23] =	ssyncset.done $0x0  }
0xde: {  	[sflag:s23] =	ssyncadd.s32 $0xFFFFD800  }
0xdf: {  	[spmem:s1] =	stream.indirect.scatter.add.f32 [tilespmem:s21], [sflag:$0x3], $0x80, s25, s18, $0xb8;
	[tilespmem:$0x1F4C0] =	vst v63  }
0xe0: {  	_ =	swait.ge [sflag:s16], $0x2800  }
0xe1: {  	[sflag:s16] =	ssyncset.done $0x0  }
0xe2: {  	[sflag:s16] =	ssyncadd.s32 $0xFFFFD800  }
0xe3: {  	[bflag:$0x0] =	sbarrier.arrive $0xFFFF  }
0xe4: {  	s28 =	simm.s32 @p3 $0x15000;
	[bflag:$0x0] =	sbarrier.arrive @p3 $0xFFFF  }
0xe5: {  	[spmem:s6] =	stream.linear.scatter @p3 [tilespmem:s28], [sflag:$0x3], $0x400, $0x38;
	[tilespmem:$0x1F4C0] =	vst v63  }
0xe6: {  	s28 =	simm.s32 @p3 $0x3  }
0xe7: {  	_ =	swait.ge @p3 [sflag:s28], $0x400  }
0xe8: {  	[sflag:s28] =	ssyncset.done @p3 $0x0  }
0xe9: {  	s29 =	simm.s32 @!p3 $0x3;
	[sflag:s28] =	ssyncadd.s32 @p3 $0xFFFFFC00;
	s28 =	simm.s32 @!p3 $0x18800  }
0xea: {  	[tilespmem:s28], [sflag:$0x3] =	stream.linear.gather @!p3 [spmem:s7], $0x3800, $0x38;
	[tilespmem:$0x1F4C0] =	vst v63  }
0xeb: {  	_ =	swait.ge @!p3 [sflag:s29], $0x3800  }
0xec: {  	[sflag:s29] =	ssyncset.done @!p3 $0x0  }
0xed: {  	s30 =	simm.s32 @!p3 $0x0;
	[sflag:s29] =	ssyncadd.s32 @!p3 $0xFFFFC800  }
0xee: {  	[hbm4b:s10+s30] =	stream.linear.scatter @!p3 [tilespmem:s28], [sflag:$0x3], $0x3800, $0x38;
	[tilespmem:$0x1F4C0] =	vst v63  }
0xef: {  	_ =	swait.ge @!p3 [sflag:s29], $0x3800  }
0xf0: {  	[sflag:s29] =	ssyncset.done @!p3 $0x0  }
0xf1: {  	[sflag:s29] =	ssyncadd.s32 @!p3 $0xFFFFC800  }
0xf2: {  	s28 =	simm.s32 @!p3 $0x15000;
	[bflag:$0x0] =	sbarrier.arrive @!p3 $0xFFFF  }
0xf3: {  	[spmem:s7] =	stream.linear.scatter @!p3 [tilespmem:s28], [sflag:$0x3], $0x3800, $0x38;
	[tilespmem:$0x1F4C0] =	vst v63  }
0xf4: {  	_ =	swait.ge @!p3 [sflag:s29], $0x3800  }
0xf5: {  	[sflag:s29] =	ssyncset.done @!p3 $0x0  }
0xf6: {  	s28 =	simm.s32 $0x0;
	[sflag:s29] =	ssyncadd.s32 @!p3 $0xFFFFC800  }
0xf7: {  	[tilespmem:s17], [sflag:$0x3] =	stream.linear.gather [hbm4b:s8+s28], $0x7D00, $0x38;
	[tilespmem:$0x1F4C0] =	vst v63  }
0xf8: {  	_ =	swait.ge [sflag:s16], $0x7D00  }
0xf9: {  	[sflag:s16] =	ssyncset.done $0x0  }
0xfa: {  	s29 =	simm.s32 $0x0;
	[sflag:s16] =	ssyncadd.s32 $0xFFFF8300  }
0xfb: {  	v5 =	vld [tilespmem:s29+$0x8030];
	_ =	sdelay $0x2  }
0xfc: {  	v6 =	vld [tilespmem:s29+$0x8040]  }
0xfd: {  	v7 =	vld [tilespmem:s29+$0x8000]  }
0xfe: {  	v5 =	vsub.s32 v5, v2  }
0xff: {  	v8 =	vld [tilespmem:s29+$0x8020];
	vm0 =	vgt.s32 v5, $0xFFFFFFFF;
	vm1 =	vlt.s32 v5, v3  }
0x100: {  	vm0 =	vmand vm0, vm1  }
0x101: {  	v6 =	vsub.s32 v6, v2;
	v5 =	vnsel vm0, $0x690, v5  }
0x102: {  	s28 =	simm.s32 $0x80;
	v9 =	vld [tilespmem:s29+$0x8010];
	v7 =	vsub.s32 v7, v2;
	vm10 =	vgt.s32 v6, $0xFFFFFFFF;
	vm11 =	vlt.s32 v6, v3;
	[tilespmem:s29+$0x8030] =	vst v5  }
0x103: {  	vm12 =	vgt.s32 v7, $0xFFFFFFFF;
	vm2 =	vlt.s32 v7, v3;
	vm0 =	vmand vm10, vm11;
	v5 =	vld [tilespmem:s28+$0x8030]  }
0x104: {  	v10 =	vsub.s32 v8, v2;
	vm13 =	vmand vm12, vm2;
	v6 =	vnsel vm0, $0x690, v6  }
0x105: {  	vm14 =	vgt.s32 v10, $0xFFFFFFFF;
	vm15 =	vlt.s32 v10, v3;
	v7 =	vnsel vm13, $0x690, v7;
	[tilespmem:s29+$0x8040] =	vst v6  }
0x106: {  	vm0 =	vmand vm14, vm15;
	v6 =	vld [tilespmem:s28+$0x8040];
	[tilespmem:s29+$0x8000] =	vst v7  }
0x107: {  	s30 =	simm.s32 $0x400;
	v8 =	vsub.s32 v9, v2;
	v9 =	vnsel vm0, $0x690, v10;
	v7 =	vld [tilespmem:s28+$0x8000]  }
.LBB2_12:
0x108: {  	s31 =	sshra.s32 s30, $0x2;
	p6 =	sne.s32 s30, $0x1F200;
	s30 =	sadd.s32 $0x200, s30;
	v5 =	vsub.s32 v5, v2;
	vm0 =	vgt.s32 v8, $0xFFFFFFFF;
	vm1 =	vlt.s32 v8, v3;
	[tilespmem:s29+$0x8020] =	vst v9  }
0x109: {  	v9 =	vld [tilespmem:s28+$0x8020];
	vm2 =	vgt.s32 v5, $0xFFFFFFFF;
	vm3 =	vlt.s32 v5, v3;
	vm0 =	vmand vm0, vm1  }
0x10a: {  	vm1 =	vmand vm2, vm3;
	v8 =	vnsel vm0, $0x690, v8  }
0x10b: {  	v5 =	vnsel vm1, $0x690, v5;
	v6 =	vsub.s32 v6, v2;
	[tilespmem:s29+$0x8010] =	vst v8;
	s29 =	smov.u32 s28;
	s28 =	smov.u32 s31  }
0x10c: {  	v7 =	vsub.s32 v7, v2;
	v8 =	vld [tilespmem:s29+$0x8010];
	[tilespmem:s29+$0x8030] =	vst v5;
	vm0 =	vgt.s32 v6, $0xFFFFFFFF;
	vm1 =	vlt.s32 v6, v3  }
.Ltmp5:
0x10d: {  	v5 =	vld [tilespmem:s28+$0x8030];
	vm2 =	vgt.s32 v7, $0xFFFFFFFF;
	vm3 =	vlt.s32 v7, v3;
	vm0 =	vmand vm0, vm1;
	(pc) =	sbr.rel @p6 .LBB2_12-.Ltmp5, $4  }
0x10e: {  	vm1 =	vmand vm2, vm3;
	v9 =	vsub.s32 v9, v2;
	v6 =	vnsel vm0, $0x690, v6  }
0x10f: {  	v7 =	vnsel vm1, $0x690, v7;
	vm0 =	vgt.s32 v9, $0xFFFFFFFF;
	vm1 =	vlt.s32 v9, v3;
	[tilespmem:s29+$0x8040] =	vst v6  }
0x110: {  	v6 =	vld [tilespmem:s28+$0x8040];
	[tilespmem:s29+$0x8000] =	vst v7;
	vm0 =	vmand vm0, vm1  }
0x111: {  	v7 =	vld [tilespmem:s28+$0x8000];
	v8 =	vsub.s32 v8, v2;
	v9 =	vnsel vm0, $0x690, v9  }
0x112: {  	vm0 =	vgt.s32 v8, $0xFFFFFFFF;
	vm1 =	vlt.s32 v8, v3  }
0x113: {  	vm0 =	vmand vm0, vm1  }
0x114: {  	[tilespmem:s29+$0x8020] =	vst v9;
	v63 =	vnsel vm0, $0x690, v8  }
0x115: {  	v5 =	vsub.s32 v5, v2;
	v9 =	vld [tilespmem:s28+$0x8020];
	[tilespmem:s29+$0x8010] =	vst v63  }
0x116: {  	vm6 =	vgt.s32 v5, $0xFFFFFFFF;
	vm7 =	vlt.s32 v5, v3;
	v6 =	vsub.s32 v6, v2;
	v8 =	vld [tilespmem:s28+$0x8010]  }
0x117: {  	vm0 =	vmand vm6, vm7;
	v7 =	vsub.s32 v7, v2;
	vm8 =	vgt.s32 v6, $0xFFFFFFFF  }
0x118: {  	vm2 =	vlt.s32 v6, v3;
	vm3 =	vgt.s32 v7, $0xFFFFFFFF;
	vm4 =	vlt.s32 v7, v3  }
0x119: {  	v5 =	vnsel vm0, $0x690, v5;
	vm9 =	vmand vm8, vm2;
	vm10 =	vmand vm3, vm4  }
0x11a: {  	v9 =	vsub.s32 v9, v2;
	v6 =	vnsel vm9, $0x690, v6;
	v7 =	vnsel vm10, $0x690, v7  }
0x11b: {  	[tilespmem:s28+$0x8030] =	vst v5;
	vm11 =	vgt.s32 v9, $0xFFFFFFFF;
	vm12 =	vlt.s32 v9, v3;
	v5 =	vsub.s32 v8, v2  }
0x11c: {  	[tilespmem:s28+$0x8040] =	vst v6;
	vm0 =	vmand vm11, vm12;
	vm13 =	vgt.s32 v5, $0xFFFFFFFF;
	vm14 =	vlt.s32 v5, v3  }
0x11d: {  	[tilespmem:s28+$0x8000] =	vst v7;
	v6 =	vnsel vm0, $0x690, v9;
	vm15 =	vmand vm13, vm14  }
0x11e: {  	[tilespmem:s28+$0x8020] =	vst v6;
	v5 =	vnsel vm15, $0x690, v5  }
0x11f: {  	[tilespmem:s28+$0x8010] =	vst v5  }
0x120: {  	s28 =	simm.s32 $0x0;
	[bflag:$0x0] =	sbarrier.arrive $0xFFFF  }
0x121: {  	[tilespmem:s19], [sflag:$0x1] =	stream.indirect.gather [hbm4b:s4+s18], $0x80, s28, s18, $0xb8;
	[tilespmem:$0x1F4C0] =	vst v63  }
0x122: {  	_ = 	snop  }
0x123: {  	[tilespmem:s21], [sflag:$0x2] =	stream.indirect.gather [hbm4b:s4+s18], $0x80, s20, s18, $0xb8;
	[tilespmem:$0x1F4C0] =	vst v63  }
0x124: {  	_ =	swait.ge [sflag:s22], $0x2800  }
0x125: {  	[sflag:s22] =	ssyncset.done $0x0  }
0x126: {  	s28 =	simm.s32 $0x8000;
	[sflag:s22] =	ssyncadd.s32 $0xFFFFD800  }
0x127: {  	[spmem:s1] =	stream.indirect.scatter.add.f32 [tilespmem:s19], [sflag:$0x3], $0x80, s28, s18, $0xb8;
	[tilespmem:$0x1F4C0] =	vst v63  }
0x128: {  	_ =	swait.ge [sflag:s16], $0x2800  }
0x129: {  	[sflag:s16] =	ssyncset.done $0x0  }
0x12a: {  	s28 =	simm.s32 $0x100;
	[sflag:s16] =	ssyncadd.s32 $0xFFFFD800  }
0x12b: {  	[tilespmem:s19], [sflag:$0x1] =	stream.indirect.gather [hbm4b:s4+s18], $0x80, s28, s18, $0xb8;
	[tilespmem:$0x1F4C0] =	vst v63  }
0x12c: {  	_ =	swait.ge [sflag:s23], $0x2800  }
0x12d: {  	[sflag:s23] =	ssyncset.done $0x0  }
0x12e: {  	s28 =	simm.s32 $0x8080;
	[sflag:s23] =	ssyncadd.s32 $0xFFFFD800  }
0x12f: {  	[spmem:s1] =	stream.indirect.scatter.add.f32 [tilespmem:s21], [sflag:$0x3], $0x80, s28, s18, $0xb8;
	[tilespmem:$0x1F4C0] =	vst v63  }
0x130: {  	_ =	swait.ge [sflag:s16], $0x2800  }
0x131: {  	[sflag:s16] =	ssyncset.done $0x0  }
0x132: {  	s29 =	simm.s32 $0x180;
	s28 =	simm.s32 $0x400;
	[sflag:s16] =	ssyncadd.s32 $0xFFFFD800  }
.LBB2_14:
0x133: {  	[tilespmem:s21], [sflag:$0x2] =	stream.indirect.gather [hbm4b:s4+s18], $0x80, s29, s18, $0xb8;
	[tilespmem:$0x1F4C0] =	vst v63  }
0x134: {  	s29 =	smov.u32 s28  }
0x135: {  	p6 =	sne.s32 s28, $0x1EC00;
	s28 =	sadd.s32 $0x400, s28;
	_ =	swait.ge [sflag:s22], $0x2800  }
0x136: {  	s29 =	sshra.s32 s29, $0x2;
	[sflag:s22] =	ssyncset.done $0x0  }
0x137: {  	s30 =	sadd.s32 $0x8000, s29;
	[sflag:s22] =	ssyncadd.s32 $0xFFFFD800  }
0x138: {  	[spmem:s1] =	stream.indirect.scatter.add.f32 [tilespmem:s19], [sflag:$0x3], $0x80, s30, s18, $0xb8;
	[tilespmem:$0x1F4C0] =	vst v63  }
0x139: {  	_ =	swait.ge [sflag:s16], $0x2800  }
0x13a: {  	[sflag:s16] =	ssyncset.done $0x0  }
0x13b: {  	s30 =	sadd.s32 $0x100, s29;
	[sflag:s16] =	ssyncadd.s32 $0xFFFFD800  }
0x13c: {  	[tilespmem:s19], [sflag:$0x1] =	stream.indirect.gather [hbm4b:s4+s18], $0x80, s30, s18, $0xb8;
	[tilespmem:$0x1F4C0] =	vst v63  }
0x13d: {  	_ =	swait.ge [sflag:s23], $0x2800  }
0x13e: {  	[sflag:s23] =	ssyncset.done $0x0  }
.Ltmp6:
0x13f: {  	s30 =	sadd.s32 $0x8080, s29;
	[sflag:s23] =	ssyncadd.s32 $0xFFFFD800;
	(pc) =	sbr.rel @p6 .LBB2_14-.Ltmp6, $4  }
0x140: {  	[spmem:s1] =	stream.indirect.scatter.add.f32 [tilespmem:s21], [sflag:$0x3], $0x80, s30, s18, $0xb8;
	[tilespmem:$0x1F4C0] =	vst v63  }
0x141: {  	_ =	swait.ge [sflag:s16], $0x2800  }
0x142: {  	[sflag:s16] =	ssyncset.done $0x0  }
0x143: {  	s29 =	sadd.s32 $0x180, s29;
	[sflag:s16] =	ssyncadd.s32 $0xFFFFD800  }
0x144: {  	[tilespmem:s21], [sflag:$0x2] =	stream.indirect.gather [hbm4b:s4+s18], $0x80, s29, s18, $0xb8;
	[tilespmem:$0x1F4C0] =	vst v63  }
0x145: {  	_ =	swait.ge [sflag:s22], $0x2800  }
0x146: {  	[sflag:s22] =	ssyncset.done $0x0  }
0x147: {  	[sflag:s22] =	ssyncadd.s32 $0xFFFFD800  }
0x148: {  	[spmem:s1] =	stream.indirect.scatter.add.f32 [tilespmem:s19], [sflag:$0x3], $0x80, s24, s18, $0xb8;
	[tilespmem:$0x1F4C0] =	vst v63  }
0x149: {  	_ =	swait.ge [sflag:s16], $0x2800  }
0x14a: {  	[sflag:s16] =	ssyncset.done $0x0  }
0x14b: {  	[sflag:s16] =	ssyncadd.s32 $0xFFFFD800  }
0x14c: {  	_ =	swait.ge [sflag:s23], $0x2800  }
0x14d: {  	[sflag:s23] =	ssyncset.done $0x0  }
0x14e: {  	[sflag:s23] =	ssyncadd.s32 $0xFFFFD800  }
0x14f: {  	[spmem:s1] =	stream.indirect.scatter.add.f32 [tilespmem:s21], [sflag:$0x3], $0x80, s25, s18, $0xb8;
	[tilespmem:$0x1F4C0] =	vst v63  }
0x150: {  	_ =	swait.ge [sflag:s16], $0x2800  }
0x151: {  	[sflag:s16] =	ssyncset.done $0x0  }
0x152: {  	[sflag:s16] =	ssyncadd.s32 $0xFFFFD800  }
0x153: {  	s28 =	simm.s32 @p0 $0x18800;
	s29 =	simm.s32 @p0 $0x3;
	[bflag:$0x0] =	sbarrier.arrive $0xFFFF  }
0x154: {  	[tilespmem:s28], [sflag:$0x3] =	stream.linear.gather @p0 [spmem:s7], $0x3800, $0x38;
	[tilespmem:$0x1F4C0] =	vst v63  }
0x155: {  	_ =	swait.ge @p0 [sflag:s29], $0x3800  }
0x156: {  	[sflag:s29] =	ssyncset.done @p0 $0x0  }
0x157: {  	s30 =	simm.s32 @p0 $0x0;
	[sflag:s29] =	ssyncadd.s32 @p0 $0xFFFFC800  }
0x158: {  	[hbm4b:s11+s30] =	stream.linear.scatter @p0 [tilespmem:s28], [sflag:$0x3], $0x3800, $0x38;
	[tilespmem:$0x1F4C0] =	vst v63  }
0x159: {  	_ =	swait.ge @p0 [sflag:s29], $0x3800  }
0x15a: {  	[sflag:s29] =	ssyncset.done @p0 $0x0  }
0x15b: {  	s28 =	simm.s32 @p5 $0x18800;
	[sflag:s29] =	ssyncadd.s32 @p0 $0xFFFFC800;
	s29 =	simm.s32 @p5 $0x3  }
0x15c: {  	[tilespmem:s28], [sflag:$0x3] =	stream.linear.gather @p5 [spmem:s7], $0x3800, $0x38;
	[tilespmem:$0x1F4C0] =	vst v63  }
0x15d: {  	_ =	swait.ge @p5 [sflag:s29], $0x3800  }
0x15e: {  	[sflag:s29] =	ssyncset.done @p5 $0x0  }
0x15f: {  	s30 =	simm.s32 @p5 $0x0;
	[sflag:s29] =	ssyncadd.s32 @p5 $0xFFFFC800  }
0x160: {  	[hbm4b:s12+s30] =	stream.linear.scatter @p5 [tilespmem:s28], [sflag:$0x3], $0x3800, $0x38;
	[tilespmem:$0x1F4C0] =	vst v63  }
0x161: {  	_ =	swait.ge @p5 [sflag:s29], $0x3800  }
0x162: {  	[sflag:s29] =	ssyncset.done @p5 $0x0  }
0x163: {  	s28 =	simm.s32 @p4 $0x18800;
	[sflag:s29] =	ssyncadd.s32 @p5 $0xFFFFC800;
	s29 =	simm.s32 @p4 $0x3  }
0x164: {  	[tilespmem:s28], [sflag:$0x3] =	stream.linear.gather @p4 [spmem:s13], $0x1000, $0x38;
	[tilespmem:$0x1F4C0] =	vst v63  }
0x165: {  	_ =	swait.ge @p4 [sflag:s29], $0x1000  }
0x166: {  	[sflag:s29] =	ssyncset.done @p4 $0x0  }
0x167: {  	s30 =	simm.s32 @p4 $0x0;
	[sflag:s29] =	ssyncadd.s32 @p4 $0xFFFFF000  }
0x168: {  	[hbm4b:s14+s30] =	stream.linear.scatter @p4 [tilespmem:s28], [sflag:$0x3], $0x1000, $0x38;
	[tilespmem:$0x1F4C0] =	vst v63  }
0x169: {  	_ =	swait.ge @p4 [sflag:s29], $0x1000  }
0x16a: {  	s26 =	sadd.s32 $0x1, s26;
	[sflag:s29] =	ssyncset.done @p4 $0x0  }
0x16b: {  	[sflag:s29] =	ssyncadd.s32 @p4 $0xFFFFF000;
	p4 =	sne.s32 s26, s15  }
.Ltmp7:
0x16c: {  	_ = 	snop;
	(pc) =	sbr.rel @p4 .LBB2_1-.Ltmp7, $2  }
0x16d: {  	_ =	sdelay $0x1  }
0x16e: {  	[bflag:$0x0] =	sbarrier.arrive $0xFFFF;
	_ =	sdelay $0x1  }
0x16f: {  	_ =	sfence.sel $0x180000  }
0x170: {  	[bflag:$0x0] =	sbarrier.arrive $0xFFFF  }
0x171: {  	p0 =	sne.s32 s3, $0x0;
	_ =	strace $0x9000004A  }
0x172: {  	s0 =	sadd.s32 @!p0 $0x100000, s0;
	[bflag:$0x2] =	sbarrier.arrive $0xFFFF  }
0x173: {  	[sflag:s0] =	ssyncadd.tile.s32 @!p0 $0x1;
	_ =	shalt  }
.Lfunc_end2:
_tile_overlayer_lowered:
.L_overlay_start_2:
0x174: {  	(tag) =	ssettag $0x2  }
0x175: {  	s0 =	rddreg [dreg:$0x0];
	s2 =	stileid.u32  }
0x176: {  	s1 =	rddreg [dreg:$0x1];
	p0 =	sne.s32 s2, $0x0  }
0x177: {  	s3 =	rddreg [dreg:$0x2];
	[bflag:$0x3] =	sbarrier.arrive $0xFFFF;
	s2 =	simm.s32 @!p0 $0x1C03  }
0x178: {  	[timem:s3], [sflag:s2] =	dma.local @!p0 [hbm:s0], s1  }
0x179: {  	s0 =	simm.s32 @!p0 $0x3  }
0x17a: {  	_ =	swait.ge @!p0 [sflag:s0], s1  }
0x17b: {  	s1 =	ssub.s32 @!p0 $0x0, s1;
	[sflag:s0] =	ssyncset.done @!p0 $0x0  }
0x17c: {  	[sflag:s0] =	ssyncadd.s32 @!p0 s1  }
0x17d: {  	[bflag:$0x3] =	sbarrier.arrive $0xFFFF  }
0x17e: {  	_ =	shalt  }

// kernel: kernel.15.cloned.1.call-start
scs
__scs_entry_jumppad:
0x0: {  	(pc) =	sbr.rel $0x88, $3  }
0x1: {  	(tag) =	ssettag $0x0;
	lr =	simm.s32 $0x1  }
0x2: {  	[smem:$0x3F95] =	sst lr;
	_ =	strace $0xD0000000  }
0x3: {  	_ = 	snop  }
0x4: {  	_ = 	snop  }
0x5: {  	_ = 	snop  }
0x6: {  	_ = 	snop  }
0x7: {  	_ = 	snop  }
__scs_overlays_trampoline_lowered:
0x8: {  	[smem:$0x3FA4] =	sst s0  }
0x9: {  	[smem:$0x3FA5] =	sst s1  }
0xa: {  	[smem:$0x3FA6] =	sst s2  }
0xb: {  	[smem:$0x3FA7] =	sst s3  }
0xc: {  	[smem:$0x3FA8] =	sst s4  }
0xd: {  	[smem:$0x3FA9] =	sst s5  }
0xe: {  	[smem:$0x3FAA] =	sst s6  }
0xf: {  	[smem:$0x3FAB] =	sst s7  }
0x10: {  	[smem:$0x3FAC] =	sst s8  }
0x11: {  	[smem:$0x3FAD] =	sst s9;
	s0 =	simm.s32 @!p0 $0x0  }
0x12: {  	s1 =	sld [smem:$0x3F93];
	s0 =	simm.s32 @p0 $0x1  }
0x13: {  	[smem:$0x3FAE] =	sst s0;
	s0 =	simm.s32 @!p1 $0x0  }
0x14: {  	s2 =	sld [smem:$0x3F92];
	s0 =	simm.s32 @p1 $0x1  }
0x15: {  	[smem:$0x3FAF] =	sst s0;
	s0 =	simm.s32 @!p2 $0x0  }
0x16: {  	s3 =	sld [smem:$0x3FDB];
	s0 =	simm.s32 @p2 $0x1  }
0x17: {  	s4 =	simm.s32 $0x1BF5;
	[smem:$0x3FB1] =	sst s0  }
0x18: {  	s0 =	sld [smem:$0x3F94];
	_ =	swait.ge [sflag:s4], $0x0  }
0x19: {  	s7 =	sld [smem:$0x3F95]  }
0x1a: {  	s8 =	sadd.s32 $0xFFFFE003, lr  }
0x1b: {  	s9 =	sadd.s32 $0xFFFFFEF7, lr;
	s5 =	simm.s32 $0xFFFFFFFF;
	p2 =	slt.u32 s8, $0xFFFFF086  }
0x1c: {  	p1 =	slt.u32 s9, $0xF7A;
	s5 =	simm.s32 @!p2 $0x0  }
0x1d: {  	s5 =	simm.s32 @p1 $0x1;
	p0 =	seq.s32 s7, s2  }
0x1e: {  	s7 =	smul.u32 @!p0 $0xF7A, s2;
	p2 =	seq.s32 @!p0 s5, $0x0  }
0x1f: {  	s9 =	smul.u32 $0xF7A, s1;
	s8 =	simm.s32 @!p0 $0x1BF5;
	p2 =	por !p2, p0  }
0x20: {  	[sflag:s8] =	ssyncset.s32 @!p0 $0xFFFFF086;
	s6 =	sadd.s32 @!p0 s3, s7;
	s7 =	simm.s32 @!p0 $0x108  }
0x21: {  	s3 =	sadd.s32 s3, s9;
	s6 =	sadd.s32 @!p0 $0x88, s6;
	s7 =	simm.s32 @p2 $0x1082  }
0x22: {  	[simem:s7], [sflag:s8] =	dma.local @!p0 [hbm:s6], $0xF7A  }
0x23: {  	s9 =	sor.u32 $0xD0000000, s2;
	s6 =	simm.s32 $0x108;
	_ =	swait.ge @!p0 [sflag:s8], $0x0  }
0x24: {  	s3 =	sadd.s32 $0x88, s3;
	s6 =	simm.s32 @!p1 $0x1082;
	[sflag:s4] =	ssyncset.s32 $0xFFFFF086  }
0x25: {  	[simem:s6], [sflag:s4] =	dma.local [hbm:s3], $0xF7A  }
0x26: {  	[smem:$0x3F95] =	sst s1;
	(tag) =	ssettag s2;
	_ =	strace s9  }
0x27: {  	s1 =	sld [smem:$0x3FA5]  }
0x28: {  	s2 =	sld [smem:$0x3FA6]  }
0x29: {  	s4 =	sld [smem:$0x3FA8]  }
0x2a: {  	p0 =	seq.s32 s5, $0x0;
	s5 =	sld [smem:$0x3FA9]  }
0x2b: {  	s6 =	sld [smem:$0x3FAA]  }
0x2c: {  	s7 =	sld [smem:$0x3FAB]  }
0x2d: {  	s3 =	simm.s32 $0x108;
	s8 =	sld [smem:$0x3FAC]  }
0x2e: {  	s3 =	simm.s32 @!p0 $0x1082;
	s9 =	sld [smem:$0x3FAD]  }
0x2f: {  	lr =	sadd.s32 s0, s3;
	s0 =	sld [smem:$0x3FA4]  }
0x30: {  	s3 =	sld [smem:$0x3FA7]  }
0x31: {  	[smem:$0x3FB0] =	sst s10  }
0x32: {  	s10 =	sld [smem:$0x3FAE];
	_ =	sdelay $0x3  }
0x33: {  	p0 =	seq.s32 s10, $0x1;
	s10 =	sld [smem:$0x3FB0];
	_ =	sdelay $0x3  }
0x34: {  	[smem:$0x3FB0] =	sst s10  }
0x35: {  	s10 =	sld [smem:$0x3FAF];
	_ =	sdelay $0x3  }
0x36: {  	p1 =	seq.s32 s10, $0x1;
	s10 =	sld [smem:$0x3FB0];
	_ =	sdelay $0x3  }
0x37: {  	[smem:$0x3FB0] =	sst s10  }
0x38: {  	s10 =	sld [smem:$0x3FB1]  }
0x39: {  	_ = 	snop;
	(pc) =	sbr.ind lr, $3  }
0x3a: {  	_ = 	snop  }
0x3b: {  	_ = 	snop  }
0x3c: {  	p2 =	seq.s32 s10, $0x1;
	s10 =	sld [smem:$0x3FB0]  }
0x3d: {  	_ =	shalt  }
0x3e: {  	_ =	shalt  }
0x3f: {  	_ =	shalt  }
0x40: {  	_ =	shalt  }
0x41: {  	_ =	shalt  }
0x42: {  	_ =	shalt  }
0x43: {  	_ =	shalt  }
0x44: {  	_ =	shalt  }
0x45: {  	_ =	shalt  }
0x46: {  	_ =	shalt  }
0x47: {  	_ =	shalt  }
0x48: {  	_ =	shalt  }
0x49: {  	_ =	shalt  }
0x4a: {  	_ =	shalt  }
0x4b: {  	_ =	shalt  }
0x4c: {  	_ =	shalt  }
0x4d: {  	_ =	shalt  }
0x4e: {  	_ =	shalt  }
0x4f: {  	_ =	shalt  }
0x50: {  	_ =	shalt  }
0x51: {  	_ =	shalt  }
0x52: {  	_ =	shalt  }
0x53: {  	_ =	shalt  }
0x54: {  	_ =	shalt  }
0x55: {  	_ =	shalt  }
0x56: {  	_ =	shalt  }
0x57: {  	_ =	shalt  }
0x58: {  	_ =	shalt  }
0x59: {  	_ =	shalt  }
0x5a: {  	_ =	shalt  }
0x5b: {  	_ =	shalt  }
0x5c: {  	_ =	shalt  }
0x5d: {  	_ =	shalt  }
0x5e: {  	_ =	shalt  }
0x5f: {  	_ =	shalt  }
0x60: {  	_ =	shalt  }
0x61: {  	_ =	shalt  }
0x62: {  	_ =	shalt  }
0x63: {  	_ =	shalt  }
0x64: {  	_ =	shalt  }
0x65: {  	_ =	shalt  }
0x66: {  	_ =	shalt  }
0x67: {  	_ =	shalt  }
0x68: {  	_ =	shalt  }
0x69: {  	_ =	shalt  }
0x6a: {  	_ =	shalt  }
0x6b: {  	_ =	shalt  }
0x6c: {  	_ =	shalt  }
0x6d: {  	_ =	shalt  }
0x6e: {  	_ =	shalt  }
0x6f: {  	_ =	shalt  }
0x70: {  	_ =	shalt  }
0x71: {  	_ =	shalt  }
0x72: {  	_ =	shalt  }
0x73: {  	_ =	shalt  }
0x74: {  	_ =	shalt  }
0x75: {  	_ =	shalt  }
0x76: {  	_ =	shalt  }
0x77: {  	_ =	shalt  }
0x78: {  	_ =	shalt  }
0x79: {  	_ =	shalt  }
0x7a: {  	_ =	shalt  }
0x7b: {  	_ =	shalt  }
0x7c: {  	_ =	shalt  }
0x7d: {  	_ =	shalt  }
0x7e: {  	_ =	shalt  }
0x7f: {  	_ =	shalt  }
0x80: {  	_ =	shalt  }
0x81: {  	_ =	shalt  }
0x82: {  	_ =	shalt  }
0x83: {  	_ =	shalt  }
0x84: {  	_ =	shalt  }
0x85: {  	_ =	shalt  }
0x86: {  	_ =	shalt  }
0x87: {  	_ =	shalt  }
.Lfunc_end0:
.L_simem_size_0:
called_computation.2_lowered:
.L_overlay_start_0:
0x88: {  	s2 =	sld [smem:$0x3FD9]  }
0x89: {  	s3 =	sld [smem:$0x3FFE];
	_ =	sdelay $0x1  }
0x8a: {  	s1 =	srdreg.scid  }
0x8b: {  	s0 =	sand.u32 $0x1, s1  }
0x8c: {  	s17 =	sshll.u32 s0, $0xA;
	s2 =	sadd.s32 s3, s2  }
0x8d: {  	s2 =	sadd.s32 s2, s17  }
0x8e: {  	[smem:$0x3FBC] =	sst s2  }
0x8f: {  	_ = 	snop  }
0x90: {  	s2 =	sld [smem:$0x3FD0];
	(tm) =	ssettm $0x1  }
0x91: {  	s18 =	sld [smem:$0x3FFB];
	_ =	sdelay $0x3  }
0x92: {  	_ =	strace s18  }
0x93: {  	s3 =	sld [smem:$0x3FFC];
	_ =	sdelay $0x3  }
0x94: {  	_ =	strace s3  }
0x95: {  	s3 =	sld [smem:$0x3FFD];
	_ =	sdelay $0x3  }
0x96: {  	_ =	strace s3  }
0x97: {  	_ =	strace $0x8FFFFFFF  }
0x98: {  	s19 =	sld [smem:$0x3FDB];
	_ =	sdelay $0x1  }
0x99: {  	s4 =	simm.s32 $_scs_section_size  }
0x9a: {  	s5 =	simm.s32 $_size__tile_overlayer_lowered;
	s6 =	simm.s32 $_tile_overlayer_lowered  }
0x9b: {  	s22 =	simm.s32 $0x1BFF;
	s21 =	sshll.u32 s6, $0x1;
	s3 =	sadd.s32 s4, s19  }
0x9c: {  	s7 =	simm.s32 $0x0;
	s20 =	sshll.u32 s5, $0x1;
	s5 =	sadd.s32 s21, s3  }
0x9d: {  	[timem:s7], [sflag:s22] =	dma.local [hbm:s5], s20  }
0x9e: {  	_ =	swait.ge [sflag:s22], s20  }
0x9f: {  	s4 =	ssub.s32 $0x0, s20;
	[sflag:s22] =	ssyncset.done $0x0  }
0xa0: {  	[sflag:s22] =	ssyncadd.s32 s4;
	_ =	sdelay $0x1  }
0xa1: {  	s23 =	simm.s32 $0x1B8B  }
0xa2: {  	_ =	swait.ge [sflag:s23], $0x1  }
0xa3: {  	[sflag:s23] =	ssyncset.done $0x0  }
0xa4: {  	s25 =	simm.s32 $0x1B8E;
	s24 =	sld [smem:$0x3FFE];
	[sflag:s23] =	ssyncadd.s32 $0xFFFFFFFF  }
0xa5: {  	s26 =	simm.s32 $execute0_lowered;
	[smem:$0x3FD2] =	sst s25  }
0xa6: {  	s5 =	sshll.u32 s26, $0x1;
	_ =	strace $0x8000004C;
	[dreg:$0x1] =	wrdreg $0xFFFFFFFF  }
0xa7: {  	s28 =	simm.s32 $_size_execute0_lowered;
	s3 =	sadd.s32 s3, s5;
	[dreg:$0x0] =	wrdreg $0x0  }
0xa8: {  	s5 =	sshll.u32 s28, $0x1;
	[dreg:$0x2] =	wrdreg s3  }
0xa9: {  	[dreg:$0x3] =	wrdreg s5  }
0xaa: {  	[dreg:$0x4] =	wrdreg $0xC0  }
0xab: {  	_ =	task [dreg:s7], $0x5FFFF  }
0xac: {  	[dreg:$0x1] =	wrdreg $0xFFFFFFFF  }
0xad: {  	[dreg:$0x0] =	wrdreg $0x60  }
0xae: {  	[dreg:$0x2] =	wrdreg s24  }
0xaf: {  	[dreg:$0x3] =	wrdreg s2  }
0xb0: {  	[dreg:$0x4] =	wrdreg $0x1C0000  }
0xb1: {  	[dreg:$0x5] =	wrdreg $0x9  }
0xb2: {  	_ =	task.clear_ibuf [dreg:s7], $0x6FFFF;
	_ =	strace $0x9000004C  }
0xb3: {  	s29 =	simm.s32 $0x9;
	_ =	strace $0x8000004E  }
0xb4: {  	_ =	swait.ge [sflag:s29], $0x1  }
0xb5: {  	[sflag:s29] =	ssyncadd.s32 $0xFFFFFFFF  }
0xb6: {  	_ =	strace $0x9000004E  }
0xb7: {  	_ =	sfence  }
0xb8: {  	s30 =	sld [smem:$0x0];
	_ =	sdelay $0x2  }
0xb9: {  	s31 =	sshll.u32 s1, $0xD;
	s1 =	sshrl.u32 s1, $0x2  }
0xba: {  	s3 =	sand.u32 $0x4000, s31;
	s1 =	sadd.s32 s1, s30  }
0xbb: {  	s0 =	sor.u32 s3, s0;
	s1 =	sshll.u32 s1, $0x11  }
0xbc: {  	s0 =	sor.u32 s1, s0  }
0xbd: {  	s0 =	sadd.s32 $0x8F2B, s0  }
0xbe: {  	[sflag:s0] =	ssyncadd.remote.s32 $0x1  }
0xbf: {  	_ =	sfence.sel $0xFFFF  }
0xc0: {  	[dreg:$0x0] =	wrdreg $0xFFFFFFFF;
	(pc) =	sbr.abs _section_cstart, $3  }
0xc1: {  	[dreg:$0x1] =	wrdreg $0xFFFFFFFF  }
0xc2: {  	_ =	task.clear_ibuf [dreg:s7], $0x2FFFF;
	_ =	strace $0x9FFFFFFF  }
0xc3: {  	(tm) =	ssettm $0x7FFFFFFF  }
tec
execute0_lowered:
.L_overlay_start_1:
0x0: {  	(tag) =	ssettag $0x1  }
0x1: {  	s14 =	rddreg [dreg:$0x0]  }
0x2: {  	s8 =	rddreg [dreg:$0x1]  }
0x3: {  	s1 =	rddreg [dreg:$0x2]  }
0x4: {  	s0 =	rddreg [dreg:$0x3];
	s2 =	simm.s32 $0x0  }
0x5: {  	s5 =	srdreg.scid;
	s3 =	stileid.u32;
	s24 =	simm.s32 $0x640  }
0x6: {  	s16 =	simm.s32 $0x3;
	s17 =	simm.s32 $0x8000;
	s18 =	simm.s32 $0x50  }
0x7: {  	s19 =	simm.s32 $0x10000;
	s20 =	simm.s32 $0x80;
	s23 =	simm.s32 $0x2  }
0x8: {  	s26 =	simm.s32 $0x0;
	[smem:$0x7FF] =	sst s2;
	s4 =	sadd.s32 $0x13A00, s14  }
0x9: {  	s11 =	sand.u32 $0x1, s5;
	s9 =	sshll.u32 s3, $0xC;
	s10 =	smul.u32 $0x70, s3  }
0xa: {  	s12 =	sadd.s32 $0x3AC00, s14;
	s29 =	smul.u32 $0xE000, s3;
	p0 =	sne.s32 s3, $0xF  }
0xb: {  	p1 =	slt.u32 s3, $0xE;
	p2 =	seq.s32 s3, $0xE;
	s30 =	smul.u32 $0x3800, s3  }
0xc: {  	s31 =	smul.u32 $0x700, s3;
	_ =	strace $0x8000004D;
	s5 =	ssub.s32 $0x2, s11  }
0xd: {  	s21 =	smul.u32 $0x690, s11;
	s6 =	sadd.s32 s9, s14;
	s8 =	sadd.s32 s8, s9  }
0xe: {  	p3 =	seq.s32 s11, $0x1;
	p4 =	seq.s32 s11, $0x0;
	s14 =	sadd.s32 $0x61B00, s14  }
0xf: {  	s7 =	sshrl.u32 s5, $0x1;
	s24 =	simm.s32 @!p3 $0x690;
	p0 =	por !p4, !p0  }
0x10: {  	s11 =	sadd.s32 s31, s12;
	p1 =	por !p1, !p3;
	p2 =	por !p2, !p3  }
0x11: {  	p3 =	seq.s32 s3, $0xF;
	s15 =	ssub.s32 s5, s7;
	s5 =	sadd.s32 $0x3A00, s6  }
0x12: {  	s13 =	sadd.s32 s10, s21;
	s6 =	sadd.s32 $0x34800, s1;
	s7 =	sshrl.u32 s29, $0x2  }
0x13: {  	s22 =	sadd.s32 $0xD20, s21;
	s25 =	sadd.s32 $0x1A40, s21;
	p0 =	por !p0, !p0  }
0x14: {  	s11 =	sadd.s32 $0x1A400, s11;
	p1 =	por !p1, !p1;
	p2 =	por !p2, !p2  }
0x15: {  	v0 =	vmov s21;
	s21 =	simm.s32 $0x12800;
	v3 =	vmov s24;
	s24 =	simm.s32 $0xFC00;
	s13 =	sshll.u32 s13, $0x4  }
0x16: {  	s7 =	sadd.s32 s7, s1;
	s10 =	sadd.s32 s10, s22;
	s15 =	smax.u32 s15, $0x1  }
0x17: {  	s9 =	sadd.s32 s12, s13;
	s10 =	sshll.u32 s10, $0x4;
	s13 =	sshrl.u32 s30, $0x3  }
0x18: {  	v1 =	vmov s22;
	s22 =	simm.s32 $0x1;
	s10 =	sadd.s32 s12, s10;
	s12 =	sadd.s32 s12, s13  }
0x19: {  	v4 =	vimm.f32 $0.0e+00;
	v2 =	vmov s25;
	s25 =	simm.s32 $0xFC80;
	s13 =	sadd.s32 $0x31000, s1;
	s12 =	sadd.s32 $0x20D00, s12  }
.LBB2_1:
0x1a: {  	s28 =	simm.s32 $0x0;
	s29 =	simm.s32 $0x200  }
.LBB2_2:
0x1b: {  	p4 =	sne.s32 s29, $0xDE00;
	[tilespmem:s28+$0x15070] =	vst v4  }
0x1c: {  	[tilespmem:s28+$0x15000] =	vst v4  }
0x1d: {  	[tilespmem:s28+$0x15010] =	vst v4  }
.Ltmp0:
0x1e: {  	[tilespmem:s28+$0x15020] =	vst v4;
	(pc) =	sbr.rel @p4 .LBB2_2-.Ltmp0, $4  }
0x1f: {  	[tilespmem:s28+$0x15030] =	vst v4  }
0x20: {  	[tilespmem:s28+$0x15040] =	vst v4  }
0x21: {  	[tilespmem:s28+$0x15050] =	vst v4  }
0x22: {  	[tilespmem:s28+$0x15060] =	vst v4;
	s28 =	sshra.s32 s29, $0x2;
	s29 =	sadd.s32 $0x200, s29  }
0x23: {  	[tilespmem:s28+$0x15070] =	vst v4  }
0x24: {  	[tilespmem:s28+$0x15000] =	vst v4  }
0x25: {  	[tilespmem:s28+$0x15010] =	vst v4  }
0x26: {  	[tilespmem:s28+$0x15020] =	vst v4  }
0x27: {  	[tilespmem:s28+$0x15030] =	vst v4  }
0x28: {  	[tilespmem:s28+$0x15040] =	vst v4  }
0x29: {  	[tilespmem:s28+$0x15050] =	vst v4  }
0x2a: {  	[tilespmem:s28+$0x15060] =	vst v4  }
0x2b: {  	[tilespmem:s2], [sflag:$0x3] =	stream.linear.gather [hbm4b:s5+s2], $0x7D00, $0x38;
	[tilespmem:$0x1F4C0] =	vst v63  }
0x2c: {  	_ =	swait.ge [sflag:s16], $0x7D00  }
0x2d: {  	[sflag:s16] =	ssyncset.done $0x0  }
0x2e: {  	s28 =	simm.s32 @p3 $0x15000;
	[sflag:s16] =	ssyncadd.s32 $0xFFFF8300  }
0x2f: {  	[spmem:s6] =	stream.linear.scatter @p3 [tilespmem:s28], [sflag:$0x3], $0x400, $0x38;
	[tilespmem:$0x1F4C0] =	vst v63  }
0x30: {  	s28 =	simm.s32 @p3 $0x3  }
0x31: {  	_ =	swait.ge @p3 [sflag:s28], $0x400  }
0x32: {  	[sflag:s28] =	ssyncset.done @p3 $0x0  }
0x33: {  	[sflag:s28] =	ssyncadd.s32 @p3 $0xFFFFFC00;
	s28 =	simm.s32 @!p3 $0x15000  }
0x34: {  	[spmem:s7] =	stream.linear.scatter @!p3 [tilespmem:s28], [sflag:$0x3], $0x3800, $0x38;
	[tilespmem:$0x1F4C0] =	vst v63  }
0x35: {  	s28 =	simm.s32 @!p3 $0x3  }
0x36: {  	_ =	swait.ge @!p3 [sflag:s28], $0x3800  }
0x37: {  	[sflag:s28] =	ssyncset.done @!p3 $0x0  }
0x38: {  	[sflag:s28] =	ssyncadd.s32 @!p3 $0xFFFFC800;
	s28 =	simm.s32 $0x0  }
0x39: {  	[tilespmem:s17], [sflag:$0x3] =	stream.linear.gather [hbm4b:s8+s28], $0x7D00, $0x38;
	[tilespmem:$0x1F4C0] =	vst v63  }
0x3a: {  	_ =	swait.ge [sflag:s16], $0x7D00  }
0x3b: {  	[sflag:s16] =	ssyncset.done $0x0  }
0x3c: {  	s28 =	simm.s32 $0x0;
	[sflag:s16] =	ssyncadd.s32 $0xFFFF8300  }
0x3d: {  	v7 =	vld [tilespmem:s28+$0x8000]  }
0x3e: {  	v8 =	vld [tilespmem:s28+$0x8010]  }
0x3f: {  	v6 =	vld [tilespmem:s28+$0x8020]  }
0x40: {  	s29 =	simm.s32 $0x200;
	v5 =	vld [tilespmem:s28+$0x8030]  }
.LBB2_4:
0x41: {  	p4 =	sne.s32 s29, $0x1F200;
	v9 =	vld [tilespmem:s28+$0x8040]  }
0x42: {  	v7 =	vsub.s32 v7, v0  }
0x43: {  	v7 =	vmin.u32 v7, $0x690;
	v8 =	vsub.s32 v8, v0  }
.Ltmp1:
0x44: {  	s30 =	sshra.s32 s29, $0x2;
	[tilespmem:s28+$0x8000] =	vst v7;
	v8 =	vmin.u32 v8, $0x690;
	v6 =	vsub.s32 v6, v0;
	(pc) =	sbr.rel @p4 .LBB2_4-.Ltmp1, $4  }
0x45: {  	v7 =	vld [tilespmem:s30+$0x8000];
	[tilespmem:s28+$0x8010] =	vst v8;
	v6 =	vmin.u32 v6, $0x690;
	v5 =	vsub.s32 v5, v0  }
0x46: {  	v8 =	vld [tilespmem:s30+$0x8010];
	[tilespmem:s28+$0x8020] =	vst v6;
	v5 =	vmin.u32 v5, $0x690;
	v9 =	vsub.s32 v9, v0  }
0x47: {  	v6 =	vld [tilespmem:s30+$0x8020];
	[tilespmem:s28+$0x8030] =	vst v5;
	v9 =	vmin.u32 v9, $0x690  }
0x48: {  	s29 =	sadd.s32 $0x200, s29;
	v5 =	vld [tilespmem:s30+$0x8030];
	[tilespmem:s28+$0x8040] =	vst v9;
	s28 =	smov.u32 s30  }
0x49: {  	v9 =	vld [tilespmem:s28+$0x8040]  }
0x4a: {  	v7 =	vsub.s32 v7, v0  }
0x4b: {  	v7 =	vmin.u32 v7, $0x690;
	v8 =	vsub.s32 v8, v0  }
0x4c: {  	[tilespmem:s28+$0x8000] =	vst v7;
	v7 =	vmin.u32 v8, $0x690;
	v6 =	vsub.s32 v6, v0  }
0x4d: {  	[tilespmem:s28+$0x8010] =	vst v7;
	v6 =	vmin.u32 v6, $0x690;
	v5 =	vsub.s32 v5, v0  }
0x4e: {  	[tilespmem:s28+$0x8020] =	vst v6;
	v5 =	vmin.u32 v5, $0x690;
	v6 =	vsub.s32 v9, v0  }
0x4f: {  	[tilespmem:s28+$0x8030] =	vst v5;
	v5 =	vmin.u32 v6, $0x690  }
0x50: {  	[tilespmem:s28+$0x8040] =	vst v5  }
0x51: {  	s28 =	simm.s32 $0x0;
	[bflag:$0x0] =	sbarrier.arrive $0xFFFF  }
0x52: {  	[tilespmem:s19], [sflag:$0x1] =	stream.indirect.gather [hbm4b:s4+s18], $0x80, s28, s18, $0xb8;
	[tilespmem:$0x1F4C0] =	vst v63  }
0x53: {  	_ = 	snop  }
0x54: {  	[tilespmem:s21], [sflag:$0x2] =	stream.indirect.gather [hbm4b:s4+s18], $0x80, s20, s18, $0xb8;
	[tilespmem:$0x1F4C0] =	vst v63  }
0x55: {  	_ =	swait.ge [sflag:s22], $0x2800  }
0x56: {  	[sflag:s22] =	ssyncset.done $0x0  }
0x57: {  	s28 =	simm.s32 $0x8000;
	[sflag:s22] =	ssyncadd.s32 $0xFFFFD800  }
0x58: {  	[spmem:s1] =	stream.indirect.scatter.add.f32 [tilespmem:s19], [sflag:$0x3], $0x80, s28, s18, $0xb8;
	[tilespmem:$0x1F4C0] =	vst v63  }
0x59: {  	_ =	swait.ge [sflag:s16], $0x2800  }
0x5a: {  	[sflag:s16] =	ssyncset.done $0x0  }
0x5b: {  	s28 =	simm.s32 $0x100;
	[sflag:s16] =	ssyncadd.s32 $0xFFFFD800  }
0x5c: {  	[tilespmem:s19], [sflag:$0x1] =	stream.indirect.gather [hbm4b:s4+s18], $0x80, s28, s18, $0xb8;
	[tilespmem:$0x1F4C0] =	vst v63  }
0x5d: {  	_ =	swait.ge [sflag:s23], $0x2800  }
0x5e: {  	[sflag:s23] =	ssyncset.done $0x0  }
0x5f: {  	s28 =	simm.s32 $0x8080;
	[sflag:s23] =	ssyncadd.s32 $0xFFFFD800  }
0x60: {  	[spmem:s1] =	stream.indirect.scatter.add.f32 [tilespmem:s21], [sflag:$0x3], $0x80, s28, s18, $0xb8;
	[tilespmem:$0x1F4C0] =	vst v63  }
0x61: {  	_ =	swait.ge [sflag:s16], $0x2800  }
0x62: {  	[sflag:s16] =	ssyncset.done $0x0  }
0x63: {  	s29 =	simm.s32 $0x180;
	s28 =	simm.s32 $0x400;
	[sflag:s16] =	ssyncadd.s32 $0xFFFFD800  }
.LBB2_6:
0x64: {  	[tilespmem:s21], [sflag:$0x2] =	stream.indirect.gather [hbm4b:s4+s18], $0x80, s29, s18, $0xb8;
	[tilespmem:$0x1F4C0] =	vst v63  }
0x65: {  	s29 =	smov.u32 s28  }
0x66: {  	p4 =	sne.s32 s28, $0x1EC00;
	s28 =	sadd.s32 $0x400, s28;
	_ =	swait.ge [sflag:s22], $0x2800  }
0x67: {  	s29 =	sshra.s32 s29, $0x2;
	[sflag:s22] =	ssyncset.done $0x0  }
0x68: {  	s30 =	sadd.s32 $0x8000, s29;
	[sflag:s22] =	ssyncadd.s32 $0xFFFFD800  }
0x69: {  	[spmem:s1] =	stream.indirect.scatter.add.f32 [tilespmem:s19], [sflag:$0x3], $0x80, s30, s18, $0xb8;
	[tilespmem:$0x1F4C0] =	vst v63  }
0x6a: {  	_ =	swait.ge [sflag:s16], $0x2800  }
0x6b: {  	[sflag:s16] =	ssyncset.done $0x0  }
0x6c: {  	s30 =	sadd.s32 $0x100, s29;
	[sflag:s16] =	ssyncadd.s32 $0xFFFFD800  }
0x6d: {  	[tilespmem:s19], [sflag:$0x1] =	stream.indirect.gather [hbm4b:s4+s18], $0x80, s30, s18, $0xb8;
	[tilespmem:$0x1F4C0] =	vst v63  }
0x6e: {  	_ =	swait.ge [sflag:s23], $0x2800  }
0x6f: {  	[sflag:s23] =	ssyncset.done $0x0  }
.Ltmp2:
0x70: {  	s30 =	sadd.s32 $0x8080, s29;
	[sflag:s23] =	ssyncadd.s32 $0xFFFFD800;
	(pc) =	sbr.rel @p4 .LBB2_6-.Ltmp2, $4  }
0x71: {  	[spmem:s1] =	stream.indirect.scatter.add.f32 [tilespmem:s21], [sflag:$0x3], $0x80, s30, s18, $0xb8;
	[tilespmem:$0x1F4C0] =	vst v63  }
0x72: {  	_ =	swait.ge [sflag:s16], $0x2800  }
0x73: {  	[sflag:s16] =	ssyncset.done $0x0  }
0x74: {  	s29 =	sadd.s32 $0x180, s29;
	[sflag:s16] =	ssyncadd.s32 $0xFFFFD800  }
0x75: {  	[tilespmem:s21], [sflag:$0x2] =	stream.indirect.gather [hbm4b:s4+s18], $0x80, s29, s18, $0xb8;
	[tilespmem:$0x1F4C0] =	vst v63  }
0x76: {  	_ =	swait.ge [sflag:s22], $0x2800  }
0x77: {  	[sflag:s22] =	ssyncset.done $0x0  }
0x78: {  	[sflag:s22] =	ssyncadd.s32 $0xFFFFD800  }
0x79: {  	[spmem:s1] =	stream.indirect.scatter.add.f32 [tilespmem:s19], [sflag:$0x3], $0x80, s24, s18, $0xb8;
	[tilespmem:$0x1F4C0] =	vst v63  }
0x7a: {  	_ =	swait.ge [sflag:s16], $0x2800  }
0x7b: {  	[sflag:s16] =	ssyncset.done $0x0  }
0x7c: {  	[sflag:s16] =	ssyncadd.s32 $0xFFFFD800  }
0x7d: {  	_ =	swait.ge [sflag:s23], $0x2800  }
0x7e: {  	[sflag:s23] =	ssyncset.done $0x0  }
0x7f: {  	[sflag:s23] =	ssyncadd.s32 $0xFFFFD800  }
0x80: {  	[spmem:s1] =	stream.indirect.scatter.add.f32 [tilespmem:s21], [sflag:$0x3], $0x80, s25, s18, $0xb8;
	[tilespmem:$0x1F4C0] =	vst v63  }
0x81: {  	_ =	swait.ge [sflag:s16], $0x2800  }
0x82: {  	[sflag:s16] =	ssyncset.done $0x0  }
0x83: {  	[sflag:s16] =	ssyncadd.s32 $0xFFFFD800  }
0x84: {  	[bflag:$0x0] =	sbarrier.arrive $0xFFFF  }
0x85: {  	s28 =	simm.s32 @p3 $0x15000;
	[bflag:$0x0] =	sbarrier.arrive @p3 $0xFFFF  }
0x86: {  	[spmem:s6] =	stream.linear.scatter @p3 [tilespmem:s28], [sflag:$0x3], $0x400, $0x38;
	[tilespmem:$0x1F4C0] =	vst v63  }
0x87: {  	s28 =	simm.s32 @p3 $0x3  }
0x88: {  	_ =	swait.ge @p3 [sflag:s28], $0x400  }
0x89: {  	[sflag:s28] =	ssyncset.done @p3 $0x0  }
0x8a: {  	s29 =	simm.s32 @!p3 $0x3;
	[sflag:s28] =	ssyncadd.s32 @p3 $0xFFFFFC00;
	s28 =	simm.s32 @!p3 $0x18800  }
0x8b: {  	[tilespmem:s28], [sflag:$0x3] =	stream.linear.gather @!p3 [spmem:s7], $0x3800, $0x38;
	[tilespmem:$0x1F4C0] =	vst v63  }
0x8c: {  	_ =	swait.ge @!p3 [sflag:s29], $0x3800  }
0x8d: {  	[sflag:s29] =	ssyncset.done @!p3 $0x0  }
0x8e: {  	s30 =	simm.s32 @!p3 $0x0;
	[sflag:s29] =	ssyncadd.s32 @!p3 $0xFFFFC800  }
0x8f: {  	[hbm4b:s9+s30] =	stream.linear.scatter @!p3 [tilespmem:s28], [sflag:$0x3], $0x3800, $0x38;
	[tilespmem:$0x1F4C0] =	vst v63  }
0x90: {  	_ =	swait.ge @!p3 [sflag:s29], $0x3800  }
0x91: {  	[sflag:s29] =	ssyncset.done @!p3 $0x0  }
0x92: {  	[sflag:s29] =	ssyncadd.s32 @!p3 $0xFFFFC800  }
0x93: {  	s28 =	simm.s32 @!p3 $0x15000;
	[bflag:$0x0] =	sbarrier.arrive @!p3 $0xFFFF  }
0x94: {  	[spmem:s7] =	stream.linear.scatter @!p3 [tilespmem:s28], [sflag:$0x3], $0x3800, $0x38;
	[tilespmem:$0x1F4C0] =	vst v63  }
0x95: {  	_ =	swait.ge @!p3 [sflag:s29], $0x3800  }
0x96: {  	[sflag:s29] =	ssyncset.done @!p3 $0x0  }
0x97: {  	s28 =	simm.s32 $0x0;
	[sflag:s29] =	ssyncadd.s32 @!p3 $0xFFFFC800  }
0x98: {  	[tilespmem:s17], [sflag:$0x3] =	stream.linear.gather [hbm4b:s8+s28], $0x7D00, $0x38;
	[tilespmem:$0x1F4C0] =	vst v63  }
0x99: {  	_ =	swait.ge [sflag:s16], $0x7D00  }
0x9a: {  	[sflag:s16] =	ssyncset.done $0x0  }
0x9b: {  	s28 =	simm.s32 $0x0;
	[sflag:s16] =	ssyncadd.s32 $0xFFFF8300  }
0x9c: {  	v5 =	vld [tilespmem:s28+$0x8000]  }
0x9d: {  	v7 =	vld [tilespmem:s28+$0x8010]  }
0x9e: {  	p4 =	por @p3 $0x0, $0x0;
	p5 =	por @p3 $0x0, $0x0;
	v8 =	vld [tilespmem:s28+$0x8020]  }
0x9f: {  	p5 =	por @!p3 p1, p1;
	p4 =	por @!p3 p2, p2;
	s29 =	simm.s32 $0x200;
	v6 =	vld [tilespmem:s28+$0x8030]  }
.LBB2_8:
0xa0: {  	p6 =	sne.s32 s29, $0x1F200;
	v9 =	vld [tilespmem:s28+$0x8040]  }
0xa1: {  	v5 =	vsub.s32 v5, v1  }
0xa2: {  	v5 =	vmin.u32 v5, $0x690;
	v7 =	vsub.s32 v7, v1  }
.Ltmp3:
0xa3: {  	s30 =	sshra.s32 s29, $0x2;
	[tilespmem:s28+$0x8000] =	vst v5;
	v7 =	vmin.u32 v7, $0x690;
	v8 =	vsub.s32 v8, v1;
	(pc) =	sbr.rel @p6 .LBB2_8-.Ltmp3, $4  }
0xa4: {  	v5 =	vld [tilespmem:s30+$0x8000];
	[tilespmem:s28+$0x8010] =	vst v7;
	v8 =	vmin.u32 v8, $0x690;
	v6 =	vsub.s32 v6, v1  }
0xa5: {  	v7 =	vld [tilespmem:s30+$0x8010];
	[tilespmem:s28+$0x8020] =	vst v8;
	v6 =	vmin.u32 v6, $0x690;
	v9 =	vsub.s32 v9, v1  }
0xa6: {  	v8 =	vld [tilespmem:s30+$0x8020];
	[tilespmem:s28+$0x8030] =	vst v6;
	v9 =	vmin.u32 v9, $0x690  }
0xa7: {  	s29 =	sadd.s32 $0x200, s29;
	v6 =	vld [tilespmem:s30+$0x8030];
	[tilespmem:s28+$0x8040] =	vst v9;
	s28 =	smov.u32 s30  }
0xa8: {  	v9 =	vld [tilespmem:s28+$0x8040]  }
0xa9: {  	v5 =	vsub.s32 v5, v1  }
0xaa: {  	v5 =	vmin.u32 v5, $0x690;
	v7 =	vsub.s32 v7, v1  }
0xab: {  	[tilespmem:s28+$0x8000] =	vst v5;
	v5 =	vmin.u32 v7, $0x690;
	v7 =	vsub.s32 v8, v1  }
0xac: {  	[tilespmem:s28+$0x8010] =	vst v5;
	v5 =	vmin.u32 v7, $0x690;
	v6 =	vsub.s32 v6, v1  }
0xad: {  	[tilespmem:s28+$0x8020] =	vst v5;
	v5 =	vmin.u32 v6, $0x690;
	v6 =	vsub.s32 v9, v1  }
0xae: {  	[tilespmem:s28+$0x8030] =	vst v5;
	v5 =	vmin.u32 v6, $0x690  }
0xaf: {  	[tilespmem:s28+$0x8040] =	vst v5  }
0xb0: {  	s28 =	simm.s32 $0x0;
	[bflag:$0x0] =	sbarrier.arrive $0xFFFF  }
0xb1: {  	[tilespmem:s19], [sflag:$0x1] =	stream.indirect.gather [hbm4b:s4+s18], $0x80, s28, s18, $0xb8;
	[tilespmem:$0x1F4C0] =	vst v63  }
0xb2: {  	_ = 	snop  }
0xb3: {  	[tilespmem:s21], [sflag:$0x2] =	stream.indirect.gather [hbm4b:s4+s18], $0x80, s20, s18, $0xb8;
	[tilespmem:$0x1F4C0] =	vst v63  }
0xb4: {  	_ =	swait.ge [sflag:s22], $0x2800  }
0xb5: {  	[sflag:s22] =	ssyncset.done $0x0  }
0xb6: {  	s28 =	simm.s32 $0x8000;
	[sflag:s22] =	ssyncadd.s32 $0xFFFFD800  }
0xb7: {  	[spmem:s1] =	stream.indirect.scatter.add.f32 [tilespmem:s19], [sflag:$0x3], $0x80, s28, s18, $0xb8;
	[tilespmem:$0x1F4C0] =	vst v63  }
0xb8: {  	_ =	swait.ge [sflag:s16], $0x2800  }
0xb9: {  	[sflag:s16] =	ssyncset.done $0x0  }
0xba: {  	s28 =	simm.s32 $0x100;
	[sflag:s16] =	ssyncadd.s32 $0xFFFFD800  }
0xbb: {  	[tilespmem:s19], [sflag:$0x1] =	stream.indirect.gather [hbm4b:s4+s18], $0x80, s28, s18, $0xb8;
	[tilespmem:$0x1F4C0] =	vst v63  }
0xbc: {  	_ =	swait.ge [sflag:s23], $0x2800  }
0xbd: {  	[sflag:s23] =	ssyncset.done $0x0  }
0xbe: {  	s28 =	simm.s32 $0x8080;
	[sflag:s23] =	ssyncadd.s32 $0xFFFFD800  }
0xbf: {  	[spmem:s1] =	stream.indirect.scatter.add.f32 [tilespmem:s21], [sflag:$0x3], $0x80, s28, s18, $0xb8;
	[tilespmem:$0x1F4C0] =	vst v63  }
0xc0: {  	_ =	swait.ge [sflag:s16], $0x2800  }
0xc1: {  	[sflag:s16] =	ssyncset.done $0x0  }
0xc2: {  	s29 =	simm.s32 $0x180;
	s28 =	simm.s32 $0x400;
	[sflag:s16] =	ssyncadd.s32 $0xFFFFD800  }
.LBB2_10:
0xc3: {  	[tilespmem:s21], [sflag:$0x2] =	stream.indirect.gather [hbm4b:s4+s18], $0x80, s29, s18, $0xb8;
	[tilespmem:$0x1F4C0] =	vst v63  }
0xc4: {  	s29 =	smov.u32 s28  }
0xc5: {  	p6 =	sne.s32 s28, $0x1EC00;
	s28 =	sadd.s32 $0x400, s28;
	_ =	swait.ge [sflag:s22], $0x2800  }
0xc6: {  	s29 =	sshra.s32 s29, $0x2;
	[sflag:s22] =	ssyncset.done $0x0  }
0xc7: {  	s30 =	sadd.s32 $0x8000, s29;
	[sflag:s22] =	ssyncadd.s32 $0xFFFFD800  }
0xc8: {  	[spmem:s1] =	stream.indirect.scatter.add.f32 [tilespmem:s19], [sflag:$0x3], $0x80, s30, s18, $0xb8;
	[tilespmem:$0x1F4C0] =	vst v63  }
0xc9: {  	_ =	swait.ge [sflag:s16], $0x2800  }
0xca: {  	[sflag:s16] =	ssyncset.done $0x0  }
0xcb: {  	s30 =	sadd.s32 $0x100, s29;
	[sflag:s16] =	ssyncadd.s32 $0xFFFFD800  }
0xcc: {  	[tilespmem:s19], [sflag:$0x1] =	stream.indirect.gather [hbm4b:s4+s18], $0x80, s30, s18, $0xb8;
	[tilespmem:$0x1F4C0] =	vst v63  }
0xcd: {  	_ =	swait.ge [sflag:s23], $0x2800  }
0xce: {  	[sflag:s23] =	ssyncset.done $0x0  }
.Ltmp4:
0xcf: {  	s30 =	sadd.s32 $0x8080, s29;
	[sflag:s23] =	ssyncadd.s32 $0xFFFFD800;
	(pc) =	sbr.rel @p6 .LBB2_10-.Ltmp4, $4  }
0xd0: {  	[spmem:s1] =	stream.indirect.scatter.add.f32 [tilespmem:s21], [sflag:$0x3], $0x80, s30, s18, $0xb8;
	[tilespmem:$0x1F4C0] =	vst v63  }
0xd1: {  	_ =	swait.ge [sflag:s16], $0x2800  }
0xd2: {  	[sflag:s16] =	ssyncset.done $0x0  }
0xd3: {  	s29 =	sadd.s32 $0x180, s29;
	[sflag:s16] =	ssyncadd.s32 $0xFFFFD800  }
0xd4: {  	[tilespmem:s21], [sflag:$0x2] =	stream.indirect.gather [hbm4b:s4+s18], $0x80, s29, s18, $0xb8;
	[tilespmem:$0x1F4C0] =	vst v63  }
0xd5: {  	_ =	swait.ge [sflag:s22], $0x2800  }
0xd6: {  	[sflag:s22] =	ssyncset.done $0x0  }
0xd7: {  	[sflag:s22] =	ssyncadd.s32 $0xFFFFD800  }
0xd8: {  	[spmem:s1] =	stream.indirect.scatter.add.f32 [tilespmem:s19], [sflag:$0x3], $0x80, s24, s18, $0xb8;
	[tilespmem:$0x1F4C0] =	vst v63  }
0xd9: {  	_ =	swait.ge [sflag:s16], $0x2800  }
0xda: {  	[sflag:s16] =	ssyncset.done $0x0  }
0xdb: {  	[sflag:s16] =	ssyncadd.s32 $0xFFFFD800  }
0xdc: {  	_ =	swait.ge [sflag:s23], $0x2800  }
0xdd: {  	[sflag:s23] =	ssyncset.done $0x0  }
0xde: {  	[sflag:s23] =	ssyncadd.s32 $0xFFFFD800  }
0xdf: {  	[spmem:s1] =	stream.indirect.scatter.add.f32 [tilespmem:s21], [sflag:$0x3], $0x80, s25, s18, $0xb8;
	[tilespmem:$0x1F4C0] =	vst v63  }
0xe0: {  	_ =	swait.ge [sflag:s16], $0x2800  }
0xe1: {  	[sflag:s16] =	ssyncset.done $0x0  }
0xe2: {  	[sflag:s16] =	ssyncadd.s32 $0xFFFFD800  }
0xe3: {  	[bflag:$0x0] =	sbarrier.arrive $0xFFFF  }
0xe4: {  	s28 =	simm.s32 @p3 $0x15000;
	[bflag:$0x0] =	sbarrier.arrive @p3 $0xFFFF  }
0xe5: {  	[spmem:s6] =	stream.linear.scatter @p3 [tilespmem:s28], [sflag:$0x3], $0x400, $0x38;
	[tilespmem:$0x1F4C0] =	vst v63  }
0xe6: {  	s28 =	simm.s32 @p3 $0x3  }
0xe7: {  	_ =	swait.ge @p3 [sflag:s28], $0x400  }
0xe8: {  	[sflag:s28] =	ssyncset.done @p3 $0x0  }
0xe9: {  	s29 =	simm.s32 @!p3 $0x3;
	[sflag:s28] =	ssyncadd.s32 @p3 $0xFFFFFC00;
	s28 =	simm.s32 @!p3 $0x18800  }
0xea: {  	[tilespmem:s28], [sflag:$0x3] =	stream.linear.gather @!p3 [spmem:s7], $0x3800, $0x38;
	[tilespmem:$0x1F4C0] =	vst v63  }
0xeb: {  	_ =	swait.ge @!p3 [sflag:s29], $0x3800  }
0xec: {  	[sflag:s29] =	ssyncset.done @!p3 $0x0  }
0xed: {  	s30 =	simm.s32 @!p3 $0x0;
	[sflag:s29] =	ssyncadd.s32 @!p3 $0xFFFFC800  }
0xee: {  	[hbm4b:s10+s30] =	stream.linear.scatter @!p3 [tilespmem:s28], [sflag:$0x3], $0x3800, $0x38;
	[tilespmem:$0x1F4C0] =	vst v63  }
0xef: {  	_ =	swait.ge @!p3 [sflag:s29], $0x3800  }
0xf0: {  	[sflag:s29] =	ssyncset.done @!p3 $0x0  }
0xf1: {  	[sflag:s29] =	ssyncadd.s32 @!p3 $0xFFFFC800  }
0xf2: {  	s28 =	simm.s32 @!p3 $0x15000;
	[bflag:$0x0] =	sbarrier.arrive @!p3 $0xFFFF  }
0xf3: {  	[spmem:s7] =	stream.linear.scatter @!p3 [tilespmem:s28], [sflag:$0x3], $0x3800, $0x38;
	[tilespmem:$0x1F4C0] =	vst v63  }
0xf4: {  	_ =	swait.ge @!p3 [sflag:s29], $0x3800  }
0xf5: {  	[sflag:s29] =	ssyncset.done @!p3 $0x0  }
0xf6: {  	s28 =	simm.s32 $0x0;
	[sflag:s29] =	ssyncadd.s32 @!p3 $0xFFFFC800  }
0xf7: {  	[tilespmem:s17], [sflag:$0x3] =	stream.linear.gather [hbm4b:s8+s28], $0x7D00, $0x38;
	[tilespmem:$0x1F4C0] =	vst v63  }
0xf8: {  	_ =	swait.ge [sflag:s16], $0x7D00  }
0xf9: {  	[sflag:s16] =	ssyncset.done $0x0  }
0xfa: {  	s29 =	simm.s32 $0x0;
	[sflag:s16] =	ssyncadd.s32 $0xFFFF8300  }
0xfb: {  	v5 =	vld [tilespmem:s29+$0x8030];
	_ =	sdelay $0x2  }
0xfc: {  	v6 =	vld [tilespmem:s29+$0x8040]  }
0xfd: {  	v7 =	vld [tilespmem:s29+$0x8000]  }
0xfe: {  	v5 =	vsub.s32 v5, v2  }
0xff: {  	v8 =	vld [tilespmem:s29+$0x8020];
	vm0 =	vgt.s32 v5, $0xFFFFFFFF;
	vm1 =	vlt.s32 v5, v3  }
0x100: {  	vm0 =	vmand vm0, vm1  }
0x101: {  	v6 =	vsub.s32 v6, v2;
	v5 =	vnsel vm0, $0x690, v5  }
0x102: {  	s28 =	simm.s32 $0x80;
	v9 =	vld [tilespmem:s29+$0x8010];
	v7 =	vsub.s32 v7, v2;
	vm10 =	vgt.s32 v6, $0xFFFFFFFF;
	vm11 =	vlt.s32 v6, v3;
	[tilespmem:s29+$0x8030] =	vst v5  }
0x103: {  	vm12 =	vgt.s32 v7, $0xFFFFFFFF;
	vm2 =	vlt.s32 v7, v3;
	vm0 =	vmand vm10, vm11;
	v5 =	vld [tilespmem:s28+$0x8030]  }
0x104: {  	v10 =	vsub.s32 v8, v2;
	vm13 =	vmand vm12, vm2;
	v6 =	vnsel vm0, $0x690, v6  }
0x105: {  	vm14 =	vgt.s32 v10, $0xFFFFFFFF;
	vm15 =	vlt.s32 v10, v3;
	v7 =	vnsel vm13, $0x690, v7;
	[tilespmem:s29+$0x8040] =	vst v6  }
0x106: {  	vm0 =	vmand vm14, vm15;
	v6 =	vld [tilespmem:s28+$0x8040];
	[tilespmem:s29+$0x8000] =	vst v7  }
0x107: {  	s30 =	simm.s32 $0x400;
	v8 =	vsub.s32 v9, v2;
	v9 =	vnsel vm0, $0x690, v10;
	v7 =	vld [tilespmem:s28+$0x8000]  }
.LBB2_12:
0x108: {  	s31 =	sshra.s32 s30, $0x2;
	p6 =	sne.s32 s30, $0x1F200;
	s30 =	sadd.s32 $0x200, s30;
	v5 =	vsub.s32 v5, v2;
	vm0 =	vgt.s32 v8, $0xFFFFFFFF;
	vm1 =	vlt.s32 v8, v3;
	[tilespmem:s29+$0x8020] =	vst v9  }
0x109: {  	v9 =	vld [tilespmem:s28+$0x8020];
	vm2 =	vgt.s32 v5, $0xFFFFFFFF;
	vm3 =	vlt.s32 v5, v3;
	vm0 =	vmand vm0, vm1  }
0x10a: {  	vm1 =	vmand vm2, vm3;
	v8 =	vnsel vm0, $0x690, v8  }
0x10b: {  	v5 =	vnsel vm1, $0x690, v5;
	v6 =	vsub.s32 v6, v2;
	[tilespmem:s29+$0x8010] =	vst v8;
	s29 =	smov.u32 s28;
	s28 =	smov.u32 s31  }
0x10c: {  	v7 =	vsub.s32 v7, v2;
	v8 =	vld [tilespmem:s29+$0x8010];
	[tilespmem:s29+$0x8030] =	vst v5;
	vm0 =	vgt.s32 v6, $0xFFFFFFFF;
	vm1 =	vlt.s32 v6, v3  }
.Ltmp5:
0x10d: {  	v5 =	vld [tilespmem:s28+$0x8030];
	vm2 =	vgt.s32 v7, $0xFFFFFFFF;
	vm3 =	vlt.s32 v7, v3;
	vm0 =	vmand vm0, vm1;
	(pc) =	sbr.rel @p6 .LBB2_12-.Ltmp5, $4  }
0x10e: {  	vm1 =	vmand vm2, vm3;
	v9 =	vsub.s32 v9, v2;
	v6 =	vnsel vm0, $0x690, v6  }
0x10f: {  	v7 =	vnsel vm1, $0x690, v7;
	vm0 =	vgt.s32 v9, $0xFFFFFFFF;
	vm1 =	vlt.s32 v9, v3;
	[tilespmem:s29+$0x8040] =	vst v6  }
0x110: {  	v6 =	vld [tilespmem:s28+$0x8040];
	[tilespmem:s29+$0x8000] =	vst v7;
	vm0 =	vmand vm0, vm1  }
0x111: {  	v7 =	vld [tilespmem:s28+$0x8000];
	v8 =	vsub.s32 v8, v2;
	v9 =	vnsel vm0, $0x690, v9  }
0x112: {  	vm0 =	vgt.s32 v8, $0xFFFFFFFF;
	vm1 =	vlt.s32 v8, v3  }
0x113: {  	vm0 =	vmand vm0, vm1  }
0x114: {  	[tilespmem:s29+$0x8020] =	vst v9;
	v63 =	vnsel vm0, $0x690, v8  }
0x115: {  	v5 =	vsub.s32 v5, v2;
	v9 =	vld [tilespmem:s28+$0x8020];
	[tilespmem:s29+$0x8010] =	vst v63  }
0x116: {  	vm6 =	vgt.s32 v5, $0xFFFFFFFF;
	vm7 =	vlt.s32 v5, v3;
	v6 =	vsub.s32 v6, v2;
	v8 =	vld [tilespmem:s28+$0x8010]  }
0x117: {  	vm0 =	vmand vm6, vm7;
	v7 =	vsub.s32 v7, v2;
	vm8 =	vgt.s32 v6, $0xFFFFFFFF  }
0x118: {  	vm2 =	vlt.s32 v6, v3;
	vm3 =	vgt.s32 v7, $0xFFFFFFFF;
	vm4 =	vlt.s32 v7, v3  }
0x119: {  	v5 =	vnsel vm0, $0x690, v5;
	vm9 =	vmand vm8, vm2;
	vm10 =	vmand vm3, vm4  }
0x11a: {  	v9 =	vsub.s32 v9, v2;
	v6 =	vnsel vm9, $0x690, v6;
	v7 =	vnsel vm10, $0x690, v7  }
0x11b: {  	[tilespmem:s28+$0x8030] =	vst v5;
	vm11 =	vgt.s32 v9, $0xFFFFFFFF;
	vm12 =	vlt.s32 v9, v3;
	v5 =	vsub.s32 v8, v2  }
0x11c: {  	[tilespmem:s28+$0x8040] =	vst v6;
	vm0 =	vmand vm11, vm12;
	vm13 =	vgt.s32 v5, $0xFFFFFFFF;
	vm14 =	vlt.s32 v5, v3  }
0x11d: {  	[tilespmem:s28+$0x8000] =	vst v7;
	v6 =	vnsel vm0, $0x690, v9;
	vm15 =	vmand vm13, vm14  }
0x11e: {  	[tilespmem:s28+$0x8020] =	vst v6;
	v5 =	vnsel vm15, $0x690, v5  }
0x11f: {  	[tilespmem:s28+$0x8010] =	vst v5  }
0x120: {  	s28 =	simm.s32 $0x0;
	[bflag:$0x0] =	sbarrier.arrive $0xFFFF  }
0x121: {  	[tilespmem:s19], [sflag:$0x1] =	stream.indirect.gather [hbm4b:s4+s18], $0x80, s28, s18, $0xb8;
	[tilespmem:$0x1F4C0] =	vst v63  }
0x122: {  	_ = 	snop  }
0x123: {  	[tilespmem:s21], [sflag:$0x2] =	stream.indirect.gather [hbm4b:s4+s18], $0x80, s20, s18, $0xb8;
	[tilespmem:$0x1F4C0] =	vst v63  }
0x124: {  	_ =	swait.ge [sflag:s22], $0x2800  }
0x125: {  	[sflag:s22] =	ssyncset.done $0x0  }
0x126: {  	s28 =	simm.s32 $0x8000;
	[sflag:s22] =	ssyncadd.s32 $0xFFFFD800  }
0x127: {  	[spmem:s1] =	stream.indirect.scatter.add.f32 [tilespmem:s19], [sflag:$0x3], $0x80, s28, s18, $0xb8;
	[tilespmem:$0x1F4C0] =	vst v63  }
0x128: {  	_ =	swait.ge [sflag:s16], $0x2800  }
0x129: {  	[sflag:s16] =	ssyncset.done $0x0  }
0x12a: {  	s28 =	simm.s32 $0x100;
	[sflag:s16] =	ssyncadd.s32 $0xFFFFD800  }
0x12b: {  	[tilespmem:s19], [sflag:$0x1] =	stream.indirect.gather [hbm4b:s4+s18], $0x80, s28, s18, $0xb8;
	[tilespmem:$0x1F4C0] =	vst v63  }
0x12c: {  	_ =	swait.ge [sflag:s23], $0x2800  }
0x12d: {  	[sflag:s23] =	ssyncset.done $0x0  }
0x12e: {  	s28 =	simm.s32 $0x8080;
	[sflag:s23] =	ssyncadd.s32 $0xFFFFD800  }
0x12f: {  	[spmem:s1] =	stream.indirect.scatter.add.f32 [tilespmem:s21], [sflag:$0x3], $0x80, s28, s18, $0xb8;
	[tilespmem:$0x1F4C0] =	vst v63  }
0x130: {  	_ =	swait.ge [sflag:s16], $0x2800  }
0x131: {  	[sflag:s16] =	ssyncset.done $0x0  }
0x132: {  	s29 =	simm.s32 $0x180;
	s28 =	simm.s32 $0x400;
	[sflag:s16] =	ssyncadd.s32 $0xFFFFD800  }
.LBB2_14:
0x133: {  	[tilespmem:s21], [sflag:$0x2] =	stream.indirect.gather [hbm4b:s4+s18], $0x80, s29, s18, $0xb8;
	[tilespmem:$0x1F4C0] =	vst v63  }
0x134: {  	s29 =	smov.u32 s28  }
0x135: {  	p6 =	sne.s32 s28, $0x1EC00;
	s28 =	sadd.s32 $0x400, s28;
	_ =	swait.ge [sflag:s22], $0x2800  }
0x136: {  	s29 =	sshra.s32 s29, $0x2;
	[sflag:s22] =	ssyncset.done $0x0  }
0x137: {  	s30 =	sadd.s32 $0x8000, s29;
	[sflag:s22] =	ssyncadd.s32 $0xFFFFD800  }
0x138: {  	[spmem:s1] =	stream.indirect.scatter.add.f32 [tilespmem:s19], [sflag:$0x3], $0x80, s30, s18, $0xb8;
	[tilespmem:$0x1F4C0] =	vst v63  }
0x139: {  	_ =	swait.ge [sflag:s16], $0x2800  }
0x13a: {  	[sflag:s16] =	ssyncset.done $0x0  }
0x13b: {  	s30 =	sadd.s32 $0x100, s29;
	[sflag:s16] =	ssyncadd.s32 $0xFFFFD800  }
0x13c: {  	[tilespmem:s19], [sflag:$0x1] =	stream.indirect.gather [hbm4b:s4+s18], $0x80, s30, s18, $0xb8;
	[tilespmem:$0x1F4C0] =	vst v63  }
0x13d: {  	_ =	swait.ge [sflag:s23], $0x2800  }
0x13e: {  	[sflag:s23] =	ssyncset.done $0x0  }
.Ltmp6:
0x13f: {  	s30 =	sadd.s32 $0x8080, s29;
	[sflag:s23] =	ssyncadd.s32 $0xFFFFD800;
	(pc) =	sbr.rel @p6 .LBB2_14-.Ltmp6, $4  }
0x140: {  	[spmem:s1] =	stream.indirect.scatter.add.f32 [tilespmem:s21], [sflag:$0x3], $0x80, s30, s18, $0xb8;
	[tilespmem:$0x1F4C0] =	vst v63  }
0x141: {  	_ =	swait.ge [sflag:s16], $0x2800  }
0x142: {  	[sflag:s16] =	ssyncset.done $0x0  }
0x143: {  	s29 =	sadd.s32 $0x180, s29;
	[sflag:s16] =	ssyncadd.s32 $0xFFFFD800  }
0x144: {  	[tilespmem:s21], [sflag:$0x2] =	stream.indirect.gather [hbm4b:s4+s18], $0x80, s29, s18, $0xb8;
	[tilespmem:$0x1F4C0] =	vst v63  }
0x145: {  	_ =	swait.ge [sflag:s22], $0x2800  }
0x146: {  	[sflag:s22] =	ssyncset.done $0x0  }
0x147: {  	[sflag:s22] =	ssyncadd.s32 $0xFFFFD800  }
0x148: {  	[spmem:s1] =	stream.indirect.scatter.add.f32 [tilespmem:s19], [sflag:$0x3], $0x80, s24, s18, $0xb8;
	[tilespmem:$0x1F4C0] =	vst v63  }
0x149: {  	_ =	swait.ge [sflag:s16], $0x2800  }
0x14a: {  	[sflag:s16] =	ssyncset.done $0x0  }
0x14b: {  	[sflag:s16] =	ssyncadd.s32 $0xFFFFD800  }
0x14c: {  	_ =	swait.ge [sflag:s23], $0x2800  }
0x14d: {  	[sflag:s23] =	ssyncset.done $0x0  }
0x14e: {  	[sflag:s23] =	ssyncadd.s32 $0xFFFFD800  }
0x14f: {  	[spmem:s1] =	stream.indirect.scatter.add.f32 [tilespmem:s21], [sflag:$0x3], $0x80, s25, s18, $0xb8;
	[tilespmem:$0x1F4C0] =	vst v63  }
0x150: {  	_ =	swait.ge [sflag:s16], $0x2800  }
0x151: {  	[sflag:s16] =	ssyncset.done $0x0  }
0x152: {  	[sflag:s16] =	ssyncadd.s32 $0xFFFFD800  }
0x153: {  	s28 =	simm.s32 @p0 $0x18800;
	s29 =	simm.s32 @p0 $0x3;
	[bflag:$0x0] =	sbarrier.arrive $0xFFFF  }
0x154: {  	[tilespmem:s28], [sflag:$0x3] =	stream.linear.gather @p0 [spmem:s7], $0x3800, $0x38;
	[tilespmem:$0x1F4C0] =	vst v63  }
0x155: {  	_ =	swait.ge @p0 [sflag:s29], $0x3800  }
0x156: {  	[sflag:s29] =	ssyncset.done @p0 $0x0  }
0x157: {  	s30 =	simm.s32 @p0 $0x0;
	[sflag:s29] =	ssyncadd.s32 @p0 $0xFFFFC800  }
0x158: {  	[hbm4b:s11+s30] =	stream.linear.scatter @p0 [tilespmem:s28], [sflag:$0x3], $0x3800, $0x38;
	[tilespmem:$0x1F4C0] =	vst v63  }
0x159: {  	_ =	swait.ge @p0 [sflag:s29], $0x3800  }
0x15a: {  	[sflag:s29] =	ssyncset.done @p0 $0x0  }
0x15b: {  	s28 =	simm.s32 @p5 $0x18800;
	[sflag:s29] =	ssyncadd.s32 @p0 $0xFFFFC800;
	s29 =	simm.s32 @p5 $0x3  }
0x15c: {  	[tilespmem:s28], [sflag:$0x3] =	stream.linear.gather @p5 [spmem:s7], $0x3800, $0x38;
	[tilespmem:$0x1F4C0] =	vst v63  }
0x15d: {  	_ =	swait.ge @p5 [sflag:s29], $0x3800  }
0x15e: {  	[sflag:s29] =	ssyncset.done @p5 $0x0  }
0x15f: {  	s30 =	simm.s32 @p5 $0x0;
	[sflag:s29] =	ssyncadd.s32 @p5 $0xFFFFC800  }
0x160: {  	[hbm4b:s12+s30] =	stream.linear.scatter @p5 [tilespmem:s28], [sflag:$0x3], $0x3800, $0x38;
	[tilespmem:$0x1F4C0] =	vst v63  }
0x161: {  	_ =	swait.ge @p5 [sflag:s29], $0x3800  }
0x162: {  	[sflag:s29] =	ssyncset.done @p5 $0x0  }
0x163: {  	s28 =	simm.s32 @p4 $0x18800;
	[sflag:s29] =	ssyncadd.s32 @p5 $0xFFFFC800;
	s29 =	simm.s32 @p4 $0x3  }
0x164: {  	[tilespmem:s28], [sflag:$0x3] =	stream.linear.gather @p4 [spmem:s13], $0x1000, $0x38;
	[tilespmem:$0x1F4C0] =	vst v63  }
0x165: {  	_ =	swait.ge @p4 [sflag:s29], $0x1000  }
0x166: {  	[sflag:s29] =	ssyncset.done @p4 $0x0  }
0x167: {  	s30 =	simm.s32 @p4 $0x0;
	[sflag:s29] =	ssyncadd.s32 @p4 $0xFFFFF000  }
0x168: {  	[hbm4b:s14+s30] =	stream.linear.scatter @p4 [tilespmem:s28], [sflag:$0x3], $0x1000, $0x38;
	[tilespmem:$0x1F4C0] =	vst v63  }
0x169: {  	_ =	swait.ge @p4 [sflag:s29], $0x1000  }
0x16a: {  	s26 =	sadd.s32 $0x1, s26;
	[sflag:s29] =	ssyncset.done @p4 $0x0  }
0x16b: {  	[sflag:s29] =	ssyncadd.s32 @p4 $0xFFFFF000;
	p4 =	sne.s32 s26, s15  }
.Ltmp7:
0x16c: {  	_ = 	snop;
	(pc) =	sbr.rel @p4 .LBB2_1-.Ltmp7, $2  }
0x16d: {  	_ =	sdelay $0x1  }
0x16e: {  	[bflag:$0x0] =	sbarrier.arrive $0xFFFF;
	_ =	sdelay $0x1  }
0x16f: {  	_ =	sfence.sel $0x180000  }
0x170: {  	[bflag:$0x0] =	sbarrier.arrive $0xFFFF  }
0x171: {  	p0 =	sne.s32 s3, $0x0;
	_ =	strace $0x9000004D  }
0x172: {  	s0 =	sadd.s32 @!p0 $0x100000, s0;
	[bflag:$0x2] =	sbarrier.arrive $0xFFFF  }
0x173: {  	[sflag:s0] =	ssyncadd.tile.s32 @!p0 $0x1;
	_ =	shalt  }
.Lfunc_end2:
_tile_overlayer_lowered:
.L_overlay_start_2:
0x174: {  	(tag) =	ssettag $0x2  }
0x175: {  	s0 =	rddreg [dreg:$0x0];
	s2 =	stileid.u32  }
0x176: {  	s1 =	rddreg [dreg:$0x1];
	p0 =	sne.s32 s2, $0x0  }
0x177: {  	s3 =	rddreg [dreg:$0x2];
	[bflag:$0x3] =	sbarrier.arrive $0xFFFF;
	s2 =	simm.s32 @!p0 $0x1C03  }
0x178: {  	[timem:s3], [sflag:s2] =	dma.local @!p0 [hbm:s0], s1  }
0x179: {  	s0 =	simm.s32 @!p0 $0x3  }
0x17a: {  	_ =	swait.ge @!p0 [sflag:s0], s1  }
0x17b: {  	s1 =	ssub.s32 @!p0 $0x0, s1;
	[sflag:s0] =	ssyncset.done @!p0 $0x0  }
0x17c: {  	[sflag:s0] =	ssyncadd.s32 @!p0 s1  }
0x17d: {  	[bflag:$0x3] =	sbarrier.arrive $0xFFFF  }
0x17e: {  	_ =	shalt  }

// kernel: kernel.9.cloned.1.call-start
scs
__scs_entry_jumppad:
0x0: {  	(pc) =	sbr.rel $0x88, $3  }
0x1: {  	(tag) =	ssettag $0x0;
	lr =	simm.s32 $0x1  }
0x2: {  	[smem:$0x3F95] =	sst lr;
	_ =	strace $0xD0000000  }
0x3: {  	_ = 	snop  }
0x4: {  	_ = 	snop  }
0x5: {  	_ = 	snop  }
0x6: {  	_ = 	snop  }
0x7: {  	_ = 	snop  }
__scs_overlays_trampoline_lowered:
0x8: {  	[smem:$0x3FA4] =	sst s0  }
0x9: {  	[smem:$0x3FA5] =	sst s1  }
0xa: {  	[smem:$0x3FA6] =	sst s2  }
0xb: {  	[smem:$0x3FA7] =	sst s3  }
0xc: {  	[smem:$0x3FA8] =	sst s4  }
0xd: {  	[smem:$0x3FA9] =	sst s5  }
0xe: {  	[smem:$0x3FAA] =	sst s6  }
0xf: {  	[smem:$0x3FAB] =	sst s7  }
0x10: {  	[smem:$0x3FAC] =	sst s8  }
0x11: {  	[smem:$0x3FAD] =	sst s9;
	s0 =	simm.s32 @!p0 $0x0  }
0x12: {  	s1 =	sld [smem:$0x3F93];
	s0 =	simm.s32 @p0 $0x1  }
0x13: {  	[smem:$0x3FAE] =	sst s0;
	s0 =	simm.s32 @!p1 $0x0  }
0x14: {  	s2 =	sld [smem:$0x3F92];
	s0 =	simm.s32 @p1 $0x1  }
0x15: {  	[smem:$0x3FAF] =	sst s0;
	s0 =	simm.s32 @!p2 $0x0  }
0x16: {  	s3 =	sld [smem:$0x3FDB];
	s0 =	simm.s32 @p2 $0x1  }
0x17: {  	s4 =	simm.s32 $0x1BF5;
	[smem:$0x3FB1] =	sst s0  }
0x18: {  	s0 =	sld [smem:$0x3F94];
	_ =	swait.ge [sflag:s4], $0x0  }
0x19: {  	s7 =	sld [smem:$0x3F95]  }
0x1a: {  	s8 =	sadd.s32 $0xFFFFE003, lr  }
0x1b: {  	s9 =	sadd.s32 $0xFFFFFEF7, lr;
	s5 =	simm.s32 $0xFFFFFFFF;
	p2 =	slt.u32 s8, $0xFFFFF086  }
0x1c: {  	p1 =	slt.u32 s9, $0xF7A;
	s5 =	simm.s32 @!p2 $0x0  }
0x1d: {  	s5 =	simm.s32 @p1 $0x1;
	p0 =	seq.s32 s7, s2  }
0x1e: {  	s7 =	smul.u32 @!p0 $0xF7A, s2;
	p2 =	seq.s32 @!p0 s5, $0x0  }
0x1f: {  	s9 =	smul.u32 $0xF7A, s1;
	s8 =	simm.s32 @!p0 $0x1BF5;
	p2 =	por !p2, p0  }
0x20: {  	[sflag:s8] =	ssyncset.s32 @!p0 $0xFFFFF086;
	s6 =	sadd.s32 @!p0 s3, s7;
	s7 =	simm.s32 @!p0 $0x108  }
0x21: {  	s3 =	sadd.s32 s3, s9;
	s6 =	sadd.s32 @!p0 $0x88, s6;
	s7 =	simm.s32 @p2 $0x1082  }
0x22: {  	[simem:s7], [sflag:s8] =	dma.local @!p0 [hbm:s6], $0xF7A  }
0x23: {  	s9 =	sor.u32 $0xD0000000, s2;
	s6 =	simm.s32 $0x108;
	_ =	swait.ge @!p0 [sflag:s8], $0x0  }
0x24: {  	s3 =	sadd.s32 $0x88, s3;
	s6 =	simm.s32 @!p1 $0x1082;
	[sflag:s4] =	ssyncset.s32 $0xFFFFF086  }
0x25: {  	[simem:s6], [sflag:s4] =	dma.local [hbm:s3], $0xF7A  }
0x26: {  	[smem:$0x3F95] =	sst s1;
	(tag) =	ssettag s2;
	_ =	strace s9  }
0x27: {  	s1 =	sld [smem:$0x3FA5]  }
0x28: {  	s2 =	sld [smem:$0x3FA6]  }
0x29: {  	s4 =	sld [smem:$0x3FA8]  }
0x2a: {  	p0 =	seq.s32 s5, $0x0;
	s5 =	sld [smem:$0x3FA9]  }
0x2b: {  	s6 =	sld [smem:$0x3FAA]  }
0x2c: {  	s7 =	sld [smem:$0x3FAB]  }
0x2d: {  	s3 =	simm.s32 $0x108;
	s8 =	sld [smem:$0x3FAC]  }
0x2e: {  	s3 =	simm.s32 @!p0 $0x1082;
	s9 =	sld [smem:$0x3FAD]  }
0x2f: {  	lr =	sadd.s32 s0, s3;
	s0 =	sld [smem:$0x3FA4]  }
0x30: {  	s3 =	sld [smem:$0x3FA7]  }
0x31: {  	[smem:$0x3FB0] =	sst s10  }
0x32: {  	s10 =	sld [smem:$0x3FAE];
	_ =	sdelay $0x3  }
0x33: {  	p0 =	seq.s32 s10, $0x1;
	s10 =	sld [smem:$0x3FB0];
	_ =	sdelay $0x3  }
0x34: {  	[smem:$0x3FB0] =	sst s10  }
0x35: {  	s10 =	sld [smem:$0x3FAF];
	_ =	sdelay $0x3  }
0x36: {  	p1 =	seq.s32 s10, $0x1;
	s10 =	sld [smem:$0x3FB0];
	_ =	sdelay $0x3  }
0x37: {  	[smem:$0x3FB0] =	sst s10  }
0x38: {  	s10 =	sld [smem:$0x3FB1]  }
0x39: {  	_ = 	snop;
	(pc) =	sbr.ind lr, $3  }
0x3a: {  	_ = 	snop  }
0x3b: {  	_ = 	snop  }
0x3c: {  	p2 =	seq.s32 s10, $0x1;
	s10 =	sld [smem:$0x3FB0]  }
0x3d: {  	_ =	shalt  }
0x3e: {  	_ =	shalt  }
0x3f: {  	_ =	shalt  }
0x40: {  	_ =	shalt  }
0x41: {  	_ =	shalt  }
0x42: {  	_ =	shalt  }
0x43: {  	_ =	shalt  }
0x44: {  	_ =	shalt  }
0x45: {  	_ =	shalt  }
0x46: {  	_ =	shalt  }
0x47: {  	_ =	shalt  }
0x48: {  	_ =	shalt  }
0x49: {  	_ =	shalt  }
0x4a: {  	_ =	shalt  }
0x4b: {  	_ =	shalt  }
0x4c: {  	_ =	shalt  }
0x4d: {  	_ =	shalt  }
0x4e: {  	_ =	shalt  }
0x4f: {  	_ =	shalt  }
0x50: {  	_ =	shalt  }
0x51: {  	_ =	shalt  }
0x52: {  	_ =	shalt  }
0x53: {  	_ =	shalt  }
0x54: {  	_ =	shalt  }
0x55: {  	_ =	shalt  }
0x56: {  	_ =	shalt  }
0x57: {  	_ =	shalt  }
0x58: {  	_ =	shalt  }
0x59: {  	_ =	shalt  }
0x5a: {  	_ =	shalt  }
0x5b: {  	_ =	shalt  }
0x5c: {  	_ =	shalt  }
0x5d: {  	_ =	shalt  }
0x5e: {  	_ =	shalt  }
0x5f: {  	_ =	shalt  }
0x60: {  	_ =	shalt  }
0x61: {  	_ =	shalt  }
0x62: {  	_ =	shalt  }
0x63: {  	_ =	shalt  }
0x64: {  	_ =	shalt  }
0x65: {  	_ =	shalt  }
0x66: {  	_ =	shalt  }
0x67: {  	_ =	shalt  }
0x68: {  	_ =	shalt  }
0x69: {  	_ =	shalt  }
0x6a: {  	_ =	shalt  }
0x6b: {  	_ =	shalt  }
0x6c: {  	_ =	shalt  }
0x6d: {  	_ =	shalt  }
0x6e: {  	_ =	shalt  }
0x6f: {  	_ =	shalt  }
0x70: {  	_ =	shalt  }
0x71: {  	_ =	shalt  }
0x72: {  	_ =	shalt  }
0x73: {  	_ =	shalt  }
0x74: {  	_ =	shalt  }
0x75: {  	_ =	shalt  }
0x76: {  	_ =	shalt  }
0x77: {  	_ =	shalt  }
0x78: {  	_ =	shalt  }
0x79: {  	_ =	shalt  }
0x7a: {  	_ =	shalt  }
0x7b: {  	_ =	shalt  }
0x7c: {  	_ =	shalt  }
0x7d: {  	_ =	shalt  }
0x7e: {  	_ =	shalt  }
0x7f: {  	_ =	shalt  }
0x80: {  	_ =	shalt  }
0x81: {  	_ =	shalt  }
0x82: {  	_ =	shalt  }
0x83: {  	_ =	shalt  }
0x84: {  	_ =	shalt  }
0x85: {  	_ =	shalt  }
0x86: {  	_ =	shalt  }
0x87: {  	_ =	shalt  }
.Lfunc_end0:
.L_simem_size_0:
called_computation_lowered:
.L_overlay_start_0:
0x88: {  	s2 =	sld [smem:$0x3FD9]  }
0x89: {  	s3 =	sld [smem:$0x3FFE];
	_ =	sdelay $0x1  }
0x8a: {  	s1 =	srdreg.scid  }
0x8b: {  	s0 =	sand.u32 $0x1, s1  }
0x8c: {  	s17 =	sshll.u32 s0, $0xA;
	s2 =	sadd.s32 s3, s2  }
0x8d: {  	s2 =	sadd.s32 s2, s17  }
0x8e: {  	[smem:$0x3FBC] =	sst s2  }
0x8f: {  	_ = 	snop  }
0x90: {  	s2 =	sld [smem:$0x3FD0];
	(tm) =	ssettm $0x1  }
0x91: {  	s18 =	sld [smem:$0x3FFB];
	_ =	sdelay $0x3  }
0x92: {  	_ =	strace s18  }
0x93: {  	s3 =	sld [smem:$0x3FFC];
	_ =	sdelay $0x3  }
0x94: {  	_ =	strace s3  }
0x95: {  	s3 =	sld [smem:$0x3FFD];
	_ =	sdelay $0x3  }
0x96: {  	_ =	strace s3  }
0x97: {  	_ =	strace $0x8FFFFFFF  }
0x98: {  	s19 =	sld [smem:$0x3FDB];
	_ =	sdelay $0x1  }
0x99: {  	s4 =	simm.s32 $_scs_section_size  }
0x9a: {  	s5 =	simm.s32 $_size__tile_overlayer_lowered;
	s6 =	simm.s32 $_tile_overlayer_lowered  }
0x9b: {  	s22 =	simm.s32 $0x1BFF;
	s21 =	sshll.u32 s6, $0x1;
	s3 =	sadd.s32 s4, s19  }
0x9c: {  	s7 =	simm.s32 $0x0;
	s20 =	sshll.u32 s5, $0x1;
	s5 =	sadd.s32 s21, s3  }
0x9d: {  	[timem:s7], [sflag:s22] =	dma.local [hbm:s5], s20  }
0x9e: {  	_ =	swait.ge [sflag:s22], s20  }
0x9f: {  	s4 =	ssub.s32 $0x0, s20;
	[sflag:s22] =	ssyncset.done $0x0  }
0xa0: {  	[sflag:s22] =	ssyncadd.s32 s4;
	_ =	sdelay $0x1  }
0xa1: {  	s23 =	simm.s32 $0x1B8B  }
0xa2: {  	_ =	swait.ge [sflag:s23], $0x1  }
0xa3: {  	[sflag:s23] =	ssyncset.done $0x0  }
0xa4: {  	s25 =	simm.s32 $0x1B8E;
	s24 =	sld [smem:$0x3FFE];
	[sflag:s23] =	ssyncadd.s32 $0xFFFFFFFF  }
0xa5: {  	s26 =	simm.s32 $execute0_lowered;
	[smem:$0x3FD2] =	sst s25  }
0xa6: {  	s5 =	sshll.u32 s26, $0x1;
	_ =	strace $0x80000046;
	[dreg:$0x1] =	wrdreg $0xFFFFFFFF  }
0xa7: {  	s28 =	simm.s32 $_size_execute0_lowered;
	s3 =	sadd.s32 s3, s5;
	[dreg:$0x0] =	wrdreg $0x0  }
0xa8: {  	s5 =	sshll.u32 s28, $0x1;
	[dreg:$0x2] =	wrdreg s3  }
0xa9: {  	[dreg:$0x3] =	wrdreg s5  }
0xaa: {  	[dreg:$0x4] =	wrdreg $0xC0  }
0xab: {  	_ =	task [dreg:s7], $0x5FFFF  }
0xac: {  	[dreg:$0x1] =	wrdreg $0xFFFFFFFF  }
0xad: {  	[dreg:$0x0] =	wrdreg $0x60  }
0xae: {  	[dreg:$0x2] =	wrdreg s2  }
0xaf: {  	[dreg:$0x3] =	wrdreg s24  }
0xb0: {  	[dreg:$0x4] =	wrdreg $0x83000  }
0xb1: {  	[dreg:$0x5] =	wrdreg $0x9  }
0xb2: {  	_ =	task.clear_ibuf [dreg:s7], $0x6FFFF;
	_ =	strace $0x90000046  }
0xb3: {  	s29 =	simm.s32 $0x9;
	_ =	strace $0x80000048  }
0xb4: {  	_ =	swait.ge [sflag:s29], $0x1  }
0xb5: {  	[sflag:s29] =	ssyncadd.s32 $0xFFFFFFFF  }
0xb6: {  	_ =	strace $0x90000048  }
0xb7: {  	_ =	sfence  }
0xb8: {  	s30 =	sld [smem:$0x0];
	_ =	sdelay $0x2  }
0xb9: {  	s31 =	sshll.u32 s1, $0xD;
	s1 =	sshrl.u32 s1, $0x2  }
0xba: {  	s3 =	sand.u32 $0x4000, s31;
	s1 =	sadd.s32 s1, s30  }
0xbb: {  	s0 =	sor.u32 s3, s0;
	s1 =	sshll.u32 s1, $0x11  }
0xbc: {  	s0 =	sor.u32 s1, s0  }
0xbd: {  	s0 =	sadd.s32 $0x8F2B, s0  }
0xbe: {  	[sflag:s0] =	ssyncadd.remote.s32 $0x1  }
0xbf: {  	_ =	sfence.sel $0xFFFF  }
0xc0: {  	[dreg:$0x0] =	wrdreg $0xFFFFFFFF;
	(pc) =	sbr.abs _section_cstart, $3  }
0xc1: {  	[dreg:$0x1] =	wrdreg $0xFFFFFFFF  }
0xc2: {  	_ =	task.clear_ibuf [dreg:s7], $0x2FFFF;
	_ =	strace $0x9FFFFFFF  }
0xc3: {  	(tm) =	ssettm $0x7FFFFFFF  }
tec
execute0_lowered:
.L_overlay_start_1:
0x0: {  	(tag) =	ssettag $0x1  }
0x1: {  	s1 =	srdreg.scid  }
0x2: {  	s1 =	sand.u32 $0x1, s1  }
0x3: {  	p0 =	seq.s32 s1, $0x1  }
.Ltmp0:
0x4: {  	s4 =	rddreg [dreg:$0x0];
	(pc) =	sbr.rel @p0 .LBB2_4-.Ltmp0, $4  }
0x5: {  	s3 =	rddreg [dreg:$0x1]  }
0x6: {  	s2 =	rddreg [dreg:$0x2];
	s5 =	simm.s32 $0x0  }
0x7: {  	[smem:$0x7FF] =	sst s5  }
0x8: {  	s0 =	rddreg [dreg:$0x3];
	_ =	strace $0x80000047;
	s1 =	stileid.u32  }
0x9: {  	v0 =	vimm.f32 $0.0e+00  }
0xa: {  	[tilespmem:$0x8080] =	vst v0  }
0xb: {  	[tilespmem:$0x8090] =	vst v0  }
0xc: {  	[tilespmem:$0x80A0] =	vst v0  }
0xd: {  	[tilespmem:$0x80B0] =	vst v0  }
0xe: {  	[tilespmem:$0x80C0] =	vst v0  }
0xf: {  	[tilespmem:$0x80D0] =	vst v0  }
0x10: {  	[tilespmem:$0x80E0] =	vst v0  }
0x11: {  	[tilespmem:$0x80F0] =	vst v0  }
0x12: {  	[tilespmem:$0x8100] =	vst v0  }
0x13: {  	[tilespmem:$0x8110] =	vst v0  }
0x14: {  	[tilespmem:$0x8120] =	vst v0  }
0x15: {  	[tilespmem:$0x8130] =	vst v0  }
0x16: {  	[tilespmem:$0x8140] =	vst v0  }
0x17: {  	[tilespmem:$0x8150] =	vst v0  }
0x18: {  	[tilespmem:$0x8160] =	vst v0  }
0x19: {  	[tilespmem:$0x8170] =	vst v0  }
0x1a: {  	[tilespmem:$0x8180] =	vst v0  }
0x1b: {  	[tilespmem:$0x8190] =	vst v0  }
0x1c: {  	[tilespmem:$0x81A0] =	vst v0  }
0x1d: {  	[tilespmem:$0x81B0] =	vst v0  }
0x1e: {  	[tilespmem:$0x81C0] =	vst v0  }
0x1f: {  	[tilespmem:$0x81D0] =	vst v0  }
0x20: {  	[tilespmem:$0x81E0] =	vst v0  }
0x21: {  	[tilespmem:$0x81F0] =	vst v0  }
0x22: {  	[tilespmem:$0x8200] =	vst v0  }
0x23: {  	[tilespmem:$0x8210] =	vst v0  }
0x24: {  	[tilespmem:$0x8220] =	vst v0  }
0x25: {  	[tilespmem:$0x8230] =	vst v0  }
0x26: {  	[tilespmem:$0x8240] =	vst v0  }
0x27: {  	[tilespmem:$0x8250] =	vst v0  }
0x28: {  	[tilespmem:$0x8260] =	vst v0  }
0x29: {  	[tilespmem:$0x8270] =	vst v0  }
0x2a: {  	[tilespmem:$0x8280] =	vst v0  }
0x2b: {  	[tilespmem:$0x8290] =	vst v0  }
0x2c: {  	[tilespmem:$0x82A0] =	vst v0  }
0x2d: {  	[tilespmem:$0x82B0] =	vst v0  }
0x2e: {  	[tilespmem:$0x82C0] =	vst v0  }
0x2f: {  	[tilespmem:$0x82D0] =	vst v0  }
0x30: {  	[tilespmem:$0x82E0] =	vst v0  }
0x31: {  	v63 =	vimm.f32 $1.000000000e+00;
	[tilespmem:$0x82F0] =	vst v0  }
0x32: {  	[tilespmem:$0x8000] =	vst v63  }
0x33: {  	[tilespmem:$0x8010] =	vst v63  }
0x34: {  	[tilespmem:$0x8020] =	vst v63  }
0x35: {  	p0 =	seq.s32 s1, $0xF;
	s6 =	sadd.s32 $0x2580, s2;
	[tilespmem:$0x8030] =	vst v63  }
0x36: {  	s26 =	smul.u32 $0xA00, s1;
	[tilespmem:$0x8040] =	vst v63;
	s7 =	simm.s32 @p0 $0x8080;
	s8 =	simm.s32 @p0 $0x1  }
0x37: {  	[spmem:s6] =	stream.linear.scatter @p0 [tilespmem:s7], [sflag:$0x1], $0x190, $0x38;
	[tilespmem:$0x8578] =	vst v63  }
0x38: {  	_ =	swait.ge @p0 [sflag:s8], $0x190  }
0x39: {  	s7 =	sshrl.u32 s26, $0x2;
	[sflag:s8] =	ssyncset.done @p0 $0x0  }
0x3a: {  	s7 =	sadd.s32 s7, s2;
	[sflag:s8] =	ssyncadd.s32 @p0 $0xFFFFFE70;
	s8 =	simm.s32 @!p0 $0x8080  }
0x3b: {  	[spmem:s7] =	stream.linear.scatter @!p0 [tilespmem:s8], [sflag:$0x1], $0x280, $0x38;
	[tilespmem:$0x8578] =	vst v63  }
0x3c: {  	s7 =	simm.s32 @!p0 $0x1  }
0x3d: {  	_ =	swait.ge @!p0 [sflag:s7], $0x280  }
0x3e: {  	[sflag:s7] =	ssyncset.done @!p0 $0x0  }
0x3f: {  	s28 =	sshll.u32 s1, $0xC;
	s29 =	smul.u32 $0x280, s1;
	[sflag:s7] =	ssyncadd.s32 @!p0 $0xFFFFFD80  }
0x40: {  	s4 =	sadd.s32 s4, s28;
	s7 =	simm.s32 $0x1;
	[bflag:$0x0] =	sbarrier.arrive $0xFFFF  }
0x41: {  	[tilespmem:s5], [sflag:$0x1] =	stream.linear.gather [hbm4b:s4+s5], $0x7D00, $0x38;
	[tilespmem:$0x8578] =	vst v63  }
0x42: {  	s9 =	simm.s32 $0x8000;
	_ =	swait.ge [sflag:s7], $0x7D00  }
0x43: {  	s31 =	simm.s32 $0x0;
	s30 =	sshrl.u32 s29, $0x3;
	[sflag:s7] =	ssyncset.done $0x0  }
0x44: {  	s10 =	sadd.s32 s30, s3;
	s8 =	simm.s32 $0x50;
	[sflag:s7] =	ssyncadd.s32 $0xFFFF8300  }
0x45: {  	[spmem:s2] =	stream.indirect.scatter.add.f32 [tilespmem:s9], [sflag:$0x1], $0x1, s31, s8, $0xb8;
	[tilespmem:$0x8578] =	vst v63  }
0x46: {  	s3 =	sadd.s32 $0x38B0, s3;
	s5 =	sadd.s32 s29, s2;
	_ =	swait.ge [sflag:s7], $0x50  }
0x47: {  	s4 =	sadd.s32 $0x3400, s10;
	s10 =	simm.s32 $0x200;
	[sflag:s7] =	ssyncset.done $0x0  }
.LBB2_2:
0x48: {  	s11 =	sshra.s32 s10, $0x2;
	[sflag:s7] =	ssyncadd.s32 $0xFFFFFFB0;
	p1 =	sne.s32 s10, $0x1F200  }
0x49: {  	[spmem:s2] =	stream.indirect.scatter.add.f32 [tilespmem:s9], [sflag:$0x1], $0x1, s11, s8, $0xb8;
	[tilespmem:$0x8578] =	vst v63  }
.Ltmp1:
0x4a: {  	_ = 	snop;
	(pc) =	sbr.rel @p1 .LBB2_2-.Ltmp1, $4  }
0x4b: {  	_ = 	snop  }
0x4c: {  	s10 =	sadd.s32 $0x200, s10  }
0x4d: {  	_ =	swait.ge [sflag:s7], $0x50  }
0x4e: {  	[sflag:s7] =	ssyncset.done $0x0  }
0x4f: {  	[sflag:s7] =	ssyncadd.s32 $0xFFFFFFB0  }
0x50: {  	s2 =	simm.s32 @p0 $0x8080;
	[bflag:$0x0] =	sbarrier.arrive $0xFFFF  }
0x51: {  	[tilespmem:s2], [sflag:$0x1] =	stream.linear.gather @p0 [spmem:s6], $0x190, $0x38;
	[tilespmem:$0x8578] =	vst v63  }
0x52: {  	s6 =	simm.s32 @p0 $0x1  }
0x53: {  	_ =	swait.ge @p0 [sflag:s6], $0x190  }
0x54: {  	[sflag:s6] =	ssyncset.done @p0 $0x0  }
0x55: {  	s7 =	simm.s32 @p0 $0x0;
	[sflag:s6] =	ssyncadd.s32 @p0 $0xFFFFFE70  }
0x56: {  	[hbm4b:s3+s7] =	stream.linear.scatter @p0 [tilespmem:s2], [sflag:$0x1], $0x190, $0x38;
	[tilespmem:$0x8578] =	vst v63  }
0x57: {  	_ =	swait.ge @p0 [sflag:s6], $0x190  }
0x58: {  	[sflag:s6] =	ssyncset.done @p0 $0x0  }
0x59: {  	s2 =	simm.s32 @!p0 $0x8080;
	s3 =	simm.s32 @!p0 $0x1;
	[sflag:s6] =	ssyncadd.s32 @p0 $0xFFFFFE70  }
0x5a: {  	[tilespmem:s2], [sflag:$0x1] =	stream.linear.gather @!p0 [spmem:s5], $0x280, $0x38;
	[tilespmem:$0x8578] =	vst v63  }
0x5b: {  	_ =	swait.ge @!p0 [sflag:s3], $0x280  }
0x5c: {  	[sflag:s3] =	ssyncset.done @!p0 $0x0  }
0x5d: {  	s5 =	simm.s32 @!p0 $0x0;
	[sflag:s3] =	ssyncadd.s32 @!p0 $0xFFFFFD80  }
0x5e: {  	[hbm4b:s4+s5] =	stream.linear.scatter @!p0 [tilespmem:s2], [sflag:$0x1], $0x280, $0x38;
	[tilespmem:$0x8578] =	vst v63  }
0x5f: {  	_ =	swait.ge @!p0 [sflag:s3], $0x280  }
0x60: {  	[sflag:s3] =	ssyncset.done @!p0 $0x0  }
0x61: {  	[sflag:s3] =	ssyncadd.s32 @!p0 $0xFFFFFD80  }
.LBB2_4:
0x62: {  	_ =	sfence.sel $0x180000  }
0x63: {  	[bflag:$0x0] =	sbarrier.arrive $0xFFFF  }
0x64: {  	p0 =	sne.s32 s1, $0x0;
	_ =	strace $0x90000047  }
0x65: {  	s0 =	sadd.s32 @!p0 $0x100000, s0;
	[bflag:$0x2] =	sbarrier.arrive $0xFFFF  }
0x66: {  	[sflag:s0] =	ssyncadd.tile.s32 @!p0 $0x1;
	_ =	shalt  }
.Lfunc_end2:
_tile_overlayer_lowered:
.L_overlay_start_2:
0x67: {  	(tag) =	ssettag $0x2  }
0x68: {  	s0 =	rddreg [dreg:$0x0];
	s2 =	stileid.u32  }
0x69: {  	s1 =	rddreg [dreg:$0x1];
	p0 =	sne.s32 s2, $0x0  }
0x6a: {  	s3 =	rddreg [dreg:$0x2];
	[bflag:$0x3] =	sbarrier.arrive $0xFFFF;
	s2 =	simm.s32 @!p0 $0x1C01  }
0x6b: {  	[timem:s3], [sflag:s2] =	dma.local @!p0 [hbm:s0], s1  }
0x6c: {  	s0 =	simm.s32 @!p0 $0x1  }
0x6d: {  	_ =	swait.ge @!p0 [sflag:s0], s1  }
0x6e: {  	s1 =	ssub.s32 @!p0 $0x0, s1;
	[sflag:s0] =	ssyncset.done @!p0 $0x0  }
0x6f: {  	[sflag:s0] =	ssyncadd.s32 @!p0 s1  }
0x70: {  	[bflag:$0x3] =	sbarrier.arrive $0xFFFF  }
0x71: {  	_ =	shalt  }

</sc_bundles>
